<compile_context>
chip_gen: v7x
topology: tpu7x:2x2x1
jax: 0.10.2.dev20260603
libtpu: 0.0.44.dev20260713+nightly
codegen_flags: <defaults>
</compile_context>

<pallas_src>
import functools

import jax
import jax.numpy as jnp
from jax import lax
from jax.experimental import pallas as pl
from jax.experimental.pallas import tpu as pltpu
from jax.experimental.pallas import tpu_sc as plsc




def _ab_body(x_ref, w1_ref, b1_ref, a_ref, b_ref):
    xb = x_ref[...]
    w1 = w1_ref[...]
    half = w1.shape[0] // 2
    wt = w1[:half]
    wb = w1[half:]
    bvals = jnp.dot(xb, wb, preferred_element_type=jnp.float32)
    a_ref[...] = (
        jnp.dot(xb, wt - wb, preferred_element_type=jnp.float32) + b1_ref[...]
    )
    b_ref[...] = bvals.astype(jnp.bfloat16)


def _ab_matmul(x, W1, b1, blk):
    n, d_in = x.shape
    d_out = W1.shape[1]
    grid = n // blk
    return pl.pallas_call(
        _ab_body,
        grid=(grid,),
        in_specs=[
            pl.BlockSpec((blk, d_in), lambda i: (i, 0)),
            pl.BlockSpec((2 * d_in, d_out), lambda i: (0, 0)),
            pl.BlockSpec((1, d_out), lambda i: (0, 0)),
        ],
        out_specs=[
            pl.BlockSpec((blk, d_out), lambda i: (i, 0)),
            pl.BlockSpec((blk, d_out), lambda i: (i, 0)),
        ],
        out_shape=[
            jax.ShapeDtypeStruct((n, d_out), jnp.float32),
            jax.ShapeDtypeStruct((n, d_out), jnp.bfloat16),
        ],
    )(x, W1, b1.reshape(1, -1))



_NW = 32
_LANES = 16
_CHUNK = 8000
_GB = 16
_NEG_INF_PAIR = -8323200


def _segmax_body(r_per_tile, dw, src_hbm, dst_hbm, b_hbm, out_hbm,
                 acc, src_buf, dst_buf, sel_src, sel_dst, rows0, rows1,
                 gsem0, gsem1):
    wid = lax.axis_index("s") * 2 + lax.axis_index("c")
    lo = wid * r_per_tile
    e_total = src_hbm.shape[0]
    n_chunks = e_total // _CHUNK
    nvec = dw // _LANES
    lane_iota = lax.iota(jnp.int32, _LANES)

    def init_body(i, _):
        acc[pl.ds(i * _LANES, _LANES)] = jnp.full(
            (_LANES,), _NEG_INF_PAIR, jnp.int32)
        return 0

    lax.fori_loop(0, (r_per_tile * dw) // _LANES, init_body, 0)

    def chunk_body(c, _):
        base_e = c * _CHUNK
        pltpu.sync_copy(src_hbm.at[pl.ds(base_e, _CHUNK)], src_buf)
        pltpu.sync_copy(dst_hbm.at[pl.ds(base_e, _CHUNK)], dst_buf)

        def scan_body(i, cnt_v):
            for u in range(4):
                off = (i * 4 + u) * _LANES
                dv = dst_buf[pl.ds(off, _LANES)]
                sv = src_buf[pl.ds(off, _LANES)]
                dl = dv - lo
                m = (dl >= 0) & (dl < r_per_tile)
                cs = plsc.cumsum(m.astype(jnp.int32))
                pos = cs + cnt_v - 1
                plsc.store_scatter(sel_dst, [pos], dl, mask=m)
                plsc.store_scatter(sel_src, [pos], sv, mask=m)
                cnt_v = cnt_v + plsc.all_reduce_population_count(m)
            return cnt_v

        cnt_v = lax.fori_loop(0, _CHUNK // (4 * _LANES), scan_body,
                              jnp.zeros((_LANES,), jnp.int32))
        cnt = cnt_v[0]
        for t in range(_GB // _LANES):
            sel_src[pl.ds(cnt + t * _LANES, _LANES)] = jnp.zeros(
                (_LANES,), jnp.int32)
            sel_dst[pl.ds(cnt + t * _LANES, _LANES)] = jnp.full(
                (_LANES,), r_per_tile, jnp.int32)

        nb = (cnt + _GB - 1) // _GB

        def g_src(b):
            return b_hbm.at[sel_src.at[pl.ds(b * _GB, _GB)]]

        @pl.when(nb > 0)
        def _():
            pltpu.async_copy(g_src(0), rows0, gsem0)

        def pair_body(g, _):
            for par in range(2):
                b = g * 2 + par
                mysem = gsem0 if par == 0 else gsem1
                osem = gsem1 if par == 0 else gsem0
                myrows = rows0 if par == 0 else rows1
                orows = rows1 if par == 0 else rows0

                @pl.when(b < nb)
                def _():
                    pltpu.make_async_copy(g_src(b), myrows, mysem).wait()

                    @pl.when(b + 1 < nb)
                    def _():
                        pltpu.async_copy(g_src(b + 1), orows, osem)

                    dl_vecs = [
                        sel_dst[pl.ds(b * _GB + t * _LANES, _LANES)]
                        for t in range(_GB // _LANES)
                    ]
                    for e in range(_GB):
                        dl = dl_vecs[e // _LANES][e % _LANES]
                        base = dl * dw

                        @plsc.parallel_loop(0, dw, _LANES, unroll=4)
                        def _(voff):
                            sl = pl.ds(base + voff, _LANES)
                            cur = plsc.bitcast(acc[sl], jnp.bfloat16)
                            new = plsc.bitcast(
                                myrows[e, pl.ds(voff, _LANES)],
                                jnp.bfloat16)
                            acc[sl] = plsc.bitcast(
                                jnp.maximum(cur, new), jnp.int32)

            return 0

        lax.fori_loop(0, (nb + 1) // 2, pair_body, 0)
        return 0

    lax.fori_loop(0, n_chunks, chunk_body, 0)

    pltpu.sync_copy(acc.at[pl.ds(0, r_per_tile * dw)],
                    out_hbm.at[pl.ds(lo * dw, r_per_tile * dw)])


def _segment_max(src, dst, b_words, n_nodes):
    e = src.shape[0]
    dw = b_words.shape[1]
    e_pad = ((e + _CHUNK - 1) // _CHUNK) * _CHUNK
    if e_pad != e:
        src = jnp.concatenate([src, jnp.zeros((e_pad - e,), jnp.int32)])
        dst = jnp.concatenate(
            [dst, jnp.full((e_pad - e,), jnp.int32(2**30))]
        )
    r_per_tile = (n_nodes + _NW - 1) // _NW
    n_pad = _NW * r_per_tile
    sel_cap = _CHUNK + _GB

    mesh = plsc.VectorSubcoreMesh(core_axis_name="c", subcore_axis_name="s")

    def body(src_ref, dst_ref, b_ref, out_ref, *scratch):
        _segmax_body(r_per_tile, dw, src_ref, dst_ref, b_ref, out_ref,
                     *scratch)

    fn = pl.kernel(
        body,
        out_type=jax.ShapeDtypeStruct((n_pad * dw,), jnp.int32),
        mesh=mesh,
        compiler_params=pltpu.CompilerParams(needs_layout_passes=False),
        scratch_types=[
            pltpu.VMEM(((r_per_tile + 1) * dw,), jnp.int32),
            pltpu.VMEM((_CHUNK,), jnp.int32),
            pltpu.VMEM((_CHUNK,), jnp.int32),
            pltpu.VMEM((sel_cap,), jnp.int32),
            pltpu.VMEM((sel_cap,), jnp.int32),
            pltpu.VMEM((_GB, dw), jnp.int32),
            pltpu.VMEM((_GB, dw), jnp.int32),
            pltpu.SemaphoreType.DMA,
            pltpu.SemaphoreType.DMA,
        ],
    )
    return fn(src, dst, b_words).reshape(n_pad, dw)




def _mlp_body(a_ref, m_ref, w2_ref, b2_ref, g_ref, be_ref, w3_ref, b3_ref,
              o_ref):
    mf = m_ref[...].astype(jnp.float32)
    x1 = jnp.where(mf == -jnp.inf, 0.0, a_ref[...] + mf)
    h = jnp.dot(x1, w2_ref[...], preferred_element_type=jnp.float32)
    h = (h + b2_ref[...]) * (g_ref[...] / jnp.sqrt(1.0 + 1e-5)) + be_ref[...]
    h = jnp.maximum(h, 0.0)
    o_ref[...] = (
        jnp.dot(h, w3_ref[...], preferred_element_type=jnp.float32)
        + b3_ref[...]
    )


def _mlp(a, m, W2, b2, gamma, beta, W3, b3, blk):
    n, d = a.shape
    d_out = W3.shape[1]
    grid = n // blk
    return pl.pallas_call(
        _mlp_body,
        grid=(grid,),
        in_specs=[
            pl.BlockSpec((blk, d), lambda i: (i, 0)),
            pl.BlockSpec((blk, d), lambda i: (i, 0)),
            pl.BlockSpec((d, d), lambda i: (0, 0)),
            pl.BlockSpec((1, d), lambda i: (0, 0)),
            pl.BlockSpec((1, d), lambda i: (0, 0)),
            pl.BlockSpec((1, d), lambda i: (0, 0)),
            pl.BlockSpec((d, d_out), lambda i: (0, 0)),
            pl.BlockSpec((1, d_out), lambda i: (0, 0)),
        ],
        out_specs=pl.BlockSpec((blk, d_out), lambda i: (i, 0)),
        out_shape=jax.ShapeDtypeStruct((n, d_out), jnp.float32),
    )(a, m, W2, b2.reshape(1, -1), gamma.reshape(1, -1),
      beta.reshape(1, -1), W3, b3.reshape(1, -1))




def kernel(x, edge_index, W1, b1, W2, b2, gamma, beta, W3, b3):
    n = x.shape[0]
    src = edge_index[0]
    dst = edge_index[1]
    blk = 400 if n % 400 == 0 else 8
    a, b_table = _ab_matmul(x, W1, b1, blk)
    d = b_table.shape[1]
    b_words = lax.bitcast_convert_type(
        b_table.reshape(n, d // 2, 2), jnp.int32)
    m_words = _segment_max(src, dst, b_words, n)
    m = lax.bitcast_convert_type(m_words, jnp.bfloat16).reshape(-1, d)[:n]
    return _mlp(a, m, W2, b2, gamma, beta, W3, b3, blk)

# --- scband reference (transcript-rebuilt; emitter-appended) ---
"""Pipeline reference for scband-edge-conv-encoder-34419867910895 (READ-ONLY COPY).

The authoritative reference and input builder live on the scoring server;
editing this copy changes nothing except your own understanding.
"""

import jax, jax.numpy as jnp
import numpy as np

N = 10000
E = 160000
IN = 256
EMB = 256
BN_EPS = 1e-5


def setup_inputs(seed: int = 0) -> dict:
    key = jax.random.key(seed)
    ks = jax.random.split(key, 10)
    x = jax.random.normal(ks[0], (N, IN), dtype=jnp.float32)
    edge_index = jax.random.randint(ks[1], (2, E), 0, N, dtype=jnp.int32)
    # EdgeConv nn: MLP([2*IN, 2*EMB]) -> single plain Linear (plain_last=True)
    W1 = jax.random.normal(ks[2], (2 * IN, 2 * EMB), dtype=jnp.float32) * 0.05
    b1 = jax.random.normal(ks[3], (2 * EMB,), dtype=jnp.float32) * 0.05
    # self.mlp: MLP([2*EMB, 2*EMB, EMB], dropout=0.5)
    #   layer1: Linear + BatchNorm + ReLU + Dropout(eval: identity)
    #   layer2: plain Linear
    W2 = jax.random.normal(ks[4], (2 * EMB, 2 * EMB), dtype=jnp.float32) * 0.05
    b2 = jax.random.normal(ks[5], (2 * EMB,), dtype=jnp.float32) * 0.05
    gamma = jnp.ones((2 * EMB,), dtype=jnp.float32)
    beta = jnp.zeros((2 * EMB,), dtype=jnp.float32)
    W3 = jax.random.normal(ks[6], (2 * EMB, EMB), dtype=jnp.float32) * 0.05
    b3 = jax.random.normal(ks[7], (EMB,), dtype=jnp.float32) * 0.05
    return {"x": x, "edge_index": edge_index, "W1": W1, "b1": b1,
            "W2": W2, "b2": b2, "gamma": gamma, "beta": beta,
            "W3": W3, "b3": b3}


def reference(x, edge_index, W1, b1, W2, b2, gamma, beta, W3, b3):
    src = edge_index[0]
    dst = edge_index[1]
    # EdgeConv message: nn(concat[x_i, x_j - x_i]) for edge j->i (i = target/dst)
    x_i = jnp.take(x, dst, axis=0)
    x_j = jnp.take(x, src, axis=0)
    msg = jnp.concatenate([x_i, x_j - x_i], axis=-1) @ W1 + b1
    # max aggregation at destination nodes
    agg = jax.ops.segment_max(msg, dst, num_segments=N)
    x1 = jnp.where(jnp.isfinite(agg), agg, 0.0)  # empty segments -> 0 (PyG behavior)
    # MLP layer 1: Linear + BatchNorm(eval: running_mean=0, running_var=1) + ReLU + Dropout(eval)
    h = x1 @ W2 + b2
    h = (h / jnp.sqrt(1.0 + BN_EPS)) * gamma + beta
    h = jax.nn.relu(h)
    # plain last layer
    out = h @ W3 + b3
    return out

if __name__ == "__main__":
    import jax
    _d = setup_inputs()
    print(jax.jit(kernel)(*tuple(_d.values())))

</pallas_src>

<mosaic_0001>
#map = affine_map<(d0, d1) -> (0)>
#map1 = affine_map<(d0, d1) -> (0, 0)>
module attributes {stable_mosaic.version = 14 : i64} {
  func.func @body(%arg0: i32, %arg1: i32, %arg2: memref<160000xi32, #tpu.memory_space<hbm>>, %arg3: memref<160000xi32, #tpu.memory_space<hbm>>, %arg4: memref<10000x256xi32, #tpu.memory_space<hbm>>, %arg5: memref<2564096xi32, #tpu.memory_space<hbm>>, %arg6: memref<80384xi32, #tpu.memory_space<vmem>>, %arg7: memref<8000xi32, #tpu.memory_space<vmem>>, %arg8: memref<8000xi32, #tpu.memory_space<vmem>>, %arg9: memref<8016xi32, #tpu.memory_space<vmem>>, %arg10: memref<8016xi32, #tpu.memory_space<vmem>>, %arg11: memref<16x256xi32, #tpu.memory_space<vmem>>, %arg12: memref<16x256xi32, #tpu.memory_space<vmem>>, %arg13: memref<!tpu.dma_semaphore, #tpu.memory_space<semaphore_mem>>, %arg14: memref<!tpu.dma_semaphore, #tpu.memory_space<semaphore_mem>>) attributes {dimension_semantics = [#tpu.dimension_semantics<core_parallel>, #tpu.dimension_semantics<subcore_parallel>], iteration_bounds = array<i64: 2, 16>, scalar_prefetch = 0 : i64, scratch_operands = 9 : i64, tpu.core_type = #tpu.core_type<sc_vector_subcore>, window_params = [{transform_indices = #map}, {transform_indices = #map}, {transform_indices = #map1}, {transform_indices = #map}]} {
    %mul3A = arith.constant 2 : i32
    %mul3A_0 = arith.muli %arg1, %mul3A : i32
    %add3A = arith.addi %mul3A_0, %arg0 : i32
    %mul3A_1 = arith.constant 313 : i32
    %mul3A_2 = arith.muli %add3A, %mul3A_1 : i32
    %iota3A = tpu.iota {dimensions = array<i32: 0>} : vector<16xi32>
    %scan3A = arith.constant 0 : i32
    %scan3A_3 = arith.constant 0 : i32
    %scan3A_4 = arith.constant 5008 : i32
    %scan3A_5 = arith.addi %scan3A_3, %scan3A_4 : i32
    %scan3A_6 = arith.constant 1 : i32
    %scan3A_7 = scf.for %scan3A_18 = %scan3A_3 to %scan3A_5 step %scan3A_6 iter_args(%scan3A_19 = %scan3A) -> (i32)  : i32 {
      %broadcast_in_dim3A = arith.constant -8323200 : i32
      %broadcast_in_dim3A_20 = vector.broadcast %broadcast_in_dim3A : i32 to vector<16xi32>
      %mul3A_21 = arith.constant 16 : i32
      %mul3A_22 = arith.muli %scan3A_18, %mul3A_21 : i32
      %swap3A = arith.index_cast %mul3A_22 : i32 to index
      %swap3A_23 = tpu.vector_load %arg6[%swap3A] {strides = array<i32>} : memref<80384xi32, #tpu.memory_space<vmem>>, vector<16xi32>,
      tpu.vector_store %arg6[%swap3A], %broadcast_in_dim3A_20 {strides = array<i32>} : memref<80384xi32, #tpu.memory_space<vmem>>, vector<16xi32>,
      %scan3A_24 = arith.constant 0 : i32
      scf.yield %scan3A_24 : i32
    }
    %scan3A_8 = arith.constant 5008 : i32
    %scan3A_9 = arith.constant 0 : i32
    %scan3A_10 = arith.constant 0 : i32
    %scan3A_11 = arith.constant 20 : i32
    %scan3A_12 = arith.addi %scan3A_10, %scan3A_11 : i32
    %scan3A_13 = arith.constant 1 : i32
    %scan3A_14 = scf.for %scan3A_18 = %scan3A_10 to %scan3A_12 step %scan3A_13 iter_args(%scan3A_19 = %scan3A_9) -> (i32)  : i32 {
      %mul3A_20 = arith.constant 8000 : i32
      %mul3A_21 = arith.muli %scan3A_18, %mul3A_20 : i32
      "tpu.region"() ({
        %run_scoped3A = tpu.sem_alloc : memref<!tpu.dma_semaphore, #tpu.memory_space<semaphore_mem>>
        %dma_start3A = tpu.memref_slice %arg2[%mul3A_21] : memref<160000xi32, #tpu.memory_space<hbm>> -> memref<8000xi32, #tpu.memory_space<hbm>>
        %dma_start3A_100 = tpu.memref_slice %arg2[%mul3A_21] : memref<160000xi32, #tpu.memory_space<hbm>> -> memref<8000xi32, #tpu.memory_space<hbm>>
        tpu.enqueue_dma source(%dma_start3A_100 : memref<8000xi32, #tpu.memory_space<hbm>>) target(%arg7 : memref<8000xi32, #tpu.memory_space<vmem>>) target_semaphore(%run_scoped3A : memref<!tpu.dma_semaphore, #tpu.memory_space<semaphore_mem>>)
        %dma_wait3A = tpu.memref_slice %arg2[%mul3A_21] : memref<160000xi32, #tpu.memory_space<hbm>> -> memref<8000xi32, #tpu.memory_space<hbm>>
        %dma_wait3A_101 = tpu.memref_slice %arg2[%mul3A_21] : memref<160000xi32, #tpu.memory_space<hbm>> -> memref<8000xi32, #tpu.memory_space<hbm>>
        tpu.wait_dma2 semaphore(%run_scoped3A : memref<!tpu.dma_semaphore, #tpu.memory_space<semaphore_mem>>) src(%dma_wait3A_101 : memref<8000xi32, #tpu.memory_space<hbm>>) dst(%arg7 : memref<8000xi32, #tpu.memory_space<vmem>>)
        tpu.yield
      }) : () -> ()
      "tpu.region"() ({
        %run_scoped3A = tpu.sem_alloc : memref<!tpu.dma_semaphore, #tpu.memory_space<semaphore_mem>>
        %dma_start3A = tpu.memref_slice %arg3[%mul3A_21] : memref<160000xi32, #tpu.memory_space<hbm>> -> memref<8000xi32, #tpu.memory_space<hbm>>
        %dma_start3A_100 = tpu.memref_slice %arg3[%mul3A_21] : memref<160000xi32, #tpu.memory_space<hbm>> -> memref<8000xi32, #tpu.memory_space<hbm>>
        tpu.enqueue_dma source(%dma_start3A_100 : memref<8000xi32, #tpu.memory_space<hbm>>) target(%arg8 : memref<8000xi32, #tpu.memory_space<vmem>>) target_semaphore(%run_scoped3A : memref<!tpu.dma_semaphore, #tpu.memory_space<semaphore_mem>>)
        %dma_wait3A = tpu.memref_slice %arg3[%mul3A_21] : memref<160000xi32, #tpu.memory_space<hbm>> -> memref<8000xi32, #tpu.memory_space<hbm>>
        %dma_wait3A_101 = tpu.memref_slice %arg3[%mul3A_21] : memref<160000xi32, #tpu.memory_space<hbm>> -> memref<8000xi32, #tpu.memory_space<hbm>>
        tpu.wait_dma2 semaphore(%run_scoped3A : memref<!tpu.dma_semaphore, #tpu.memory_space<semaphore_mem>>) src(%dma_wait3A_101 : memref<8000xi32, #tpu.memory_space<hbm>>) dst(%arg8 : memref<8000xi32, #tpu.memory_space<vmem>>)
        tpu.yield
      }) : () -> ()
      %broadcast_in_dim3A = arith.constant 0 : i32
      %broadcast_in_dim3A_22 = vector.broadcast %broadcast_in_dim3A : i32 to vector<16xi32>
      %scan3A_23 = arith.constant 0 : i32
      %scan3A_24 = arith.constant 125 : i32
      %scan3A_25 = arith.addi %scan3A_23, %scan3A_24 : i32
      %scan3A_26 = arith.constant 1 : i32
      %scan3A_27 = scf.for %scan3A_100 = %scan3A_23 to %scan3A_25 step %scan3A_26 iter_args(%scan3A_101 = %broadcast_in_dim3A_22) -> (vector<16xi32>)  : i32 {
        %mul3A_102 = arith.constant 4 : i32
        %mul3A_103 = arith.muli %scan3A_100, %mul3A_102 : i32
        %add3A_104 = arith.constant 0 : i32
        %add3A_105 = arith.addi %mul3A_103, %add3A_104 : i32
        %mul3A_106 = arith.constant 16 : i32
        %mul3A_107 = arith.muli %add3A_105, %mul3A_106 : i32
        %get3A = arith.index_cast %mul3A_107 : i32 to index
        %get3A_108 = tpu.vector_load %arg8[%get3A] {strides = array<i32>} : memref<8000xi32, #tpu.memory_space<vmem>>, vector<16xi32>,
        %get3A_109 = arith.index_cast %mul3A_107 : i32 to index
        %get3A_110 = tpu.vector_load %arg7[%get3A_109] {strides = array<i32>} : memref<8000xi32, #tpu.memory_space<vmem>>, vector<16xi32>,
        %sub3A_111 = vector.broadcast %mul3A_2 : i32 to vector<16xi32>
        %sub3A_112 = arith.subi %get3A_108, %sub3A_111 : vector<16xi32>
        %ge3A = arith.constant 0 : i32
        %ge3A_113 = vector.broadcast %ge3A : i32 to vector<16xi32>
        %ge3A_114 = arith.cmpi sge, %sub3A_112, %ge3A_113 : vector<16xi32>
        %lt3A = arith.constant 313 : i32
        %lt3A_115 = vector.broadcast %lt3A : i32 to vector<16xi32>
        %lt3A_116 = arith.cmpi slt, %sub3A_112, %lt3A_115 : vector<16xi32>
        %and3A_117 = arith.andi %ge3A_114, %lt3A_116 : vector<16xi1>
        %convert_element_type3A_118 = arith.extui %and3A_117 : vector<16xi1> to vector<16xi32>
        %broadcast_in_dim3A_119 = arith.constant true
        %broadcast_in_dim3A_120 = vector.broadcast %broadcast_in_dim3A_119 : i1 to vector<16xi1>
        %masked_cumsum3A = tpu.scan <sum>, %convert_element_type3A_118 masked %broadcast_in_dim3A_120 : vector<16xi32>, vector<16xi1> -> vector<16xi32>
        %add3A_121 = arith.addi %masked_cumsum3A, %scan3A_101 : vector<16xi32>
        %sub3A_122 = arith.constant 1 : i32
        %sub3A_123 = vector.broadcast %sub3A_122 : i32 to vector<16xi32>
        %sub3A_124 = arith.subi %add3A_121, %sub3A_123 : vector<16xi32>
        tpu.vector_store_idx %arg10[%sub3A_124], %sub3A_112 masked %and3A_117 : memref<8016xi32, #tpu.memory_space<vmem>>[vector<16xi32>], vector<16xi32>, vector<16xi1>
        tpu.vector_store_idx %arg9[%sub3A_124], %get3A_110 masked %and3A_117 : memref<8016xi32, #tpu.memory_space<vmem>>[vector<16xi32>], vector<16xi32>, vector<16xi1>
        %all_reduce_population_count3A = tpu.all_reduce %and3A_117 {dim = 0 : i64, kind = #tpu.reduction_kind<sum>} : vector<16xi1> -> vector<16xi32>
        %add3A_125 = arith.addi %scan3A_101, %all_reduce_population_count3A : vector<16xi32>
        %mul3A_126 = arith.constant 4 : i32
        %mul3A_127 = arith.muli %scan3A_100, %mul3A_126 : i32
        %add3A_128 = arith.constant 1 : i32
        %add3A_129 = arith.addi %mul3A_127, %add3A_128 : i32
        %mul3A_130 = arith.constant 16 : i32
        %mul3A_131 = arith.muli %add3A_129, %mul3A_130 : i32
        %get3A_132 = arith.index_cast %mul3A_131 : i32 to index
        %get3A_133 = tpu.vector_load %arg8[%get3A_132] {strides = array<i32>} : memref<8000xi32, #tpu.memory_space<vmem>>, vector<16xi32>,
        %get3A_134 = arith.index_cast %mul3A_131 : i32 to index
        %get3A_135 = tpu.vector_load %arg7[%get3A_134] {strides = array<i32>} : memref<8000xi32, #tpu.memory_space<vmem>>, vector<16xi32>,
        %sub3A_136 = vector.broadcast %mul3A_2 : i32 to vector<16xi32>
        %sub3A_137 = arith.subi %get3A_133, %sub3A_136 : vector<16xi32>
        %ge3A_138 = arith.constant 0 : i32
        %ge3A_139 = vector.broadcast %ge3A_138 : i32 to vector<16xi32>
        %ge3A_140 = arith.cmpi sge, %sub3A_137, %ge3A_139 : vector<16xi32>
        %lt3A_141 = arith.constant 313 : i32
        %lt3A_142 = vector.broadcast %lt3A_141 : i32 to vector<16xi32>
        %lt3A_143 = arith.cmpi slt, %sub3A_137, %lt3A_142 : vector<16xi32>
        %and3A_144 = arith.andi %ge3A_140, %lt3A_143 : vector<16xi1>
        %convert_element_type3A_145 = arith.extui %and3A_144 : vector<16xi1> to vector<16xi32>
        %broadcast_in_dim3A_146 = arith.constant true
        %broadcast_in_dim3A_147 = vector.broadcast %broadcast_in_dim3A_146 : i1 to vector<16xi1>
        %masked_cumsum3A_148 = tpu.scan <sum>, %convert_element_type3A_145 masked %broadcast_in_dim3A_147 : vector<16xi32>, vector<16xi1> -> vector<16xi32>
        %add3A_149 = arith.addi %masked_cumsum3A_148, %add3A_125 : vector<16xi32>
        %sub3A_150 = arith.constant 1 : i32
        %sub3A_151 = vector.broadcast %sub3A_150 : i32 to vector<16xi32>
        %sub3A_152 = arith.subi %add3A_149, %sub3A_151 : vector<16xi32>
        tpu.vector_store_idx %arg10[%sub3A_152], %sub3A_137 masked %and3A_144 : memref<8016xi32, #tpu.memory_space<vmem>>[vector<16xi32>], vector<16xi32>, vector<16xi1>
        tpu.vector_store_idx %arg9[%sub3A_152], %get3A_135 masked %and3A_144 : memref<8016xi32, #tpu.memory_space<vmem>>[vector<16xi32>], vector<16xi32>, vector<16xi1>
        %all_reduce_population_count3A_153 = tpu.all_reduce %and3A_144 {dim = 0 : i64, kind = #tpu.reduction_kind<sum>} : vector<16xi1> -> vector<16xi32>
        %add3A_154 = arith.addi %add3A_125, %all_reduce_population_count3A_153 : vector<16xi32>
        %mul3A_155 = arith.constant 4 : i32
        %mul3A_156 = arith.muli %scan3A_100, %mul3A_155 : i32
        %add3A_157 = arith.constant 2 : i32
        %add3A_158 = arith.addi %mul3A_156, %add3A_157 : i32
        %mul3A_159 = arith.constant 16 : i32
        %mul3A_160 = arith.muli %add3A_158, %mul3A_159 : i32
        %get3A_161 = arith.index_cast %mul3A_160 : i32 to index
        %get3A_162 = tpu.vector_load %arg8[%get3A_161] {strides = array<i32>} : memref<8000xi32, #tpu.memory_space<vmem>>, vector<16xi32>,
        %get3A_163 = arith.index_cast %mul3A_160 : i32 to index
        %get3A_164 = tpu.vector_load %arg7[%get3A_163] {strides = array<i32>} : memref<8000xi32, #tpu.memory_space<vmem>>, vector<16xi32>,
        %sub3A_165 = vector.broadcast %mul3A_2 : i32 to vector<16xi32>
        %sub3A_166 = arith.subi %get3A_162, %sub3A_165 : vector<16xi32>
        %ge3A_167 = arith.constant 0 : i32
        %ge3A_168 = vector.broadcast %ge3A_167 : i32 to vector<16xi32>
        %ge3A_169 = arith.cmpi sge, %sub3A_166, %ge3A_168 : vector<16xi32>
        %lt3A_170 = arith.constant 313 : i32
        %lt3A_171 = vector.broadcast %lt3A_170 : i32 to vector<16xi32>
        %lt3A_172 = arith.cmpi slt, %sub3A_166, %lt3A_171 : vector<16xi32>
        %and3A_173 = arith.andi %ge3A_169, %lt3A_172 : vector<16xi1>
        %convert_element_type3A_174 = arith.extui %and3A_173 : vector<16xi1> to vector<16xi32>
        %broadcast_in_dim3A_175 = arith.constant true
        %broadcast_in_dim3A_176 = vector.broadcast %broadcast_in_dim3A_175 : i1 to vector<16xi1>
        %masked_cumsum3A_177 = tpu.scan <sum>, %convert_element_type3A_174 masked %broadcast_in_dim3A_176 : vector<16xi32>, vector<16xi1> -> vector<16xi32>
        %add3A_178 = arith.addi %masked_cumsum3A_177, %add3A_154 : vector<16xi32>
        %sub3A_179 = arith.constant 1 : i32
        %sub3A_180 = vector.broadcast %sub3A_179 : i32 to vector<16xi32>
        %sub3A_181 = arith.subi %add3A_178, %sub3A_180 : vector<16xi32>
        tpu.vector_store_idx %arg10[%sub3A_181], %sub3A_166 masked %and3A_173 : memref<8016xi32, #tpu.memory_space<vmem>>[vector<16xi32>], vector<16xi32>, vector<16xi1>
        tpu.vector_store_idx %arg9[%sub3A_181], %get3A_164 masked %and3A_173 : memref<8016xi32, #tpu.memory_space<vmem>>[vector<16xi32>], vector<16xi32>, vector<16xi1>
        %all_reduce_population_count3A_182 = tpu.all_reduce %and3A_173 {dim = 0 : i64, kind = #tpu.reduction_kind<sum>} : vector<16xi1> -> vector<16xi32>
        %add3A_183 = arith.addi %add3A_154, %all_reduce_population_count3A_182 : vector<16xi32>
        %mul3A_184 = arith.constant 4 : i32
        %mul3A_185 = arith.muli %scan3A_100, %mul3A_184 : i32
        %add3A_186 = arith.constant 3 : i32
        %add3A_187 = arith.addi %mul3A_185, %add3A_186 : i32
        %mul3A_188 = arith.constant 16 : i32
        %mul3A_189 = arith.muli %add3A_187, %mul3A_188 : i32
        %get3A_190 = arith.index_cast %mul3A_189 : i32 to index
        %get3A_191 = tpu.vector_load %arg8[%get3A_190] {strides = array<i32>} : memref<8000xi32, #tpu.memory_space<vmem>>, vector<16xi32>,
        %get3A_192 = arith.index_cast %mul3A_189 : i32 to index
        %get3A_193 = tpu.vector_load %arg7[%get3A_192] {strides = array<i32>} : memref<8000xi32, #tpu.memory_space<vmem>>, vector<16xi32>,
        %sub3A_194 = vector.broadcast %mul3A_2 : i32 to vector<16xi32>
        %sub3A_195 = arith.subi %get3A_191, %sub3A_194 : vector<16xi32>
        %ge3A_196 = arith.constant 0 : i32
        %ge3A_197 = vector.broadcast %ge3A_196 : i32 to vector<16xi32>
        %ge3A_198 = arith.cmpi sge, %sub3A_195, %ge3A_197 : vector<16xi32>
        %lt3A_199 = arith.constant 313 : i32
        %lt3A_200 = vector.broadcast %lt3A_199 : i32 to vector<16xi32>
        %lt3A_201 = arith.cmpi slt, %sub3A_195, %lt3A_200 : vector<16xi32>
        %and3A_202 = arith.andi %ge3A_198, %lt3A_201 : vector<16xi1>
        %convert_element_type3A_203 = arith.extui %and3A_202 : vector<16xi1> to vector<16xi32>
        %broadcast_in_dim3A_204 = arith.constant true
        %broadcast_in_dim3A_205 = vector.broadcast %broadcast_in_dim3A_204 : i1 to vector<16xi1>
        %masked_cumsum3A_206 = tpu.scan <sum>, %convert_element_type3A_203 masked %broadcast_in_dim3A_205 : vector<16xi32>, vector<16xi1> -> vector<16xi32>
        %add3A_207 = arith.addi %masked_cumsum3A_206, %add3A_183 : vector<16xi32>
        %sub3A_208 = arith.constant 1 : i32
        %sub3A_209 = vector.broadcast %sub3A_208 : i32 to vector<16xi32>
        %sub3A_210 = arith.subi %add3A_207, %sub3A_209 : vector<16xi32>
        tpu.vector_store_idx %arg10[%sub3A_210], %sub3A_195 masked %and3A_202 : memref<8016xi32, #tpu.memory_space<vmem>>[vector<16xi32>], vector<16xi32>, vector<16xi1>
        tpu.vector_store_idx %arg9[%sub3A_210], %get3A_193 masked %and3A_202 : memref<8016xi32, #tpu.memory_space<vmem>>[vector<16xi32>], vector<16xi32>, vector<16xi1>
        %all_reduce_population_count3A_211 = tpu.all_reduce %and3A_202 {dim = 0 : i64, kind = #tpu.reduction_kind<sum>} : vector<16xi1> -> vector<16xi32>
        %add3A_212 = arith.addi %add3A_183, %all_reduce_population_count3A_211 : vector<16xi32>
        scf.yield %add3A_212 : vector<16xi32>
      }
      %scan3A_28 = arith.constant 125 : i32
      %slice3A = vector.extract_strided_slice %scan3A_27 {offsets = [0], sizes = [1], strides = [1]} : vector<16xi32> to vector<1xi32>
      %squeeze3A = vector.extract %slice3A[0] : i32 from vector<1xi32>
      %broadcast_in_dim3A_29 = arith.constant 0 : i32
      %broadcast_in_dim3A_30 = vector.broadcast %broadcast_in_dim3A_29 : i32 to vector<16xi32>
      %add3A_31 = arith.constant 0 : i32
      %add3A_32 = arith.addi %squeeze3A, %add3A_31 : i32
      %swap3A = arith.index_cast %add3A_32 : i32 to index
      %swap3A_33 = tpu.vector_load %arg9[%swap3A] {strides = array<i32>} : memref<8016xi32, #tpu.memory_space<vmem>>, vector<16xi32>,
      tpu.vector_store %arg9[%swap3A], %broadcast_in_dim3A_30 {strides = array<i32>} : memref<8016xi32, #tpu.memory_space<vmem>>, vector<16xi32>,
      %broadcast_in_dim3A_34 = arith.constant 313 : i32
      %broadcast_in_dim3A_35 = vector.broadcast %broadcast_in_dim3A_34 : i32 to vector<16xi32>
      %add3A_36 = arith.constant 0 : i32
      %add3A_37 = arith.addi %squeeze3A, %add3A_36 : i32
      %swap3A_38 = arith.index_cast %add3A_37 : i32 to index
      %swap3A_39 = tpu.vector_load %arg10[%swap3A_38] {strides = array<i32>} : memref<8016xi32, #tpu.memory_space<vmem>>, vector<16xi32>,
      tpu.vector_store %arg10[%swap3A_38], %broadcast_in_dim3A_35 {strides = array<i32>} : memref<8016xi32, #tpu.memory_space<vmem>>, vector<16xi32>,
      %add3A_40 = arith.constant 16 : i32
      %add3A_41 = arith.addi %squeeze3A, %add3A_40 : i32
      %sub3A = arith.constant 1 : i32
      %sub3A_42 = arith.subi %add3A_41, %sub3A : i32
      %jit3A = arith.constant 16 : i32
      %div3A = arith.divsi %sub3A_42, %jit3A : i32
      %sign3A = arith.constant 0 : i32
      %sign3A_43 = arith.cmpi sgt, %sub3A_42, %sign3A : i32
      %sign3A_44 = arith.extui %sign3A_43 : i1 to i32
      %sign3A_45 = arith.constant 0 : i32
      %sign3A_46 = arith.cmpi slt, %sub3A_42, %sign3A_45 : i32
      %sign3A_47 = arith.extui %sign3A_46 : i1 to i32
      %sign3A_48 = arith.subi %sign3A_44, %sign3A_47 : i32
      %sign3A_49 = arith.constant 0 : i32
      %sign3A_50 = arith.cmpi sgt, %jit3A, %sign3A_49 : i32
      %sign3A_51 = arith.extui %sign3A_50 : i1 to i32
      %sign3A_52 = arith.constant 0 : i32
      %sign3A_53 = arith.cmpi slt, %jit3A, %sign3A_52 : i32
      %sign3A_54 = arith.extui %sign3A_53 : i1 to i32
      %sign3A_55 = arith.subi %sign3A_51, %sign3A_54 : i32
      %ne3A = arith.cmpi ne, %sign3A_48, %sign3A_55 : i32
      %rem3A = arith.remsi %sub3A_42, %jit3A : i32
      %ne3A_56 = arith.constant 0 : i32
      %ne3A_57 = arith.cmpi ne, %rem3A, %ne3A_56 : i32
      %and3A = arith.andi %ne3A, %ne3A_57 : i1
      %sub3A_58 = arith.constant 1 : i32
      %sub3A_59 = arith.subi %div3A, %sub3A_58 : i32
      %select_n3A = arith.select %and3A, %sub3A_59, %div3A : i32
      %gt3A = arith.constant 0 : i32
      %gt3A_60 = arith.cmpi sgt, %select_n3A, %gt3A : i32
      %convert_element_type3A = arith.extui %gt3A_60 : i1 to i32
      %cond3A = arith.constant 0 : i32
      %cond3A_61 = arith.cmpi ne, %convert_element_type3A, %cond3A : i32
      scf.if %cond3A_61 {
        %dma_start3A = arith.constant 0 : i32
        %dma_start3A_100 = tpu.memref_slice %arg9[%dma_start3A] : memref<8016xi32, #tpu.memory_space<vmem>> -> memref<16xi32, #tpu.memory_space<vmem>>
        %dma_start3A_101 = arith.constant 0 : i32
        %dma_start3A_102 = arith.constant 0 : i32
        %dma_start3A_103 = tpu.memref_slice %arg4[%dma_start3A_101, %dma_start3A_102] : memref<10000x256xi32, #tpu.memory_space<hbm>> -> memref<10000x256xi32, #tpu.memory_space<hbm>>
        tpu.enqueue_indirect_dma source(%dma_start3A_103 : memref<10000x256xi32, #tpu.memory_space<hbm>>) target(%arg11 : memref<16x256xi32, #tpu.memory_space<vmem>>) offsets(%dma_start3A_100 : memref<16xi32, #tpu.memory_space<vmem>>) semaphore(%arg13 : memref<!tpu.dma_semaphore, #tpu.memory_space<semaphore_mem>>)
      } else {
      }
      %add3A_62 = arith.constant 1 : i32
      %add3A_63 = arith.addi %select_n3A, %add3A_62 : i32
      %jit3A_64 = arith.constant 2 : i32
      %div3A_65 = arith.divsi %add3A_63, %jit3A_64 : i32
      %sign3A_66 = arith.constant 0 : i32
      %sign3A_67 = arith.cmpi sgt, %add3A_63, %sign3A_66 : i32
      %sign3A_68 = arith.extui %sign3A_67 : i1 to i32
      %sign3A_69 = arith.constant 0 : i32
      %sign3A_70 = arith.cmpi slt, %add3A_63, %sign3A_69 : i32
      %sign3A_71 = arith.extui %sign3A_70 : i1 to i32
      %sign3A_72 = arith.subi %sign3A_68, %sign3A_71 : i32
      %sign3A_73 = arith.constant 0 : i32
      %sign3A_74 = arith.cmpi sgt, %jit3A_64, %sign3A_73 : i32
      %sign3A_75 = arith.extui %sign3A_74 : i1 to i32
      %sign3A_76 = arith.constant 0 : i32
      %sign3A_77 = arith.cmpi slt, %jit3A_64, %sign3A_76 : i32
      %sign3A_78 = arith.extui %sign3A_77 : i1 to i32
      %sign3A_79 = arith.subi %sign3A_75, %sign3A_78 : i32
      %ne3A_80 = arith.cmpi ne, %sign3A_72, %sign3A_79 : i32
      %rem3A_81 = arith.remsi %add3A_63, %jit3A_64 : i32
      %ne3A_82 = arith.constant 0 : i32
      %ne3A_83 = arith.cmpi ne, %rem3A_81, %ne3A_82 : i32
      %and3A_84 = arith.andi %ne3A_80, %ne3A_83 : i1
      %sub3A_85 = arith.constant 1 : i32
      %sub3A_86 = arith.subi %div3A_65, %sub3A_85 : i32
      %select_n3A_87 = arith.select %and3A_84, %sub3A_86, %div3A_65 : i32
      %while3A = arith.constant 0 : i32
      %while3A_88 = arith.constant 0 : i32
      %while3A_89 = arith.subi %select_n3A_87, %while3A : i32
      %while3A_90 = arith.addi %while3A, %while3A_89 : i32
      %while3A_91 = arith.constant 1 : i32
      %while3A_92 = arith.divsi %while3A_89, %while3A_91 : i32
      %while3A_93 = arith.muli %while3A_92, %while3A_91 : i32
      %while3A_94 = arith.addi %while3A, %while3A_93 : i32
      %while3A_95 = arith.constant 1 : i32
      %while3A_96 = scf.for %while3A_100 = %while3A to %while3A_94 step %while3A_95 iter_args(%while3A_101 = %while3A_88) -> (i32)  : i32 {
        %mul3A_102 = arith.constant 2 : i32
        %mul3A_103 = arith.muli %while3A_100, %mul3A_102 : i32
        %add3A_104 = arith.constant 0 : i32
        %add3A_105 = arith.addi %mul3A_103, %add3A_104 : i32
        %lt3A = arith.cmpi slt, %add3A_105, %select_n3A : i32
        %convert_element_type3A_106 = arith.extui %lt3A : i1 to i32
        %cond3A_107 = arith.constant 0 : i32
        %cond3A_108 = arith.cmpi ne, %convert_element_type3A_106, %cond3A_107 : i32
        scf.if %cond3A_108 {
          %mul3A_118 = arith.constant 16 : i32
          %mul3A_119 = arith.muli %add3A_105, %mul3A_118 : i32
          %dma_wait3A = tpu.memref_slice %arg9[%mul3A_119] : memref<8016xi32, #tpu.memory_space<vmem>> -> memref<16xi32, #tpu.memory_space<vmem>>
          %dma_wait3A_120 = arith.constant 0 : i32
          %dma_wait3A_121 = arith.constant 0 : i32
          %dma_wait3A_122 = tpu.memref_slice %arg4[%dma_wait3A_120, %dma_wait3A_121] : memref<10000x256xi32, #tpu.memory_space<hbm>> -> memref<10000x256xi32, #tpu.memory_space<hbm>>
          tpu.wait_indirect_dma semaphore(%arg13 : memref<!tpu.dma_semaphore, #tpu.memory_space<semaphore_mem>>) src(%dma_wait3A_122 : memref<10000x256xi32, #tpu.memory_space<hbm>>) dst(%arg11 : memref<16x256xi32, #tpu.memory_space<vmem>>)
          %add3A_123 = arith.constant 1 : i32
          %add3A_124 = arith.addi %add3A_105, %add3A_123 : i32
          %lt3A_125 = arith.cmpi slt, %add3A_124, %select_n3A : i32
          %convert_element_type3A_126 = arith.extui %lt3A_125 : i1 to i32
          %cond3A_127 = arith.constant 0 : i32
          %cond3A_128 = arith.cmpi ne, %convert_element_type3A_126, %cond3A_127 : i32
          scf.if %cond3A_128 {
            %add3A_245 = arith.constant 1 : i32
            %add3A_246 = arith.addi %add3A_105, %add3A_245 : i32
            %mul3A_247 = arith.constant 16 : i32
            %mul3A_248 = arith.muli %add3A_246, %mul3A_247 : i32
            %dma_start3A = tpu.memref_slice %arg9[%mul3A_248] : memref<8016xi32, #tpu.memory_space<vmem>> -> memref<16xi32, #tpu.memory_space<vmem>>
            %dma_start3A_249 = arith.constant 0 : i32
            %dma_start3A_250 = arith.constant 0 : i32
            %dma_start3A_251 = tpu.memref_slice %arg4[%dma_start3A_249, %dma_start3A_250] : memref<10000x256xi32, #tpu.memory_space<hbm>> -> memref<10000x256xi32, #tpu.memory_space<hbm>>
            tpu.enqueue_indirect_dma source(%dma_start3A_251 : memref<10000x256xi32, #tpu.memory_space<hbm>>) target(%arg12 : memref<16x256xi32, #tpu.memory_space<vmem>>) offsets(%dma_start3A : memref<16xi32, #tpu.memory_space<vmem>>) semaphore(%arg14 : memref<!tpu.dma_semaphore, #tpu.memory_space<semaphore_mem>>)
          } else {
          }
          %mul3A_129 = arith.constant 16 : i32
          %mul3A_130 = arith.muli %add3A_105, %mul3A_129 : i32
          %add3A_131 = arith.constant 0 : i32
          %add3A_132 = arith.addi %mul3A_130, %add3A_131 : i32
          %get3A = arith.index_cast %add3A_132 : i32 to index
          %get3A_133 = tpu.vector_load %arg10[%get3A] {strides = array<i32>} : memref<8016xi32, #tpu.memory_space<vmem>>, vector<16xi32>,
          %slice3A_134 = vector.extract_strided_slice %get3A_133 {offsets = [0], sizes = [1], strides = [1]} : vector<16xi32> to vector<1xi32>
          %squeeze3A_135 = vector.extract %slice3A_134[0] : i32 from vector<1xi32>
          %mul3A_136 = arith.constant 256 : i32
          %mul3A_137 = arith.muli %squeeze3A_135, %mul3A_136 : i32
          %parallel_loop3A = arith.constant 0 : i32
          %parallel_loop3A_138 = arith.constant 256 : i32
          %parallel_loop3A_139 = arith.constant 16 : i32
          scf.for %parallel_loop3A_245 = %parallel_loop3A to %parallel_loop3A_138 step %parallel_loop3A_139  : i32 {
            %parallel_loop3A_246 = arith.addi %mul3A_137, %parallel_loop3A_245 : i32
            %parallel_loop3A_247 = arith.index_cast %parallel_loop3A_246 : i32 to index
            %parallel_loop3A_248 = tpu.vector_load %arg6[%parallel_loop3A_247] {strides = array<i32>} : memref<80384xi32, #tpu.memory_space<vmem>>, vector<16xi32>,
            %parallel_loop3A_249 = vector.bitcast %parallel_loop3A_248 : vector<16xi32> to vector<32xbf16>
            %parallel_loop3A_250 = arith.constant 0 : i32
            %parallel_loop3A_251 = arith.index_cast %parallel_loop3A_250 : i32 to index
            %parallel_loop3A_252 = arith.index_cast %parallel_loop3A_245 : i32 to index
            %parallel_loop3A_253 = tpu.vector_load %arg11[%parallel_loop3A_251, %parallel_loop3A_252] {strides = array<i32>} : memref<16x256xi32, #tpu.memory_space<vmem>>, vector<16xi32>,
            %parallel_loop3A_254 = vector.bitcast %parallel_loop3A_253 : vector<16xi32> to vector<32xbf16>
            %parallel_loop3A_255 = arith.maximumf %parallel_loop3A_249, %parallel_loop3A_254 : vector<32xbf16>
            %parallel_loop3A_256 = vector.bitcast %parallel_loop3A_255 : vector<32xbf16> to vector<16xi32>
            %parallel_loop3A_257 = arith.index_cast %parallel_loop3A_246 : i32 to index
            %parallel_loop3A_258 = tpu.vector_load %arg6[%parallel_loop3A_257] {strides = array<i32>} : memref<80384xi32, #tpu.memory_space<vmem>>, vector<16xi32>,
            tpu.vector_store %arg6[%parallel_loop3A_257], %parallel_loop3A_256 {strides = array<i32>} : memref<80384xi32, #tpu.memory_space<vmem>>, vector<16xi32>,
          } {sc.loop_unroll_factor = 4 : i64, sc.parallel_access}
          %slice3A_140 = vector.extract_strided_slice %get3A_133 {offsets = [1], sizes = [1], strides = [1]} : vector<16xi32> to vector<1xi32>
          %squeeze3A_141 = vector.extract %slice3A_140[0] : i32 from vector<1xi32>
          %mul3A_142 = arith.constant 256 : i32
          %mul3A_143 = arith.muli %squeeze3A_141, %mul3A_142 : i32
          %parallel_loop3A_144 = arith.constant 0 : i32
          %parallel_loop3A_145 = arith.constant 256 : i32
          %parallel_loop3A_146 = arith.constant 16 : i32
          scf.for %parallel_loop3A_245 = %parallel_loop3A_144 to %parallel_loop3A_145 step %parallel_loop3A_146  : i32 {
            %parallel_loop3A_246 = arith.addi %mul3A_143, %parallel_loop3A_245 : i32
            %parallel_loop3A_247 = arith.index_cast %parallel_loop3A_246 : i32 to index
            %parallel_loop3A_248 = tpu.vector_load %arg6[%parallel_loop3A_247] {strides = array<i32>} : memref<80384xi32, #tpu.memory_space<vmem>>, vector<16xi32>,
            %parallel_loop3A_249 = vector.bitcast %parallel_loop3A_248 : vector<16xi32> to vector<32xbf16>
            %parallel_loop3A_250 = arith.constant 1 : i32
            %parallel_loop3A_251 = arith.index_cast %parallel_loop3A_250 : i32 to index
            %parallel_loop3A_252 = arith.index_cast %parallel_loop3A_245 : i32 to index
            %parallel_loop3A_253 = tpu.vector_load %arg11[%parallel_loop3A_251, %parallel_loop3A_252] {strides = array<i32>} : memref<16x256xi32, #tpu.memory_space<vmem>>, vector<16xi32>,
            %parallel_loop3A_254 = vector.bitcast %parallel_loop3A_253 : vector<16xi32> to vector<32xbf16>
            %parallel_loop3A_255 = arith.maximumf %parallel_loop3A_249, %parallel_loop3A_254 : vector<32xbf16>
            %parallel_loop3A_256 = vector.bitcast %parallel_loop3A_255 : vector<32xbf16> to vector<16xi32>
            %parallel_loop3A_257 = arith.index_cast %parallel_loop3A_246 : i32 to index
            %parallel_loop3A_258 = tpu.vector_load %arg6[%parallel_loop3A_257] {strides = array<i32>} : memref<80384xi32, #tpu.memory_space<vmem>>, vector<16xi32>,
            tpu.vector_store %arg6[%parallel_loop3A_257], %parallel_loop3A_256 {strides = array<i32>} : memref<80384xi32, #tpu.memory_space<vmem>>, vector<16xi32>,
          } {sc.loop_unroll_factor = 4 : i64, sc.parallel_access}
          %slice3A_147 = vector.extract_strided_slice %get3A_133 {offsets = [2], sizes = [1], strides = [1]} : vector<16xi32> to vector<1xi32>
          %squeeze3A_148 = vector.extract %slice3A_147[0] : i32 from vector<1xi32>
          %mul3A_149 = arith.constant 256 : i32
          %mul3A_150 = arith.muli %squeeze3A_148, %mul3A_149 : i32
          %parallel_loop3A_151 = arith.constant 0 : i32
          %parallel_loop3A_152 = arith.constant 256 : i32
          %parallel_loop3A_153 = arith.constant 16 : i32
          scf.for %parallel_loop3A_245 = %parallel_loop3A_151 to %parallel_loop3A_152 step %parallel_loop3A_153  : i32 {
            %parallel_loop3A_246 = arith.addi %mul3A_150, %parallel_loop3A_245 : i32
            %parallel_loop3A_247 = arith.index_cast %parallel_loop3A_246 : i32 to index
            %parallel_loop3A_248 = tpu.vector_load %arg6[%parallel_loop3A_247] {strides = array<i32>} : memref<80384xi32, #tpu.memory_space<vmem>>, vector<16xi32>,
            %parallel_loop3A_249 = vector.bitcast %parallel_loop3A_248 : vector<16xi32> to vector<32xbf16>
            %parallel_loop3A_250 = arith.constant 2 : i32
            %parallel_loop3A_251 = arith.index_cast %parallel_loop3A_250 : i32 to index
            %parallel_loop3A_252 = arith.index_cast %parallel_loop3A_245 : i32 to index
            %parallel_loop3A_253 = tpu.vector_load %arg11[%parallel_loop3A_251, %parallel_loop3A_252] {strides = array<i32>} : memref<16x256xi32, #tpu.memory_space<vmem>>, vector<16xi32>,
            %parallel_loop3A_254 = vector.bitcast %parallel_loop3A_253 : vector<16xi32> to vector<32xbf16>
            %parallel_loop3A_255 = arith.maximumf %parallel_loop3A_249, %parallel_loop3A_254 : vector<32xbf16>
            %parallel_loop3A_256 = vector.bitcast %parallel_loop3A_255 : vector<32xbf16> to vector<16xi32>
            %parallel_loop3A_257 = arith.index_cast %parallel_loop3A_246 : i32 to index
            %parallel_loop3A_258 = tpu.vector_load %arg6[%parallel_loop3A_257] {strides = array<i32>} : memref<80384xi32, #tpu.memory_space<vmem>>, vector<16xi32>,
            tpu.vector_store %arg6[%parallel_loop3A_257], %parallel_loop3A_256 {strides = array<i32>} : memref<80384xi32, #tpu.memory_space<vmem>>, vector<16xi32>,
          } {sc.loop_unroll_factor = 4 : i64, sc.parallel_access}
          %slice3A_154 = vector.extract_strided_slice %get3A_133 {offsets = [3], sizes = [1], strides = [1]} : vector<16xi32> to vector<1xi32>
          %squeeze3A_155 = vector.extract %slice3A_154[0] : i32 from vector<1xi32>
          %mul3A_156 = arith.constant 256 : i32
          %mul3A_157 = arith.muli %squeeze3A_155, %mul3A_156 : i32
          %parallel_loop3A_158 = arith.constant 0 : i32
          %parallel_loop3A_159 = arith.constant 256 : i32
          %parallel_loop3A_160 = arith.constant 16 : i32
          scf.for %parallel_loop3A_245 = %parallel_loop3A_158 to %parallel_loop3A_159 step %parallel_loop3A_160  : i32 {
            %parallel_loop3A_246 = arith.addi %mul3A_157, %parallel_loop3A_245 : i32
            %parallel_loop3A_247 = arith.index_cast %parallel_loop3A_246 : i32 to index
            %parallel_loop3A_248 = tpu.vector_load %arg6[%parallel_loop3A_247] {strides = array<i32>} : memref<80384xi32, #tpu.memory_space<vmem>>, vector<16xi32>,
            %parallel_loop3A_249 = vector.bitcast %parallel_loop3A_248 : vector<16xi32> to vector<32xbf16>
            %parallel_loop3A_250 = arith.constant 3 : i32
            %parallel_loop3A_251 = arith.index_cast %parallel_loop3A_250 : i32 to index
            %parallel_loop3A_252 = arith.index_cast %parallel_loop3A_245 : i32 to index
            %parallel_loop3A_253 = tpu.vector_load %arg11[%parallel_loop3A_251, %parallel_loop3A_252] {strides = array<i32>} : memref<16x256xi32, #tpu.memory_space<vmem>>, vector<16xi32>,
            %parallel_loop3A_254 = vector.bitcast %parallel_loop3A_253 : vector<16xi32> to vector<32xbf16>
            %parallel_loop3A_255 = arith.maximumf %parallel_loop3A_249, %parallel_loop3A_254 : vector<32xbf16>
            %parallel_loop3A_256 = vector.bitcast %parallel_loop3A_255 : vector<32xbf16> to vector<16xi32>
            %parallel_loop3A_257 = arith.index_cast %parallel_loop3A_246 : i32 to index
            %parallel_loop3A_258 = tpu.vector_load %arg6[%parallel_loop3A_257] {strides = array<i32>} : memref<80384xi32, #tpu.memory_space<vmem>>, vector<16xi32>,
            tpu.vector_store %arg6[%parallel_loop3A_257], %parallel_loop3A_256 {strides = array<i32>} : memref<80384xi32, #tpu.memory_space<vmem>>, vector<16xi32>,
          } {sc.loop_unroll_factor = 4 : i64, sc.parallel_access}
          %slice3A_161 = vector.extract_strided_slice %get3A_133 {offsets = [4], sizes = [1], strides = [1]} : vector<16xi32> to vector<1xi32>
          %squeeze3A_162 = vector.extract %slice3A_161[0] : i32 from vector<1xi32>
          %mul3A_163 = arith.constant 256 : i32
          %mul3A_164 = arith.muli %squeeze3A_162, %mul3A_163 : i32
          %parallel_loop3A_165 = arith.constant 0 : i32
          %parallel_loop3A_166 = arith.constant 256 : i32
          %parallel_loop3A_167 = arith.constant 16 : i32
          scf.for %parallel_loop3A_245 = %parallel_loop3A_165 to %parallel_loop3A_166 step %parallel_loop3A_167  : i32 {
            %parallel_loop3A_246 = arith.addi %mul3A_164, %parallel_loop3A_245 : i32
            %parallel_loop3A_247 = arith.index_cast %parallel_loop3A_246 : i32 to index
            %parallel_loop3A_248 = tpu.vector_load %arg6[%parallel_loop3A_247] {strides = array<i32>} : memref<80384xi32, #tpu.memory_space<vmem>>, vector<16xi32>,
            %parallel_loop3A_249 = vector.bitcast %parallel_loop3A_248 : vector<16xi32> to vector<32xbf16>
            %parallel_loop3A_250 = arith.constant 4 : i32
            %parallel_loop3A_251 = arith.index_cast %parallel_loop3A_250 : i32 to index
            %parallel_loop3A_252 = arith.index_cast %parallel_loop3A_245 : i32 to index
            %parallel_loop3A_253 = tpu.vector_load %arg11[%parallel_loop3A_251, %parallel_loop3A_252] {strides = array<i32>} : memref<16x256xi32, #tpu.memory_space<vmem>>, vector<16xi32>,
            %parallel_loop3A_254 = vector.bitcast %parallel_loop3A_253 : vector<16xi32> to vector<32xbf16>
            %parallel_loop3A_255 = arith.maximumf %parallel_loop3A_249, %parallel_loop3A_254 : vector<32xbf16>
            %parallel_loop3A_256 = vector.bitcast %parallel_loop3A_255 : vector<32xbf16> to vector<16xi32>
            %parallel_loop3A_257 = arith.index_cast %parallel_loop3A_246 : i32 to index
            %parallel_loop3A_258 = tpu.vector_load %arg6[%parallel_loop3A_257] {strides = array<i32>} : memref<80384xi32, #tpu.memory_space<vmem>>, vector<16xi32>,
            tpu.vector_store %arg6[%parallel_loop3A_257], %parallel_loop3A_256 {strides = array<i32>} : memref<80384xi32, #tpu.memory_space<vmem>>, vector<16xi32>,
          } {sc.loop_unroll_factor = 4 : i64, sc.parallel_access}
          %slice3A_168 = vector.extract_strided_slice %get3A_133 {offsets = [5], sizes = [1], strides = [1]} : vector<16xi32> to vector<1xi32>
          %squeeze3A_169 = vector.extract %slice3A_168[0] : i32 from vector<1xi32>
          %mul3A_170 = arith.constant 256 : i32
          %mul3A_171 = arith.muli %squeeze3A_169, %mul3A_170 : i32
          %parallel_loop3A_172 = arith.constant 0 : i32
          %parallel_loop3A_173 = arith.constant 256 : i32
          %parallel_loop3A_174 = arith.constant 16 : i32
          scf.for %parallel_loop3A_245 = %parallel_loop3A_172 to %parallel_loop3A_173 step %parallel_loop3A_174  : i32 {
            %parallel_loop3A_246 = arith.addi %mul3A_171, %parallel_loop3A_245 : i32
            %parallel_loop3A_247 = arith.index_cast %parallel_loop3A_246 : i32 to index
            %parallel_loop3A_248 = tpu.vector_load %arg6[%parallel_loop3A_247] {strides = array<i32>} : memref<80384xi32, #tpu.memory_space<vmem>>, vector<16xi32>,
            %parallel_loop3A_249 = vector.bitcast %parallel_loop3A_248 : vector<16xi32> to vector<32xbf16>
            %parallel_loop3A_250 = arith.constant 5 : i32
            %parallel_loop3A_251 = arith.index_cast %parallel_loop3A_250 : i32 to index
            %parallel_loop3A_252 = arith.index_cast %parallel_loop3A_245 : i32 to index
            %parallel_loop3A_253 = tpu.vector_load %arg11[%parallel_loop3A_251, %parallel_loop3A_252] {strides = array<i32>} : memref<16x256xi32, #tpu.memory_space<vmem>>, vector<16xi32>,
            %parallel_loop3A_254 = vector.bitcast %parallel_loop3A_253 : vector<16xi32> to vector<32xbf16>
            %parallel_loop3A_255 = arith.maximumf %parallel_loop3A_249, %parallel_loop3A_254 : vector<32xbf16>
            %parallel_loop3A_256 = vector.bitcast %parallel_loop3A_255 : vector<32xbf16> to vector<16xi32>
            %parallel_loop3A_257 = arith.index_cast %parallel_loop3A_246 : i32 to index
            %parallel_loop3A_258 = tpu.vector_load %arg6[%parallel_loop3A_257] {strides = array<i32>} : memref<80384xi32, #tpu.memory_space<vmem>>, vector<16xi32>,
            tpu.vector_store %arg6[%parallel_loop3A_257], %parallel_loop3A_256 {strides = array<i32>} : memref<80384xi32, #tpu.memory_space<vmem>>, vector<16xi32>,
          } {sc.loop_unroll_factor = 4 : i64, sc.parallel_access}
          %slice3A_175 = vector.extract_strided_slice %get3A_133 {offsets = [6], sizes = [1], strides = [1]} : vector<16xi32> to vector<1xi32>
          %squeeze3A_176 = vector.extract %slice3A_175[0] : i32 from vector<1xi32>
          %mul3A_177 = arith.constant 256 : i32
          %mul3A_178 = arith.muli %squeeze3A_176, %mul3A_177 : i32
          %parallel_loop3A_179 = arith.constant 0 : i32
          %parallel_loop3A_180 = arith.constant 256 : i32
          %parallel_loop3A_181 = arith.constant 16 : i32
          scf.for %parallel_loop3A_245 = %parallel_loop3A_179 to %parallel_loop3A_180 step %parallel_loop3A_181  : i32 {
            %parallel_loop3A_246 = arith.addi %mul3A_178, %parallel_loop3A_245 : i32
            %parallel_loop3A_247 = arith.index_cast %parallel_loop3A_246 : i32 to index
            %parallel_loop3A_248 = tpu.vector_load %arg6[%parallel_loop3A_247] {strides = array<i32>} : memref<80384xi32, #tpu.memory_space<vmem>>, vector<16xi32>,
            %parallel_loop3A_249 = vector.bitcast %parallel_loop3A_248 : vector<16xi32> to vector<32xbf16>
            %parallel_loop3A_250 = arith.constant 6 : i32
            %parallel_loop3A_251 = arith.index_cast %parallel_loop3A_250 : i32 to index
            %parallel_loop3A_252 = arith.index_cast %parallel_loop3A_245 : i32 to index
            %parallel_loop3A_253 = tpu.vector_load %arg11[%parallel_loop3A_251, %parallel_loop3A_252] {strides = array<i32>} : memref<16x256xi32, #tpu.memory_space<vmem>>, vector<16xi32>,
            %parallel_loop3A_254 = vector.bitcast %parallel_loop3A_253 : vector<16xi32> to vector<32xbf16>
            %parallel_loop3A_255 = arith.maximumf %parallel_loop3A_249, %parallel_loop3A_254 : vector<32xbf16>
            %parallel_loop3A_256 = vector.bitcast %parallel_loop3A_255 : vector<32xbf16> to vector<16xi32>
            %parallel_loop3A_257 = arith.index_cast %parallel_loop3A_246 : i32 to index
            %parallel_loop3A_258 = tpu.vector_load %arg6[%parallel_loop3A_257] {strides = array<i32>} : memref<80384xi32, #tpu.memory_space<vmem>>, vector<16xi32>,
            tpu.vector_store %arg6[%parallel_loop3A_257], %parallel_loop3A_256 {strides = array<i32>} : memref<80384xi32, #tpu.memory_space<vmem>>, vector<16xi32>,
          } {sc.loop_unroll_factor = 4 : i64, sc.parallel_access}
          %slice3A_182 = vector.extract_strided_slice %get3A_133 {offsets = [7], sizes = [1], strides = [1]} : vector<16xi32> to vector<1xi32>
          %squeeze3A_183 = vector.extract %slice3A_182[0] : i32 from vector<1xi32>
          %mul3A_184 = arith.constant 256 : i32
          %mul3A_185 = arith.muli %squeeze3A_183, %mul3A_184 : i32
          %parallel_loop3A_186 = arith.constant 0 : i32
          %parallel_loop3A_187 = arith.constant 256 : i32
          %parallel_loop3A_188 = arith.constant 16 : i32
          scf.for %parallel_loop3A_245 = %parallel_loop3A_186 to %parallel_loop3A_187 step %parallel_loop3A_188  : i32 {
            %parallel_loop3A_246 = arith.addi %mul3A_185, %parallel_loop3A_245 : i32
            %parallel_loop3A_247 = arith.index_cast %parallel_loop3A_246 : i32 to index
            %parallel_loop3A_248 = tpu.vector_load %arg6[%parallel_loop3A_247] {strides = array<i32>} : memref<80384xi32, #tpu.memory_space<vmem>>, vector<16xi32>,
            %parallel_loop3A_249 = vector.bitcast %parallel_loop3A_248 : vector<16xi32> to vector<32xbf16>
            %parallel_loop3A_250 = arith.constant 7 : i32
            %parallel_loop3A_251 = arith.index_cast %parallel_loop3A_250 : i32 to index
            %parallel_loop3A_252 = arith.index_cast %parallel_loop3A_245 : i32 to index
            %parallel_loop3A_253 = tpu.vector_load %arg11[%parallel_loop3A_251, %parallel_loop3A_252] {strides = array<i32>} : memref<16x256xi32, #tpu.memory_space<vmem>>, vector<16xi32>,
            %parallel_loop3A_254 = vector.bitcast %parallel_loop3A_253 : vector<16xi32> to vector<32xbf16>
            %parallel_loop3A_255 = arith.maximumf %parallel_loop3A_249, %parallel_loop3A_254 : vector<32xbf16>
            %parallel_loop3A_256 = vector.bitcast %parallel_loop3A_255 : vector<32xbf16> to vector<16xi32>
            %parallel_loop3A_257 = arith.index_cast %parallel_loop3A_246 : i32 to index
            %parallel_loop3A_258 = tpu.vector_load %arg6[%parallel_loop3A_257] {strides = array<i32>} : memref<80384xi32, #tpu.memory_space<vmem>>, vector<16xi32>,
            tpu.vector_store %arg6[%parallel_loop3A_257], %parallel_loop3A_256 {strides = array<i32>} : memref<80384xi32, #tpu.memory_space<vmem>>, vector<16xi32>,
          } {sc.loop_unroll_factor = 4 : i64, sc.parallel_access}
          %slice3A_189 = vector.extract_strided_slice %get3A_133 {offsets = [8], sizes = [1], strides = [1]} : vector<16xi32> to vector<1xi32>
          %squeeze3A_190 = vector.extract %slice3A_189[0] : i32 from vector<1xi32>
          %mul3A_191 = arith.constant 256 : i32
          %mul3A_192 = arith.muli %squeeze3A_190, %mul3A_191 : i32
          %parallel_loop3A_193 = arith.constant 0 : i32
          %parallel_loop3A_194 = arith.constant 256 : i32
          %parallel_loop3A_195 = arith.constant 16 : i32
          scf.for %parallel_loop3A_245 = %parallel_loop3A_193 to %parallel_loop3A_194 step %parallel_loop3A_195  : i32 {
            %parallel_loop3A_246 = arith.addi %mul3A_192, %parallel_loop3A_245 : i32
            %parallel_loop3A_247 = arith.index_cast %parallel_loop3A_246 : i32 to index
            %parallel_loop3A_248 = tpu.vector_load %arg6[%parallel_loop3A_247] {strides = array<i32>} : memref<80384xi32, #tpu.memory_space<vmem>>, vector<16xi32>,
            %parallel_loop3A_249 = vector.bitcast %parallel_loop3A_248 : vector<16xi32> to vector<32xbf16>
            %parallel_loop3A_250 = arith.constant 8 : i32
            %parallel_loop3A_251 = arith.index_cast %parallel_loop3A_250 : i32 to index
            %parallel_loop3A_252 = arith.index_cast %parallel_loop3A_245 : i32 to index
            %parallel_loop3A_253 = tpu.vector_load %arg11[%parallel_loop3A_251, %parallel_loop3A_252] {strides = array<i32>} : memref<16x256xi32, #tpu.memory_space<vmem>>, vector<16xi32>,
            %parallel_loop3A_254 = vector.bitcast %parallel_loop3A_253 : vector<16xi32> to vector<32xbf16>
            %parallel_loop3A_255 = arith.maximumf %parallel_loop3A_249, %parallel_loop3A_254 : vector<32xbf16>
            %parallel_loop3A_256 = vector.bitcast %parallel_loop3A_255 : vector<32xbf16> to vector<16xi32>
            %parallel_loop3A_257 = arith.index_cast %parallel_loop3A_246 : i32 to index
            %parallel_loop3A_258 = tpu.vector_load %arg6[%parallel_loop3A_257] {strides = array<i32>} : memref<80384xi32, #tpu.memory_space<vmem>>, vector<16xi32>,
            tpu.vector_store %arg6[%parallel_loop3A_257], %parallel_loop3A_256 {strides = array<i32>} : memref<80384xi32, #tpu.memory_space<vmem>>, vector<16xi32>,
          } {sc.loop_unroll_factor = 4 : i64, sc.parallel_access}
          %slice3A_196 = vector.extract_strided_slice %get3A_133 {offsets = [9], sizes = [1], strides = [1]} : vector<16xi32> to vector<1xi32>
          %squeeze3A_197 = vector.extract %slice3A_196[0] : i32 from vector<1xi32>
          %mul3A_198 = arith.constant 256 : i32
          %mul3A_199 = arith.muli %squeeze3A_197, %mul3A_198 : i32
          %parallel_loop3A_200 = arith.constant 0 : i32
          %parallel_loop3A_201 = arith.constant 256 : i32
          %parallel_loop3A_202 = arith.constant 16 : i32
          scf.for %parallel_loop3A_245 = %parallel_loop3A_200 to %parallel_loop3A_201 step %parallel_loop3A_202  : i32 {
            %parallel_loop3A_246 = arith.addi %mul3A_199, %parallel_loop3A_245 : i32
            %parallel_loop3A_247 = arith.index_cast %parallel_loop3A_246 : i32 to index
            %parallel_loop3A_248 = tpu.vector_load %arg6[%parallel_loop3A_247] {strides = array<i32>} : memref<80384xi32, #tpu.memory_space<vmem>>, vector<16xi32>,
            %parallel_loop3A_249 = vector.bitcast %parallel_loop3A_248 : vector<16xi32> to vector<32xbf16>
            %parallel_loop3A_250 = arith.constant 9 : i32
            %parallel_loop3A_251 = arith.index_cast %parallel_loop3A_250 : i32 to index
            %parallel_loop3A_252 = arith.index_cast %parallel_loop3A_245 : i32 to index
            %parallel_loop3A_253 = tpu.vector_load %arg11[%parallel_loop3A_251, %parallel_loop3A_252] {strides = array<i32>} : memref<16x256xi32, #tpu.memory_space<vmem>>, vector<16xi32>,
            %parallel_loop3A_254 = vector.bitcast %parallel_loop3A_253 : vector<16xi32> to vector<32xbf16>
            %parallel_loop3A_255 = arith.maximumf %parallel_loop3A_249, %parallel_loop3A_254 : vector<32xbf16>
            %parallel_loop3A_256 = vector.bitcast %parallel_loop3A_255 : vector<32xbf16> to vector<16xi32>
            %parallel_loop3A_257 = arith.index_cast %parallel_loop3A_246 : i32 to index
            %parallel_loop3A_258 = tpu.vector_load %arg6[%parallel_loop3A_257] {strides = array<i32>} : memref<80384xi32, #tpu.memory_space<vmem>>, vector<16xi32>,
            tpu.vector_store %arg6[%parallel_loop3A_257], %parallel_loop3A_256 {strides = array<i32>} : memref<80384xi32, #tpu.memory_space<vmem>>, vector<16xi32>,
          } {sc.loop_unroll_factor = 4 : i64, sc.parallel_access}
          %slice3A_203 = vector.extract_strided_slice %get3A_133 {offsets = [10], sizes = [1], strides = [1]} : vector<16xi32> to vector<1xi32>
          %squeeze3A_204 = vector.extract %slice3A_203[0] : i32 from vector<1xi32>
          %mul3A_205 = arith.constant 256 : i32
          %mul3A_206 = arith.muli %squeeze3A_204, %mul3A_205 : i32
          %parallel_loop3A_207 = arith.constant 0 : i32
          %parallel_loop3A_208 = arith.constant 256 : i32
          %parallel_loop3A_209 = arith.constant 16 : i32
          scf.for %parallel_loop3A_245 = %parallel_loop3A_207 to %parallel_loop3A_208 step %parallel_loop3A_209  : i32 {
            %parallel_loop3A_246 = arith.addi %mul3A_206, %parallel_loop3A_245 : i32
            %parallel_loop3A_247 = arith.index_cast %parallel_loop3A_246 : i32 to index
            %parallel_loop3A_248 = tpu.vector_load %arg6[%parallel_loop3A_247] {strides = array<i32>} : memref<80384xi32, #tpu.memory_space<vmem>>, vector<16xi32>,
            %parallel_loop3A_249 = vector.bitcast %parallel_loop3A_248 : vector<16xi32> to vector<32xbf16>
            %parallel_loop3A_250 = arith.constant 10 : i32
            %parallel_loop3A_251 = arith.index_cast %parallel_loop3A_250 : i32 to index
            %parallel_loop3A_252 = arith.index_cast %parallel_loop3A_245 : i32 to index
            %parallel_loop3A_253 = tpu.vector_load %arg11[%parallel_loop3A_251, %parallel_loop3A_252] {strides = array<i32>} : memref<16x256xi32, #tpu.memory_space<vmem>>, vector<16xi32>,
            %parallel_loop3A_254 = vector.bitcast %parallel_loop3A_253 : vector<16xi32> to vector<32xbf16>
            %parallel_loop3A_255 = arith.maximumf %parallel_loop3A_249, %parallel_loop3A_254 : vector<32xbf16>
            %parallel_loop3A_256 = vector.bitcast %parallel_loop3A_255 : vector<32xbf16> to vector<16xi32>
            %parallel_loop3A_257 = arith.index_cast %parallel_loop3A_246 : i32 to index
            %parallel_loop3A_258 = tpu.vector_load %arg6[%parallel_loop3A_257] {strides = array<i32>} : memref<80384xi32, #tpu.memory_space<vmem>>, vector<16xi32>,
            tpu.vector_store %arg6[%parallel_loop3A_257], %parallel_loop3A_256 {strides = array<i32>} : memref<80384xi32, #tpu.memory_space<vmem>>, vector<16xi32>,
          } {sc.loop_unroll_factor = 4 : i64, sc.parallel_access}
          %slice3A_210 = vector.extract_strided_slice %get3A_133 {offsets = [11], sizes = [1], strides = [1]} : vector<16xi32> to vector<1xi32>
          %squeeze3A_211 = vector.extract %slice3A_210[0] : i32 from vector<1xi32>
          %mul3A_212 = arith.constant 256 : i32
          %mul3A_213 = arith.muli %squeeze3A_211, %mul3A_212 : i32
          %parallel_loop3A_214 = arith.constant 0 : i32
          %parallel_loop3A_215 = arith.constant 256 : i32
          %parallel_loop3A_216 = arith.constant 16 : i32
          scf.for %parallel_loop3A_245 = %parallel_loop3A_214 to %parallel_loop3A_215 step %parallel_loop3A_216  : i32 {
            %parallel_loop3A_246 = arith.addi %mul3A_213, %parallel_loop3A_245 : i32
            %parallel_loop3A_247 = arith.index_cast %parallel_loop3A_246 : i32 to index
            %parallel_loop3A_248 = tpu.vector_load %arg6[%parallel_loop3A_247] {strides = array<i32>} : memref<80384xi32, #tpu.memory_space<vmem>>, vector<16xi32>,
            %parallel_loop3A_249 = vector.bitcast %parallel_loop3A_248 : vector<16xi32> to vector<32xbf16>
            %parallel_loop3A_250 = arith.constant 11 : i32
            %parallel_loop3A_251 = arith.index_cast %parallel_loop3A_250 : i32 to index
            %parallel_loop3A_252 = arith.index_cast %parallel_loop3A_245 : i32 to index
            %parallel_loop3A_253 = tpu.vector_load %arg11[%parallel_loop3A_251, %parallel_loop3A_252] {strides = array<i32>} : memref<16x256xi32, #tpu.memory_space<vmem>>, vector<16xi32>,
            %parallel_loop3A_254 = vector.bitcast %parallel_loop3A_253 : vector<16xi32> to vector<32xbf16>
            %parallel_loop3A_255 = arith.maximumf %parallel_loop3A_249, %parallel_loop3A_254 : vector<32xbf16>
            %parallel_loop3A_256 = vector.bitcast %parallel_loop3A_255 : vector<32xbf16> to vector<16xi32>
            %parallel_loop3A_257 = arith.index_cast %parallel_loop3A_246 : i32 to index
            %parallel_loop3A_258 = tpu.vector_load %arg6[%parallel_loop3A_257] {strides = array<i32>} : memref<80384xi32, #tpu.memory_space<vmem>>, vector<16xi32>,
            tpu.vector_store %arg6[%parallel_loop3A_257], %parallel_loop3A_256 {strides = array<i32>} : memref<80384xi32, #tpu.memory_space<vmem>>, vector<16xi32>,
          } {sc.loop_unroll_factor = 4 : i64, sc.parallel_access}
          %slice3A_217 = vector.extract_strided_slice %get3A_133 {offsets = [12], sizes = [1], strides = [1]} : vector<16xi32> to vector<1xi32>
          %squeeze3A_218 = vector.extract %slice3A_217[0] : i32 from vector<1xi32>
          %mul3A_219 = arith.constant 256 : i32
          %mul3A_220 = arith.muli %squeeze3A_218, %mul3A_219 : i32
          %parallel_loop3A_221 = arith.constant 0 : i32
          %parallel_loop3A_222 = arith.constant 256 : i32
          %parallel_loop3A_223 = arith.constant 16 : i32
          scf.for %parallel_loop3A_245 = %parallel_loop3A_221 to %parallel_loop3A_222 step %parallel_loop3A_223  : i32 {
            %parallel_loop3A_246 = arith.addi %mul3A_220, %parallel_loop3A_245 : i32
            %parallel_loop3A_247 = arith.index_cast %parallel_loop3A_246 : i32 to index
            %parallel_loop3A_248 = tpu.vector_load %arg6[%parallel_loop3A_247] {strides = array<i32>} : memref<80384xi32, #tpu.memory_space<vmem>>, vector<16xi32>,
            %parallel_loop3A_249 = vector.bitcast %parallel_loop3A_248 : vector<16xi32> to vector<32xbf16>
            %parallel_loop3A_250 = arith.constant 12 : i32
            %parallel_loop3A_251 = arith.index_cast %parallel_loop3A_250 : i32 to index
            %parallel_loop3A_252 = arith.index_cast %parallel_loop3A_245 : i32 to index
            %parallel_loop3A_253 = tpu.vector_load %arg11[%parallel_loop3A_251, %parallel_loop3A_252] {strides = array<i32>} : memref<16x256xi32, #tpu.memory_space<vmem>>, vector<16xi32>,
            %parallel_loop3A_254 = vector.bitcast %parallel_loop3A_253 : vector<16xi32> to vector<32xbf16>
            %parallel_loop3A_255 = arith.maximumf %parallel_loop3A_249, %parallel_loop3A_254 : vector<32xbf16>
            %parallel_loop3A_256 = vector.bitcast %parallel_loop3A_255 : vector<32xbf16> to vector<16xi32>
            %parallel_loop3A_257 = arith.index_cast %parallel_loop3A_246 : i32 to index
            %parallel_loop3A_258 = tpu.vector_load %arg6[%parallel_loop3A_257] {strides = array<i32>} : memref<80384xi32, #tpu.memory_space<vmem>>, vector<16xi32>,
            tpu.vector_store %arg6[%parallel_loop3A_257], %parallel_loop3A_256 {strides = array<i32>} : memref<80384xi32, #tpu.memory_space<vmem>>, vector<16xi32>,
          } {sc.loop_unroll_factor = 4 : i64, sc.parallel_access}
          %slice3A_224 = vector.extract_strided_slice %get3A_133 {offsets = [13], sizes = [1], strides = [1]} : vector<16xi32> to vector<1xi32>
          %squeeze3A_225 = vector.extract %slice3A_224[0] : i32 from vector<1xi32>
          %mul3A_226 = arith.constant 256 : i32
          %mul3A_227 = arith.muli %squeeze3A_225, %mul3A_226 : i32
          %parallel_loop3A_228 = arith.constant 0 : i32
          %parallel_loop3A_229 = arith.constant 256 : i32
          %parallel_loop3A_230 = arith.constant 16 : i32
          scf.for %parallel_loop3A_245 = %parallel_loop3A_228 to %parallel_loop3A_229 step %parallel_loop3A_230  : i32 {
            %parallel_loop3A_246 = arith.addi %mul3A_227, %parallel_loop3A_245 : i32
            %parallel_loop3A_247 = arith.index_cast %parallel_loop3A_246 : i32 to index
            %parallel_loop3A_248 = tpu.vector_load %arg6[%parallel_loop3A_247] {strides = array<i32>} : memref<80384xi32, #tpu.memory_space<vmem>>, vector<16xi32>,
            %parallel_loop3A_249 = vector.bitcast %parallel_loop3A_248 : vector<16xi32> to vector<32xbf16>
            %parallel_loop3A_250 = arith.constant 13 : i32
            %parallel_loop3A_251 = arith.index_cast %parallel_loop3A_250 : i32 to index
            %parallel_loop3A_252 = arith.index_cast %parallel_loop3A_245 : i32 to index
            %parallel_loop3A_253 = tpu.vector_load %arg11[%parallel_loop3A_251, %parallel_loop3A_252] {strides = array<i32>} : memref<16x256xi32, #tpu.memory_space<vmem>>, vector<16xi32>,
            %parallel_loop3A_254 = vector.bitcast %parallel_loop3A_253 : vector<16xi32> to vector<32xbf16>
            %parallel_loop3A_255 = arith.maximumf %parallel_loop3A_249, %parallel_loop3A_254 : vector<32xbf16>
            %parallel_loop3A_256 = vector.bitcast %parallel_loop3A_255 : vector<32xbf16> to vector<16xi32>
            %parallel_loop3A_257 = arith.index_cast %parallel_loop3A_246 : i32 to index
            %parallel_loop3A_258 = tpu.vector_load %arg6[%parallel_loop3A_257] {strides = array<i32>} : memref<80384xi32, #tpu.memory_space<vmem>>, vector<16xi32>,
            tpu.vector_store %arg6[%parallel_loop3A_257], %parallel_loop3A_256 {strides = array<i32>} : memref<80384xi32, #tpu.memory_space<vmem>>, vector<16xi32>,
          } {sc.loop_unroll_factor = 4 : i64, sc.parallel_access}
          %slice3A_231 = vector.extract_strided_slice %get3A_133 {offsets = [14], sizes = [1], strides = [1]} : vector<16xi32> to vector<1xi32>
          %squeeze3A_232 = vector.extract %slice3A_231[0] : i32 from vector<1xi32>
          %mul3A_233 = arith.constant 256 : i32
          %mul3A_234 = arith.muli %squeeze3A_232, %mul3A_233 : i32
          %parallel_loop3A_235 = arith.constant 0 : i32
          %parallel_loop3A_236 = arith.constant 256 : i32
          %parallel_loop3A_237 = arith.constant 16 : i32
          scf.for %parallel_loop3A_245 = %parallel_loop3A_235 to %parallel_loop3A_236 step %parallel_loop3A_237  : i32 {
            %parallel_loop3A_246 = arith.addi %mul3A_234, %parallel_loop3A_245 : i32
            %parallel_loop3A_247 = arith.index_cast %parallel_loop3A_246 : i32 to index
            %parallel_loop3A_248 = tpu.vector_load %arg6[%parallel_loop3A_247] {strides = array<i32>} : memref<80384xi32, #tpu.memory_space<vmem>>, vector<16xi32>,
            %parallel_loop3A_249 = vector.bitcast %parallel_loop3A_248 : vector<16xi32> to vector<32xbf16>
            %parallel_loop3A_250 = arith.constant 14 : i32
            %parallel_loop3A_251 = arith.index_cast %parallel_loop3A_250 : i32 to index
            %parallel_loop3A_252 = arith.index_cast %parallel_loop3A_245 : i32 to index
            %parallel_loop3A_253 = tpu.vector_load %arg11[%parallel_loop3A_251, %parallel_loop3A_252] {strides = array<i32>} : memref<16x256xi32, #tpu.memory_space<vmem>>, vector<16xi32>,
            %parallel_loop3A_254 = vector.bitcast %parallel_loop3A_253 : vector<16xi32> to vector<32xbf16>
            %parallel_loop3A_255 = arith.maximumf %parallel_loop3A_249, %parallel_loop3A_254 : vector<32xbf16>
            %parallel_loop3A_256 = vector.bitcast %parallel_loop3A_255 : vector<32xbf16> to vector<16xi32>
            %parallel_loop3A_257 = arith.index_cast %parallel_loop3A_246 : i32 to index
            %parallel_loop3A_258 = tpu.vector_load %arg6[%parallel_loop3A_257] {strides = array<i32>} : memref<80384xi32, #tpu.memory_space<vmem>>, vector<16xi32>,
            tpu.vector_store %arg6[%parallel_loop3A_257], %parallel_loop3A_256 {strides = array<i32>} : memref<80384xi32, #tpu.memory_space<vmem>>, vector<16xi32>,
          } {sc.loop_unroll_factor = 4 : i64, sc.parallel_access}
          %slice3A_238 = vector.extract_strided_slice %get3A_133 {offsets = [15], sizes = [1], strides = [1]} : vector<16xi32> to vector<1xi32>
          %squeeze3A_239 = vector.extract %slice3A_238[0] : i32 from vector<1xi32>
          %mul3A_240 = arith.constant 256 : i32
          %mul3A_241 = arith.muli %squeeze3A_239, %mul3A_240 : i32
          %parallel_loop3A_242 = arith.constant 0 : i32
          %parallel_loop3A_243 = arith.constant 256 : i32
          %parallel_loop3A_244 = arith.constant 16 : i32
          scf.for %parallel_loop3A_245 = %parallel_loop3A_242 to %parallel_loop3A_243 step %parallel_loop3A_244  : i32 {
            %parallel_loop3A_246 = arith.addi %mul3A_241, %parallel_loop3A_245 : i32
            %parallel_loop3A_247 = arith.index_cast %parallel_loop3A_246 : i32 to index
            %parallel_loop3A_248 = tpu.vector_load %arg6[%parallel_loop3A_247] {strides = array<i32>} : memref<80384xi32, #tpu.memory_space<vmem>>, vector<16xi32>,
            %parallel_loop3A_249 = vector.bitcast %parallel_loop3A_248 : vector<16xi32> to vector<32xbf16>
            %parallel_loop3A_250 = arith.constant 15 : i32
            %parallel_loop3A_251 = arith.index_cast %parallel_loop3A_250 : i32 to index
            %parallel_loop3A_252 = arith.index_cast %parallel_loop3A_245 : i32 to index
            %parallel_loop3A_253 = tpu.vector_load %arg11[%parallel_loop3A_251, %parallel_loop3A_252] {strides = array<i32>} : memref<16x256xi32, #tpu.memory_space<vmem>>, vector<16xi32>,
            %parallel_loop3A_254 = vector.bitcast %parallel_loop3A_253 : vector<16xi32> to vector<32xbf16>
            %parallel_loop3A_255 = arith.maximumf %parallel_loop3A_249, %parallel_loop3A_254 : vector<32xbf16>
            %parallel_loop3A_256 = vector.bitcast %parallel_loop3A_255 : vector<32xbf16> to vector<16xi32>
            %parallel_loop3A_257 = arith.index_cast %parallel_loop3A_246 : i32 to index
            %parallel_loop3A_258 = tpu.vector_load %arg6[%parallel_loop3A_257] {strides = array<i32>} : memref<80384xi32, #tpu.memory_space<vmem>>, vector<16xi32>,
            tpu.vector_store %arg6[%parallel_loop3A_257], %parallel_loop3A_256 {strides = array<i32>} : memref<80384xi32, #tpu.memory_space<vmem>>, vector<16xi32>,
          } {sc.loop_unroll_factor = 4 : i64, sc.parallel_access}
        } else {
        }
        %mul3A_109 = arith.constant 2 : i32
        %mul3A_110 = arith.muli %while3A_100, %mul3A_109 : i32
        %add3A_111 = arith.constant 1 : i32
        %add3A_112 = arith.addi %mul3A_110, %add3A_111 : i32
        %lt3A_113 = arith.cmpi slt, %add3A_112, %select_n3A : i32
        %convert_element_type3A_114 = arith.extui %lt3A_113 : i1 to i32
        %cond3A_115 = arith.constant 0 : i32
        %cond3A_116 = arith.cmpi ne, %convert_element_type3A_114, %cond3A_115 : i32
        scf.if %cond3A_116 {
          %mul3A_118 = arith.constant 16 : i32
          %mul3A_119 = arith.muli %add3A_112, %mul3A_118 : i32
          %dma_wait3A = tpu.memref_slice %arg9[%mul3A_119] : memref<8016xi32, #tpu.memory_space<vmem>> -> memref<16xi32, #tpu.memory_space<vmem>>
          %dma_wait3A_120 = arith.constant 0 : i32
          %dma_wait3A_121 = arith.constant 0 : i32
          %dma_wait3A_122 = tpu.memref_slice %arg4[%dma_wait3A_120, %dma_wait3A_121] : memref<10000x256xi32, #tpu.memory_space<hbm>> -> memref<10000x256xi32, #tpu.memory_space<hbm>>
          tpu.wait_indirect_dma semaphore(%arg14 : memref<!tpu.dma_semaphore, #tpu.memory_space<semaphore_mem>>) src(%dma_wait3A_122 : memref<10000x256xi32, #tpu.memory_space<hbm>>) dst(%arg12 : memref<16x256xi32, #tpu.memory_space<vmem>>)
          %add3A_123 = arith.constant 1 : i32
          %add3A_124 = arith.addi %add3A_112, %add3A_123 : i32
          %lt3A_125 = arith.cmpi slt, %add3A_124, %select_n3A : i32
          %convert_element_type3A_126 = arith.extui %lt3A_125 : i1 to i32
          %cond3A_127 = arith.constant 0 : i32
          %cond3A_128 = arith.cmpi ne, %convert_element_type3A_126, %cond3A_127 : i32
          scf.if %cond3A_128 {
            %add3A_245 = arith.constant 1 : i32
            %add3A_246 = arith.addi %add3A_112, %add3A_245 : i32
            %mul3A_247 = arith.constant 16 : i32
            %mul3A_248 = arith.muli %add3A_246, %mul3A_247 : i32
            %dma_start3A = tpu.memref_slice %arg9[%mul3A_248] : memref<8016xi32, #tpu.memory_space<vmem>> -> memref<16xi32, #tpu.memory_space<vmem>>
            %dma_start3A_249 = arith.constant 0 : i32
            %dma_start3A_250 = arith.constant 0 : i32
            %dma_start3A_251 = tpu.memref_slice %arg4[%dma_start3A_249, %dma_start3A_250] : memref<10000x256xi32, #tpu.memory_space<hbm>> -> memref<10000x256xi32, #tpu.memory_space<hbm>>
            tpu.enqueue_indirect_dma source(%dma_start3A_251 : memref<10000x256xi32, #tpu.memory_space<hbm>>) target(%arg11 : memref<16x256xi32, #tpu.memory_space<vmem>>) offsets(%dma_start3A : memref<16xi32, #tpu.memory_space<vmem>>) semaphore(%arg13 : memref<!tpu.dma_semaphore, #tpu.memory_space<semaphore_mem>>)
          } else {
          }
          %mul3A_129 = arith.constant 16 : i32
          %mul3A_130 = arith.muli %add3A_112, %mul3A_129 : i32
          %add3A_131 = arith.constant 0 : i32
          %add3A_132 = arith.addi %mul3A_130, %add3A_131 : i32
          %get3A = arith.index_cast %add3A_132 : i32 to index
          %get3A_133 = tpu.vector_load %arg10[%get3A] {strides = array<i32>} : memref<8016xi32, #tpu.memory_space<vmem>>, vector<16xi32>,
          %slice3A_134 = vector.extract_strided_slice %get3A_133 {offsets = [0], sizes = [1], strides = [1]} : vector<16xi32> to vector<1xi32>
          %squeeze3A_135 = vector.extract %slice3A_134[0] : i32 from vector<1xi32>
          %mul3A_136 = arith.constant 256 : i32
          %mul3A_137 = arith.muli %squeeze3A_135, %mul3A_136 : i32
          %parallel_loop3A = arith.constant 0 : i32
          %parallel_loop3A_138 = arith.constant 256 : i32
          %parallel_loop3A_139 = arith.constant 16 : i32
          scf.for %parallel_loop3A_245 = %parallel_loop3A to %parallel_loop3A_138 step %parallel_loop3A_139  : i32 {
            %parallel_loop3A_246 = arith.addi %mul3A_137, %parallel_loop3A_245 : i32
            %parallel_loop3A_247 = arith.index_cast %parallel_loop3A_246 : i32 to index
            %parallel_loop3A_248 = tpu.vector_load %arg6[%parallel_loop3A_247] {strides = array<i32>} : memref<80384xi32, #tpu.memory_space<vmem>>, vector<16xi32>,
            %parallel_loop3A_249 = vector.bitcast %parallel_loop3A_248 : vector<16xi32> to vector<32xbf16>
            %parallel_loop3A_250 = arith.constant 0 : i32
            %parallel_loop3A_251 = arith.index_cast %parallel_loop3A_250 : i32 to index
            %parallel_loop3A_252 = arith.index_cast %parallel_loop3A_245 : i32 to index
            %parallel_loop3A_253 = tpu.vector_load %arg12[%parallel_loop3A_251, %parallel_loop3A_252] {strides = array<i32>} : memref<16x256xi32, #tpu.memory_space<vmem>>, vector<16xi32>,
            %parallel_loop3A_254 = vector.bitcast %parallel_loop3A_253 : vector<16xi32> to vector<32xbf16>
            %parallel_loop3A_255 = arith.maximumf %parallel_loop3A_249, %parallel_loop3A_254 : vector<32xbf16>
            %parallel_loop3A_256 = vector.bitcast %parallel_loop3A_255 : vector<32xbf16> to vector<16xi32>
            %parallel_loop3A_257 = arith.index_cast %parallel_loop3A_246 : i32 to index
            %parallel_loop3A_258 = tpu.vector_load %arg6[%parallel_loop3A_257] {strides = array<i32>} : memref<80384xi32, #tpu.memory_space<vmem>>, vector<16xi32>,
            tpu.vector_store %arg6[%parallel_loop3A_257], %parallel_loop3A_256 {strides = array<i32>} : memref<80384xi32, #tpu.memory_space<vmem>>, vector<16xi32>,
          } {sc.loop_unroll_factor = 4 : i64, sc.parallel_access}
          %slice3A_140 = vector.extract_strided_slice %get3A_133 {offsets = [1], sizes = [1], strides = [1]} : vector<16xi32> to vector<1xi32>
          %squeeze3A_141 = vector.extract %slice3A_140[0] : i32 from vector<1xi32>
          %mul3A_142 = arith.constant 256 : i32
          %mul3A_143 = arith.muli %squeeze3A_141, %mul3A_142 : i32
          %parallel_loop3A_144 = arith.constant 0 : i32
          %parallel_loop3A_145 = arith.constant 256 : i32
          %parallel_loop3A_146 = arith.constant 16 : i32
          scf.for %parallel_loop3A_245 = %parallel_loop3A_144 to %parallel_loop3A_145 step %parallel_loop3A_146  : i32 {
            %parallel_loop3A_246 = arith.addi %mul3A_143, %parallel_loop3A_245 : i32
            %parallel_loop3A_247 = arith.index_cast %parallel_loop3A_246 : i32 to index
            %parallel_loop3A_248 = tpu.vector_load %arg6[%parallel_loop3A_247] {strides = array<i32>} : memref<80384xi32, #tpu.memory_space<vmem>>, vector<16xi32>,
            %parallel_loop3A_249 = vector.bitcast %parallel_loop3A_248 : vector<16xi32> to vector<32xbf16>
            %parallel_loop3A_250 = arith.constant 1 : i32
            %parallel_loop3A_251 = arith.index_cast %parallel_loop3A_250 : i32 to index
            %parallel_loop3A_252 = arith.index_cast %parallel_loop3A_245 : i32 to index
            %parallel_loop3A_253 = tpu.vector_load %arg12[%parallel_loop3A_251, %parallel_loop3A_252] {strides = array<i32>} : memref<16x256xi32, #tpu.memory_space<vmem>>, vector<16xi32>,
            %parallel_loop3A_254 = vector.bitcast %parallel_loop3A_253 : vector<16xi32> to vector<32xbf16>
            %parallel_loop3A_255 = arith.maximumf %parallel_loop3A_249, %parallel_loop3A_254 : vector<32xbf16>
            %parallel_loop3A_256 = vector.bitcast %parallel_loop3A_255 : vector<32xbf16> to vector<16xi32>
            %parallel_loop3A_257 = arith.index_cast %parallel_loop3A_246 : i32 to index
            %parallel_loop3A_258 = tpu.vector_load %arg6[%parallel_loop3A_257] {strides = array<i32>} : memref<80384xi32, #tpu.memory_space<vmem>>, vector<16xi32>,
            tpu.vector_store %arg6[%parallel_loop3A_257], %parallel_loop3A_256 {strides = array<i32>} : memref<80384xi32, #tpu.memory_space<vmem>>, vector<16xi32>,
          } {sc.loop_unroll_factor = 4 : i64, sc.parallel_access}
          %slice3A_147 = vector.extract_strided_slice %get3A_133 {offsets = [2], sizes = [1], strides = [1]} : vector<16xi32> to vector<1xi32>
          %squeeze3A_148 = vector.extract %slice3A_147[0] : i32 from vector<1xi32>
          %mul3A_149 = arith.constant 256 : i32
          %mul3A_150 = arith.muli %squeeze3A_148, %mul3A_149 : i32
          %parallel_loop3A_151 = arith.constant 0 : i32
          %parallel_loop3A_152 = arith.constant 256 : i32
          %parallel_loop3A_153 = arith.constant 16 : i32
          scf.for %parallel_loop3A_245 = %parallel_loop3A_151 to %parallel_loop3A_152 step %parallel_loop3A_153  : i32 {
            %parallel_loop3A_246 = arith.addi %mul3A_150, %parallel_loop3A_245 : i32
            %parallel_loop3A_247 = arith.index_cast %parallel_loop3A_246 : i32 to index
            %parallel_loop3A_248 = tpu.vector_load %arg6[%parallel_loop3A_247] {strides = array<i32>} : memref<80384xi32, #tpu.memory_space<vmem>>, vector<16xi32>,
            %parallel_loop3A_249 = vector.bitcast %parallel_loop3A_248 : vector<16xi32> to vector<32xbf16>
            %parallel_loop3A_250 = arith.constant 2 : i32
            %parallel_loop3A_251 = arith.index_cast %parallel_loop3A_250 : i32 to index
            %parallel_loop3A_252 = arith.index_cast %parallel_loop3A_245 : i32 to index
            %parallel_loop3A_253 = tpu.vector_load %arg12[%parallel_loop3A_251, %parallel_loop3A_252] {strides = array<i32>} : memref<16x256xi32, #tpu.memory_space<vmem>>, vector<16xi32>,
            %parallel_loop3A_254 = vector.bitcast %parallel_loop3A_253 : vector<16xi32> to vector<32xbf16>
            %parallel_loop3A_255 = arith.maximumf %parallel_loop3A_249, %parallel_loop3A_254 : vector<32xbf16>
            %parallel_loop3A_256 = vector.bitcast %parallel_loop3A_255 : vector<32xbf16> to vector<16xi32>
            %parallel_loop3A_257 = arith.index_cast %parallel_loop3A_246 : i32 to index
            %parallel_loop3A_258 = tpu.vector_load %arg6[%parallel_loop3A_257] {strides = array<i32>} : memref<80384xi32, #tpu.memory_space<vmem>>, vector<16xi32>,
            tpu.vector_store %arg6[%parallel_loop3A_257], %parallel_loop3A_256 {strides = array<i32>} : memref<80384xi32, #tpu.memory_space<vmem>>, vector<16xi32>,
          } {sc.loop_unroll_factor = 4 : i64, sc.parallel_access}
          %slice3A_154 = vector.extract_strided_slice %get3A_133 {offsets = [3], sizes = [1], strides = [1]} : vector<16xi32> to vector<1xi32>
          %squeeze3A_155 = vector.extract %slice3A_154[0] : i32 from vector<1xi32>
          %mul3A_156 = arith.constant 256 : i32
          %mul3A_157 = arith.muli %squeeze3A_155, %mul3A_156 : i32
          %parallel_loop3A_158 = arith.constant 0 : i32
          %parallel_loop3A_159 = arith.constant 256 : i32
          %parallel_loop3A_160 = arith.constant 16 : i32
          scf.for %parallel_loop3A_245 = %parallel_loop3A_158 to %parallel_loop3A_159 step %parallel_loop3A_160  : i32 {
            %parallel_loop3A_246 = arith.addi %mul3A_157, %parallel_loop3A_245 : i32
            %parallel_loop3A_247 = arith.index_cast %parallel_loop3A_246 : i32 to index
            %parallel_loop3A_248 = tpu.vector_load %arg6[%parallel_loop3A_247] {strides = array<i32>} : memref<80384xi32, #tpu.memory_space<vmem>>, vector<16xi32>,
            %parallel_loop3A_249 = vector.bitcast %parallel_loop3A_248 : vector<16xi32> to vector<32xbf16>
            %parallel_loop3A_250 = arith.constant 3 : i32
            %parallel_loop3A_251 = arith.index_cast %parallel_loop3A_250 : i32 to index
            %parallel_loop3A_252 = arith.index_cast %parallel_loop3A_245 : i32 to index
            %parallel_loop3A_253 = tpu.vector_load %arg12[%parallel_loop3A_251, %parallel_loop3A_252] {strides = array<i32>} : memref<16x256xi32, #tpu.memory_space<vmem>>, vector<16xi32>,
            %parallel_loop3A_254 = vector.bitcast %parallel_loop3A_253 : vector<16xi32> to vector<32xbf16>
            %parallel_loop3A_255 = arith.maximumf %parallel_loop3A_249, %parallel_loop3A_254 : vector<32xbf16>
            %parallel_loop3A_256 = vector.bitcast %parallel_loop3A_255 : vector<32xbf16> to vector<16xi32>
            %parallel_loop3A_257 = arith.index_cast %parallel_loop3A_246 : i32 to index
            %parallel_loop3A_258 = tpu.vector_load %arg6[%parallel_loop3A_257] {strides = array<i32>} : memref<80384xi32, #tpu.memory_space<vmem>>, vector<16xi32>,
            tpu.vector_store %arg6[%parallel_loop3A_257], %parallel_loop3A_256 {strides = array<i32>} : memref<80384xi32, #tpu.memory_space<vmem>>, vector<16xi32>,
          } {sc.loop_unroll_factor = 4 : i64, sc.parallel_access}
          %slice3A_161 = vector.extract_strided_slice %get3A_133 {offsets = [4], sizes = [1], strides = [1]} : vector<16xi32> to vector<1xi32>
          %squeeze3A_162 = vector.extract %slice3A_161[0] : i32 from vector<1xi32>
          %mul3A_163 = arith.constant 256 : i32
          %mul3A_164 = arith.muli %squeeze3A_162, %mul3A_163 : i32
          %parallel_loop3A_165 = arith.constant 0 : i32
          %parallel_loop3A_166 = arith.constant 256 : i32
          %parallel_loop3A_167 = arith.constant 16 : i32
          scf.for %parallel_loop3A_245 = %parallel_loop3A_165 to %parallel_loop3A_166 step %parallel_loop3A_167  : i32 {
            %parallel_loop3A_246 = arith.addi %mul3A_164, %parallel_loop3A_245 : i32
            %parallel_loop3A_247 = arith.index_cast %parallel_loop3A_246 : i32 to index
            %parallel_loop3A_248 = tpu.vector_load %arg6[%parallel_loop3A_247] {strides = array<i32>} : memref<80384xi32, #tpu.memory_space<vmem>>, vector<16xi32>,
            %parallel_loop3A_249 = vector.bitcast %parallel_loop3A_248 : vector<16xi32> to vector<32xbf16>
            %parallel_loop3A_250 = arith.constant 4 : i32
            %parallel_loop3A_251 = arith.index_cast %parallel_loop3A_250 : i32 to index
            %parallel_loop3A_252 = arith.index_cast %parallel_loop3A_245 : i32 to index
            %parallel_loop3A_253 = tpu.vector_load %arg12[%parallel_loop3A_251, %parallel_loop3A_252] {strides = array<i32>} : memref<16x256xi32, #tpu.memory_space<vmem>>, vector<16xi32>,
            %parallel_loop3A_254 = vector.bitcast %parallel_loop3A_253 : vector<16xi32> to vector<32xbf16>
            %parallel_loop3A_255 = arith.maximumf %parallel_loop3A_249, %parallel_loop3A_254 : vector<32xbf16>
            %parallel_loop3A_256 = vector.bitcast %parallel_loop3A_255 : vector<32xbf16> to vector<16xi32>
            %parallel_loop3A_257 = arith.index_cast %parallel_loop3A_246 : i32 to index
            %parallel_loop3A_258 = tpu.vector_load %arg6[%parallel_loop3A_257] {strides = array<i32>} : memref<80384xi32, #tpu.memory_space<vmem>>, vector<16xi32>,
            tpu.vector_store %arg6[%parallel_loop3A_257], %parallel_loop3A_256 {strides = array<i32>} : memref<80384xi32, #tpu.memory_space<vmem>>, vector<16xi32>,
          } {sc.loop_unroll_factor = 4 : i64, sc.parallel_access}
          %slice3A_168 = vector.extract_strided_slice %get3A_133 {offsets = [5], sizes = [1], strides = [1]} : vector<16xi32> to vector<1xi32>
          %squeeze3A_169 = vector.extract %slice3A_168[0] : i32 from vector<1xi32>
          %mul3A_170 = arith.constant 256 : i32
          %mul3A_171 = arith.muli %squeeze3A_169, %mul3A_170 : i32
          %parallel_loop3A_172 = arith.constant 0 : i32
          %parallel_loop3A_173 = arith.constant 256 : i32
          %parallel_loop3A_174 = arith.constant 16 : i32
          scf.for %parallel_loop3A_245 = %parallel_loop3A_172 to %parallel_loop3A_173 step %parallel_loop3A_174  : i32 {
            %parallel_loop3A_246 = arith.addi %mul3A_171, %parallel_loop3A_245 : i32
            %parallel_loop3A_247 = arith.index_cast %parallel_loop3A_246 : i32 to index
            %parallel_loop3A_248 = tpu.vector_load %arg6[%parallel_loop3A_247] {strides = array<i32>} : memref<80384xi32, #tpu.memory_space<vmem>>, vector<16xi32>,
            %parallel_loop3A_249 = vector.bitcast %parallel_loop3A_248 : vector<16xi32> to vector<32xbf16>
            %parallel_loop3A_250 = arith.constant 5 : i32
            %parallel_loop3A_251 = arith.index_cast %parallel_loop3A_250 : i32 to index
            %parallel_loop3A_252 = arith.index_cast %parallel_loop3A_245 : i32 to index
            %parallel_loop3A_253 = tpu.vector_load %arg12[%parallel_loop3A_251, %parallel_loop3A_252] {strides = array<i32>} : memref<16x256xi32, #tpu.memory_space<vmem>>, vector<16xi32>,
            %parallel_loop3A_254 = vector.bitcast %parallel_loop3A_253 : vector<16xi32> to vector<32xbf16>
            %parallel_loop3A_255 = arith.maximumf %parallel_loop3A_249, %parallel_loop3A_254 : vector<32xbf16>
            %parallel_loop3A_256 = vector.bitcast %parallel_loop3A_255 : vector<32xbf16> to vector<16xi32>
            %parallel_loop3A_257 = arith.index_cast %parallel_loop3A_246 : i32 to index
            %parallel_loop3A_258 = tpu.vector_load %arg6[%parallel_loop3A_257] {strides = array<i32>} : memref<80384xi32, #tpu.memory_space<vmem>>, vector<16xi32>,
            tpu.vector_store %arg6[%parallel_loop3A_257], %parallel_loop3A_256 {strides = array<i32>} : memref<80384xi32, #tpu.memory_space<vmem>>, vector<16xi32>,
          } {sc.loop_unroll_factor = 4 : i64, sc.parallel_access}
          %slice3A_175 = vector.extract_strided_slice %get3A_133 {offsets = [6], sizes = [1], strides = [1]} : vector<16xi32> to vector<1xi32>
          %squeeze3A_176 = vector.extract %slice3A_175[0] : i32 from vector<1xi32>
          %mul3A_177 = arith.constant 256 : i32
          %mul3A_178 = arith.muli %squeeze3A_176, %mul3A_177 : i32
          %parallel_loop3A_179 = arith.constant 0 : i32
          %parallel_loop3A_180 = arith.constant 256 : i32
          %parallel_loop3A_181 = arith.constant 16 : i32
          scf.for %parallel_loop3A_245 = %parallel_loop3A_179 to %parallel_loop3A_180 step %parallel_loop3A_181  : i32 {
            %parallel_loop3A_246 = arith.addi %mul3A_178, %parallel_loop3A_245 : i32
            %parallel_loop3A_247 = arith.index_cast %parallel_loop3A_246 : i32 to index
            %parallel_loop3A_248 = tpu.vector_load %arg6[%parallel_loop3A_247] {strides = array<i32>} : memref<80384xi32, #tpu.memory_space<vmem>>, vector<16xi32>,
            %parallel_loop3A_249 = vector.bitcast %parallel_loop3A_248 : vector<16xi32> to vector<32xbf16>
            %parallel_loop3A_250 = arith.constant 6 : i32
            %parallel_loop3A_251 = arith.index_cast %parallel_loop3A_250 : i32 to index
            %parallel_loop3A_252 = arith.index_cast %parallel_loop3A_245 : i32 to index
            %parallel_loop3A_253 = tpu.vector_load %arg12[%parallel_loop3A_251, %parallel_loop3A_252] {strides = array<i32>} : memref<16x256xi32, #tpu.memory_space<vmem>>, vector<16xi32>,
            %parallel_loop3A_254 = vector.bitcast %parallel_loop3A_253 : vector<16xi32> to vector<32xbf16>
            %parallel_loop3A_255 = arith.maximumf %parallel_loop3A_249, %parallel_loop3A_254 : vector<32xbf16>
            %parallel_loop3A_256 = vector.bitcast %parallel_loop3A_255 : vector<32xbf16> to vector<16xi32>
            %parallel_loop3A_257 = arith.index_cast %parallel_loop3A_246 : i32 to index
            %parallel_loop3A_258 = tpu.vector_load %arg6[%parallel_loop3A_257] {strides = array<i32>} : memref<80384xi32, #tpu.memory_space<vmem>>, vector<16xi32>,
            tpu.vector_store %arg6[%parallel_loop3A_257], %parallel_loop3A_256 {strides = array<i32>} : memref<80384xi32, #tpu.memory_space<vmem>>, vector<16xi32>,
          } {sc.loop_unroll_factor = 4 : i64, sc.parallel_access}
          %slice3A_182 = vector.extract_strided_slice %get3A_133 {offsets = [7], sizes = [1], strides = [1]} : vector<16xi32> to vector<1xi32>
          %squeeze3A_183 = vector.extract %slice3A_182[0] : i32 from vector<1xi32>
          %mul3A_184 = arith.constant 256 : i32
          %mul3A_185 = arith.muli %squeeze3A_183, %mul3A_184 : i32
          %parallel_loop3A_186 = arith.constant 0 : i32
          %parallel_loop3A_187 = arith.constant 256 : i32
          %parallel_loop3A_188 = arith.constant 16 : i32
          scf.for %parallel_loop3A_245 = %parallel_loop3A_186 to %parallel_loop3A_187 step %parallel_loop3A_188  : i32 {
            %parallel_loop3A_246 = arith.addi %mul3A_185, %parallel_loop3A_245 : i32
            %parallel_loop3A_247 = arith.index_cast %parallel_loop3A_246 : i32 to index
            %parallel_loop3A_248 = tpu.vector_load %arg6[%parallel_loop3A_247] {strides = array<i32>} : memref<80384xi32, #tpu.memory_space<vmem>>, vector<16xi32>,
            %parallel_loop3A_249 = vector.bitcast %parallel_loop3A_248 : vector<16xi32> to vector<32xbf16>
            %parallel_loop3A_250 = arith.constant 7 : i32
            %parallel_loop3A_251 = arith.index_cast %parallel_loop3A_250 : i32 to index
            %parallel_loop3A_252 = arith.index_cast %parallel_loop3A_245 : i32 to index
            %parallel_loop3A_253 = tpu.vector_load %arg12[%parallel_loop3A_251, %parallel_loop3A_252] {strides = array<i32>} : memref<16x256xi32, #tpu.memory_space<vmem>>, vector<16xi32>,
            %parallel_loop3A_254 = vector.bitcast %parallel_loop3A_253 : vector<16xi32> to vector<32xbf16>
            %parallel_loop3A_255 = arith.maximumf %parallel_loop3A_249, %parallel_loop3A_254 : vector<32xbf16>
            %parallel_loop3A_256 = vector.bitcast %parallel_loop3A_255 : vector<32xbf16> to vector<16xi32>
            %parallel_loop3A_257 = arith.index_cast %parallel_loop3A_246 : i32 to index
            %parallel_loop3A_258 = tpu.vector_load %arg6[%parallel_loop3A_257] {strides = array<i32>} : memref<80384xi32, #tpu.memory_space<vmem>>, vector<16xi32>,
            tpu.vector_store %arg6[%parallel_loop3A_257], %parallel_loop3A_256 {strides = array<i32>} : memref<80384xi32, #tpu.memory_space<vmem>>, vector<16xi32>,
          } {sc.loop_unroll_factor = 4 : i64, sc.parallel_access}
          %slice3A_189 = vector.extract_strided_slice %get3A_133 {offsets = [8], sizes = [1], strides = [1]} : vector<16xi32> to vector<1xi32>
          %squeeze3A_190 = vector.extract %slice3A_189[0] : i32 from vector<1xi32>
          %mul3A_191 = arith.constant 256 : i32
          %mul3A_192 = arith.muli %squeeze3A_190, %mul3A_191 : i32
          %parallel_loop3A_193 = arith.constant 0 : i32
          %parallel_loop3A_194 = arith.constant 256 : i32
          %parallel_loop3A_195 = arith.constant 16 : i32
          scf.for %parallel_loop3A_245 = %parallel_loop3A_193 to %parallel_loop3A_194 step %parallel_loop3A_195  : i32 {
            %parallel_loop3A_246 = arith.addi %mul3A_192, %parallel_loop3A_245 : i32
            %parallel_loop3A_247 = arith.index_cast %parallel_loop3A_246 : i32 to index
            %parallel_loop3A_248 = tpu.vector_load %arg6[%parallel_loop3A_247] {strides = array<i32>} : memref<80384xi32, #tpu.memory_space<vmem>>, vector<16xi32>,
            %parallel_loop3A_249 = vector.bitcast %parallel_loop3A_248 : vector<16xi32> to vector<32xbf16>
            %parallel_loop3A_250 = arith.constant 8 : i32
            %parallel_loop3A_251 = arith.index_cast %parallel_loop3A_250 : i32 to index
            %parallel_loop3A_252 = arith.index_cast %parallel_loop3A_245 : i32 to index
            %parallel_loop3A_253 = tpu.vector_load %arg12[%parallel_loop3A_251, %parallel_loop3A_252] {strides = array<i32>} : memref<16x256xi32, #tpu.memory_space<vmem>>, vector<16xi32>,
            %parallel_loop3A_254 = vector.bitcast %parallel_loop3A_253 : vector<16xi32> to vector<32xbf16>
            %parallel_loop3A_255 = arith.maximumf %parallel_loop3A_249, %parallel_loop3A_254 : vector<32xbf16>
            %parallel_loop3A_256 = vector.bitcast %parallel_loop3A_255 : vector<32xbf16> to vector<16xi32>
            %parallel_loop3A_257 = arith.index_cast %parallel_loop3A_246 : i32 to index
            %parallel_loop3A_258 = tpu.vector_load %arg6[%parallel_loop3A_257] {strides = array<i32>} : memref<80384xi32, #tpu.memory_space<vmem>>, vector<16xi32>,
            tpu.vector_store %arg6[%parallel_loop3A_257], %parallel_loop3A_256 {strides = array<i32>} : memref<80384xi32, #tpu.memory_space<vmem>>, vector<16xi32>,
          } {sc.loop_unroll_factor = 4 : i64, sc.parallel_access}
          %slice3A_196 = vector.extract_strided_slice %get3A_133 {offsets = [9], sizes = [1], strides = [1]} : vector<16xi32> to vector<1xi32>
          %squeeze3A_197 = vector.extract %slice3A_196[0] : i32 from vector<1xi32>
          %mul3A_198 = arith.constant 256 : i32
          %mul3A_199 = arith.muli %squeeze3A_197, %mul3A_198 : i32
          %parallel_loop3A_200 = arith.constant 0 : i32
          %parallel_loop3A_201 = arith.constant 256 : i32
          %parallel_loop3A_202 = arith.constant 16 : i32
          scf.for %parallel_loop3A_245 = %parallel_loop3A_200 to %parallel_loop3A_201 step %parallel_loop3A_202  : i32 {
            %parallel_loop3A_246 = arith.addi %mul3A_199, %parallel_loop3A_245 : i32
            %parallel_loop3A_247 = arith.index_cast %parallel_loop3A_246 : i32 to index
            %parallel_loop3A_248 = tpu.vector_load %arg6[%parallel_loop3A_247] {strides = array<i32>} : memref<80384xi32, #tpu.memory_space<vmem>>, vector<16xi32>,
            %parallel_loop3A_249 = vector.bitcast %parallel_loop3A_248 : vector<16xi32> to vector<32xbf16>
            %parallel_loop3A_250 = arith.constant 9 : i32
            %parallel_loop3A_251 = arith.index_cast %parallel_loop3A_250 : i32 to index
            %parallel_loop3A_252 = arith.index_cast %parallel_loop3A_245 : i32 to index
            %parallel_loop3A_253 = tpu.vector_load %arg12[%parallel_loop3A_251, %parallel_loop3A_252] {strides = array<i32>} : memref<16x256xi32, #tpu.memory_space<vmem>>, vector<16xi32>,
            %parallel_loop3A_254 = vector.bitcast %parallel_loop3A_253 : vector<16xi32> to vector<32xbf16>
            %parallel_loop3A_255 = arith.maximumf %parallel_loop3A_249, %parallel_loop3A_254 : vector<32xbf16>
            %parallel_loop3A_256 = vector.bitcast %parallel_loop3A_255 : vector<32xbf16> to vector<16xi32>
            %parallel_loop3A_257 = arith.index_cast %parallel_loop3A_246 : i32 to index
            %parallel_loop3A_258 = tpu.vector_load %arg6[%parallel_loop3A_257] {strides = array<i32>} : memref<80384xi32, #tpu.memory_space<vmem>>, vector<16xi32>,
            tpu.vector_store %arg6[%parallel_loop3A_257], %parallel_loop3A_256 {strides = array<i32>} : memref<80384xi32, #tpu.memory_space<vmem>>, vector<16xi32>,
          } {sc.loop_unroll_factor = 4 : i64, sc.parallel_access}
          %slice3A_203 = vector.extract_strided_slice %get3A_133 {offsets = [10], sizes = [1], strides = [1]} : vector<16xi32> to vector<1xi32>
          %squeeze3A_204 = vector.extract %slice3A_203[0] : i32 from vector<1xi32>
          %mul3A_205 = arith.constant 256 : i32
          %mul3A_206 = arith.muli %squeeze3A_204, %mul3A_205 : i32
          %parallel_loop3A_207 = arith.constant 0 : i32
          %parallel_loop3A_208 = arith.constant 256 : i32
          %parallel_loop3A_209 = arith.constant 16 : i32
          scf.for %parallel_loop3A_245 = %parallel_loop3A_207 to %parallel_loop3A_208 step %parallel_loop3A_209  : i32 {
            %parallel_loop3A_246 = arith.addi %mul3A_206, %parallel_loop3A_245 : i32
            %parallel_loop3A_247 = arith.index_cast %parallel_loop3A_246 : i32 to index
            %parallel_loop3A_248 = tpu.vector_load %arg6[%parallel_loop3A_247] {strides = array<i32>} : memref<80384xi32, #tpu.memory_space<vmem>>, vector<16xi32>,
            %parallel_loop3A_249 = vector.bitcast %parallel_loop3A_248 : vector<16xi32> to vector<32xbf16>
            %parallel_loop3A_250 = arith.constant 10 : i32
            %parallel_loop3A_251 = arith.index_cast %parallel_loop3A_250 : i32 to index
            %parallel_loop3A_252 = arith.index_cast %parallel_loop3A_245 : i32 to index
            %parallel_loop3A_253 = tpu.vector_load %arg12[%parallel_loop3A_251, %parallel_loop3A_252] {strides = array<i32>} : memref<16x256xi32, #tpu.memory_space<vmem>>, vector<16xi32>,
            %parallel_loop3A_254 = vector.bitcast %parallel_loop3A_253 : vector<16xi32> to vector<32xbf16>
            %parallel_loop3A_255 = arith.maximumf %parallel_loop3A_249, %parallel_loop3A_254 : vector<32xbf16>
            %parallel_loop3A_256 = vector.bitcast %parallel_loop3A_255 : vector<32xbf16> to vector<16xi32>
            %parallel_loop3A_257 = arith.index_cast %parallel_loop3A_246 : i32 to index
            %parallel_loop3A_258 = tpu.vector_load %arg6[%parallel_loop3A_257] {strides = array<i32>} : memref<80384xi32, #tpu.memory_space<vmem>>, vector<16xi32>,
            tpu.vector_store %arg6[%parallel_loop3A_257], %parallel_loop3A_256 {strides = array<i32>} : memref<80384xi32, #tpu.memory_space<vmem>>, vector<16xi32>,
          } {sc.loop_unroll_factor = 4 : i64, sc.parallel_access}
          %slice3A_210 = vector.extract_strided_slice %get3A_133 {offsets = [11], sizes = [1], strides = [1]} : vector<16xi32> to vector<1xi32>
          %squeeze3A_211 = vector.extract %slice3A_210[0] : i32 from vector<1xi32>
          %mul3A_212 = arith.constant 256 : i32
          %mul3A_213 = arith.muli %squeeze3A_211, %mul3A_212 : i32
          %parallel_loop3A_214 = arith.constant 0 : i32
          %parallel_loop3A_215 = arith.constant 256 : i32
          %parallel_loop3A_216 = arith.constant 16 : i32
          scf.for %parallel_loop3A_245 = %parallel_loop3A_214 to %parallel_loop3A_215 step %parallel_loop3A_216  : i32 {
            %parallel_loop3A_246 = arith.addi %mul3A_213, %parallel_loop3A_245 : i32
            %parallel_loop3A_247 = arith.index_cast %parallel_loop3A_246 : i32 to index
            %parallel_loop3A_248 = tpu.vector_load %arg6[%parallel_loop3A_247] {strides = array<i32>} : memref<80384xi32, #tpu.memory_space<vmem>>, vector<16xi32>,
            %parallel_loop3A_249 = vector.bitcast %parallel_loop3A_248 : vector<16xi32> to vector<32xbf16>
            %parallel_loop3A_250 = arith.constant 11 : i32
            %parallel_loop3A_251 = arith.index_cast %parallel_loop3A_250 : i32 to index
            %parallel_loop3A_252 = arith.index_cast %parallel_loop3A_245 : i32 to index
            %parallel_loop3A_253 = tpu.vector_load %arg12[%parallel_loop3A_251, %parallel_loop3A_252] {strides = array<i32>} : memref<16x256xi32, #tpu.memory_space<vmem>>, vector<16xi32>,
            %parallel_loop3A_254 = vector.bitcast %parallel_loop3A_253 : vector<16xi32> to vector<32xbf16>
            %parallel_loop3A_255 = arith.maximumf %parallel_loop3A_249, %parallel_loop3A_254 : vector<32xbf16>
            %parallel_loop3A_256 = vector.bitcast %parallel_loop3A_255 : vector<32xbf16> to vector<16xi32>
            %parallel_loop3A_257 = arith.index_cast %parallel_loop3A_246 : i32 to index
            %parallel_loop3A_258 = tpu.vector_load %arg6[%parallel_loop3A_257] {strides = array<i32>} : memref<80384xi32, #tpu.memory_space<vmem>>, vector<16xi32>,
            tpu.vector_store %arg6[%parallel_loop3A_257], %parallel_loop3A_256 {strides = array<i32>} : memref<80384xi32, #tpu.memory_space<vmem>>, vector<16xi32>,
          } {sc.loop_unroll_factor = 4 : i64, sc.parallel_access}
          %slice3A_217 = vector.extract_strided_slice %get3A_133 {offsets = [12], sizes = [1], strides = [1]} : vector<16xi32> to vector<1xi32>
          %squeeze3A_218 = vector.extract %slice3A_217[0] : i32 from vector<1xi32>
          %mul3A_219 = arith.constant 256 : i32
          %mul3A_220 = arith.muli %squeeze3A_218, %mul3A_219 : i32
          %parallel_loop3A_221 = arith.constant 0 : i32
          %parallel_loop3A_222 = arith.constant 256 : i32
          %parallel_loop3A_223 = arith.constant 16 : i32
          scf.for %parallel_loop3A_245 = %parallel_loop3A_221 to %parallel_loop3A_222 step %parallel_loop3A_223  : i32 {
            %parallel_loop3A_246 = arith.addi %mul3A_220, %parallel_loop3A_245 : i32
            %parallel_loop3A_247 = arith.index_cast %parallel_loop3A_246 : i32 to index
            %parallel_loop3A_248 = tpu.vector_load %arg6[%parallel_loop3A_247] {strides = array<i32>} : memref<80384xi32, #tpu.memory_space<vmem>>, vector<16xi32>,
            %parallel_loop3A_249 = vector.bitcast %parallel_loop3A_248 : vector<16xi32> to vector<32xbf16>
            %parallel_loop3A_250 = arith.constant 12 : i32
            %parallel_loop3A_251 = arith.index_cast %parallel_loop3A_250 : i32 to index
            %parallel_loop3A_252 = arith.index_cast %parallel_loop3A_245 : i32 to index
            %parallel_loop3A_253 = tpu.vector_load %arg12[%parallel_loop3A_251, %parallel_loop3A_252] {strides = array<i32>} : memref<16x256xi32, #tpu.memory_space<vmem>>, vector<16xi32>,
            %parallel_loop3A_254 = vector.bitcast %parallel_loop3A_253 : vector<16xi32> to vector<32xbf16>
            %parallel_loop3A_255 = arith.maximumf %parallel_loop3A_249, %parallel_loop3A_254 : vector<32xbf16>
            %parallel_loop3A_256 = vector.bitcast %parallel_loop3A_255 : vector<32xbf16> to vector<16xi32>
            %parallel_loop3A_257 = arith.index_cast %parallel_loop3A_246 : i32 to index
            %parallel_loop3A_258 = tpu.vector_load %arg6[%parallel_loop3A_257] {strides = array<i32>} : memref<80384xi32, #tpu.memory_space<vmem>>, vector<16xi32>,
            tpu.vector_store %arg6[%parallel_loop3A_257], %parallel_loop3A_256 {strides = array<i32>} : memref<80384xi32, #tpu.memory_space<vmem>>, vector<16xi32>,
          } {sc.loop_unroll_factor = 4 : i64, sc.parallel_access}
          %slice3A_224 = vector.extract_strided_slice %get3A_133 {offsets = [13], sizes = [1], strides = [1]} : vector<16xi32> to vector<1xi32>
          %squeeze3A_225 = vector.extract %slice3A_224[0] : i32 from vector<1xi32>
          %mul3A_226 = arith.constant 256 : i32
          %mul3A_227 = arith.muli %squeeze3A_225, %mul3A_226 : i32
          %parallel_loop3A_228 = arith.constant 0 : i32
          %parallel_loop3A_229 = arith.constant 256 : i32
          %parallel_loop3A_230 = arith.constant 16 : i32
          scf.for %parallel_loop3A_245 = %parallel_loop3A_228 to %parallel_loop3A_229 step %parallel_loop3A_230  : i32 {
            %parallel_loop3A_246 = arith.addi %mul3A_227, %parallel_loop3A_245 : i32
            %parallel_loop3A_247 = arith.index_cast %parallel_loop3A_246 : i32 to index
            %parallel_loop3A_248 = tpu.vector_load %arg6[%parallel_loop3A_247] {strides = array<i32>} : memref<80384xi32, #tpu.memory_space<vmem>>, vector<16xi32>,
            %parallel_loop3A_249 = vector.bitcast %parallel_loop3A_248 : vector<16xi32> to vector<32xbf16>
            %parallel_loop3A_250 = arith.constant 13 : i32
            %parallel_loop3A_251 = arith.index_cast %parallel_loop3A_250 : i32 to index
            %parallel_loop3A_252 = arith.index_cast %parallel_loop3A_245 : i32 to index
            %parallel_loop3A_253 = tpu.vector_load %arg12[%parallel_loop3A_251, %parallel_loop3A_252] {strides = array<i32>} : memref<16x256xi32, #tpu.memory_space<vmem>>, vector<16xi32>,
            %parallel_loop3A_254 = vector.bitcast %parallel_loop3A_253 : vector<16xi32> to vector<32xbf16>
            %parallel_loop3A_255 = arith.maximumf %parallel_loop3A_249, %parallel_loop3A_254 : vector<32xbf16>
            %parallel_loop3A_256 = vector.bitcast %parallel_loop3A_255 : vector<32xbf16> to vector<16xi32>
            %parallel_loop3A_257 = arith.index_cast %parallel_loop3A_246 : i32 to index
            %parallel_loop3A_258 = tpu.vector_load %arg6[%parallel_loop3A_257] {strides = array<i32>} : memref<80384xi32, #tpu.memory_space<vmem>>, vector<16xi32>,
            tpu.vector_store %arg6[%parallel_loop3A_257], %parallel_loop3A_256 {strides = array<i32>} : memref<80384xi32, #tpu.memory_space<vmem>>, vector<16xi32>,
          } {sc.loop_unroll_factor = 4 : i64, sc.parallel_access}
          %slice3A_231 = vector.extract_strided_slice %get3A_133 {offsets = [14], sizes = [1], strides = [1]} : vector<16xi32> to vector<1xi32>
          %squeeze3A_232 = vector.extract %slice3A_231[0] : i32 from vector<1xi32>
          %mul3A_233 = arith.constant 256 : i32
          %mul3A_234 = arith.muli %squeeze3A_232, %mul3A_233 : i32
          %parallel_loop3A_235 = arith.constant 0 : i32
          %parallel_loop3A_236 = arith.constant 256 : i32
          %parallel_loop3A_237 = arith.constant 16 : i32
          scf.for %parallel_loop3A_245 = %parallel_loop3A_235 to %parallel_loop3A_236 step %parallel_loop3A_237  : i32 {
            %parallel_loop3A_246 = arith.addi %mul3A_234, %parallel_loop3A_245 : i32
            %parallel_loop3A_247 = arith.index_cast %parallel_loop3A_246 : i32 to index
            %parallel_loop3A_248 = tpu.vector_load %arg6[%parallel_loop3A_247] {strides = array<i32>} : memref<80384xi32, #tpu.memory_space<vmem>>, vector<16xi32>,
            %parallel_loop3A_249 = vector.bitcast %parallel_loop3A_248 : vector<16xi32> to vector<32xbf16>
            %parallel_loop3A_250 = arith.constant 14 : i32
            %parallel_loop3A_251 = arith.index_cast %parallel_loop3A_250 : i32 to index
            %parallel_loop3A_252 = arith.index_cast %parallel_loop3A_245 : i32 to index
            %parallel_loop3A_253 = tpu.vector_load %arg12[%parallel_loop3A_251, %parallel_loop3A_252] {strides = array<i32>} : memref<16x256xi32, #tpu.memory_space<vmem>>, vector<16xi32>,
            %parallel_loop3A_254 = vector.bitcast %parallel_loop3A_253 : vector<16xi32> to vector<32xbf16>
            %parallel_loop3A_255 = arith.maximumf %parallel_loop3A_249, %parallel_loop3A_254 : vector<32xbf16>
            %parallel_loop3A_256 = vector.bitcast %parallel_loop3A_255 : vector<32xbf16> to vector<16xi32>
            %parallel_loop3A_257 = arith.index_cast %parallel_loop3A_246 : i32 to index
            %parallel_loop3A_258 = tpu.vector_load %arg6[%parallel_loop3A_257] {strides = array<i32>} : memref<80384xi32, #tpu.memory_space<vmem>>, vector<16xi32>,
            tpu.vector_store %arg6[%parallel_loop3A_257], %parallel_loop3A_256 {strides = array<i32>} : memref<80384xi32, #tpu.memory_space<vmem>>, vector<16xi32>,
          } {sc.loop_unroll_factor = 4 : i64, sc.parallel_access}
          %slice3A_238 = vector.extract_strided_slice %get3A_133 {offsets = [15], sizes = [1], strides = [1]} : vector<16xi32> to vector<1xi32>
          %squeeze3A_239 = vector.extract %slice3A_238[0] : i32 from vector<1xi32>
          %mul3A_240 = arith.constant 256 : i32
          %mul3A_241 = arith.muli %squeeze3A_239, %mul3A_240 : i32
          %parallel_loop3A_242 = arith.constant 0 : i32
          %parallel_loop3A_243 = arith.constant 256 : i32
          %parallel_loop3A_244 = arith.constant 16 : i32
          scf.for %parallel_loop3A_245 = %parallel_loop3A_242 to %parallel_loop3A_243 step %parallel_loop3A_244  : i32 {
            %parallel_loop3A_246 = arith.addi %mul3A_241, %parallel_loop3A_245 : i32
            %parallel_loop3A_247 = arith.index_cast %parallel_loop3A_246 : i32 to index
            %parallel_loop3A_248 = tpu.vector_load %arg6[%parallel_loop3A_247] {strides = array<i32>} : memref<80384xi32, #tpu.memory_space<vmem>>, vector<16xi32>,
            %parallel_loop3A_249 = vector.bitcast %parallel_loop3A_248 : vector<16xi32> to vector<32xbf16>
            %parallel_loop3A_250 = arith.constant 15 : i32
            %parallel_loop3A_251 = arith.index_cast %parallel_loop3A_250 : i32 to index
            %parallel_loop3A_252 = arith.index_cast %parallel_loop3A_245 : i32 to index
            %parallel_loop3A_253 = tpu.vector_load %arg12[%parallel_loop3A_251, %parallel_loop3A_252] {strides = array<i32>} : memref<16x256xi32, #tpu.memory_space<vmem>>, vector<16xi32>,
            %parallel_loop3A_254 = vector.bitcast %parallel_loop3A_253 : vector<16xi32> to vector<32xbf16>
            %parallel_loop3A_255 = arith.maximumf %parallel_loop3A_249, %parallel_loop3A_254 : vector<32xbf16>
            %parallel_loop3A_256 = vector.bitcast %parallel_loop3A_255 : vector<32xbf16> to vector<16xi32>
            %parallel_loop3A_257 = arith.index_cast %parallel_loop3A_246 : i32 to index
            %parallel_loop3A_258 = tpu.vector_load %arg6[%parallel_loop3A_257] {strides = array<i32>} : memref<80384xi32, #tpu.memory_space<vmem>>, vector<16xi32>,
            tpu.vector_store %arg6[%parallel_loop3A_257], %parallel_loop3A_256 {strides = array<i32>} : memref<80384xi32, #tpu.memory_space<vmem>>, vector<16xi32>,
          } {sc.loop_unroll_factor = 4 : i64, sc.parallel_access}
        } else {
        }
        %while3A_117 = arith.constant 0 : i32
        scf.yield %while3A_117 : i32
      }
      %while3A_97 = arith.constant 1 : i32
      %while3A_98 = scf.for %while3A_100 = %while3A_94 to %while3A_90 step %while3A_97 iter_args(%while3A_101 = %while3A_96) -> (i32)  : i32 {
        %mul3A_102 = arith.constant 2 : i32
        %mul3A_103 = arith.muli %while3A_100, %mul3A_102 : i32
        %add3A_104 = arith.constant 0 : i32
        %add3A_105 = arith.addi %mul3A_103, %add3A_104 : i32
        %lt3A = arith.cmpi slt, %add3A_105, %select_n3A : i32
        %convert_element_type3A_106 = arith.extui %lt3A : i1 to i32
        %cond3A_107 = arith.constant 0 : i32
        %cond3A_108 = arith.cmpi ne, %convert_element_type3A_106, %cond3A_107 : i32
        scf.if %cond3A_108 {
          %mul3A_118 = arith.constant 16 : i32
          %mul3A_119 = arith.muli %add3A_105, %mul3A_118 : i32
          %dma_wait3A = tpu.memref_slice %arg9[%mul3A_119] : memref<8016xi32, #tpu.memory_space<vmem>> -> memref<16xi32, #tpu.memory_space<vmem>>
          %dma_wait3A_120 = arith.constant 0 : i32
          %dma_wait3A_121 = arith.constant 0 : i32
          %dma_wait3A_122 = tpu.memref_slice %arg4[%dma_wait3A_120, %dma_wait3A_121] : memref<10000x256xi32, #tpu.memory_space<hbm>> -> memref<10000x256xi32, #tpu.memory_space<hbm>>
          tpu.wait_indirect_dma semaphore(%arg13 : memref<!tpu.dma_semaphore, #tpu.memory_space<semaphore_mem>>) src(%dma_wait3A_122 : memref<10000x256xi32, #tpu.memory_space<hbm>>) dst(%arg11 : memref<16x256xi32, #tpu.memory_space<vmem>>)
          %add3A_123 = arith.constant 1 : i32
          %add3A_124 = arith.addi %add3A_105, %add3A_123 : i32
          %lt3A_125 = arith.cmpi slt, %add3A_124, %select_n3A : i32
          %convert_element_type3A_126 = arith.extui %lt3A_125 : i1 to i32
          %cond3A_127 = arith.constant 0 : i32
          %cond3A_128 = arith.cmpi ne, %convert_element_type3A_126, %cond3A_127 : i32
          scf.if %cond3A_128 {
            %add3A_245 = arith.constant 1 : i32
            %add3A_246 = arith.addi %add3A_105, %add3A_245 : i32
            %mul3A_247 = arith.constant 16 : i32
            %mul3A_248 = arith.muli %add3A_246, %mul3A_247 : i32
            %dma_start3A = tpu.memref_slice %arg9[%mul3A_248] : memref<8016xi32, #tpu.memory_space<vmem>> -> memref<16xi32, #tpu.memory_space<vmem>>
            %dma_start3A_249 = arith.constant 0 : i32
            %dma_start3A_250 = arith.constant 0 : i32
            %dma_start3A_251 = tpu.memref_slice %arg4[%dma_start3A_249, %dma_start3A_250] : memref<10000x256xi32, #tpu.memory_space<hbm>> -> memref<10000x256xi32, #tpu.memory_space<hbm>>
            tpu.enqueue_indirect_dma source(%dma_start3A_251 : memref<10000x256xi32, #tpu.memory_space<hbm>>) target(%arg12 : memref<16x256xi32, #tpu.memory_space<vmem>>) offsets(%dma_start3A : memref<16xi32, #tpu.memory_space<vmem>>) semaphore(%arg14 : memref<!tpu.dma_semaphore, #tpu.memory_space<semaphore_mem>>)
          } else {
          }
          %mul3A_129 = arith.constant 16 : i32
          %mul3A_130 = arith.muli %add3A_105, %mul3A_129 : i32
          %add3A_131 = arith.constant 0 : i32
          %add3A_132 = arith.addi %mul3A_130, %add3A_131 : i32
          %get3A = arith.index_cast %add3A_132 : i32 to index
          %get3A_133 = tpu.vector_load %arg10[%get3A] {strides = array<i32>} : memref<8016xi32, #tpu.memory_space<vmem>>, vector<16xi32>,
          %slice3A_134 = vector.extract_strided_slice %get3A_133 {offsets = [0], sizes = [1], strides = [1]} : vector<16xi32> to vector<1xi32>
          %squeeze3A_135 = vector.extract %slice3A_134[0] : i32 from vector<1xi32>
          %mul3A_136 = arith.constant 256 : i32
          %mul3A_137 = arith.muli %squeeze3A_135, %mul3A_136 : i32
          %parallel_loop3A = arith.constant 0 : i32
          %parallel_loop3A_138 = arith.constant 256 : i32
          %parallel_loop3A_139 = arith.constant 16 : i32
          scf.for %parallel_loop3A_245 = %parallel_loop3A to %parallel_loop3A_138 step %parallel_loop3A_139  : i32 {
            %parallel_loop3A_246 = arith.addi %mul3A_137, %parallel_loop3A_245 : i32
            %parallel_loop3A_247 = arith.index_cast %parallel_loop3A_246 : i32 to index
            %parallel_loop3A_248 = tpu.vector_load %arg6[%parallel_loop3A_247] {strides = array<i32>} : memref<80384xi32, #tpu.memory_space<vmem>>, vector<16xi32>,
            %parallel_loop3A_249 = vector.bitcast %parallel_loop3A_248 : vector<16xi32> to vector<32xbf16>
            %parallel_loop3A_250 = arith.constant 0 : i32
            %parallel_loop3A_251 = arith.index_cast %parallel_loop3A_250 : i32 to index
            %parallel_loop3A_252 = arith.index_cast %parallel_loop3A_245 : i32 to index
            %parallel_loop3A_253 = tpu.vector_load %arg11[%parallel_loop3A_251, %parallel_loop3A_252] {strides = array<i32>} : memref<16x256xi32, #tpu.memory_space<vmem>>, vector<16xi32>,
            %parallel_loop3A_254 = vector.bitcast %parallel_loop3A_253 : vector<16xi32> to vector<32xbf16>
            %parallel_loop3A_255 = arith.maximumf %parallel_loop3A_249, %parallel_loop3A_254 : vector<32xbf16>
            %parallel_loop3A_256 = vector.bitcast %parallel_loop3A_255 : vector<32xbf16> to vector<16xi32>
            %parallel_loop3A_257 = arith.index_cast %parallel_loop3A_246 : i32 to index
            %parallel_loop3A_258 = tpu.vector_load %arg6[%parallel_loop3A_257] {strides = array<i32>} : memref<80384xi32, #tpu.memory_space<vmem>>, vector<16xi32>,
            tpu.vector_store %arg6[%parallel_loop3A_257], %parallel_loop3A_256 {strides = array<i32>} : memref<80384xi32, #tpu.memory_space<vmem>>, vector<16xi32>,
          } {sc.loop_unroll_factor = 4 : i64, sc.parallel_access}
          %slice3A_140 = vector.extract_strided_slice %get3A_133 {offsets = [1], sizes = [1], strides = [1]} : vector<16xi32> to vector<1xi32>
          %squeeze3A_141 = vector.extract %slice3A_140[0] : i32 from vector<1xi32>
          %mul3A_142 = arith.constant 256 : i32
          %mul3A_143 = arith.muli %squeeze3A_141, %mul3A_142 : i32
          %parallel_loop3A_144 = arith.constant 0 : i32
          %parallel_loop3A_145 = arith.constant 256 : i32
          %parallel_loop3A_146 = arith.constant 16 : i32
          scf.for %parallel_loop3A_245 = %parallel_loop3A_144 to %parallel_loop3A_145 step %parallel_loop3A_146  : i32 {
            %parallel_loop3A_246 = arith.addi %mul3A_143, %parallel_loop3A_245 : i32
            %parallel_loop3A_247 = arith.index_cast %parallel_loop3A_246 : i32 to index
            %parallel_loop3A_248 = tpu.vector_load %arg6[%parallel_loop3A_247] {strides = array<i32>} : memref<80384xi32, #tpu.memory_space<vmem>>, vector<16xi32>,
            %parallel_loop3A_249 = vector.bitcast %parallel_loop3A_248 : vector<16xi32> to vector<32xbf16>
            %parallel_loop3A_250 = arith.constant 1 : i32
            %parallel_loop3A_251 = arith.index_cast %parallel_loop3A_250 : i32 to index
            %parallel_loop3A_252 = arith.index_cast %parallel_loop3A_245 : i32 to index
            %parallel_loop3A_253 = tpu.vector_load %arg11[%parallel_loop3A_251, %parallel_loop3A_252] {strides = array<i32>} : memref<16x256xi32, #tpu.memory_space<vmem>>, vector<16xi32>,
            %parallel_loop3A_254 = vector.bitcast %parallel_loop3A_253 : vector<16xi32> to vector<32xbf16>
            %parallel_loop3A_255 = arith.maximumf %parallel_loop3A_249, %parallel_loop3A_254 : vector<32xbf16>
            %parallel_loop3A_256 = vector.bitcast %parallel_loop3A_255 : vector<32xbf16> to vector<16xi32>
            %parallel_loop3A_257 = arith.index_cast %parallel_loop3A_246 : i32 to index
            %parallel_loop3A_258 = tpu.vector_load %arg6[%parallel_loop3A_257] {strides = array<i32>} : memref<80384xi32, #tpu.memory_space<vmem>>, vector<16xi32>,
            tpu.vector_store %arg6[%parallel_loop3A_257], %parallel_loop3A_256 {strides = array<i32>} : memref<80384xi32, #tpu.memory_space<vmem>>, vector<16xi32>,
          } {sc.loop_unroll_factor = 4 : i64, sc.parallel_access}
          %slice3A_147 = vector.extract_strided_slice %get3A_133 {offsets = [2], sizes = [1], strides = [1]} : vector<16xi32> to vector<1xi32>
          %squeeze3A_148 = vector.extract %slice3A_147[0] : i32 from vector<1xi32>
          %mul3A_149 = arith.constant 256 : i32
          %mul3A_150 = arith.muli %squeeze3A_148, %mul3A_149 : i32
          %parallel_loop3A_151 = arith.constant 0 : i32
          %parallel_loop3A_152 = arith.constant 256 : i32
          %parallel_loop3A_153 = arith.constant 16 : i32
          scf.for %parallel_loop3A_245 = %parallel_loop3A_151 to %parallel_loop3A_152 step %parallel_loop3A_153  : i32 {
            %parallel_loop3A_246 = arith.addi %mul3A_150, %parallel_loop3A_245 : i32
            %parallel_loop3A_247 = arith.index_cast %parallel_loop3A_246 : i32 to index
            %parallel_loop3A_248 = tpu.vector_load %arg6[%parallel_loop3A_247] {strides = array<i32>} : memref<80384xi32, #tpu.memory_space<vmem>>, vector<16xi32>,
            %parallel_loop3A_249 = vector.bitcast %parallel_loop3A_248 : vector<16xi32> to vector<32xbf16>
            %parallel_loop3A_250 = arith.constant 2 : i32
            %parallel_loop3A_251 = arith.index_cast %parallel_loop3A_250 : i32 to index
            %parallel_loop3A_252 = arith.index_cast %parallel_loop3A_245 : i32 to index
            %parallel_loop3A_253 = tpu.vector_load %arg11[%parallel_loop3A_251, %parallel_loop3A_252] {strides = array<i32>} : memref<16x256xi32, #tpu.memory_space<vmem>>, vector<16xi32>,
            %parallel_loop3A_254 = vector.bitcast %parallel_loop3A_253 : vector<16xi32> to vector<32xbf16>
            %parallel_loop3A_255 = arith.maximumf %parallel_loop3A_249, %parallel_loop3A_254 : vector<32xbf16>
            %parallel_loop3A_256 = vector.bitcast %parallel_loop3A_255 : vector<32xbf16> to vector<16xi32>
            %parallel_loop3A_257 = arith.index_cast %parallel_loop3A_246 : i32 to index
            %parallel_loop3A_258 = tpu.vector_load %arg6[%parallel_loop3A_257] {strides = array<i32>} : memref<80384xi32, #tpu.memory_space<vmem>>, vector<16xi32>,
            tpu.vector_store %arg6[%parallel_loop3A_257], %parallel_loop3A_256 {strides = array<i32>} : memref<80384xi32, #tpu.memory_space<vmem>>, vector<16xi32>,
          } {sc.loop_unroll_factor = 4 : i64, sc.parallel_access}
          %slice3A_154 = vector.extract_strided_slice %get3A_133 {offsets = [3], sizes = [1], strides = [1]} : vector<16xi32> to vector<1xi32>
          %squeeze3A_155 = vector.extract %slice3A_154[0] : i32 from vector<1xi32>
          %mul3A_156 = arith.constant 256 : i32
          %mul3A_157 = arith.muli %squeeze3A_155, %mul3A_156 : i32
          %parallel_loop3A_158 = arith.constant 0 : i32
          %parallel_loop3A_159 = arith.constant 256 : i32
          %parallel_loop3A_160 = arith.constant 16 : i32
          scf.for %parallel_loop3A_245 = %parallel_loop3A_158 to %parallel_loop3A_159 step %parallel_loop3A_160  : i32 {
            %parallel_loop3A_246 = arith.addi %mul3A_157, %parallel_loop3A_245 : i32
            %parallel_loop3A_247 = arith.index_cast %parallel_loop3A_246 : i32 to index
            %parallel_loop3A_248 = tpu.vector_load %arg6[%parallel_loop3A_247] {strides = array<i32>} : memref<80384xi32, #tpu.memory_space<vmem>>, vector<16xi32>,
            %parallel_loop3A_249 = vector.bitcast %parallel_loop3A_248 : vector<16xi32> to vector<32xbf16>
            %parallel_loop3A_250 = arith.constant 3 : i32
            %parallel_loop3A_251 = arith.index_cast %parallel_loop3A_250 : i32 to index
            %parallel_loop3A_252 = arith.index_cast %parallel_loop3A_245 : i32 to index
            %parallel_loop3A_253 = tpu.vector_load %arg11[%parallel_loop3A_251, %parallel_loop3A_252] {strides = array<i32>} : memref<16x256xi32, #tpu.memory_space<vmem>>, vector<16xi32>,
            %parallel_loop3A_254 = vector.bitcast %parallel_loop3A_253 : vector<16xi32> to vector<32xbf16>
            %parallel_loop3A_255 = arith.maximumf %parallel_loop3A_249, %parallel_loop3A_254 : vector<32xbf16>
            %parallel_loop3A_256 = vector.bitcast %parallel_loop3A_255 : vector<32xbf16> to vector<16xi32>
            %parallel_loop3A_257 = arith.index_cast %parallel_loop3A_246 : i32 to index
            %parallel_loop3A_258 = tpu.vector_load %arg6[%parallel_loop3A_257] {strides = array<i32>} : memref<80384xi32, #tpu.memory_space<vmem>>, vector<16xi32>,
            tpu.vector_store %arg6[%parallel_loop3A_257], %parallel_loop3A_256 {strides = array<i32>} : memref<80384xi32, #tpu.memory_space<vmem>>, vector<16xi32>,
          } {sc.loop_unroll_factor = 4 : i64, sc.parallel_access}
          %slice3A_161 = vector.extract_strided_slice %get3A_133 {offsets = [4], sizes = [1], strides = [1]} : vector<16xi32> to vector<1xi32>
          %squeeze3A_162 = vector.extract %slice3A_161[0] : i32 from vector<1xi32>
          %mul3A_163 = arith.constant 256 : i32
          %mul3A_164 = arith.muli %squeeze3A_162, %mul3A_163 : i32
          %parallel_loop3A_165 = arith.constant 0 : i32
          %parallel_loop3A_166 = arith.constant 256 : i32
          %parallel_loop3A_167 = arith.constant 16 : i32
          scf.for %parallel_loop3A_245 = %parallel_loop3A_165 to %parallel_loop3A_166 step %parallel_loop3A_167  : i32 {
            %parallel_loop3A_246 = arith.addi %mul3A_164, %parallel_loop3A_245 : i32
            %parallel_loop3A_247 = arith.index_cast %parallel_loop3A_246 : i32 to index
            %parallel_loop3A_248 = tpu.vector_load %arg6[%parallel_loop3A_247] {strides = array<i32>} : memref<80384xi32, #tpu.memory_space<vmem>>, vector<16xi32>,
            %parallel_loop3A_249 = vector.bitcast %parallel_loop3A_248 : vector<16xi32> to vector<32xbf16>
            %parallel_loop3A_250 = arith.constant 4 : i32
            %parallel_loop3A_251 = arith.index_cast %parallel_loop3A_250 : i32 to index
            %parallel_loop3A_252 = arith.index_cast %parallel_loop3A_245 : i32 to index
            %parallel_loop3A_253 = tpu.vector_load %arg11[%parallel_loop3A_251, %parallel_loop3A_252] {strides = array<i32>} : memref<16x256xi32, #tpu.memory_space<vmem>>, vector<16xi32>,
            %parallel_loop3A_254 = vector.bitcast %parallel_loop3A_253 : vector<16xi32> to vector<32xbf16>
            %parallel_loop3A_255 = arith.maximumf %parallel_loop3A_249, %parallel_loop3A_254 : vector<32xbf16>
            %parallel_loop3A_256 = vector.bitcast %parallel_loop3A_255 : vector<32xbf16> to vector<16xi32>
            %parallel_loop3A_257 = arith.index_cast %parallel_loop3A_246 : i32 to index
            %parallel_loop3A_258 = tpu.vector_load %arg6[%parallel_loop3A_257] {strides = array<i32>} : memref<80384xi32, #tpu.memory_space<vmem>>, vector<16xi32>,
            tpu.vector_store %arg6[%parallel_loop3A_257], %parallel_loop3A_256 {strides = array<i32>} : memref<80384xi32, #tpu.memory_space<vmem>>, vector<16xi32>,
          } {sc.loop_unroll_factor = 4 : i64, sc.parallel_access}
          %slice3A_168 = vector.extract_strided_slice %get3A_133 {offsets = [5], sizes = [1], strides = [1]} : vector<16xi32> to vector<1xi32>
          %squeeze3A_169 = vector.extract %slice3A_168[0] : i32 from vector<1xi32>
          %mul3A_170 = arith.constant 256 : i32
          %mul3A_171 = arith.muli %squeeze3A_169, %mul3A_170 : i32
          %parallel_loop3A_172 = arith.constant 0 : i32
          %parallel_loop3A_173 = arith.constant 256 : i32
          %parallel_loop3A_174 = arith.constant 16 : i32
          scf.for %parallel_loop3A_245 = %parallel_loop3A_172 to %parallel_loop3A_173 step %parallel_loop3A_174  : i32 {
            %parallel_loop3A_246 = arith.addi %mul3A_171, %parallel_loop3A_245 : i32
            %parallel_loop3A_247 = arith.index_cast %parallel_loop3A_246 : i32 to index
            %parallel_loop3A_248 = tpu.vector_load %arg6[%parallel_loop3A_247] {strides = array<i32>} : memref<80384xi32, #tpu.memory_space<vmem>>, vector<16xi32>,
            %parallel_loop3A_249 = vector.bitcast %parallel_loop3A_248 : vector<16xi32> to vector<32xbf16>
            %parallel_loop3A_250 = arith.constant 5 : i32
            %parallel_loop3A_251 = arith.index_cast %parallel_loop3A_250 : i32 to index
            %parallel_loop3A_252 = arith.index_cast %parallel_loop3A_245 : i32 to index
            %parallel_loop3A_253 = tpu.vector_load %arg11[%parallel_loop3A_251, %parallel_loop3A_252] {strides = array<i32>} : memref<16x256xi32, #tpu.memory_space<vmem>>, vector<16xi32>,
            %parallel_loop3A_254 = vector.bitcast %parallel_loop3A_253 : vector<16xi32> to vector<32xbf16>
            %parallel_loop3A_255 = arith.maximumf %parallel_loop3A_249, %parallel_loop3A_254 : vector<32xbf16>
            %parallel_loop3A_256 = vector.bitcast %parallel_loop3A_255 : vector<32xbf16> to vector<16xi32>
            %parallel_loop3A_257 = arith.index_cast %parallel_loop3A_246 : i32 to index
            %parallel_loop3A_258 = tpu.vector_load %arg6[%parallel_loop3A_257] {strides = array<i32>} : memref<80384xi32, #tpu.memory_space<vmem>>, vector<16xi32>,
            tpu.vector_store %arg6[%parallel_loop3A_257], %parallel_loop3A_256 {strides = array<i32>} : memref<80384xi32, #tpu.memory_space<vmem>>, vector<16xi32>,
          } {sc.loop_unroll_factor = 4 : i64, sc.parallel_access}
          %slice3A_175 = vector.extract_strided_slice %get3A_133 {offsets = [6], sizes = [1], strides = [1]} : vector<16xi32> to vector<1xi32>
          %squeeze3A_176 = vector.extract %slice3A_175[0] : i32 from vector<1xi32>
          %mul3A_177 = arith.constant 256 : i32
          %mul3A_178 = arith.muli %squeeze3A_176, %mul3A_177 : i32
          %parallel_loop3A_179 = arith.constant 0 : i32
          %parallel_loop3A_180 = arith.constant 256 : i32
          %parallel_loop3A_181 = arith.constant 16 : i32
          scf.for %parallel_loop3A_245 = %parallel_loop3A_179 to %parallel_loop3A_180 step %parallel_loop3A_181  : i32 {
            %parallel_loop3A_246 = arith.addi %mul3A_178, %parallel_loop3A_245 : i32
            %parallel_loop3A_247 = arith.index_cast %parallel_loop3A_246 : i32 to index
            %parallel_loop3A_248 = tpu.vector_load %arg6[%parallel_loop3A_247] {strides = array<i32>} : memref<80384xi32, #tpu.memory_space<vmem>>, vector<16xi32>,
            %parallel_loop3A_249 = vector.bitcast %parallel_loop3A_248 : vector<16xi32> to vector<32xbf16>
            %parallel_loop3A_250 = arith.constant 6 : i32
            %parallel_loop3A_251 = arith.index_cast %parallel_loop3A_250 : i32 to index
            %parallel_loop3A_252 = arith.index_cast %parallel_loop3A_245 : i32 to index
            %parallel_loop3A_253 = tpu.vector_load %arg11[%parallel_loop3A_251, %parallel_loop3A_252] {strides = array<i32>} : memref<16x256xi32, #tpu.memory_space<vmem>>, vector<16xi32>,
            %parallel_loop3A_254 = vector.bitcast %parallel_loop3A_253 : vector<16xi32> to vector<32xbf16>
            %parallel_loop3A_255 = arith.maximumf %parallel_loop3A_249, %parallel_loop3A_254 : vector<32xbf16>
            %parallel_loop3A_256 = vector.bitcast %parallel_loop3A_255 : vector<32xbf16> to vector<16xi32>
            %parallel_loop3A_257 = arith.index_cast %parallel_loop3A_246 : i32 to index
            %parallel_loop3A_258 = tpu.vector_load %arg6[%parallel_loop3A_257] {strides = array<i32>} : memref<80384xi32, #tpu.memory_space<vmem>>, vector<16xi32>,
            tpu.vector_store %arg6[%parallel_loop3A_257], %parallel_loop3A_256 {strides = array<i32>} : memref<80384xi32, #tpu.memory_space<vmem>>, vector<16xi32>,
          } {sc.loop_unroll_factor = 4 : i64, sc.parallel_access}
          %slice3A_182 = vector.extract_strided_slice %get3A_133 {offsets = [7], sizes = [1], strides = [1]} : vector<16xi32> to vector<1xi32>
          %squeeze3A_183 = vector.extract %slice3A_182[0] : i32 from vector<1xi32>
          %mul3A_184 = arith.constant 256 : i32
          %mul3A_185 = arith.muli %squeeze3A_183, %mul3A_184 : i32
          %parallel_loop3A_186 = arith.constant 0 : i32
          %parallel_loop3A_187 = arith.constant 256 : i32
          %parallel_loop3A_188 = arith.constant 16 : i32
          scf.for %parallel_loop3A_245 = %parallel_loop3A_186 to %parallel_loop3A_187 step %parallel_loop3A_188  : i32 {
            %parallel_loop3A_246 = arith.addi %mul3A_185, %parallel_loop3A_245 : i32
            %parallel_loop3A_247 = arith.index_cast %parallel_loop3A_246 : i32 to index
            %parallel_loop3A_248 = tpu.vector_load %arg6[%parallel_loop3A_247] {strides = array<i32>} : memref<80384xi32, #tpu.memory_space<vmem>>, vector<16xi32>,
            %parallel_loop3A_249 = vector.bitcast %parallel_loop3A_248 : vector<16xi32> to vector<32xbf16>
            %parallel_loop3A_250 = arith.constant 7 : i32
            %parallel_loop3A_251 = arith.index_cast %parallel_loop3A_250 : i32 to index
            %parallel_loop3A_252 = arith.index_cast %parallel_loop3A_245 : i32 to index
            %parallel_loop3A_253 = tpu.vector_load %arg11[%parallel_loop3A_251, %parallel_loop3A_252] {strides = array<i32>} : memref<16x256xi32, #tpu.memory_space<vmem>>, vector<16xi32>,
            %parallel_loop3A_254 = vector.bitcast %parallel_loop3A_253 : vector<16xi32> to vector<32xbf16>
            %parallel_loop3A_255 = arith.maximumf %parallel_loop3A_249, %parallel_loop3A_254 : vector<32xbf16>
            %parallel_loop3A_256 = vector.bitcast %parallel_loop3A_255 : vector<32xbf16> to vector<16xi32>
            %parallel_loop3A_257 = arith.index_cast %parallel_loop3A_246 : i32 to index
            %parallel_loop3A_258 = tpu.vector_load %arg6[%parallel_loop3A_257] {strides = array<i32>} : memref<80384xi32, #tpu.memory_space<vmem>>, vector<16xi32>,
            tpu.vector_store %arg6[%parallel_loop3A_257], %parallel_loop3A_256 {strides = array<i32>} : memref<80384xi32, #tpu.memory_space<vmem>>, vector<16xi32>,
          } {sc.loop_unroll_factor = 4 : i64, sc.parallel_access}
          %slice3A_189 = vector.extract_strided_slice %get3A_133 {offsets = [8], sizes = [1], strides = [1]} : vector<16xi32> to vector<1xi32>
          %squeeze3A_190 = vector.extract %slice3A_189[0] : i32 from vector<1xi32>
          %mul3A_191 = arith.constant 256 : i32
          %mul3A_192 = arith.muli %squeeze3A_190, %mul3A_191 : i32
          %parallel_loop3A_193 = arith.constant 0 : i32
          %parallel_loop3A_194 = arith.constant 256 : i32
          %parallel_loop3A_195 = arith.constant 16 : i32
          scf.for %parallel_loop3A_245 = %parallel_loop3A_193 to %parallel_loop3A_194 step %parallel_loop3A_195  : i32 {
            %parallel_loop3A_246 = arith.addi %mul3A_192, %parallel_loop3A_245 : i32
            %parallel_loop3A_247 = arith.index_cast %parallel_loop3A_246 : i32 to index
            %parallel_loop3A_248 = tpu.vector_load %arg6[%parallel_loop3A_247] {strides = array<i32>} : memref<80384xi32, #tpu.memory_space<vmem>>, vector<16xi32>,
            %parallel_loop3A_249 = vector.bitcast %parallel_loop3A_248 : vector<16xi32> to vector<32xbf16>
            %parallel_loop3A_250 = arith.constant 8 : i32
            %parallel_loop3A_251 = arith.index_cast %parallel_loop3A_250 : i32 to index
            %parallel_loop3A_252 = arith.index_cast %parallel_loop3A_245 : i32 to index
            %parallel_loop3A_253 = tpu.vector_load %arg11[%parallel_loop3A_251, %parallel_loop3A_252] {strides = array<i32>} : memref<16x256xi32, #tpu.memory_space<vmem>>, vector<16xi32>,
            %parallel_loop3A_254 = vector.bitcast %parallel_loop3A_253 : vector<16xi32> to vector<32xbf16>
            %parallel_loop3A_255 = arith.maximumf %parallel_loop3A_249, %parallel_loop3A_254 : vector<32xbf16>
            %parallel_loop3A_256 = vector.bitcast %parallel_loop3A_255 : vector<32xbf16> to vector<16xi32>
            %parallel_loop3A_257 = arith.index_cast %parallel_loop3A_246 : i32 to index
            %parallel_loop3A_258 = tpu.vector_load %arg6[%parallel_loop3A_257] {strides = array<i32>} : memref<80384xi32, #tpu.memory_space<vmem>>, vector<16xi32>,
            tpu.vector_store %arg6[%parallel_loop3A_257], %parallel_loop3A_256 {strides = array<i32>} : memref<80384xi32, #tpu.memory_space<vmem>>, vector<16xi32>,
          } {sc.loop_unroll_factor = 4 : i64, sc.parallel_access}
          %slice3A_196 = vector.extract_strided_slice %get3A_133 {offsets = [9], sizes = [1], strides = [1]} : vector<16xi32> to vector<1xi32>
          %squeeze3A_197 = vector.extract %slice3A_196[0] : i32 from vector<1xi32>
          %mul3A_198 = arith.constant 256 : i32
          %mul3A_199 = arith.muli %squeeze3A_197, %mul3A_198 : i32
          %parallel_loop3A_200 = arith.constant 0 : i32
          %parallel_loop3A_201 = arith.constant 256 : i32
          %parallel_loop3A_202 = arith.constant 16 : i32
          scf.for %parallel_loop3A_245 = %parallel_loop3A_200 to %parallel_loop3A_201 step %parallel_loop3A_202  : i32 {
            %parallel_loop3A_246 = arith.addi %mul3A_199, %parallel_loop3A_245 : i32
            %parallel_loop3A_247 = arith.index_cast %parallel_loop3A_246 : i32 to index
            %parallel_loop3A_248 = tpu.vector_load %arg6[%parallel_loop3A_247] {strides = array<i32>} : memref<80384xi32, #tpu.memory_space<vmem>>, vector<16xi32>,
            %parallel_loop3A_249 = vector.bitcast %parallel_loop3A_248 : vector<16xi32> to vector<32xbf16>
            %parallel_loop3A_250 = arith.constant 9 : i32
            %parallel_loop3A_251 = arith.index_cast %parallel_loop3A_250 : i32 to index
            %parallel_loop3A_252 = arith.index_cast %parallel_loop3A_245 : i32 to index
            %parallel_loop3A_253 = tpu.vector_load %arg11[%parallel_loop3A_251, %parallel_loop3A_252] {strides = array<i32>} : memref<16x256xi32, #tpu.memory_space<vmem>>, vector<16xi32>,
            %parallel_loop3A_254 = vector.bitcast %parallel_loop3A_253 : vector<16xi32> to vector<32xbf16>
            %parallel_loop3A_255 = arith.maximumf %parallel_loop3A_249, %parallel_loop3A_254 : vector<32xbf16>
            %parallel_loop3A_256 = vector.bitcast %parallel_loop3A_255 : vector<32xbf16> to vector<16xi32>
            %parallel_loop3A_257 = arith.index_cast %parallel_loop3A_246 : i32 to index
            %parallel_loop3A_258 = tpu.vector_load %arg6[%parallel_loop3A_257] {strides = array<i32>} : memref<80384xi32, #tpu.memory_space<vmem>>, vector<16xi32>,
            tpu.vector_store %arg6[%parallel_loop3A_257], %parallel_loop3A_256 {strides = array<i32>} : memref<80384xi32, #tpu.memory_space<vmem>>, vector<16xi32>,
          } {sc.loop_unroll_factor = 4 : i64, sc.parallel_access}
          %slice3A_203 = vector.extract_strided_slice %get3A_133 {offsets = [10], sizes = [1], strides = [1]} : vector<16xi32> to vector<1xi32>
          %squeeze3A_204 = vector.extract %slice3A_203[0] : i32 from vector<1xi32>
          %mul3A_205 = arith.constant 256 : i32
          %mul3A_206 = arith.muli %squeeze3A_204, %mul3A_205 : i32
          %parallel_loop3A_207 = arith.constant 0 : i32
          %parallel_loop3A_208 = arith.constant 256 : i32
          %parallel_loop3A_209 = arith.constant 16 : i32
          scf.for %parallel_loop3A_245 = %parallel_loop3A_207 to %parallel_loop3A_208 step %parallel_loop3A_209  : i32 {
            %parallel_loop3A_246 = arith.addi %mul3A_206, %parallel_loop3A_245 : i32
            %parallel_loop3A_247 = arith.index_cast %parallel_loop3A_246 : i32 to index
            %parallel_loop3A_248 = tpu.vector_load %arg6[%parallel_loop3A_247] {strides = array<i32>} : memref<80384xi32, #tpu.memory_space<vmem>>, vector<16xi32>,
            %parallel_loop3A_249 = vector.bitcast %parallel_loop3A_248 : vector<16xi32> to vector<32xbf16>
            %parallel_loop3A_250 = arith.constant 10 : i32
            %parallel_loop3A_251 = arith.index_cast %parallel_loop3A_250 : i32 to index
            %parallel_loop3A_252 = arith.index_cast %parallel_loop3A_245 : i32 to index
            %parallel_loop3A_253 = tpu.vector_load %arg11[%parallel_loop3A_251, %parallel_loop3A_252] {strides = array<i32>} : memref<16x256xi32, #tpu.memory_space<vmem>>, vector<16xi32>,
            %parallel_loop3A_254 = vector.bitcast %parallel_loop3A_253 : vector<16xi32> to vector<32xbf16>
            %parallel_loop3A_255 = arith.maximumf %parallel_loop3A_249, %parallel_loop3A_254 : vector<32xbf16>
            %parallel_loop3A_256 = vector.bitcast %parallel_loop3A_255 : vector<32xbf16> to vector<16xi32>
            %parallel_loop3A_257 = arith.index_cast %parallel_loop3A_246 : i32 to index
            %parallel_loop3A_258 = tpu.vector_load %arg6[%parallel_loop3A_257] {strides = array<i32>} : memref<80384xi32, #tpu.memory_space<vmem>>, vector<16xi32>,
            tpu.vector_store %arg6[%parallel_loop3A_257], %parallel_loop3A_256 {strides = array<i32>} : memref<80384xi32, #tpu.memory_space<vmem>>, vector<16xi32>,
          } {sc.loop_unroll_factor = 4 : i64, sc.parallel_access}
          %slice3A_210 = vector.extract_strided_slice %get3A_133 {offsets = [11], sizes = [1], strides = [1]} : vector<16xi32> to vector<1xi32>
          %squeeze3A_211 = vector.extract %slice3A_210[0] : i32 from vector<1xi32>
          %mul3A_212 = arith.constant 256 : i32
          %mul3A_213 = arith.muli %squeeze3A_211, %mul3A_212 : i32
          %parallel_loop3A_214 = arith.constant 0 : i32
          %parallel_loop3A_215 = arith.constant 256 : i32
          %parallel_loop3A_216 = arith.constant 16 : i32
          scf.for %parallel_loop3A_245 = %parallel_loop3A_214 to %parallel_loop3A_215 step %parallel_loop3A_216  : i32 {
            %parallel_loop3A_246 = arith.addi %mul3A_213, %parallel_loop3A_245 : i32
            %parallel_loop3A_247 = arith.index_cast %parallel_loop3A_246 : i32 to index
            %parallel_loop3A_248 = tpu.vector_load %arg6[%parallel_loop3A_247] {strides = array<i32>} : memref<80384xi32, #tpu.memory_space<vmem>>, vector<16xi32>,
            %parallel_loop3A_249 = vector.bitcast %parallel_loop3A_248 : vector<16xi32> to vector<32xbf16>
            %parallel_loop3A_250 = arith.constant 11 : i32
            %parallel_loop3A_251 = arith.index_cast %parallel_loop3A_250 : i32 to index
            %parallel_loop3A_252 = arith.index_cast %parallel_loop3A_245 : i32 to index
            %parallel_loop3A_253 = tpu.vector_load %arg11[%parallel_loop3A_251, %parallel_loop3A_252] {strides = array<i32>} : memref<16x256xi32, #tpu.memory_space<vmem>>, vector<16xi32>,
            %parallel_loop3A_254 = vector.bitcast %parallel_loop3A_253 : vector<16xi32> to vector<32xbf16>
            %parallel_loop3A_255 = arith.maximumf %parallel_loop3A_249, %parallel_loop3A_254 : vector<32xbf16>
            %parallel_loop3A_256 = vector.bitcast %parallel_loop3A_255 : vector<32xbf16> to vector<16xi32>
            %parallel_loop3A_257 = arith.index_cast %parallel_loop3A_246 : i32 to index
            %parallel_loop3A_258 = tpu.vector_load %arg6[%parallel_loop3A_257] {strides = array<i32>} : memref<80384xi32, #tpu.memory_space<vmem>>, vector<16xi32>,
            tpu.vector_store %arg6[%parallel_loop3A_257], %parallel_loop3A_256 {strides = array<i32>} : memref<80384xi32, #tpu.memory_space<vmem>>, vector<16xi32>,
          } {sc.loop_unroll_factor = 4 : i64, sc.parallel_access}
          %slice3A_217 = vector.extract_strided_slice %get3A_133 {offsets = [12], sizes = [1], strides = [1]} : vector<16xi32> to vector<1xi32>
          %squeeze3A_218 = vector.extract %slice3A_217[0] : i32 from vector<1xi32>
          %mul3A_219 = arith.constant 256 : i32
          %mul3A_220 = arith.muli %squeeze3A_218, %mul3A_219 : i32
          %parallel_loop3A_221 = arith.constant 0 : i32
          %parallel_loop3A_222 = arith.constant 256 : i32
          %parallel_loop3A_223 = arith.constant 16 : i32
          scf.for %parallel_loop3A_245 = %parallel_loop3A_221 to %parallel_loop3A_222 step %parallel_loop3A_223  : i32 {
            %parallel_loop3A_246 = arith.addi %mul3A_220, %parallel_loop3A_245 : i32
            %parallel_loop3A_247 = arith.index_cast %parallel_loop3A_246 : i32 to index
            %parallel_loop3A_248 = tpu.vector_load %arg6[%parallel_loop3A_247] {strides = array<i32>} : memref<80384xi32, #tpu.memory_space<vmem>>, vector<16xi32>,
            %parallel_loop3A_249 = vector.bitcast %parallel_loop3A_248 : vector<16xi32> to vector<32xbf16>
            %parallel_loop3A_250 = arith.constant 12 : i32
            %parallel_loop3A_251 = arith.index_cast %parallel_loop3A_250 : i32 to index
            %parallel_loop3A_252 = arith.index_cast %parallel_loop3A_245 : i32 to index
            %parallel_loop3A_253 = tpu.vector_load %arg11[%parallel_loop3A_251, %parallel_loop3A_252] {strides = array<i32>} : memref<16x256xi32, #tpu.memory_space<vmem>>, vector<16xi32>,
            %parallel_loop3A_254 = vector.bitcast %parallel_loop3A_253 : vector<16xi32> to vector<32xbf16>
            %parallel_loop3A_255 = arith.maximumf %parallel_loop3A_249, %parallel_loop3A_254 : vector<32xbf16>
            %parallel_loop3A_256 = vector.bitcast %parallel_loop3A_255 : vector<32xbf16> to vector<16xi32>
            %parallel_loop3A_257 = arith.index_cast %parallel_loop3A_246 : i32 to index
            %parallel_loop3A_258 = tpu.vector_load %arg6[%parallel_loop3A_257] {strides = array<i32>} : memref<80384xi32, #tpu.memory_space<vmem>>, vector<16xi32>,
            tpu.vector_store %arg6[%parallel_loop3A_257], %parallel_loop3A_256 {strides = array<i32>} : memref<80384xi32, #tpu.memory_space<vmem>>, vector<16xi32>,
          } {sc.loop_unroll_factor = 4 : i64, sc.parallel_access}
          %slice3A_224 = vector.extract_strided_slice %get3A_133 {offsets = [13], sizes = [1], strides = [1]} : vector<16xi32> to vector<1xi32>
          %squeeze3A_225 = vector.extract %slice3A_224[0] : i32 from vector<1xi32>
          %mul3A_226 = arith.constant 256 : i32
          %mul3A_227 = arith.muli %squeeze3A_225, %mul3A_226 : i32
          %parallel_loop3A_228 = arith.constant 0 : i32
          %parallel_loop3A_229 = arith.constant 256 : i32
          %parallel_loop3A_230 = arith.constant 16 : i32
          scf.for %parallel_loop3A_245 = %parallel_loop3A_228 to %parallel_loop3A_229 step %parallel_loop3A_230  : i32 {
            %parallel_loop3A_246 = arith.addi %mul3A_227, %parallel_loop3A_245 : i32
            %parallel_loop3A_247 = arith.index_cast %parallel_loop3A_246 : i32 to index
            %parallel_loop3A_248 = tpu.vector_load %arg6[%parallel_loop3A_247] {strides = array<i32>} : memref<80384xi32, #tpu.memory_space<vmem>>, vector<16xi32>,
            %parallel_loop3A_249 = vector.bitcast %parallel_loop3A_248 : vector<16xi32> to vector<32xbf16>
            %parallel_loop3A_250 = arith.constant 13 : i32
            %parallel_loop3A_251 = arith.index_cast %parallel_loop3A_250 : i32 to index
            %parallel_loop3A_252 = arith.index_cast %parallel_loop3A_245 : i32 to index
            %parallel_loop3A_253 = tpu.vector_load %arg11[%parallel_loop3A_251, %parallel_loop3A_252] {strides = array<i32>} : memref<16x256xi32, #tpu.memory_space<vmem>>, vector<16xi32>,
            %parallel_loop3A_254 = vector.bitcast %parallel_loop3A_253 : vector<16xi32> to vector<32xbf16>
            %parallel_loop3A_255 = arith.maximumf %parallel_loop3A_249, %parallel_loop3A_254 : vector<32xbf16>
            %parallel_loop3A_256 = vector.bitcast %parallel_loop3A_255 : vector<32xbf16> to vector<16xi32>
            %parallel_loop3A_257 = arith.index_cast %parallel_loop3A_246 : i32 to index
            %parallel_loop3A_258 = tpu.vector_load %arg6[%parallel_loop3A_257] {strides = array<i32>} : memref<80384xi32, #tpu.memory_space<vmem>>, vector<16xi32>,
            tpu.vector_store %arg6[%parallel_loop3A_257], %parallel_loop3A_256 {strides = array<i32>} : memref<80384xi32, #tpu.memory_space<vmem>>, vector<16xi32>,
          } {sc.loop_unroll_factor = 4 : i64, sc.parallel_access}
          %slice3A_231 = vector.extract_strided_slice %get3A_133 {offsets = [14], sizes = [1], strides = [1]} : vector<16xi32> to vector<1xi32>
          %squeeze3A_232 = vector.extract %slice3A_231[0] : i32 from vector<1xi32>
          %mul3A_233 = arith.constant 256 : i32
          %mul3A_234 = arith.muli %squeeze3A_232, %mul3A_233 : i32
          %parallel_loop3A_235 = arith.constant 0 : i32
          %parallel_loop3A_236 = arith.constant 256 : i32
          %parallel_loop3A_237 = arith.constant 16 : i32
          scf.for %parallel_loop3A_245 = %parallel_loop3A_235 to %parallel_loop3A_236 step %parallel_loop3A_237  : i32 {
            %parallel_loop3A_246 = arith.addi %mul3A_234, %parallel_loop3A_245 : i32
            %parallel_loop3A_247 = arith.index_cast %parallel_loop3A_246 : i32 to index
            %parallel_loop3A_248 = tpu.vector_load %arg6[%parallel_loop3A_247] {strides = array<i32>} : memref<80384xi32, #tpu.memory_space<vmem>>, vector<16xi32>,
            %parallel_loop3A_249 = vector.bitcast %parallel_loop3A_248 : vector<16xi32> to vector<32xbf16>
            %parallel_loop3A_250 = arith.constant 14 : i32
            %parallel_loop3A_251 = arith.index_cast %parallel_loop3A_250 : i32 to index
            %parallel_loop3A_252 = arith.index_cast %parallel_loop3A_245 : i32 to index
            %parallel_loop3A_253 = tpu.vector_load %arg11[%parallel_loop3A_251, %parallel_loop3A_252] {strides = array<i32>} : memref<16x256xi32, #tpu.memory_space<vmem>>, vector<16xi32>,
            %parallel_loop3A_254 = vector.bitcast %parallel_loop3A_253 : vector<16xi32> to vector<32xbf16>
            %parallel_loop3A_255 = arith.maximumf %parallel_loop3A_249, %parallel_loop3A_254 : vector<32xbf16>
            %parallel_loop3A_256 = vector.bitcast %parallel_loop3A_255 : vector<32xbf16> to vector<16xi32>
            %parallel_loop3A_257 = arith.index_cast %parallel_loop3A_246 : i32 to index
            %parallel_loop3A_258 = tpu.vector_load %arg6[%parallel_loop3A_257] {strides = array<i32>} : memref<80384xi32, #tpu.memory_space<vmem>>, vector<16xi32>,
            tpu.vector_store %arg6[%parallel_loop3A_257], %parallel_loop3A_256 {strides = array<i32>} : memref<80384xi32, #tpu.memory_space<vmem>>, vector<16xi32>,
          } {sc.loop_unroll_factor = 4 : i64, sc.parallel_access}
          %slice3A_238 = vector.extract_strided_slice %get3A_133 {offsets = [15], sizes = [1], strides = [1]} : vector<16xi32> to vector<1xi32>
          %squeeze3A_239 = vector.extract %slice3A_238[0] : i32 from vector<1xi32>
          %mul3A_240 = arith.constant 256 : i32
          %mul3A_241 = arith.muli %squeeze3A_239, %mul3A_240 : i32
          %parallel_loop3A_242 = arith.constant 0 : i32
          %parallel_loop3A_243 = arith.constant 256 : i32
          %parallel_loop3A_244 = arith.constant 16 : i32
          scf.for %parallel_loop3A_245 = %parallel_loop3A_242 to %parallel_loop3A_243 step %parallel_loop3A_244  : i32 {
            %parallel_loop3A_246 = arith.addi %mul3A_241, %parallel_loop3A_245 : i32
            %parallel_loop3A_247 = arith.index_cast %parallel_loop3A_246 : i32 to index
            %parallel_loop3A_248 = tpu.vector_load %arg6[%parallel_loop3A_247] {strides = array<i32>} : memref<80384xi32, #tpu.memory_space<vmem>>, vector<16xi32>,
            %parallel_loop3A_249 = vector.bitcast %parallel_loop3A_248 : vector<16xi32> to vector<32xbf16>
            %parallel_loop3A_250 = arith.constant 15 : i32
            %parallel_loop3A_251 = arith.index_cast %parallel_loop3A_250 : i32 to index
            %parallel_loop3A_252 = arith.index_cast %parallel_loop3A_245 : i32 to index
            %parallel_loop3A_253 = tpu.vector_load %arg11[%parallel_loop3A_251, %parallel_loop3A_252] {strides = array<i32>} : memref<16x256xi32, #tpu.memory_space<vmem>>, vector<16xi32>,
            %parallel_loop3A_254 = vector.bitcast %parallel_loop3A_253 : vector<16xi32> to vector<32xbf16>
            %parallel_loop3A_255 = arith.maximumf %parallel_loop3A_249, %parallel_loop3A_254 : vector<32xbf16>
            %parallel_loop3A_256 = vector.bitcast %parallel_loop3A_255 : vector<32xbf16> to vector<16xi32>
            %parallel_loop3A_257 = arith.index_cast %parallel_loop3A_246 : i32 to index
            %parallel_loop3A_258 = tpu.vector_load %arg6[%parallel_loop3A_257] {strides = array<i32>} : memref<80384xi32, #tpu.memory_space<vmem>>, vector<16xi32>,
            tpu.vector_store %arg6[%parallel_loop3A_257], %parallel_loop3A_256 {strides = array<i32>} : memref<80384xi32, #tpu.memory_space<vmem>>, vector<16xi32>,
          } {sc.loop_unroll_factor = 4 : i64, sc.parallel_access}
        } else {
        }
        %mul3A_109 = arith.constant 2 : i32
        %mul3A_110 = arith.muli %while3A_100, %mul3A_109 : i32
        %add3A_111 = arith.constant 1 : i32
        %add3A_112 = arith.addi %mul3A_110, %add3A_111 : i32
        %lt3A_113 = arith.cmpi slt, %add3A_112, %select_n3A : i32
        %convert_element_type3A_114 = arith.extui %lt3A_113 : i1 to i32
        %cond3A_115 = arith.constant 0 : i32
        %cond3A_116 = arith.cmpi ne, %convert_element_type3A_114, %cond3A_115 : i32
        scf.if %cond3A_116 {
          %mul3A_118 = arith.constant 16 : i32
          %mul3A_119 = arith.muli %add3A_112, %mul3A_118 : i32
          %dma_wait3A = tpu.memref_slice %arg9[%mul3A_119] : memref<8016xi32, #tpu.memory_space<vmem>> -> memref<16xi32, #tpu.memory_space<vmem>>
          %dma_wait3A_120 = arith.constant 0 : i32
          %dma_wait3A_121 = arith.constant 0 : i32
          %dma_wait3A_122 = tpu.memref_slice %arg4[%dma_wait3A_120, %dma_wait3A_121] : memref<10000x256xi32, #tpu.memory_space<hbm>> -> memref<10000x256xi32, #tpu.memory_space<hbm>>
          tpu.wait_indirect_dma semaphore(%arg14 : memref<!tpu.dma_semaphore, #tpu.memory_space<semaphore_mem>>) src(%dma_wait3A_122 : memref<10000x256xi32, #tpu.memory_space<hbm>>) dst(%arg12 : memref<16x256xi32, #tpu.memory_space<vmem>>)
          %add3A_123 = arith.constant 1 : i32
          %add3A_124 = arith.addi %add3A_112, %add3A_123 : i32
          %lt3A_125 = arith.cmpi slt, %add3A_124, %select_n3A : i32
          %convert_element_type3A_126 = arith.extui %lt3A_125 : i1 to i32
          %cond3A_127 = arith.constant 0 : i32
          %cond3A_128 = arith.cmpi ne, %convert_element_type3A_126, %cond3A_127 : i32
          scf.if %cond3A_128 {
            %add3A_245 = arith.constant 1 : i32
            %add3A_246 = arith.addi %add3A_112, %add3A_245 : i32
            %mul3A_247 = arith.constant 16 : i32
            %mul3A_248 = arith.muli %add3A_246, %mul3A_247 : i32
            %dma_start3A = tpu.memref_slice %arg9[%mul3A_248] : memref<8016xi32, #tpu.memory_space<vmem>> -> memref<16xi32, #tpu.memory_space<vmem>>
            %dma_start3A_249 = arith.constant 0 : i32
            %dma_start3A_250 = arith.constant 0 : i32
            %dma_start3A_251 = tpu.memref_slice %arg4[%dma_start3A_249, %dma_start3A_250] : memref<10000x256xi32, #tpu.memory_space<hbm>> -> memref<10000x256xi32, #tpu.memory_space<hbm>>
            tpu.enqueue_indirect_dma source(%dma_start3A_251 : memref<10000x256xi32, #tpu.memory_space<hbm>>) target(%arg11 : memref<16x256xi32, #tpu.memory_space<vmem>>) offsets(%dma_start3A : memref<16xi32, #tpu.memory_space<vmem>>) semaphore(%arg13 : memref<!tpu.dma_semaphore, #tpu.memory_space<semaphore_mem>>)
          } else {
          }
          %mul3A_129 = arith.constant 16 : i32
          %mul3A_130 = arith.muli %add3A_112, %mul3A_129 : i32
          %add3A_131 = arith.constant 0 : i32
          %add3A_132 = arith.addi %mul3A_130, %add3A_131 : i32
          %get3A = arith.index_cast %add3A_132 : i32 to index
          %get3A_133 = tpu.vector_load %arg10[%get3A] {strides = array<i32>} : memref<8016xi32, #tpu.memory_space<vmem>>, vector<16xi32>,
          %slice3A_134 = vector.extract_strided_slice %get3A_133 {offsets = [0], sizes = [1], strides = [1]} : vector<16xi32> to vector<1xi32>
          %squeeze3A_135 = vector.extract %slice3A_134[0] : i32 from vector<1xi32>
          %mul3A_136 = arith.constant 256 : i32
          %mul3A_137 = arith.muli %squeeze3A_135, %mul3A_136 : i32
          %parallel_loop3A = arith.constant 0 : i32
          %parallel_loop3A_138 = arith.constant 256 : i32
          %parallel_loop3A_139 = arith.constant 16 : i32
          scf.for %parallel_loop3A_245 = %parallel_loop3A to %parallel_loop3A_138 step %parallel_loop3A_139  : i32 {
            %parallel_loop3A_246 = arith.addi %mul3A_137, %parallel_loop3A_245 : i32
            %parallel_loop3A_247 = arith.index_cast %parallel_loop3A_246 : i32 to index
            %parallel_loop3A_248 = tpu.vector_load %arg6[%parallel_loop3A_247] {strides = array<i32>} : memref<80384xi32, #tpu.memory_space<vmem>>, vector<16xi32>,
            %parallel_loop3A_249 = vector.bitcast %parallel_loop3A_248 : vector<16xi32> to vector<32xbf16>
            %parallel_loop3A_250 = arith.constant 0 : i32
            %parallel_loop3A_251 = arith.index_cast %parallel_loop3A_250 : i32 to index
            %parallel_loop3A_252 = arith.index_cast %parallel_loop3A_245 : i32 to index
            %parallel_loop3A_253 = tpu.vector_load %arg12[%parallel_loop3A_251, %parallel_loop3A_252] {strides = array<i32>} : memref<16x256xi32, #tpu.memory_space<vmem>>, vector<16xi32>,
            %parallel_loop3A_254 = vector.bitcast %parallel_loop3A_253 : vector<16xi32> to vector<32xbf16>
            %parallel_loop3A_255 = arith.maximumf %parallel_loop3A_249, %parallel_loop3A_254 : vector<32xbf16>
            %parallel_loop3A_256 = vector.bitcast %parallel_loop3A_255 : vector<32xbf16> to vector<16xi32>
            %parallel_loop3A_257 = arith.index_cast %parallel_loop3A_246 : i32 to index
            %parallel_loop3A_258 = tpu.vector_load %arg6[%parallel_loop3A_257] {strides = array<i32>} : memref<80384xi32, #tpu.memory_space<vmem>>, vector<16xi32>,
            tpu.vector_store %arg6[%parallel_loop3A_257], %parallel_loop3A_256 {strides = array<i32>} : memref<80384xi32, #tpu.memory_space<vmem>>, vector<16xi32>,
          } {sc.loop_unroll_factor = 4 : i64, sc.parallel_access}
          %slice3A_140 = vector.extract_strided_slice %get3A_133 {offsets = [1], sizes = [1], strides = [1]} : vector<16xi32> to vector<1xi32>
          %squeeze3A_141 = vector.extract %slice3A_140[0] : i32 from vector<1xi32>
          %mul3A_142 = arith.constant 256 : i32
          %mul3A_143 = arith.muli %squeeze3A_141, %mul3A_142 : i32
          %parallel_loop3A_144 = arith.constant 0 : i32
          %parallel_loop3A_145 = arith.constant 256 : i32
          %parallel_loop3A_146 = arith.constant 16 : i32
          scf.for %parallel_loop3A_245 = %parallel_loop3A_144 to %parallel_loop3A_145 step %parallel_loop3A_146  : i32 {
            %parallel_loop3A_246 = arith.addi %mul3A_143, %parallel_loop3A_245 : i32
            %parallel_loop3A_247 = arith.index_cast %parallel_loop3A_246 : i32 to index
            %parallel_loop3A_248 = tpu.vector_load %arg6[%parallel_loop3A_247] {strides = array<i32>} : memref<80384xi32, #tpu.memory_space<vmem>>, vector<16xi32>,
            %parallel_loop3A_249 = vector.bitcast %parallel_loop3A_248 : vector<16xi32> to vector<32xbf16>
            %parallel_loop3A_250 = arith.constant 1 : i32
            %parallel_loop3A_251 = arith.index_cast %parallel_loop3A_250 : i32 to index
            %parallel_loop3A_252 = arith.index_cast %parallel_loop3A_245 : i32 to index
            %parallel_loop3A_253 = tpu.vector_load %arg12[%parallel_loop3A_251, %parallel_loop3A_252] {strides = array<i32>} : memref<16x256xi32, #tpu.memory_space<vmem>>, vector<16xi32>,
            %parallel_loop3A_254 = vector.bitcast %parallel_loop3A_253 : vector<16xi32> to vector<32xbf16>
            %parallel_loop3A_255 = arith.maximumf %parallel_loop3A_249, %parallel_loop3A_254 : vector<32xbf16>
            %parallel_loop3A_256 = vector.bitcast %parallel_loop3A_255 : vector<32xbf16> to vector<16xi32>
            %parallel_loop3A_257 = arith.index_cast %parallel_loop3A_246 : i32 to index
            %parallel_loop3A_258 = tpu.vector_load %arg6[%parallel_loop3A_257] {strides = array<i32>} : memref<80384xi32, #tpu.memory_space<vmem>>, vector<16xi32>,
            tpu.vector_store %arg6[%parallel_loop3A_257], %parallel_loop3A_256 {strides = array<i32>} : memref<80384xi32, #tpu.memory_space<vmem>>, vector<16xi32>,
          } {sc.loop_unroll_factor = 4 : i64, sc.parallel_access}
          %slice3A_147 = vector.extract_strided_slice %get3A_133 {offsets = [2], sizes = [1], strides = [1]} : vector<16xi32> to vector<1xi32>
          %squeeze3A_148 = vector.extract %slice3A_147[0] : i32 from vector<1xi32>
          %mul3A_149 = arith.constant 256 : i32
          %mul3A_150 = arith.muli %squeeze3A_148, %mul3A_149 : i32
          %parallel_loop3A_151 = arith.constant 0 : i32
          %parallel_loop3A_152 = arith.constant 256 : i32
          %parallel_loop3A_153 = arith.constant 16 : i32
          scf.for %parallel_loop3A_245 = %parallel_loop3A_151 to %parallel_loop3A_152 step %parallel_loop3A_153  : i32 {
            %parallel_loop3A_246 = arith.addi %mul3A_150, %parallel_loop3A_245 : i32
            %parallel_loop3A_247 = arith.index_cast %parallel_loop3A_246 : i32 to index
            %parallel_loop3A_248 = tpu.vector_load %arg6[%parallel_loop3A_247] {strides = array<i32>} : memref<80384xi32, #tpu.memory_space<vmem>>, vector<16xi32>,
            %parallel_loop3A_249 = vector.bitcast %parallel_loop3A_248 : vector<16xi32> to vector<32xbf16>
            %parallel_loop3A_250 = arith.constant 2 : i32
            %parallel_loop3A_251 = arith.index_cast %parallel_loop3A_250 : i32 to index
            %parallel_loop3A_252 = arith.index_cast %parallel_loop3A_245 : i32 to index
            %parallel_loop3A_253 = tpu.vector_load %arg12[%parallel_loop3A_251, %parallel_loop3A_252] {strides = array<i32>} : memref<16x256xi32, #tpu.memory_space<vmem>>, vector<16xi32>,
            %parallel_loop3A_254 = vector.bitcast %parallel_loop3A_253 : vector<16xi32> to vector<32xbf16>
            %parallel_loop3A_255 = arith.maximumf %parallel_loop3A_249, %parallel_loop3A_254 : vector<32xbf16>
            %parallel_loop3A_256 = vector.bitcast %parallel_loop3A_255 : vector<32xbf16> to vector<16xi32>
            %parallel_loop3A_257 = arith.index_cast %parallel_loop3A_246 : i32 to index
            %parallel_loop3A_258 = tpu.vector_load %arg6[%parallel_loop3A_257] {strides = array<i32>} : memref<80384xi32, #tpu.memory_space<vmem>>, vector<16xi32>,
            tpu.vector_store %arg6[%parallel_loop3A_257], %parallel_loop3A_256 {strides = array<i32>} : memref<80384xi32, #tpu.memory_space<vmem>>, vector<16xi32>,
          } {sc.loop_unroll_factor = 4 : i64, sc.parallel_access}
          %slice3A_154 = vector.extract_strided_slice %get3A_133 {offsets = [3], sizes = [1], strides = [1]} : vector<16xi32> to vector<1xi32>
          %squeeze3A_155 = vector.extract %slice3A_154[0] : i32 from vector<1xi32>
          %mul3A_156 = arith.constant 256 : i32
          %mul3A_157 = arith.muli %squeeze3A_155, %mul3A_156 : i32
          %parallel_loop3A_158 = arith.constant 0 : i32
          %parallel_loop3A_159 = arith.constant 256 : i32
          %parallel_loop3A_160 = arith.constant 16 : i32
          scf.for %parallel_loop3A_245 = %parallel_loop3A_158 to %parallel_loop3A_159 step %parallel_loop3A_160  : i32 {
            %parallel_loop3A_246 = arith.addi %mul3A_157, %parallel_loop3A_245 : i32
            %parallel_loop3A_247 = arith.index_cast %parallel_loop3A_246 : i32 to index
            %parallel_loop3A_248 = tpu.vector_load %arg6[%parallel_loop3A_247] {strides = array<i32>} : memref<80384xi32, #tpu.memory_space<vmem>>, vector<16xi32>,
            %parallel_loop3A_249 = vector.bitcast %parallel_loop3A_248 : vector<16xi32> to vector<32xbf16>
            %parallel_loop3A_250 = arith.constant 3 : i32
            %parallel_loop3A_251 = arith.index_cast %parallel_loop3A_250 : i32 to index
            %parallel_loop3A_252 = arith.index_cast %parallel_loop3A_245 : i32 to index
            %parallel_loop3A_253 = tpu.vector_load %arg12[%parallel_loop3A_251, %parallel_loop3A_252] {strides = array<i32>} : memref<16x256xi32, #tpu.memory_space<vmem>>, vector<16xi32>,
            %parallel_loop3A_254 = vector.bitcast %parallel_loop3A_253 : vector<16xi32> to vector<32xbf16>
            %parallel_loop3A_255 = arith.maximumf %parallel_loop3A_249, %parallel_loop3A_254 : vector<32xbf16>
            %parallel_loop3A_256 = vector.bitcast %parallel_loop3A_255 : vector<32xbf16> to vector<16xi32>
            %parallel_loop3A_257 = arith.index_cast %parallel_loop3A_246 : i32 to index
            %parallel_loop3A_258 = tpu.vector_load %arg6[%parallel_loop3A_257] {strides = array<i32>} : memref<80384xi32, #tpu.memory_space<vmem>>, vector<16xi32>,
            tpu.vector_store %arg6[%parallel_loop3A_257], %parallel_loop3A_256 {strides = array<i32>} : memref<80384xi32, #tpu.memory_space<vmem>>, vector<16xi32>,
          } {sc.loop_unroll_factor = 4 : i64, sc.parallel_access}
          %slice3A_161 = vector.extract_strided_slice %get3A_133 {offsets = [4], sizes = [1], strides = [1]} : vector<16xi32> to vector<1xi32>
          %squeeze3A_162 = vector.extract %slice3A_161[0] : i32 from vector<1xi32>
          %mul3A_163 = arith.constant 256 : i32
          %mul3A_164 = arith.muli %squeeze3A_162, %mul3A_163 : i32
          %parallel_loop3A_165 = arith.constant 0 : i32
          %parallel_loop3A_166 = arith.constant 256 : i32
          %parallel_loop3A_167 = arith.constant 16 : i32
          scf.for %parallel_loop3A_245 = %parallel_loop3A_165 to %parallel_loop3A_166 step %parallel_loop3A_167  : i32 {
            %parallel_loop3A_246 = arith.addi %mul3A_164, %parallel_loop3A_245 : i32
            %parallel_loop3A_247 = arith.index_cast %parallel_loop3A_246 : i32 to index
            %parallel_loop3A_248 = tpu.vector_load %arg6[%parallel_loop3A_247] {strides = array<i32>} : memref<80384xi32, #tpu.memory_space<vmem>>, vector<16xi32>,
            %parallel_loop3A_249 = vector.bitcast %parallel_loop3A_248 : vector<16xi32> to vector<32xbf16>
            %parallel_loop3A_250 = arith.constant 4 : i32
            %parallel_loop3A_251 = arith.index_cast %parallel_loop3A_250 : i32 to index
            %parallel_loop3A_252 = arith.index_cast %parallel_loop3A_245 : i32 to index
            %parallel_loop3A_253 = tpu.vector_load %arg12[%parallel_loop3A_251, %parallel_loop3A_252] {strides = array<i32>} : memref<16x256xi32, #tpu.memory_space<vmem>>, vector<16xi32>,
            %parallel_loop3A_254 = vector.bitcast %parallel_loop3A_253 : vector<16xi32> to vector<32xbf16>
            %parallel_loop3A_255 = arith.maximumf %parallel_loop3A_249, %parallel_loop3A_254 : vector<32xbf16>
            %parallel_loop3A_256 = vector.bitcast %parallel_loop3A_255 : vector<32xbf16> to vector<16xi32>
            %parallel_loop3A_257 = arith.index_cast %parallel_loop3A_246 : i32 to index
            %parallel_loop3A_258 = tpu.vector_load %arg6[%parallel_loop3A_257] {strides = array<i32>} : memref<80384xi32, #tpu.memory_space<vmem>>, vector<16xi32>,
            tpu.vector_store %arg6[%parallel_loop3A_257], %parallel_loop3A_256 {strides = array<i32>} : memref<80384xi32, #tpu.memory_space<vmem>>, vector<16xi32>,
          } {sc.loop_unroll_factor = 4 : i64, sc.parallel_access}
          %slice3A_168 = vector.extract_strided_slice %get3A_133 {offsets = [5], sizes = [1], strides = [1]} : vector<16xi32> to vector<1xi32>
          %squeeze3A_169 = vector.extract %slice3A_168[0] : i32 from vector<1xi32>
          %mul3A_170 = arith.constant 256 : i32
          %mul3A_171 = arith.muli %squeeze3A_169, %mul3A_170 : i32
          %parallel_loop3A_172 = arith.constant 0 : i32
          %parallel_loop3A_173 = arith.constant 256 : i32
          %parallel_loop3A_174 = arith.constant 16 : i32
          scf.for %parallel_loop3A_245 = %parallel_loop3A_172 to %parallel_loop3A_173 step %parallel_loop3A_174  : i32 {
            %parallel_loop3A_246 = arith.addi %mul3A_171, %parallel_loop3A_245 : i32
            %parallel_loop3A_247 = arith.index_cast %parallel_loop3A_246 : i32 to index
            %parallel_loop3A_248 = tpu.vector_load %arg6[%parallel_loop3A_247] {strides = array<i32>} : memref<80384xi32, #tpu.memory_space<vmem>>, vector<16xi32>,
            %parallel_loop3A_249 = vector.bitcast %parallel_loop3A_248 : vector<16xi32> to vector<32xbf16>
            %parallel_loop3A_250 = arith.constant 5 : i32
            %parallel_loop3A_251 = arith.index_cast %parallel_loop3A_250 : i32 to index
            %parallel_loop3A_252 = arith.index_cast %parallel_loop3A_245 : i32 to index
            %parallel_loop3A_253 = tpu.vector_load %arg12[%parallel_loop3A_251, %parallel_loop3A_252] {strides = array<i32>} : memref<16x256xi32, #tpu.memory_space<vmem>>, vector<16xi32>,
            %parallel_loop3A_254 = vector.bitcast %parallel_loop3A_253 : vector<16xi32> to vector<32xbf16>
            %parallel_loop3A_255 = arith.maximumf %parallel_loop3A_249, %parallel_loop3A_254 : vector<32xbf16>
            %parallel_loop3A_256 = vector.bitcast %parallel_loop3A_255 : vector<32xbf16> to vector<16xi32>
            %parallel_loop3A_257 = arith.index_cast %parallel_loop3A_246 : i32 to index
            %parallel_loop3A_258 = tpu.vector_load %arg6[%parallel_loop3A_257] {strides = array<i32>} : memref<80384xi32, #tpu.memory_space<vmem>>, vector<16xi32>,
            tpu.vector_store %arg6[%parallel_loop3A_257], %parallel_loop3A_256 {strides = array<i32>} : memref<80384xi32, #tpu.memory_space<vmem>>, vector<16xi32>,
          } {sc.loop_unroll_factor = 4 : i64, sc.parallel_access}
          %slice3A_175 = vector.extract_strided_slice %get3A_133 {offsets = [6], sizes = [1], strides = [1]} : vector<16xi32> to vector<1xi32>
          %squeeze3A_176 = vector.extract %slice3A_175[0] : i32 from vector<1xi32>
          %mul3A_177 = arith.constant 256 : i32
          %mul3A_178 = arith.muli %squeeze3A_176, %mul3A_177 : i32
          %parallel_loop3A_179 = arith.constant 0 : i32
          %parallel_loop3A_180 = arith.constant 256 : i32
          %parallel_loop3A_181 = arith.constant 16 : i32
          scf.for %parallel_loop3A_245 = %parallel_loop3A_179 to %parallel_loop3A_180 step %parallel_loop3A_181  : i32 {
            %parallel_loop3A_246 = arith.addi %mul3A_178, %parallel_loop3A_245 : i32
            %parallel_loop3A_247 = arith.index_cast %parallel_loop3A_246 : i32 to index
            %parallel_loop3A_248 = tpu.vector_load %arg6[%parallel_loop3A_247] {strides = array<i32>} : memref<80384xi32, #tpu.memory_space<vmem>>, vector<16xi32>,
            %parallel_loop3A_249 = vector.bitcast %parallel_loop3A_248 : vector<16xi32> to vector<32xbf16>
            %parallel_loop3A_250 = arith.constant 6 : i32
            %parallel_loop3A_251 = arith.index_cast %parallel_loop3A_250 : i32 to index
            %parallel_loop3A_252 = arith.index_cast %parallel_loop3A_245 : i32 to index
            %parallel_loop3A_253 = tpu.vector_load %arg12[%parallel_loop3A_251, %parallel_loop3A_252] {strides = array<i32>} : memref<16x256xi32, #tpu.memory_space<vmem>>, vector<16xi32>,
            %parallel_loop3A_254 = vector.bitcast %parallel_loop3A_253 : vector<16xi32> to vector<32xbf16>
            %parallel_loop3A_255 = arith.maximumf %parallel_loop3A_249, %parallel_loop3A_254 : vector<32xbf16>
            %parallel_loop3A_256 = vector.bitcast %parallel_loop3A_255 : vector<32xbf16> to vector<16xi32>
            %parallel_loop3A_257 = arith.index_cast %parallel_loop3A_246 : i32 to index
            %parallel_loop3A_258 = tpu.vector_load %arg6[%parallel_loop3A_257] {strides = array<i32>} : memref<80384xi32, #tpu.memory_space<vmem>>, vector<16xi32>,
            tpu.vector_store %arg6[%parallel_loop3A_257], %parallel_loop3A_256 {strides = array<i32>} : memref<80384xi32, #tpu.memory_space<vmem>>, vector<16xi32>,
          } {sc.loop_unroll_factor = 4 : i64, sc.parallel_access}
          %slice3A_182 = vector.extract_strided_slice %get3A_133 {offsets = [7], sizes = [1], strides = [1]} : vector<16xi32> to vector<1xi32>
          %squeeze3A_183 = vector.extract %slice3A_182[0] : i32 from vector<1xi32>
          %mul3A_184 = arith.constant 256 : i32
          %mul3A_185 = arith.muli %squeeze3A_183, %mul3A_184 : i32
          %parallel_loop3A_186 = arith.constant 0 : i32
          %parallel_loop3A_187 = arith.constant 256 : i32
          %parallel_loop3A_188 = arith.constant 16 : i32
          scf.for %parallel_loop3A_245 = %parallel_loop3A_186 to %parallel_loop3A_187 step %parallel_loop3A_188  : i32 {
            %parallel_loop3A_246 = arith.addi %mul3A_185, %parallel_loop3A_245 : i32
            %parallel_loop3A_247 = arith.index_cast %parallel_loop3A_246 : i32 to index
            %parallel_loop3A_248 = tpu.vector_load %arg6[%parallel_loop3A_247] {strides = array<i32>} : memref<80384xi32, #tpu.memory_space<vmem>>, vector<16xi32>,
            %parallel_loop3A_249 = vector.bitcast %parallel_loop3A_248 : vector<16xi32> to vector<32xbf16>
            %parallel_loop3A_250 = arith.constant 7 : i32
            %parallel_loop3A_251 = arith.index_cast %parallel_loop3A_250 : i32 to index
            %parallel_loop3A_252 = arith.index_cast %parallel_loop3A_245 : i32 to index
            %parallel_loop3A_253 = tpu.vector_load %arg12[%parallel_loop3A_251, %parallel_loop3A_252] {strides = array<i32>} : memref<16x256xi32, #tpu.memory_space<vmem>>, vector<16xi32>,
            %parallel_loop3A_254 = vector.bitcast %parallel_loop3A_253 : vector<16xi32> to vector<32xbf16>
            %parallel_loop3A_255 = arith.maximumf %parallel_loop3A_249, %parallel_loop3A_254 : vector<32xbf16>
            %parallel_loop3A_256 = vector.bitcast %parallel_loop3A_255 : vector<32xbf16> to vector<16xi32>
            %parallel_loop3A_257 = arith.index_cast %parallel_loop3A_246 : i32 to index
            %parallel_loop3A_258 = tpu.vector_load %arg6[%parallel_loop3A_257] {strides = array<i32>} : memref<80384xi32, #tpu.memory_space<vmem>>, vector<16xi32>,
            tpu.vector_store %arg6[%parallel_loop3A_257], %parallel_loop3A_256 {strides = array<i32>} : memref<80384xi32, #tpu.memory_space<vmem>>, vector<16xi32>,
          } {sc.loop_unroll_factor = 4 : i64, sc.parallel_access}
          %slice3A_189 = vector.extract_strided_slice %get3A_133 {offsets = [8], sizes = [1], strides = [1]} : vector<16xi32> to vector<1xi32>
          %squeeze3A_190 = vector.extract %slice3A_189[0] : i32 from vector<1xi32>
          %mul3A_191 = arith.constant 256 : i32
          %mul3A_192 = arith.muli %squeeze3A_190, %mul3A_191 : i32
          %parallel_loop3A_193 = arith.constant 0 : i32
          %parallel_loop3A_194 = arith.constant 256 : i32
          %parallel_loop3A_195 = arith.constant 16 : i32
          scf.for %parallel_loop3A_245 = %parallel_loop3A_193 to %parallel_loop3A_194 step %parallel_loop3A_195  : i32 {
            %parallel_loop3A_246 = arith.addi %mul3A_192, %parallel_loop3A_245 : i32
            %parallel_loop3A_247 = arith.index_cast %parallel_loop3A_246 : i32 to index
            %parallel_loop3A_248 = tpu.vector_load %arg6[%parallel_loop3A_247] {strides = array<i32>} : memref<80384xi32, #tpu.memory_space<vmem>>, vector<16xi32>,
            %parallel_loop3A_249 = vector.bitcast %parallel_loop3A_248 : vector<16xi32> to vector<32xbf16>
            %parallel_loop3A_250 = arith.constant 8 : i32
            %parallel_loop3A_251 = arith.index_cast %parallel_loop3A_250 : i32 to index
            %parallel_loop3A_252 = arith.index_cast %parallel_loop3A_245 : i32 to index
            %parallel_loop3A_253 = tpu.vector_load %arg12[%parallel_loop3A_251, %parallel_loop3A_252] {strides = array<i32>} : memref<16x256xi32, #tpu.memory_space<vmem>>, vector<16xi32>,
            %parallel_loop3A_254 = vector.bitcast %parallel_loop3A_253 : vector<16xi32> to vector<32xbf16>
            %parallel_loop3A_255 = arith.maximumf %parallel_loop3A_249, %parallel_loop3A_254 : vector<32xbf16>
            %parallel_loop3A_256 = vector.bitcast %parallel_loop3A_255 : vector<32xbf16> to vector<16xi32>
            %parallel_loop3A_257 = arith.index_cast %parallel_loop3A_246 : i32 to index
            %parallel_loop3A_258 = tpu.vector_load %arg6[%parallel_loop3A_257] {strides = array<i32>} : memref<80384xi32, #tpu.memory_space<vmem>>, vector<16xi32>,
            tpu.vector_store %arg6[%parallel_loop3A_257], %parallel_loop3A_256 {strides = array<i32>} : memref<80384xi32, #tpu.memory_space<vmem>>, vector<16xi32>,
          } {sc.loop_unroll_factor = 4 : i64, sc.parallel_access}
          %slice3A_196 = vector.extract_strided_slice %get3A_133 {offsets = [9], sizes = [1], strides = [1]} : vector<16xi32> to vector<1xi32>
          %squeeze3A_197 = vector.extract %slice3A_196[0] : i32 from vector<1xi32>
          %mul3A_198 = arith.constant 256 : i32
          %mul3A_199 = arith.muli %squeeze3A_197, %mul3A_198 : i32
          %parallel_loop3A_200 = arith.constant 0 : i32
          %parallel_loop3A_201 = arith.constant 256 : i32
          %parallel_loop3A_202 = arith.constant 16 : i32
          scf.for %parallel_loop3A_245 = %parallel_loop3A_200 to %parallel_loop3A_201 step %parallel_loop3A_202  : i32 {
            %parallel_loop3A_246 = arith.addi %mul3A_199, %parallel_loop3A_245 : i32
            %parallel_loop3A_247 = arith.index_cast %parallel_loop3A_246 : i32 to index
            %parallel_loop3A_248 = tpu.vector_load %arg6[%parallel_loop3A_247] {strides = array<i32>} : memref<80384xi32, #tpu.memory_space<vmem>>, vector<16xi32>,
            %parallel_loop3A_249 = vector.bitcast %parallel_loop3A_248 : vector<16xi32> to vector<32xbf16>
            %parallel_loop3A_250 = arith.constant 9 : i32
            %parallel_loop3A_251 = arith.index_cast %parallel_loop3A_250 : i32 to index
            %parallel_loop3A_252 = arith.index_cast %parallel_loop3A_245 : i32 to index
            %parallel_loop3A_253 = tpu.vector_load %arg12[%parallel_loop3A_251, %parallel_loop3A_252] {strides = array<i32>} : memref<16x256xi32, #tpu.memory_space<vmem>>, vector<16xi32>,
            %parallel_loop3A_254 = vector.bitcast %parallel_loop3A_253 : vector<16xi32> to vector<32xbf16>
            %parallel_loop3A_255 = arith.maximumf %parallel_loop3A_249, %parallel_loop3A_254 : vector<32xbf16>
            %parallel_loop3A_256 = vector.bitcast %parallel_loop3A_255 : vector<32xbf16> to vector<16xi32>
            %parallel_loop3A_257 = arith.index_cast %parallel_loop3A_246 : i32 to index
            %parallel_loop3A_258 = tpu.vector_load %arg6[%parallel_loop3A_257] {strides = array<i32>} : memref<80384xi32, #tpu.memory_space<vmem>>, vector<16xi32>,
            tpu.vector_store %arg6[%parallel_loop3A_257], %parallel_loop3A_256 {strides = array<i32>} : memref<80384xi32, #tpu.memory_space<vmem>>, vector<16xi32>,
          } {sc.loop_unroll_factor = 4 : i64, sc.parallel_access}
          %slice3A_203 = vector.extract_strided_slice %get3A_133 {offsets = [10], sizes = [1], strides = [1]} : vector<16xi32> to vector<1xi32>
          %squeeze3A_204 = vector.extract %slice3A_203[0] : i32 from vector<1xi32>
          %mul3A_205 = arith.constant 256 : i32
          %mul3A_206 = arith.muli %squeeze3A_204, %mul3A_205 : i32
          %parallel_loop3A_207 = arith.constant 0 : i32
          %parallel_loop3A_208 = arith.constant 256 : i32
          %parallel_loop3A_209 = arith.constant 16 : i32
          scf.for %parallel_loop3A_245 = %parallel_loop3A_207 to %parallel_loop3A_208 step %parallel_loop3A_209  : i32 {
            %parallel_loop3A_246 = arith.addi %mul3A_206, %parallel_loop3A_245 : i32
            %parallel_loop3A_247 = arith.index_cast %parallel_loop3A_246 : i32 to index
            %parallel_loop3A_248 = tpu.vector_load %arg6[%parallel_loop3A_247] {strides = array<i32>} : memref<80384xi32, #tpu.memory_space<vmem>>, vector<16xi32>,
            %parallel_loop3A_249 = vector.bitcast %parallel_loop3A_248 : vector<16xi32> to vector<32xbf16>
            %parallel_loop3A_250 = arith.constant 10 : i32
            %parallel_loop3A_251 = arith.index_cast %parallel_loop3A_250 : i32 to index
            %parallel_loop3A_252 = arith.index_cast %parallel_loop3A_245 : i32 to index
            %parallel_loop3A_253 = tpu.vector_load %arg12[%parallel_loop3A_251, %parallel_loop3A_252] {strides = array<i32>} : memref<16x256xi32, #tpu.memory_space<vmem>>, vector<16xi32>,
            %parallel_loop3A_254 = vector.bitcast %parallel_loop3A_253 : vector<16xi32> to vector<32xbf16>
            %parallel_loop3A_255 = arith.maximumf %parallel_loop3A_249, %parallel_loop3A_254 : vector<32xbf16>
            %parallel_loop3A_256 = vector.bitcast %parallel_loop3A_255 : vector<32xbf16> to vector<16xi32>
            %parallel_loop3A_257 = arith.index_cast %parallel_loop3A_246 : i32 to index
            %parallel_loop3A_258 = tpu.vector_load %arg6[%parallel_loop3A_257] {strides = array<i32>} : memref<80384xi32, #tpu.memory_space<vmem>>, vector<16xi32>,
            tpu.vector_store %arg6[%parallel_loop3A_257], %parallel_loop3A_256 {strides = array<i32>} : memref<80384xi32, #tpu.memory_space<vmem>>, vector<16xi32>,
          } {sc.loop_unroll_factor = 4 : i64, sc.parallel_access}
          %slice3A_210 = vector.extract_strided_slice %get3A_133 {offsets = [11], sizes = [1], strides = [1]} : vector<16xi32> to vector<1xi32>
          %squeeze3A_211 = vector.extract %slice3A_210[0] : i32 from vector<1xi32>
          %mul3A_212 = arith.constant 256 : i32
          %mul3A_213 = arith.muli %squeeze3A_211, %mul3A_212 : i32
          %parallel_loop3A_214 = arith.constant 0 : i32
          %parallel_loop3A_215 = arith.constant 256 : i32
          %parallel_loop3A_216 = arith.constant 16 : i32
          scf.for %parallel_loop3A_245 = %parallel_loop3A_214 to %parallel_loop3A_215 step %parallel_loop3A_216  : i32 {
            %parallel_loop3A_246 = arith.addi %mul3A_213, %parallel_loop3A_245 : i32
            %parallel_loop3A_247 = arith.index_cast %parallel_loop3A_246 : i32 to index
            %parallel_loop3A_248 = tpu.vector_load %arg6[%parallel_loop3A_247] {strides = array<i32>} : memref<80384xi32, #tpu.memory_space<vmem>>, vector<16xi32>,
            %parallel_loop3A_249 = vector.bitcast %parallel_loop3A_248 : vector<16xi32> to vector<32xbf16>
            %parallel_loop3A_250 = arith.constant 11 : i32
            %parallel_loop3A_251 = arith.index_cast %parallel_loop3A_250 : i32 to index
            %parallel_loop3A_252 = arith.index_cast %parallel_loop3A_245 : i32 to index
            %parallel_loop3A_253 = tpu.vector_load %arg12[%parallel_loop3A_251, %parallel_loop3A_252] {strides = array<i32>} : memref<16x256xi32, #tpu.memory_space<vmem>>, vector<16xi32>,
            %parallel_loop3A_254 = vector.bitcast %parallel_loop3A_253 : vector<16xi32> to vector<32xbf16>
            %parallel_loop3A_255 = arith.maximumf %parallel_loop3A_249, %parallel_loop3A_254 : vector<32xbf16>
            %parallel_loop3A_256 = vector.bitcast %parallel_loop3A_255 : vector<32xbf16> to vector<16xi32>
            %parallel_loop3A_257 = arith.index_cast %parallel_loop3A_246 : i32 to index
            %parallel_loop3A_258 = tpu.vector_load %arg6[%parallel_loop3A_257] {strides = array<i32>} : memref<80384xi32, #tpu.memory_space<vmem>>, vector<16xi32>,
            tpu.vector_store %arg6[%parallel_loop3A_257], %parallel_loop3A_256 {strides = array<i32>} : memref<80384xi32, #tpu.memory_space<vmem>>, vector<16xi32>,
          } {sc.loop_unroll_factor = 4 : i64, sc.parallel_access}
          %slice3A_217 = vector.extract_strided_slice %get3A_133 {offsets = [12], sizes = [1], strides = [1]} : vector<16xi32> to vector<1xi32>
          %squeeze3A_218 = vector.extract %slice3A_217[0] : i32 from vector<1xi32>
          %mul3A_219 = arith.constant 256 : i32
          %mul3A_220 = arith.muli %squeeze3A_218, %mul3A_219 : i32
          %parallel_loop3A_221 = arith.constant 0 : i32
          %parallel_loop3A_222 = arith.constant 256 : i32
          %parallel_loop3A_223 = arith.constant 16 : i32
          scf.for %parallel_loop3A_245 = %parallel_loop3A_221 to %parallel_loop3A_222 step %parallel_loop3A_223  : i32 {
            %parallel_loop3A_246 = arith.addi %mul3A_220, %parallel_loop3A_245 : i32
            %parallel_loop3A_247 = arith.index_cast %parallel_loop3A_246 : i32 to index
            %parallel_loop3A_248 = tpu.vector_load %arg6[%parallel_loop3A_247] {strides = array<i32>} : memref<80384xi32, #tpu.memory_space<vmem>>, vector<16xi32>,
            %parallel_loop3A_249 = vector.bitcast %parallel_loop3A_248 : vector<16xi32> to vector<32xbf16>
            %parallel_loop3A_250 = arith.constant 12 : i32
            %parallel_loop3A_251 = arith.index_cast %parallel_loop3A_250 : i32 to index
            %parallel_loop3A_252 = arith.index_cast %parallel_loop3A_245 : i32 to index
            %parallel_loop3A_253 = tpu.vector_load %arg12[%parallel_loop3A_251, %parallel_loop3A_252] {strides = array<i32>} : memref<16x256xi32, #tpu.memory_space<vmem>>, vector<16xi32>,
            %parallel_loop3A_254 = vector.bitcast %parallel_loop3A_253 : vector<16xi32> to vector<32xbf16>
            %parallel_loop3A_255 = arith.maximumf %parallel_loop3A_249, %parallel_loop3A_254 : vector<32xbf16>
            %parallel_loop3A_256 = vector.bitcast %parallel_loop3A_255 : vector<32xbf16> to vector<16xi32>
            %parallel_loop3A_257 = arith.index_cast %parallel_loop3A_246 : i32 to index
            %parallel_loop3A_258 = tpu.vector_load %arg6[%parallel_loop3A_257] {strides = array<i32>} : memref<80384xi32, #tpu.memory_space<vmem>>, vector<16xi32>,
            tpu.vector_store %arg6[%parallel_loop3A_257], %parallel_loop3A_256 {strides = array<i32>} : memref<80384xi32, #tpu.memory_space<vmem>>, vector<16xi32>,
          } {sc.loop_unroll_factor = 4 : i64, sc.parallel_access}
          %slice3A_224 = vector.extract_strided_slice %get3A_133 {offsets = [13], sizes = [1], strides = [1]} : vector<16xi32> to vector<1xi32>
          %squeeze3A_225 = vector.extract %slice3A_224[0] : i32 from vector<1xi32>
          %mul3A_226 = arith.constant 256 : i32
          %mul3A_227 = arith.muli %squeeze3A_225, %mul3A_226 : i32
          %parallel_loop3A_228 = arith.constant 0 : i32
          %parallel_loop3A_229 = arith.constant 256 : i32
          %parallel_loop3A_230 = arith.constant 16 : i32
          scf.for %parallel_loop3A_245 = %parallel_loop3A_228 to %parallel_loop3A_229 step %parallel_loop3A_230  : i32 {
            %parallel_loop3A_246 = arith.addi %mul3A_227, %parallel_loop3A_245 : i32
            %parallel_loop3A_247 = arith.index_cast %parallel_loop3A_246 : i32 to index
            %parallel_loop3A_248 = tpu.vector_load %arg6[%parallel_loop3A_247] {strides = array<i32>} : memref<80384xi32, #tpu.memory_space<vmem>>, vector<16xi32>,
            %parallel_loop3A_249 = vector.bitcast %parallel_loop3A_248 : vector<16xi32> to vector<32xbf16>
            %parallel_loop3A_250 = arith.constant 13 : i32
            %parallel_loop3A_251 = arith.index_cast %parallel_loop3A_250 : i32 to index
            %parallel_loop3A_252 = arith.index_cast %parallel_loop3A_245 : i32 to index
            %parallel_loop3A_253 = tpu.vector_load %arg12[%parallel_loop3A_251, %parallel_loop3A_252] {strides = array<i32>} : memref<16x256xi32, #tpu.memory_space<vmem>>, vector<16xi32>,
            %parallel_loop3A_254 = vector.bitcast %parallel_loop3A_253 : vector<16xi32> to vector<32xbf16>
            %parallel_loop3A_255 = arith.maximumf %parallel_loop3A_249, %parallel_loop3A_254 : vector<32xbf16>
            %parallel_loop3A_256 = vector.bitcast %parallel_loop3A_255 : vector<32xbf16> to vector<16xi32>
            %parallel_loop3A_257 = arith.index_cast %parallel_loop3A_246 : i32 to index
            %parallel_loop3A_258 = tpu.vector_load %arg6[%parallel_loop3A_257] {strides = array<i32>} : memref<80384xi32, #tpu.memory_space<vmem>>, vector<16xi32>,
            tpu.vector_store %arg6[%parallel_loop3A_257], %parallel_loop3A_256 {strides = array<i32>} : memref<80384xi32, #tpu.memory_space<vmem>>, vector<16xi32>,
          } {sc.loop_unroll_factor = 4 : i64, sc.parallel_access}
          %slice3A_231 = vector.extract_strided_slice %get3A_133 {offsets = [14], sizes = [1], strides = [1]} : vector<16xi32> to vector<1xi32>
          %squeeze3A_232 = vector.extract %slice3A_231[0] : i32 from vector<1xi32>
          %mul3A_233 = arith.constant 256 : i32
          %mul3A_234 = arith.muli %squeeze3A_232, %mul3A_233 : i32
          %parallel_loop3A_235 = arith.constant 0 : i32
          %parallel_loop3A_236 = arith.constant 256 : i32
          %parallel_loop3A_237 = arith.constant 16 : i32
          scf.for %parallel_loop3A_245 = %parallel_loop3A_235 to %parallel_loop3A_236 step %parallel_loop3A_237  : i32 {
            %parallel_loop3A_246 = arith.addi %mul3A_234, %parallel_loop3A_245 : i32
            %parallel_loop3A_247 = arith.index_cast %parallel_loop3A_246 : i32 to index
            %parallel_loop3A_248 = tpu.vector_load %arg6[%parallel_loop3A_247] {strides = array<i32>} : memref<80384xi32, #tpu.memory_space<vmem>>, vector<16xi32>,
            %parallel_loop3A_249 = vector.bitcast %parallel_loop3A_248 : vector<16xi32> to vector<32xbf16>
            %parallel_loop3A_250 = arith.constant 14 : i32
            %parallel_loop3A_251 = arith.index_cast %parallel_loop3A_250 : i32 to index
            %parallel_loop3A_252 = arith.index_cast %parallel_loop3A_245 : i32 to index
            %parallel_loop3A_253 = tpu.vector_load %arg12[%parallel_loop3A_251, %parallel_loop3A_252] {strides = array<i32>} : memref<16x256xi32, #tpu.memory_space<vmem>>, vector<16xi32>,
            %parallel_loop3A_254 = vector.bitcast %parallel_loop3A_253 : vector<16xi32> to vector<32xbf16>
            %parallel_loop3A_255 = arith.maximumf %parallel_loop3A_249, %parallel_loop3A_254 : vector<32xbf16>
            %parallel_loop3A_256 = vector.bitcast %parallel_loop3A_255 : vector<32xbf16> to vector<16xi32>
            %parallel_loop3A_257 = arith.index_cast %parallel_loop3A_246 : i32 to index
            %parallel_loop3A_258 = tpu.vector_load %arg6[%parallel_loop3A_257] {strides = array<i32>} : memref<80384xi32, #tpu.memory_space<vmem>>, vector<16xi32>,
            tpu.vector_store %arg6[%parallel_loop3A_257], %parallel_loop3A_256 {strides = array<i32>} : memref<80384xi32, #tpu.memory_space<vmem>>, vector<16xi32>,
          } {sc.loop_unroll_factor = 4 : i64, sc.parallel_access}
          %slice3A_238 = vector.extract_strided_slice %get3A_133 {offsets = [15], sizes = [1], strides = [1]} : vector<16xi32> to vector<1xi32>
          %squeeze3A_239 = vector.extract %slice3A_238[0] : i32 from vector<1xi32>
          %mul3A_240 = arith.constant 256 : i32
          %mul3A_241 = arith.muli %squeeze3A_239, %mul3A_240 : i32
          %parallel_loop3A_242 = arith.constant 0 : i32
          %parallel_loop3A_243 = arith.constant 256 : i32
          %parallel_loop3A_244 = arith.constant 16 : i32
          scf.for %parallel_loop3A_245 = %parallel_loop3A_242 to %parallel_loop3A_243 step %parallel_loop3A_244  : i32 {
            %parallel_loop3A_246 = arith.addi %mul3A_241, %parallel_loop3A_245 : i32
            %parallel_loop3A_247 = arith.index_cast %parallel_loop3A_246 : i32 to index
            %parallel_loop3A_248 = tpu.vector_load %arg6[%parallel_loop3A_247] {strides = array<i32>} : memref<80384xi32, #tpu.memory_space<vmem>>, vector<16xi32>,
            %parallel_loop3A_249 = vector.bitcast %parallel_loop3A_248 : vector<16xi32> to vector<32xbf16>
            %parallel_loop3A_250 = arith.constant 15 : i32
            %parallel_loop3A_251 = arith.index_cast %parallel_loop3A_250 : i32 to index
            %parallel_loop3A_252 = arith.index_cast %parallel_loop3A_245 : i32 to index
            %parallel_loop3A_253 = tpu.vector_load %arg12[%parallel_loop3A_251, %parallel_loop3A_252] {strides = array<i32>} : memref<16x256xi32, #tpu.memory_space<vmem>>, vector<16xi32>,
            %parallel_loop3A_254 = vector.bitcast %parallel_loop3A_253 : vector<16xi32> to vector<32xbf16>
            %parallel_loop3A_255 = arith.maximumf %parallel_loop3A_249, %parallel_loop3A_254 : vector<32xbf16>
            %parallel_loop3A_256 = vector.bitcast %parallel_loop3A_255 : vector<32xbf16> to vector<16xi32>
            %parallel_loop3A_257 = arith.index_cast %parallel_loop3A_246 : i32 to index
            %parallel_loop3A_258 = tpu.vector_load %arg6[%parallel_loop3A_257] {strides = array<i32>} : memref<80384xi32, #tpu.memory_space<vmem>>, vector<16xi32>,
            tpu.vector_store %arg6[%parallel_loop3A_257], %parallel_loop3A_256 {strides = array<i32>} : memref<80384xi32, #tpu.memory_space<vmem>>, vector<16xi32>,
          } {sc.loop_unroll_factor = 4 : i64, sc.parallel_access}
        } else {
        }
        %while3A_117 = arith.constant 0 : i32
        scf.yield %while3A_117 : i32
      }
      %scan3A_99 = arith.constant 0 : i32
      scf.yield %scan3A_99 : i32
    }
    %scan3A_15 = arith.constant 20 : i32
    %mul3A_16 = arith.constant 256 : i32
    %mul3A_17 = arith.muli %mul3A_2, %mul3A_16 : i32
    "tpu.region"() ({
      %run_scoped3A = tpu.sem_alloc : memref<!tpu.dma_semaphore, #tpu.memory_space<semaphore_mem>>
      %dma_start3A = arith.constant 0 : i32
      %dma_start3A_18 = tpu.memref_slice %arg6[%dma_start3A] : memref<80384xi32, #tpu.memory_space<vmem>> -> memref<80128xi32, #tpu.memory_space<vmem>>
      %dma_start3A_19 = tpu.memref_slice %arg5[%mul3A_17] : memref<2564096xi32, #tpu.memory_space<hbm>> -> memref<80128xi32, #tpu.memory_space<hbm>>
      %dma_start3A_20 = tpu.memref_slice %arg5[%mul3A_17] : memref<2564096xi32, #tpu.memory_space<hbm>> -> memref<80128xi32, #tpu.memory_space<hbm>>
      %dma_start3A_21 = arith.constant 0 : i32
      %dma_start3A_22 = tpu.memref_slice %arg6[%dma_start3A_21] : memref<80384xi32, #tpu.memory_space<vmem>> -> memref<80128xi32, #tpu.memory_space<vmem>>
      tpu.enqueue_dma source(%dma_start3A_22 : memref<80128xi32, #tpu.memory_space<vmem>>) target(%dma_start3A_20 : memref<80128xi32, #tpu.memory_space<hbm>>) target_semaphore(%run_scoped3A : memref<!tpu.dma_semaphore, #tpu.memory_space<semaphore_mem>>)
      %dma_wait3A = arith.constant 0 : i32
      %dma_wait3A_23 = tpu.memref_slice %arg6[%dma_wait3A] : memref<80384xi32, #tpu.memory_space<vmem>> -> memref<80128xi32, #tpu.memory_space<vmem>>
      %dma_wait3A_24 = tpu.memref_slice %arg5[%mul3A_17] : memref<2564096xi32, #tpu.memory_space<hbm>> -> memref<80128xi32, #tpu.memory_space<hbm>>
      %dma_wait3A_25 = tpu.memref_slice %arg5[%mul3A_17] : memref<2564096xi32, #tpu.memory_space<hbm>> -> memref<80128xi32, #tpu.memory_space<hbm>>
      %dma_wait3A_26 = arith.constant 0 : i32
      %dma_wait3A_27 = tpu.memref_slice %arg6[%dma_wait3A_26] : memref<80384xi32, #tpu.memory_space<vmem>> -> memref<80128xi32, #tpu.memory_space<vmem>>
      tpu.wait_dma2 semaphore(%run_scoped3A : memref<!tpu.dma_semaphore, #tpu.memory_space<semaphore_mem>>) src(%dma_wait3A_27 : memref<80128xi32, #tpu.memory_space<vmem>>) dst(%dma_wait3A_25 : memref<80128xi32, #tpu.memory_space<hbm>>)
      tpu.yield
    }) : () -> ()
    return
  }
}

module attributes {stable_mosaic.version = 14 : i64} {
  func.func @_ab_body(%arg0: i32, %arg1: memref<400x256xf32, #tpu.memory_space<vmem>>, %arg2: memref<512x512xf32, #tpu.memory_space<vmem>>, %arg3: memref<1x512xf32, #tpu.memory_space<vmem>>, %arg4: memref<400x512xf32, #tpu.memory_space<vmem>>, %arg5: memref<400x512xbf16, #tpu.memory_space<vmem>>) attributes {dimension_semantics = [#tpu.dimension_semantics<arbitrary>], iteration_bounds = array<i64: 25>, scalar_prefetch = 0 : i64, scratch_operands = 0 : i64, tpu.core_type = #tpu.core_type<tc>, window_params = [{transform_indices = @transform_0, window_bounds = array<i64: 400, 256>}, {pipeline_mode = #tpu.pipeline_mode<synchronous>, transform_indices = @transform_1, window_bounds = array<i64: 512, 512>}, {pipeline_mode = #tpu.pipeline_mode<synchronous>, transform_indices = @transform_2, window_bounds = array<i64: 1, 512>}, {transform_indices = @transform_3, window_bounds = array<i64: 400, 512>}, {transform_indices = @transform_4, window_bounds = array<i64: 400, 512>}]} {
    %get3A = arith.constant 0 : index
    %get3A_0 = arith.constant 0 : index
    %get3A_1 = vector.load %arg1[%get3A, %get3A_0] : memref<400x256xf32, #tpu.memory_space<vmem>>, vector<400x256xf32>
    %get3A_2 = arith.constant 0 : index
    %get3A_3 = arith.constant 0 : index
    %get3A_4 = vector.load %arg2[%get3A_2, %get3A_3] : memref<512x512xf32, #tpu.memory_space<vmem>>, vector<512x512xf32>
    %slice3A = vector.extract_strided_slice %get3A_4 {offsets = [0, 0], sizes = [256, 512], strides = [1, 1]} : vector<512x512xf32> to vector<256x512xf32>
    %slice3A_5 = vector.extract_strided_slice %get3A_4 {offsets = [256, 0], sizes = [256, 512], strides = [1, 1]} : vector<512x512xf32> to vector<256x512xf32>
    %dot_general3A = arith.constant dense<0.000000e+00> : vector<400x512xf32>
    %dot_general3A_6 = tpu.matmul %get3A_1, %slice3A_5, %dot_general3A {dimension_numbers = #tpu.dot_dimension_numbers<[1], [0], [0], [1], [0, 0, 1, 1], [], []>, transpose_lhs_hint = false} : vector<400x256xf32>, vector<256x512xf32>, vector<400x512xf32> -> vector<400x512xf32>
    %sub3A = arith.subf %slice3A, %slice3A_5 : vector<256x512xf32>
    %dot_general3A_7 = arith.constant dense<0.000000e+00> : vector<400x512xf32>
    %dot_general3A_8 = tpu.matmul %get3A_1, %sub3A, %dot_general3A_7 {dimension_numbers = #tpu.dot_dimension_numbers<[1], [0], [0], [1], [0, 0, 1, 1], [], []>, transpose_lhs_hint = false} : vector<400x256xf32>, vector<256x512xf32>, vector<400x512xf32> -> vector<400x512xf32>
    %get3A_9 = arith.constant 0 : index
    %get3A_10 = arith.constant 0 : index
    %get3A_11 = vector.load %arg3[%get3A_9, %get3A_10] : memref<1x512xf32, #tpu.memory_space<vmem>>, vector<1x512xf32>
    %add3A = vector.broadcast %get3A_11 : vector<1x512xf32> to vector<400x512xf32>
    %add3A_12 = arith.addf %dot_general3A_8, %add3A : vector<400x512xf32>
    %swap3A = arith.constant 0 : index
    %swap3A_13 = arith.constant 0 : index
    %swap3A_14 = vector.load %arg4[%swap3A, %swap3A_13] : memref<400x512xf32, #tpu.memory_space<vmem>>, vector<400x512xf32>
    tpu.vector_store %arg4[%swap3A, %swap3A_13], %add3A_12 {strides = array<i32>} : memref<400x512xf32, #tpu.memory_space<vmem>>, vector<400x512xf32>,
    %convert_element_type3A = arith.truncf %dot_general3A_6 : vector<400x512xf32> to vector<400x512xbf16>
    %swap3A_15 = arith.constant 0 : index
    %swap3A_16 = arith.constant 0 : index
    %swap3A_17 = vector.load %arg5[%swap3A_15, %swap3A_16] : memref<400x512xbf16, #tpu.memory_space<vmem>>, vector<400x512xbf16>
    tpu.vector_store %arg5[%swap3A_15, %swap3A_16], %convert_element_type3A {strides = array<i32>} : memref<400x512xbf16, #tpu.memory_space<vmem>>, vector<400x512xbf16>,
    return
  }
  func.func @transform_0(%arg0: i32) -> (i32, i32) {
    %c0_i32 = arith.constant 0 : i32
    %c0_i32_0 = arith.constant 0 : i32
    return %arg0, %c0_i32 : i32, i32
  }
  func.func @transform_1(%arg0: i32) -> (i32, i32) {
    %c0_i32 = arith.constant 0 : i32
    %c0_i32_0 = arith.constant 0 : i32
    %c0_i32_1 = arith.constant 0 : i32
    return %c0_i32, %c0_i32_0 : i32, i32
  }
  func.func @transform_2(%arg0: i32) -> (i32, i32) {
    %c0_i32 = arith.constant 0 : i32
    %c0_i32_0 = arith.constant 0 : i32
    %c0_i32_1 = arith.constant 0 : i32
    return %c0_i32, %c0_i32_0 : i32, i32
  }
  func.func @transform_3(%arg0: i32) -> (i32, i32) {
    %c0_i32 = arith.constant 0 : i32
    %c0_i32_0 = arith.constant 0 : i32
    return %arg0, %c0_i32 : i32, i32
  }
  func.func @transform_4(%arg0: i32) -> (i32, i32) {
    %c0_i32 = arith.constant 0 : i32
    %c0_i32_0 = arith.constant 0 : i32
    return %arg0, %c0_i32 : i32, i32
  }
}

module attributes {stable_mosaic.version = 14 : i64} {
  func.func @_mlp_body(%arg0: i32, %arg1: memref<400x512xf32, #tpu.memory_space<vmem>>, %arg2: memref<400x512xbf16, #tpu.memory_space<vmem>>, %arg3: memref<512x512xf32, #tpu.memory_space<vmem>>, %arg4: memref<1x512xf32, #tpu.memory_space<vmem>>, %arg5: memref<1x512xf32, #tpu.memory_space<vmem>>, %arg6: memref<1x512xf32, #tpu.memory_space<vmem>>, %arg7: memref<512x256xf32, #tpu.memory_space<vmem>>, %arg8: memref<1x256xf32, #tpu.memory_space<vmem>>, %arg9: memref<400x256xf32, #tpu.memory_space<vmem>>) attributes {dimension_semantics = [#tpu.dimension_semantics<arbitrary>], iteration_bounds = array<i64: 25>, scalar_prefetch = 0 : i64, scratch_operands = 0 : i64, tpu.core_type = #tpu.core_type<tc>, window_params = [{transform_indices = @transform_0, window_bounds = array<i64: 400, 512>}, {transform_indices = @transform_1, window_bounds = array<i64: 400, 512>}, {pipeline_mode = #tpu.pipeline_mode<synchronous>, transform_indices = @transform_2, window_bounds = array<i64: 512, 512>}, {pipeline_mode = #tpu.pipeline_mode<synchronous>, transform_indices = @transform_3, window_bounds = array<i64: 1, 512>}, {pipeline_mode = #tpu.pipeline_mode<synchronous>, transform_indices = @transform_4, window_bounds = array<i64: 1, 512>}, {pipeline_mode = #tpu.pipeline_mode<synchronous>, transform_indices = @transform_5, window_bounds = array<i64: 1, 512>}, {pipeline_mode = #tpu.pipeline_mode<synchronous>, transform_indices = @transform_6, window_bounds = array<i64: 512, 256>}, {pipeline_mode = #tpu.pipeline_mode<synchronous>, transform_indices = @transform_7, window_bounds = array<i64: 1, 256>}, {transform_indices = @transform_8, window_bounds = array<i64: 400, 256>}]} {
    %get3A = arith.constant 0 : index
    %get3A_0 = arith.constant 0 : index
    %get3A_1 = vector.load %arg2[%get3A, %get3A_0] : memref<400x512xbf16, #tpu.memory_space<vmem>>, vector<400x512xbf16>
    %convert_element_type3A = arith.extf %get3A_1 : vector<400x512xbf16> to vector<400x512xf32>
    %eq3A = arith.constant 0xFF800000 : f32
    %eq3A_2 = vector.broadcast %eq3A : f32 to vector<400x512xf32>
    %eq3A_3 = arith.cmpf oeq, %convert_element_type3A, %eq3A_2 : vector<400x512xf32>
    %get3A_4 = arith.constant 0 : index
    %get3A_5 = arith.constant 0 : index
    %get3A_6 = vector.load %arg1[%get3A_4, %get3A_5] : memref<400x512xf32, #tpu.memory_space<vmem>>, vector<400x512xf32>
    %add3A = arith.addf %get3A_6, %convert_element_type3A : vector<400x512xf32>
    %jit3A = arith.constant 0.000000e+00 : f32
    %broadcast_in_dim3A = vector.broadcast %jit3A : f32 to vector<400x512xf32>
    %select_n3A = arith.select %eq3A_3, %broadcast_in_dim3A, %add3A : vector<400x512xi1>, vector<400x512xf32>
    %get3A_7 = arith.constant 0 : index
    %get3A_8 = arith.constant 0 : index
    %get3A_9 = vector.load %arg3[%get3A_7, %get3A_8] : memref<512x512xf32, #tpu.memory_space<vmem>>, vector<512x512xf32>
    %dot_general3A = arith.constant dense<0.000000e+00> : vector<400x512xf32>
    %dot_general3A_10 = tpu.matmul %select_n3A, %get3A_9, %dot_general3A {dimension_numbers = #tpu.dot_dimension_numbers<[1], [0], [0], [1], [0, 0, 1, 1], [], []>, transpose_lhs_hint = false} : vector<400x512xf32>, vector<512x512xf32>, vector<400x512xf32> -> vector<400x512xf32>
    %get3A_11 = arith.constant 0 : index
    %get3A_12 = arith.constant 0 : index
    %get3A_13 = vector.load %arg4[%get3A_11, %get3A_12] : memref<1x512xf32, #tpu.memory_space<vmem>>, vector<1x512xf32>
    %add3A_14 = vector.broadcast %get3A_13 : vector<1x512xf32> to vector<400x512xf32>
    %add3A_15 = arith.addf %dot_general3A_10, %add3A_14 : vector<400x512xf32>
    %get3A_16 = arith.constant 0 : index
    %get3A_17 = arith.constant 0 : index
    %get3A_18 = vector.load %arg5[%get3A_16, %get3A_17] : memref<1x512xf32, #tpu.memory_space<vmem>>, vector<1x512xf32>
    %sqrt3A = arith.constant 1.000010e+00 : f32
    %sqrt3A_19 = math.sqrt %sqrt3A : f32
    %div3A = vector.broadcast %sqrt3A_19 : f32 to vector<1x512xf32>
    %div3A_20 = arith.divf %get3A_18, %div3A : vector<1x512xf32>
    %mul3A = vector.broadcast %div3A_20 : vector<1x512xf32> to vector<400x512xf32>
    %mul3A_21 = arith.mulf %add3A_15, %mul3A : vector<400x512xf32>
    %get3A_22 = arith.constant 0 : index
    %get3A_23 = arith.constant 0 : index
    %get3A_24 = vector.load %arg6[%get3A_22, %get3A_23] : memref<1x512xf32, #tpu.memory_space<vmem>>, vector<1x512xf32>
    %add3A_25 = vector.broadcast %get3A_24 : vector<1x512xf32> to vector<400x512xf32>
    %add3A_26 = arith.addf %mul3A_21, %add3A_25 : vector<400x512xf32>
    %max3A = arith.constant 0.000000e+00 : f32
    %max3A_27 = vector.broadcast %max3A : f32 to vector<400x512xf32>
    %max3A_28 = arith.maximumf %add3A_26, %max3A_27 : vector<400x512xf32>
    %get3A_29 = arith.constant 0 : index
    %get3A_30 = arith.constant 0 : index
    %get3A_31 = vector.load %arg7[%get3A_29, %get3A_30] : memref<512x256xf32, #tpu.memory_space<vmem>>, vector<512x256xf32>
    %dot_general3A_32 = arith.constant dense<0.000000e+00> : vector<400x256xf32>
    %dot_general3A_33 = tpu.matmul %max3A_28, %get3A_31, %dot_general3A_32 {dimension_numbers = #tpu.dot_dimension_numbers<[1], [0], [0], [1], [0, 0, 1, 1], [], []>, transpose_lhs_hint = false} : vector<400x512xf32>, vector<512x256xf32>, vector<400x256xf32> -> vector<400x256xf32>
    %get3A_34 = arith.constant 0 : index
    %get3A_35 = arith.constant 0 : index
    %get3A_36 = vector.load %arg8[%get3A_34, %get3A_35] : memref<1x256xf32, #tpu.memory_space<vmem>>, vector<1x256xf32>
    %add3A_37 = vector.broadcast %get3A_36 : vector<1x256xf32> to vector<400x256xf32>
    %add3A_38 = arith.addf %dot_general3A_33, %add3A_37 : vector<400x256xf32>
    %swap3A = arith.constant 0 : index
    %swap3A_39 = arith.constant 0 : index
    %swap3A_40 = vector.load %arg9[%swap3A, %swap3A_39] : memref<400x256xf32, #tpu.memory_space<vmem>>, vector<400x256xf32>
    tpu.vector_store %arg9[%swap3A, %swap3A_39], %add3A_38 {strides = array<i32>} : memref<400x256xf32, #tpu.memory_space<vmem>>, vector<400x256xf32>,
    return
  }
  func.func @transform_0(%arg0: i32) -> (i32, i32) {
    %c0_i32 = arith.constant 0 : i32
    %c0_i32_0 = arith.constant 0 : i32
    return %arg0, %c0_i32 : i32, i32
  }
  func.func @transform_1(%arg0: i32) -> (i32, i32) {
    %c0_i32 = arith.constant 0 : i32
    %c0_i32_0 = arith.constant 0 : i32
    return %arg0, %c0_i32 : i32, i32
  }
  func.func @transform_2(%arg0: i32) -> (i32, i32) {
    %c0_i32 = arith.constant 0 : i32
    %c0_i32_0 = arith.constant 0 : i32
    %c0_i32_1 = arith.constant 0 : i32
    return %c0_i32, %c0_i32_0 : i32, i32
  }
  func.func @transform_3(%arg0: i32) -> (i32, i32) {
    %c0_i32 = arith.constant 0 : i32
    %c0_i32_0 = arith.constant 0 : i32
    %c0_i32_1 = arith.constant 0 : i32
    return %c0_i32, %c0_i32_0 : i32, i32
  }
  func.func @transform_4(%arg0: i32) -> (i32, i32) {
    %c0_i32 = arith.constant 0 : i32
    %c0_i32_0 = arith.constant 0 : i32
    %c0_i32_1 = arith.constant 0 : i32
    return %c0_i32, %c0_i32_0 : i32, i32
  }
  func.func @transform_5(%arg0: i32) -> (i32, i32) {
    %c0_i32 = arith.constant 0 : i32
    %c0_i32_0 = arith.constant 0 : i32
    %c0_i32_1 = arith.constant 0 : i32
    return %c0_i32, %c0_i32_0 : i32, i32
  }
  func.func @transform_6(%arg0: i32) -> (i32, i32) {
    %c0_i32 = arith.constant 0 : i32
    %c0_i32_0 = arith.constant 0 : i32
    %c0_i32_1 = arith.constant 0 : i32
    return %c0_i32, %c0_i32_0 : i32, i32
  }
  func.func @transform_7(%arg0: i32) -> (i32, i32) {
    %c0_i32 = arith.constant 0 : i32
    %c0_i32_0 = arith.constant 0 : i32
    %c0_i32_1 = arith.constant 0 : i32
    return %c0_i32, %c0_i32_0 : i32, i32
  }
  func.func @transform_8(%arg0: i32) -> (i32, i32) {
    %c0_i32 = arith.constant 0 : i32
    %c0_i32_0 = arith.constant 0 : i32
    return %arg0, %c0_i32 : i32, i32
  }
}

</mosaic_0001>

<sc_bundles>
// kernel: kernel.5.cloned.1.call-start
scs
__scs_entry_jumppad:
0x0: {  	(pc) =	sbr.rel $0x88, $3  }
0x1: {  	(tag) =	ssettag $0x0;
	lr =	simm.s32 $0x1  }
0x2: {  	[smem:$0x3F97] =	sst lr;
	_ =	strace $0xD0000000  }
0x3: {  	_ = 	snop  }
0x4: {  	_ = 	snop  }
0x5: {  	_ = 	snop  }
0x6: {  	_ = 	snop  }
0x7: {  	_ = 	snop  }
__scs_overlays_trampoline_lowered:
0x8: {  	[smem:$0x3FA6] =	sst s0  }
0x9: {  	[smem:$0x3FA7] =	sst s1  }
0xa: {  	[smem:$0x3FA8] =	sst s2  }
0xb: {  	[smem:$0x3FA9] =	sst s3  }
0xc: {  	[smem:$0x3FAA] =	sst s4  }
0xd: {  	[smem:$0x3FAB] =	sst s5  }
0xe: {  	[smem:$0x3FAC] =	sst s6  }
0xf: {  	[smem:$0x3FAD] =	sst s7  }
0x10: {  	[smem:$0x3FAE] =	sst s8  }
0x11: {  	[smem:$0x3FAF] =	sst s9;
	s0 =	simm.s32 @!p0 $0x0  }
0x12: {  	s1 =	sld [smem:$0x3F95];
	s0 =	simm.s32 @p0 $0x1  }
0x13: {  	[smem:$0x3FB0] =	sst s0;
	s0 =	simm.s32 @!p1 $0x0  }
0x14: {  	s2 =	sld [smem:$0x3F94];
	s0 =	simm.s32 @p1 $0x1  }
0x15: {  	[smem:$0x3FB1] =	sst s0;
	s0 =	simm.s32 @!p2 $0x0  }
0x16: {  	s3 =	sld [smem:$0x3FDB];
	s0 =	simm.s32 @p2 $0x1  }
0x17: {  	s4 =	simm.s32 $0x1BF5;
	[smem:$0x3FB3] =	sst s0  }
0x18: {  	s0 =	sld [smem:$0x3F96];
	_ =	swait.ge [sflag:s4], $0x0  }
0x19: {  	s7 =	sld [smem:$0x3F97]  }
0x1a: {  	s8 =	sadd.s32 $0xFFFFE003, lr  }
0x1b: {  	s9 =	sadd.s32 $0xFFFFFEF7, lr;
	s5 =	simm.s32 $0xFFFFFFFF;
	p2 =	slt.u32 s8, $0xFFFFF086  }
0x1c: {  	p1 =	slt.u32 s9, $0xF7A;
	s5 =	simm.s32 @!p2 $0x0  }
0x1d: {  	s5 =	simm.s32 @p1 $0x1;
	p0 =	seq.s32 s7, s2  }
0x1e: {  	s7 =	smul.u32 @!p0 $0xF7A, s2;
	p2 =	seq.s32 @!p0 s5, $0x0  }
0x1f: {  	s9 =	smul.u32 $0xF7A, s1;
	s8 =	simm.s32 @!p0 $0x1BF5;
	p2 =	por !p2, p0  }
0x20: {  	[sflag:s8] =	ssyncset.s32 @!p0 $0xFFFFF086;
	s6 =	sadd.s32 @!p0 s3, s7;
	s7 =	simm.s32 @!p0 $0x108  }
0x21: {  	s3 =	sadd.s32 s3, s9;
	s6 =	sadd.s32 @!p0 $0x88, s6;
	s7 =	simm.s32 @p2 $0x1082  }
0x22: {  	[simem:s7], [sflag:s8] =	dma.local @!p0 [hbm:s6], $0xF7A  }
0x23: {  	s9 =	sor.u32 $0xD0000000, s2;
	s6 =	simm.s32 $0x108;
	_ =	swait.ge @!p0 [sflag:s8], $0x0  }
0x24: {  	s3 =	sadd.s32 $0x88, s3;
	s6 =	simm.s32 @!p1 $0x1082;
	[sflag:s4] =	ssyncset.s32 $0xFFFFF086  }
0x25: {  	[simem:s6], [sflag:s4] =	dma.local [hbm:s3], $0xF7A  }
0x26: {  	[smem:$0x3F97] =	sst s1;
	(tag) =	ssettag s2;
	_ =	strace s9  }
0x27: {  	s1 =	sld [smem:$0x3FA7]  }
0x28: {  	s2 =	sld [smem:$0x3FA8]  }
0x29: {  	s4 =	sld [smem:$0x3FAA]  }
0x2a: {  	p0 =	seq.s32 s5, $0x0;
	s5 =	sld [smem:$0x3FAB]  }
0x2b: {  	s6 =	sld [smem:$0x3FAC]  }
0x2c: {  	s7 =	sld [smem:$0x3FAD]  }
0x2d: {  	s3 =	simm.s32 $0x108;
	s8 =	sld [smem:$0x3FAE]  }
0x2e: {  	s3 =	simm.s32 @!p0 $0x1082;
	s9 =	sld [smem:$0x3FAF]  }
0x2f: {  	lr =	sadd.s32 s0, s3;
	s0 =	sld [smem:$0x3FA6]  }
0x30: {  	s3 =	sld [smem:$0x3FA9]  }
0x31: {  	[smem:$0x3FB2] =	sst s10  }
0x32: {  	s10 =	sld [smem:$0x3FB0];
	_ =	sdelay $0x3  }
0x33: {  	p0 =	seq.s32 s10, $0x1;
	s10 =	sld [smem:$0x3FB2];
	_ =	sdelay $0x3  }
0x34: {  	[smem:$0x3FB2] =	sst s10  }
0x35: {  	s10 =	sld [smem:$0x3FB1];
	_ =	sdelay $0x3  }
0x36: {  	p1 =	seq.s32 s10, $0x1;
	s10 =	sld [smem:$0x3FB2];
	_ =	sdelay $0x3  }
0x37: {  	[smem:$0x3FB2] =	sst s10  }
0x38: {  	s10 =	sld [smem:$0x3FB3]  }
0x39: {  	_ = 	snop;
	(pc) =	sbr.ind lr, $3  }
0x3a: {  	_ = 	snop  }
0x3b: {  	_ = 	snop  }
0x3c: {  	p2 =	seq.s32 s10, $0x1;
	s10 =	sld [smem:$0x3FB2]  }
0x3d: {  	_ =	shalt  }
0x3e: {  	_ =	shalt  }
0x3f: {  	_ =	shalt  }
0x40: {  	_ =	shalt  }
0x41: {  	_ =	shalt  }
0x42: {  	_ =	shalt  }
0x43: {  	_ =	shalt  }
0x44: {  	_ =	shalt  }
0x45: {  	_ =	shalt  }
0x46: {  	_ =	shalt  }
0x47: {  	_ =	shalt  }
0x48: {  	_ =	shalt  }
0x49: {  	_ =	shalt  }
0x4a: {  	_ =	shalt  }
0x4b: {  	_ =	shalt  }
0x4c: {  	_ =	shalt  }
0x4d: {  	_ =	shalt  }
0x4e: {  	_ =	shalt  }
0x4f: {  	_ =	shalt  }
0x50: {  	_ =	shalt  }
0x51: {  	_ =	shalt  }
0x52: {  	_ =	shalt  }
0x53: {  	_ =	shalt  }
0x54: {  	_ =	shalt  }
0x55: {  	_ =	shalt  }
0x56: {  	_ =	shalt  }
0x57: {  	_ =	shalt  }
0x58: {  	_ =	shalt  }
0x59: {  	_ =	shalt  }
0x5a: {  	_ =	shalt  }
0x5b: {  	_ =	shalt  }
0x5c: {  	_ =	shalt  }
0x5d: {  	_ =	shalt  }
0x5e: {  	_ =	shalt  }
0x5f: {  	_ =	shalt  }
0x60: {  	_ =	shalt  }
0x61: {  	_ =	shalt  }
0x62: {  	_ =	shalt  }
0x63: {  	_ =	shalt  }
0x64: {  	_ =	shalt  }
0x65: {  	_ =	shalt  }
0x66: {  	_ =	shalt  }
0x67: {  	_ =	shalt  }
0x68: {  	_ =	shalt  }
0x69: {  	_ =	shalt  }
0x6a: {  	_ =	shalt  }
0x6b: {  	_ =	shalt  }
0x6c: {  	_ =	shalt  }
0x6d: {  	_ =	shalt  }
0x6e: {  	_ =	shalt  }
0x6f: {  	_ =	shalt  }
0x70: {  	_ =	shalt  }
0x71: {  	_ =	shalt  }
0x72: {  	_ =	shalt  }
0x73: {  	_ =	shalt  }
0x74: {  	_ =	shalt  }
0x75: {  	_ =	shalt  }
0x76: {  	_ =	shalt  }
0x77: {  	_ =	shalt  }
0x78: {  	_ =	shalt  }
0x79: {  	_ =	shalt  }
0x7a: {  	_ =	shalt  }
0x7b: {  	_ =	shalt  }
0x7c: {  	_ =	shalt  }
0x7d: {  	_ =	shalt  }
0x7e: {  	_ =	shalt  }
0x7f: {  	_ =	shalt  }
0x80: {  	_ =	shalt  }
0x81: {  	_ =	shalt  }
0x82: {  	_ =	shalt  }
0x83: {  	_ =	shalt  }
0x84: {  	_ =	shalt  }
0x85: {  	_ =	shalt  }
0x86: {  	_ =	shalt  }
0x87: {  	_ =	shalt  }
.Lfunc_end0:
.L_simem_size_0:
called_computation_lowered:
.L_overlay_start_0:
0x88: {  	s2 =	sld [smem:$0x3FD9]  }
0x89: {  	s3 =	sld [smem:$0x3FFE];
	_ =	sdelay $0x1  }
0x8a: {  	s1 =	srdreg.scid  }
0x8b: {  	s0 =	sand.u32 $0x1, s1  }
0x8c: {  	s17 =	sshll.u32 s0, $0xA;
	s2 =	sadd.s32 s3, s2  }
0x8d: {  	s2 =	sadd.s32 s2, s17  }
0x8e: {  	[smem:$0x3FBE] =	sst s2  }
0x8f: {  	_ = 	snop  }
0x90: {  	s2 =	sld [smem:$0x3FD0];
	(tm) =	ssettm $0x1  }
0x91: {  	s18 =	sld [smem:$0x3FFB];
	_ =	sdelay $0x3  }
0x92: {  	_ =	strace s18  }
0x93: {  	s3 =	sld [smem:$0x3FFC];
	_ =	sdelay $0x3  }
0x94: {  	_ =	strace s3  }
0x95: {  	s3 =	sld [smem:$0x3FFD];
	_ =	sdelay $0x3  }
0x96: {  	_ =	strace s3  }
0x97: {  	_ =	strace $0x8FFFFFFF  }
0x98: {  	s19 =	sld [smem:$0x3FDB];
	_ =	sdelay $0x1  }
0x99: {  	s4 =	simm.s32 $_scs_section_size  }
0x9a: {  	s5 =	simm.s32 $_size__tile_overlayer_lowered;
	s6 =	simm.s32 $_tile_overlayer_lowered  }
0x9b: {  	s22 =	simm.s32 $0x1BFF;
	s21 =	sshll.u32 s6, $0x1;
	s3 =	sadd.s32 s4, s19  }
0x9c: {  	s7 =	simm.s32 $0x0;
	s20 =	sshll.u32 s5, $0x1;
	s5 =	sadd.s32 s21, s3  }
0x9d: {  	[timem:s7], [sflag:s22] =	dma.local [hbm:s5], s20  }
0x9e: {  	_ =	swait.ge [sflag:s22], s20  }
0x9f: {  	s4 =	ssub.s32 $0x0, s20;
	[sflag:s22] =	ssyncset.done $0x0  }
0xa0: {  	[sflag:s22] =	ssyncadd.s32 s4;
	_ =	sdelay $0x1  }
0xa1: {  	s23 =	simm.s32 $0x1B8B  }
0xa2: {  	_ =	swait.ge [sflag:s23], $0x1  }
0xa3: {  	[sflag:s23] =	ssyncset.done $0x0  }
0xa4: {  	s25 =	simm.s32 $0x1B8E;
	s24 =	sld [smem:$0x3FFE];
	[sflag:s23] =	ssyncadd.s32 $0xFFFFFFFF  }
0xa5: {  	s26 =	simm.s32 $execute0_lowered;
	[smem:$0x3FD2] =	sst s25  }
0xa6: {  	s5 =	sshll.u32 s26, $0x1;
	_ =	strace $0x80000046;
	[dreg:$0x1] =	wrdreg $0xFFFFFFFF  }
0xa7: {  	s28 =	simm.s32 $_size_execute0_lowered;
	s3 =	sadd.s32 s3, s5;
	[dreg:$0x0] =	wrdreg $0x0  }
0xa8: {  	s5 =	sshll.u32 s28, $0x1;
	[dreg:$0x2] =	wrdreg s3  }
0xa9: {  	[dreg:$0x3] =	wrdreg s5  }
0xaa: {  	[dreg:$0x4] =	wrdreg $0xC0  }
0xab: {  	_ =	task [dreg:s7], $0x5FFFF  }
0xac: {  	[dreg:$0x1] =	wrdreg $0xFFFFFFFF  }
0xad: {  	[dreg:$0x0] =	wrdreg $0x60  }
0xae: {  	[dreg:$0x2] =	wrdreg s24  }
0xaf: {  	[dreg:$0x3] =	wrdreg s2  }
0xb0: {  	[dreg:$0x4] =	wrdreg $0x9  }
0xb1: {  	_ =	task.clear_ibuf [dreg:s7], $0x5FFFF;
	_ =	strace $0x90000046  }
0xb2: {  	s29 =	simm.s32 $0x9;
	_ =	strace $0x80000048  }
0xb3: {  	_ =	swait.ge [sflag:s29], $0x1  }
0xb4: {  	[sflag:s29] =	ssyncadd.s32 $0xFFFFFFFF  }
0xb5: {  	_ =	strace $0x90000048  }
0xb6: {  	_ =	sfence  }
0xb7: {  	s30 =	sld [smem:$0x0];
	_ =	sdelay $0x2  }
0xb8: {  	s31 =	sshll.u32 s1, $0xD;
	s1 =	sshrl.u32 s1, $0x2  }
0xb9: {  	s3 =	sand.u32 $0x4000, s31;
	s1 =	sadd.s32 s1, s30  }
0xba: {  	s0 =	sor.u32 s3, s0;
	s1 =	sshll.u32 s1, $0x11  }
0xbb: {  	s0 =	sor.u32 s1, s0  }
0xbc: {  	s0 =	sadd.s32 $0x8F2B, s0  }
0xbd: {  	[sflag:s0] =	ssyncadd.remote.s32 $0x1  }
0xbe: {  	_ =	sfence.sel $0xFFFF  }
0xbf: {  	[dreg:$0x0] =	wrdreg $0xFFFFFFFF;
	(pc) =	sbr.abs _section_cstart, $3  }
0xc0: {  	[dreg:$0x1] =	wrdreg $0xFFFFFFFF  }
0xc1: {  	_ =	task.clear_ibuf [dreg:s7], $0x2FFFF;
	_ =	strace $0x9FFFFFFF  }
0xc2: {  	(tm) =	ssettm $0x7FFFFFFF  }
0xc3: {  	_ =	shalt  }
tec
execute0_lowered:
.L_overlay_start_1:
0x0: {  	(tag) =	ssettag $0x1  }
0x1: {  	s0 =	rddreg [dreg:$0x0];
	s1 =	srdreg.scid  }
0x2: {  	s3 =	stileid.u32;
	s2 =	rddreg [dreg:$0x1]  }
0x3: {  	s4 =	simm.s32 $0x0;
	s9 =	simm.s32 $0x3;
	s11 =	simm.s32 $0x19880  }
0x4: {  	s12 =	simm.s32 $0x17900;
	s1 =	sand.u32 $0x1, s1;
	s3 =	sshll.u32 s3, $0x1  }
0x5: {  	s13 =	simm.s32 $0x1;
	[smem:$0x7FF] =	sst s4;
	s3 =	sor.u32 s1, s3  }
0x6: {  	s29 =	sadd.s32 $0xA2000, s0;
	s1 =	ssub.s32 $0x2, s1;
	s6 =	smul.u32 $0x2720, s3  }
.Ltmp0:
0x7: {  	s5 =	sadd.s32 $0x9D000, s0;
	s30 =	sshrl.u32 s1, $0x1;
	(pc) =	sbr.rel .LBB2_1-.Ltmp0, $4  }
0x8: {  	_ =	strace $0x80000047;
	[dreg:$0x3] =	wrdreg s29;
	s1 =	ssub.s32 s1, s30  }
0x9: {  	s3 =	smul.u32 $0x139, s3;
	s0 =	sadd.s32 s6, s0;
	s31 =	smax.u32 s1, $0x1  }
0xa: {  	v1 =	vimm.s32 $0xFF80FF80;
	s14 =	simm.s32 $0x2;
	s0 =	sadd.s32 $0xA7000, s0;
	[dreg:$0x5] =	wrdreg s31  }
0xb: {  	v2 =	vimm.s32 $0x0;
	v3 =	vimm.s32 $0x139;
	s16 =	simm.s32 $0x0;
	v0 =	vmov s3;
	s1 =	simm.s32 $0x0;
	[dreg:$0x4] =	wrdreg s0  }
.LBB2_77:
0xc: {  	s0 =	simm.s32 $0x0;
	s1 =	rddreg [dreg:$0x4]  }
0xd: {  	[hbm4b:s1+s0] =	stream.linear.scatter [tilespmem:s0], [sflag:$0x3], $0x13900, $0x38;
	[tilespmem:$0x1D800] =	vst v63  }
0xe: {  	_ =	swait.ge [sflag:s9], $0x13900  }
0xf: {  	s30 =	rddreg [dreg:$0x6]  }
0x10: {  	s31 =	rddreg [dreg:$0x5];
	s1 =	sadd.s32 $0x1, s30  }
0x11: {  	p0 =	sne.s32 s1, s31  }
.Ltmp1:
0x12: {  	_ = 	snop;
	(pc) =	sbr.rel @!p0 .LBB2_78-.Ltmp1, $3  }
0x13: {  	_ =	sdelay $0x1  }
0x14: {  	[sflag:s9] =	ssyncset.done $0x0  }
0x15: {  	[sflag:s9] =	ssyncadd.s32 $0xFFFEC700  }
.LBB2_1:
0x16: {  	[dreg:$0x6] =	wrdreg s1;
	s0 =	simm.s32 $0x40;
	s1 =	simm.s32 $0x0  }
.LBB2_2:
0x17: {  	p0 =	sne.s32 s0, $0x4E3C0;
	[tilespmem:s1+$0x0] =	vst v1;
	s1 =	smov.u32 s0;
	s0 =	sadd.s32 $0x40, s0  }
.Ltmp2:
0x18: {  	(pc) =	sbr.rel @p0 .LBB2_2-.Ltmp2, $2  }
0x19: {  	_ =	sdelay $0x2  }
0x1a: {  	s1 =	sshra.s32 s1, $0x2  }
.Ltmp3:
0x1b: {  	(pc) =	sbr.rel .LBB2_4-.Ltmp3, $2  }
0x1c: {  	_ =	sdelay $0x2  }
0x1d: {  	[tilespmem:s1+$0x0] =	vst v1;
	s17 =	simm.s32 $0x0  }
.LBB2_76:
0x1e: {  	s17 =	sadd.s32 $0x1, s17  }
0x1f: {  	p0 =	sne.s32 s17, $0x14  }
.Ltmp4:
0x20: {  	_ = 	snop;
	(pc) =	sbr.rel @!p0 .LBB2_77-.Ltmp4, $1  }
0x21: {  	_ =	sdelay $0x3  }
.LBB2_4:
0x22: {  	s0 =	smul.u32 $0x3E8, s17  }
0x23: {  	s1 =	rddreg [dreg:$0x3]  }
0x24: {  	s3 =	simm.s32 $0x13A00;
	s1 =	sadd.s32 s1, s0  }
0x25: {  	[tilespmem:s3], [sflag:$0x3] =	stream.linear.gather [hbm4b:s1+s16], $0x1F40, $0x38;
	[tilespmem:$0x1D800] =	vst v63  }
0x26: {  	_ =	swait.ge [sflag:s9], $0x1F40  }
0x27: {  	[sflag:s9] =	ssyncset.done $0x0  }
0x28: {  	s31 =	simm.s32 $0x15980;
	s0 =	sadd.s32 s5, s0;
	[sflag:s9] =	ssyncadd.s32 $0xFFFFE0C0  }
0x29: {  	[tilespmem:s31], [sflag:$0x3] =	stream.linear.gather [hbm4b:s0+s16], $0x1F40, $0x38;
	[tilespmem:$0x1D800] =	vst v63  }
0x2a: {  	_ =	swait.ge [sflag:s9], $0x1F40  }
0x2b: {  	[sflag:s9] =	ssyncset.done $0x0  }
0x2c: {  	v4 =	vimm.s32 $0x0;
	s1 =	simm.s32 $0x0;
	[sflag:s9] =	ssyncadd.s32 $0xFFFFE0C0  }
.LBB2_5:
0x2d: {  	s0 =	sshra.s32 s1, $0x2  }
0x2e: {  	v5 =	vld [tilespmem:s0+$0x15980];
	_ =	sdelay $0x4  }
0x2f: {  	v5 =	vsub.s32 v5, v0  }
0x30: {  	vm0 =	vlt.u32 v5, $0x139  }
0x31: {  	v6 =	vsel vm0, $0x1, v2  }
0x32: {  	(xrf0) =	vadd.scan.msk.s32 $0xffff, v6;
	_ =	sdelay $0x5  }
0x33: {  	v6, _, _ =	vpop (xrf0)  }
0x34: {  	v6 =	vadd.s32 v6, v4  }
0x35: {  	v6 =	vadd.s32 $0xFFFFFFFF, v6  }
0x36: {  	v7 =	vld [tilespmem:s0+$0x13A00];
	_ =	sdelay $0x3  }
0x37: {  	[tilespmem:v6+s11+$0x0] =	vst.idx.msk vm0, v5  }
0x38: {  	[tilespmem:v6+s12+$0x0] =	vst.idx.msk vm0, v7  }
0x39: {  	v5 =	vld [tilespmem:s0+$0x15990];
	_ =	sdelay $0x4  }
0x3a: {  	v5 =	vsub.s32 v5, v0  }
0x3b: {  	vm1 =	vlt.u32 v5, $0x139  }
0x3c: {  	v6 =	vsel vm1, $0x1, v2  }
0x3d: {  	(xrf0) =	vadd.scan.msk.s32 $0xffff, v6;
	_ =	sdelay $0x1  }
0x3e: {  	v6 =	vmpcnt.ones.xlane vm0;
	_ =	sdelay $0x3  }
0x3f: {  	v4 =	vadd.s32 v4, v6;
	v6, _, _ =	vpop (xrf0)  }
0x40: {  	v6 =	vadd.s32 v6, v4  }
0x41: {  	v6 =	vadd.s32 $0xFFFFFFFF, v6  }
0x42: {  	v7 =	vld [tilespmem:s0+$0x13A10];
	_ =	sdelay $0x3  }
0x43: {  	[tilespmem:v6+s11+$0x0] =	vst.idx.msk vm1, v5  }
0x44: {  	[tilespmem:v6+s12+$0x0] =	vst.idx.msk vm1, v7  }
0x45: {  	v5 =	vld [tilespmem:s0+$0x159A0];
	_ =	sdelay $0x4  }
0x46: {  	v5 =	vsub.s32 v5, v0  }
0x47: {  	vm14 =	vlt.u32 v5, $0x139  }
0x48: {  	v6 =	vsel vm14, $0x1, v2  }
0x49: {  	(xrf0) =	vadd.scan.msk.s32 $0xffff, v6;
	_ =	sdelay $0x1  }
0x4a: {  	v6 =	vmpcnt.ones.xlane vm1;
	_ =	sdelay $0x3  }
0x4b: {  	v4 =	vadd.s32 v4, v6;
	v6, _, _ =	vpop (xrf0)  }
0x4c: {  	v6 =	vadd.s32 v6, v4  }
0x4d: {  	v6 =	vadd.s32 $0xFFFFFFFF, v6  }
0x4e: {  	v7 =	vld [tilespmem:s0+$0x13A20];
	_ =	sdelay $0x3  }
0x4f: {  	[tilespmem:v6+s11+$0x0] =	vst.idx.msk vm14, v5  }
0x50: {  	[tilespmem:v6+s12+$0x0] =	vst.idx.msk vm14, v7  }
0x51: {  	v5 =	vld [tilespmem:s0+$0x159B0];
	_ =	sdelay $0x4  }
0x52: {  	v5 =	vsub.s32 v5, v0  }
0x53: {  	vm15 =	vlt.u32 v5, $0x139  }
0x54: {  	v6 =	vsel vm15, $0x1, v2  }
0x55: {  	(xrf0) =	vadd.scan.msk.s32 $0xffff, v6;
	_ =	sdelay $0x1  }
0x56: {  	v6 =	vmpcnt.ones.xlane vm14;
	_ =	sdelay $0x3  }
0x57: {  	v4 =	vadd.s32 v4, v6;
	v6, _, _ =	vpop (xrf0)  }
0x58: {  	v6 =	vadd.s32 v6, v4  }
0x59: {  	v6 =	vadd.s32 $0xFFFFFFFF, v6  }
0x5a: {  	p0 =	sne.s32 s1, $0x7C00;
	v7 =	vld [tilespmem:s0+$0x13A30]  }
.Ltmp5:
0x5b: {  	_ = 	snop;
	(pc) =	sbr.rel @p0 .LBB2_5-.Ltmp5, $4  }
0x5c: {  	_ = 	snop  }
0x5d: {  	v8 =	vmpcnt.ones.xlane vm15  }
0x5e: {  	[tilespmem:v6+s11+$0x0] =	vst.idx.msk vm15, v5  }
0x5f: {  	s1 =	sadd.s32 $0x100, s1;
	v4 =	vadd.s32 v4, v8;
	[tilespmem:v6+s12+$0x0] =	vst.idx.msk vm15, v7  }
0x60: {  	(v2sf) =	vpush v4, $0x0;
	_ =	sdelay $0xe  }
0x61: {  	s0 =	spop (v2sf)  }
0x62: {  	s1 =	sadd.s32 $0xF, s0  }
0x63: {  	s3 =	sand.u32 $0xF, s1  }
0x64: {  	s28 =	sshra.s32 s1, $0x1F;
	p1 =	slt.s32 s1, $0x1;
	p0 =	sne.s32 s3, $0x0  }
0x65: {  	s3 =	sshrl.u32 s28, $0x1C;
	p0 =	por !p1, !p0  }
0x66: {  	s1 =	sadd.s32 s3, s1;
	s3 =	simm.s32 $0x1;
	p0 =	por !p0, !p0  }
0x67: {  	s1 =	sshra.s32 s1, $0x4;
	s3 =	simm.s32 @!p0 $0x0  }
0x68: {  	[tilespmem:s0+$0x17900] =	vst v2;
	s18 =	ssub.s32 s1, s3  }
0x69: {  	[tilespmem:s0+$0x19880] =	vst v3;
	p0 =	slt.s32 s18, $0x1  }
0x6a: {  	v4 =	vld @!p0 [tilespmem:$0x17900];
	_ =	sdelay $0x4  }
0x6b: {  	v5 =	vshll.u32 @!p0 v4, $0x1  }
0x6c: {  	v6 =	vlaneseq.u32 @!p0;
	v4 =	vand.u32 @!p0 $0x7, v4;
	v5 =	vand.u32 @!p0 $0xFFFFFFF0, v5  }
0x6d: {  	v7 =	vshrl.u32 @!p0 v6, $0x3;
	v4 =	vor.u32 @!p0 v4, v5;
	v5 =	vand.u32 @!p0 $0x7, v6  }
0x6e: {  	v7 =	vmul.u32 @!p0 $0x8, v7;
	v5 =	vperm.xlane @!p0 v4, v5  }
0x6f: {  	v6 =	vor.u32 @!p0 $0x8, v6  }
0x70: {  	v4 =	vperm.xlane @!p0 v4, v6;
	v5 =	vadd.s32 @!p0 v7, v5;
	_ =	sdelay $0x1  }
0x71: {  	v4 =	vadd.s32 @!p0 v7, v4  }
0x72: {  	s29 =	sadd.s32 $0x1, s18  }
0x73: {  	vm0 =	vmmov @!p0 $0xffff;
	s0 =	simm.s32 @!p0 $0x0;
	s1 =	simm.s32 @!p0 $0x1B800;
	s30 =	sand.u32 $0x1, s29  }
0x74: {  	[tilespmem:s1], [sflag:$0x1] =	stream.indirect_vreg.gather @!p0 [hbm4b:s2+s0], $0x80, v5, vm0, $0xb8;
	[tilespmem:$0x1D800] =	vst v63  }
0x75: {  	p5 =	slt.s32 s18, $0x0;
	p6 =	seq.s32 s30, $0x1;
	s1 =	simm.s32 @!p0 $0x1C000  }
0x76: {  	[tilespmem:s1], [sflag:$0x1] =	stream.indirect_vreg.gather @!p0 [hbm4b:s2+s0], $0x80, v4, vm0, $0xb8;
	[tilespmem:$0x1D800] =	vst v63  }
0x77: {  	s31 =	sshrl.u32 s29, $0x1F;
	p0 =	por !p5, !p6  }
0x78: {  	s0 =	sadd.s32 s31, s29;
	s1 =	simm.s32 $0x1;
	p0 =	por !p0, !p0  }
0x79: {  	s0 =	sshra.s32 s0, $0x1;
	s1 =	simm.s32 @!p0 $0x0  }
0x7a: {  	s19 =	ssub.s32 s0, s1  }
0x7b: {  	p0 =	slt.s32 s19, $0x1  }
.Ltmp6:
0x7c: {  	_ = 	snop;
	(pc) =	sbr.rel @!p0 .LBB2_7-.Ltmp6, $4  }
.Ltmp7:
0x7d: {  	_ = 	snop;
	(pc) =	sbr.rel @p0 .LBB2_76-.Ltmp7, $4  }
0x7e: {  	_ = 	snop  }
0x7f: {  	_ = 	snop  }
0x80: {  	s20 =	simm.s32 $0x0  }
0x81: {  	_ = 	snop  }
.LBB2_74:
0x82: {  	v10 =	vld [tilespmem:s28+$0x0]  }
0x83: {  	v11 =	vld [tilespmem:s1+$0x0]  }
0x84: {  	v12 =	vld [tilespmem:s0+$0x0];
	_ =	sdelay $0x1  }
0x85: {  	[tilespmem:s22+$0x0] =	vst v9;
	v6 =	vmax.bf16 v6, v7  }
0x86: {  	[tilespmem:s26+$0x0] =	vst v6;
	v63 =	vmax.bf16 v10, v8  }
0x87: {  	v4 =	vmax.bf16 v4, v11;
	[tilespmem:s28+$0x0] =	vst v63  }
0x88: {  	v5 =	vmax.bf16 v12, v5;
	[tilespmem:s23+$0x0] =	vst v4  }
0x89: {  	[tilespmem:s0+$0x0] =	vst v5  }
.LBB2_75:
0x8a: {  	s20 =	sadd.s32 $0x1, s20  }
0x8b: {  	p0 =	sne.s32 s20, s19  }
.Ltmp8:
0x8c: {  	_ = 	snop;
	(pc) =	sbr.rel @!p0 .LBB2_76-.Ltmp8, $1  }
0x8d: {  	_ =	sdelay $0x3  }
.LBB2_7:
0x8e: {  	s22 =	sshll.u32 s20, $0x1  }
0x8f: {  	p0 =	slt.s32 s22, s18  }
.Ltmp9:
0x90: {  	_ = 	snop;
	(pc) =	sbr.rel @!p0 .LBB2_41-.Ltmp9, $2  }
0x91: {  	_ =	sdelay $0x2  }
0x92: {  	s21 =	sor.u32 $0x1, s22  }
0x93: {  	s21 =	sor.u32 $0x1, s22  }
0x94: {  	_ =	swait.ge [sflag:s13], $0x1000;
	p0 =	sge.s32 s21, s18  }
0x95: {  	[sflag:s13] =	ssyncset.done $0x0;
	s0 =	sshll.u32 @!p0 s21, $0x6  }
0x96: {  	[sflag:s13] =	ssyncadd.s32 $0xFFFFF000;
	s0 =	sshra.s32 @!p0 s0, $0x2  }
0x97: {  	v4 =	vld @!p0 [tilespmem:s0+$0x17900];
	_ =	sdelay $0x4  }
0x98: {  	v5 =	vshll.u32 @!p0 v4, $0x1  }
0x99: {  	v6 =	vlaneseq.u32 @!p0;
	v4 =	vand.u32 @!p0 $0x7, v4;
	v5 =	vand.u32 @!p0 $0xFFFFFFF0, v5  }
0x9a: {  	v7 =	vshrl.u32 @!p0 v6, $0x3;
	v4 =	vor.u32 @!p0 v4, v5;
	v5 =	vand.u32 @!p0 $0x7, v6  }
0x9b: {  	v7 =	vmul.u32 @!p0 $0x8, v7;
	v5 =	vperm.xlane @!p0 v4, v5  }
0x9c: {  	v6 =	vor.u32 @!p0 $0x8, v6  }
0x9d: {  	v4 =	vperm.xlane @!p0 v4, v6;
	v5 =	vadd.s32 @!p0 v7, v5;
	_ =	sdelay $0x1  }
0x9e: {  	v4 =	vadd.s32 @!p0 v7, v4;
	_ =	sdelay $0x1  }
0x9f: {  	vm0 =	vmmov @!p0 $0xffff;
	s1 =	simm.s32 @!p0 $0x1C800;
	s0 =	simm.s32 @!p0 $0x0  }
0xa0: {  	[tilespmem:s1], [sflag:$0x2] =	stream.indirect_vreg.gather @!p0 [hbm4b:s2+s0], $0x80, v5, vm0, $0xb8;
	[tilespmem:$0x1D800] =	vst v63  }
0xa1: {  	s23 =	sshll.u32 s20, $0x7;
	s1 =	simm.s32 @!p0 $0x1D000  }
0xa2: {  	[tilespmem:s1], [sflag:$0x2] =	stream.indirect_vreg.gather @!p0 [hbm4b:s2+s0], $0x80, v4, vm0, $0xb8;
	[tilespmem:$0x1D800] =	vst v63  }
0xa3: {  	s0 =	sshra.s32 s23, $0x2  }
0xa4: {  	v4 =	vld [tilespmem:s0+$0x19880];
	_ =	sdelay $0x4  }
0xa5: {  	(v2sf) =	vpush v4, $0x0;
	_ =	sdelay $0xe  }
0xa6: {  	s24 =	spop (v2sf)  }
0xa7: {  	s25 =	simm.s32 $0x0;
	s0 =	sshll.u32 s24, $0xA  }
0xa8: {  	s3 =	sand.u32 $0x80, s25;
	s23 =	sshra.s32 s0, $0x2  }
0xa9: {  	s26 =	simm.s32 $0x0;
	s1 =	sand.u32 $0x40, s25;
	s3 =	sadd.s32 s3, s23  }
0xaa: {  	s8 =	sor.u32 $0x20, s1;
	s0 =	sand.u32 $0x400, s26;
	s6 =	sadd.s32 s1, s3  }
0xab: {  	s0 =	sor.u32 $0x1B800, s0;
	s30 =	sadd.s32 s8, s3;
	v8 =	vld [tilespmem:s6+$0x0]  }
0xac: {  	s4 =	sor.u32 $0x10, s1;
	s8 =	sor.u32 s8, s0;
	v6 =	vld [tilespmem:s30+$0x0]  }
0xad: {  	s7 =	sor.u32 $0x30, s1;
	s24 =	sor.u32 s4, s0;
	v7 =	vld [tilespmem:s8+$0x0]  }
0xae: {  	s25 =	sadd.s32 s7, s3;
	s3 =	sadd.s32 s4, s3;
	v10 =	vld [tilespmem:s24+$0x0]  }
0xaf: {  	s26 =	simm.s32 $0x40;
	s15 =	sor.u32 s7, s0;
	s0 =	sor.u32 s1, s0;
	v11 =	vld [tilespmem:s3+$0x0]  }
0xb0: {  	s28 =	simm.s32 $0x200;
	s10 =	sand.u32 $0x80, s26;
	v12 =	vld [tilespmem:s0+$0x0]  }
0xb1: {  	s7 =	sand.u32 $0x40, s26;
	v9 =	vld [tilespmem:s15+$0x0];
	s15 =	sand.u32 $0x400, s28;
	s0 =	sadd.s32 s10, s23  }
0xb2: {  	v13 =	vld [tilespmem:s25+$0x0];
	s8 =	sor.u32 $0x30, s7;
	s24 =	sadd.s32 s7, s0;
	s1 =	sor.u32 $0x1B800, s15  }
0xb3: {  	s4 =	sor.u32 $0x20, s7;
	v5 =	vld [tilespmem:s24+$0x0];
	s31 =	sor.u32 s8, s1  }
0xb4: {  	s15 =	sor.u32 s4, s1;
	v7 =	vmax.bf16 v6, v7;
	v6 =	vld [tilespmem:s31+$0x0]  }
0xb5: {  	s10 =	sor.u32 $0x10, s7;
	s29 =	sadd.s32 s4, s0;
	v10 =	vmax.bf16 v11, v10;
	v11 =	vmax.bf16 v8, v12;
	v8 =	vld [tilespmem:s15+$0x0];
	[tilespmem:s30+$0x0] =	vst v7  }
0xb6: {  	s4 =	sor.u32 s10, s1;
	v7 =	vld [tilespmem:s29+$0x0];
	[tilespmem:s3+$0x0] =	vst v10  }
0xb7: {  	s31 =	sadd.s32 s8, s0;
	s30 =	sadd.s32 s10, s0;
	s0 =	sor.u32 s7, s1;
	v10 =	vmax.bf16 v13, v9;
	v9 =	vld [tilespmem:s4+$0x0];
	[tilespmem:s6+$0x0] =	vst v11  }
.LBB2_9:
0xb8: {  	s26 =	sadd.s32 $0x40, s26;
	s28 =	sadd.s32 $0x200, s28  }
0xb9: {  	v11 =	vld [tilespmem:s30+$0x0];
	[tilespmem:s25+$0x0] =	vst v10;
	v10 =	vmov v5;
	s25 =	smov.u32 s31;
	s1 =	sand.u32 $0x80, s26;
	s3 =	sand.u32 $0x40, s26  }
0xba: {  	s4 =	sand.u32 $0x400, s28;
	v12 =	vld [tilespmem:s0+$0x0];
	v13 =	vmov v6;
	p0 =	slt.u32 s26, $0xC0;
	s0 =	sadd.s32 s1, s23  }
0xbb: {  	s1 =	sor.u32 $0x10, s3;
	s6 =	sor.u32 $0x20, s3;
	v14 =	vld [tilespmem:s25+$0x0];
	s4 =	sor.u32 $0x1B800, s4  }
0xbc: {  	s8 =	sor.u32 $0x30, s3;
	s7 =	sadd.s32 s3, s0;
	s10 =	sor.u32 s1, s4  }
.Ltmp10:
0xbd: {  	s31 =	sadd.s32 s8, s0;
	s8 =	sor.u32 s8, s4;
	v7 =	vmax.bf16 v7, v8;
	v5 =	vld [tilespmem:s7+$0x0];
	(pc) =	sbr.rel @p0 .LBB2_9-.Ltmp10, $4  }
0xbe: {  	s1 =	sadd.s32 s1, s0;
	s15 =	sor.u32 s6, s4;
	v6 =	vld [tilespmem:s8+$0x0];
	v9 =	vmax.bf16 v11, v9;
	[tilespmem:s29+$0x0] =	vst v7;
	s29 =	sadd.s32 s6, s0  }
0xbf: {  	s0 =	sor.u32 s3, s4;
	v7 =	vld [tilespmem:s29+$0x0];
	v11 =	vmax.bf16 v10, v12  }
0xc0: {  	v8 =	vld [tilespmem:s15+$0x0];
	[tilespmem:s30+$0x0] =	vst v9;
	v10 =	vmax.bf16 v14, v13;
	s30 =	smov.u32 s1  }
0xc1: {  	v9 =	vld [tilespmem:s10+$0x0];
	[tilespmem:s24+$0x0] =	vst v11;
	s24 =	smov.u32 s7  }
0xc2: {  	(v2sf) =	vpush v4, $0x1;
	_ =	sdelay $0xa  }
0xc3: {  	v11 =	vld [tilespmem:s30+$0x0]  }
0xc4: {  	v12 =	vld [tilespmem:s0+$0x0]  }
0xc5: {  	v13 =	vld [tilespmem:s31+$0x0];
	_ =	sdelay $0x1  }
0xc6: {  	[tilespmem:s25+$0x0] =	vst v10;
	v7 =	vmax.bf16 v7, v8;
	s23 =	spop (v2sf)  }
0xc7: {  	s1 =	simm.s32 $0x0;
	[tilespmem:s29+$0x0] =	vst v7;
	v8 =	vmax.bf16 v11, v9;
	s0 =	sshll.u32 s23, $0xA  }
0xc8: {  	s25 =	simm.s32 $0x0;
	s3 =	sand.u32 $0x80, s1;
	v5 =	vmax.bf16 v5, v12;
	[tilespmem:s30+$0x0] =	vst v8;
	s23 =	sshra.s32 s0, $0x2  }
0xc9: {  	s1 =	sand.u32 $0x40, s1;
	v6 =	vmax.bf16 v13, v6;
	[tilespmem:s24+$0x0] =	vst v5;
	s0 =	sand.u32 $0x400, s25;
	s3 =	sadd.s32 s3, s23  }
0xca: {  	s6 =	sor.u32 $0x30, s1;
	[tilespmem:s31+$0x0] =	vst v6;
	s0 =	sor.u32 $0x1B800, s0;
	s4 =	sadd.s32 s1, s3  }
0xcb: {  	s7 =	sor.u32 $0x20, s1;
	s8 =	sor.u32 s6, s0;
	v8 =	vld [tilespmem:s4+$0x0]  }
0xcc: {  	s10 =	sadd.s32 s7, s3;
	v9 =	vld [tilespmem:s8+$0x80]  }
0xcd: {  	s26 =	sor.u32 $0x10, s1;
	s7 =	sor.u32 s7, s0;
	v6 =	vld [tilespmem:s10+$0x0]  }
0xce: {  	s15 =	sor.u32 s26, s0;
	v7 =	vld [tilespmem:s7+$0x80]  }
0xcf: {  	s25 =	sadd.s32 s6, s3;
	s3 =	sadd.s32 s26, s3;
	v10 =	vld [tilespmem:s15+$0x80]  }
0xd0: {  	s26 =	simm.s32 $0x40;
	s0 =	sor.u32 s1, s0;
	v11 =	vld [tilespmem:s3+$0x0]  }
0xd1: {  	s28 =	simm.s32 $0x200;
	s8 =	sand.u32 $0x80, s26;
	v62 =	vld [tilespmem:s0+$0x80]  }
0xd2: {  	s6 =	sand.u32 $0x40, s26;
	s15 =	sand.u32 $0x400, s28;
	s0 =	sadd.s32 s8, s23  }
0xd3: {  	v63 =	vld [tilespmem:s25+$0x0];
	s1 =	sor.u32 $0x1B800, s15;
	s7 =	sor.u32 $0x30, s6;
	s24 =	sadd.s32 s6, s0  }
0xd4: {  	s8 =	sor.u32 $0x20, s6;
	s15 =	sor.u32 s7, s1;
	v5 =	vld [tilespmem:s24+$0x0]  }
0xd5: {  	s29 =	sadd.s32 s8, s0;
	s8 =	sor.u32 s8, s1;
	v7 =	vmax.bf16 v6, v7;
	v6 =	vld [tilespmem:s15+$0x80]  }
0xd6: {  	s15 =	sor.u32 $0x10, s6;
	v10 =	vmax.bf16 v11, v10;
	v11 =	vmax.bf16 v8, v62;
	v8 =	vld [tilespmem:s8+$0x80];
	[tilespmem:s10+$0x0] =	vst v7  }
0xd7: {  	v7 =	vld [tilespmem:s29+$0x0];
	s10 =	sor.u32 s15, s1;
	[tilespmem:s3+$0x0] =	vst v10  }
0xd8: {  	s31 =	sadd.s32 s7, s0;
	s30 =	sadd.s32 s15, s0;
	s0 =	sor.u32 s6, s1;
	v10 =	vmax.bf16 v63, v9;
	[tilespmem:s4+$0x0] =	vst v11;
	v9 =	vld [tilespmem:s10+$0x80]  }
.LBB2_11:
0xd9: {  	s26 =	sadd.s32 $0x40, s26;
	s28 =	sadd.s32 $0x200, s28  }
0xda: {  	v11 =	vld [tilespmem:s30+$0x0];
	[tilespmem:s25+$0x0] =	vst v10;
	v10 =	vmov v5;
	s25 =	smov.u32 s31;
	s1 =	sand.u32 $0x80, s26;
	s3 =	sand.u32 $0x40, s26  }
0xdb: {  	s4 =	sand.u32 $0x400, s28;
	v12 =	vld [tilespmem:s0+$0x80];
	v13 =	vmov v6;
	p0 =	slt.u32 s26, $0xC0;
	s0 =	sadd.s32 s1, s23  }
0xdc: {  	s1 =	sor.u32 $0x10, s3;
	s6 =	sor.u32 $0x20, s3;
	v14 =	vld [tilespmem:s25+$0x0];
	s4 =	sor.u32 $0x1B800, s4  }
0xdd: {  	s8 =	sor.u32 $0x30, s3;
	s7 =	sadd.s32 s3, s0;
	s10 =	sor.u32 s1, s4  }
.Ltmp11:
0xde: {  	s31 =	sadd.s32 s8, s0;
	s8 =	sor.u32 s8, s4;
	v7 =	vmax.bf16 v7, v8;
	v5 =	vld [tilespmem:s7+$0x0];
	(pc) =	sbr.rel @p0 .LBB2_11-.Ltmp11, $4  }
0xdf: {  	s1 =	sadd.s32 s1, s0;
	s15 =	sor.u32 s6, s4;
	v6 =	vld [tilespmem:s8+$0x80];
	v9 =	vmax.bf16 v11, v9;
	[tilespmem:s29+$0x0] =	vst v7;
	s29 =	sadd.s32 s6, s0  }
0xe0: {  	s0 =	sor.u32 s3, s4;
	v7 =	vld [tilespmem:s29+$0x0];
	v11 =	vmax.bf16 v10, v12  }
0xe1: {  	v8 =	vld [tilespmem:s15+$0x80];
	[tilespmem:s30+$0x0] =	vst v9;
	v10 =	vmax.bf16 v14, v13;
	s30 =	smov.u32 s1  }
0xe2: {  	v9 =	vld [tilespmem:s10+$0x80];
	[tilespmem:s24+$0x0] =	vst v11;
	s24 =	smov.u32 s7  }
0xe3: {  	(v2sf) =	vpush v4, $0x2;
	_ =	sdelay $0xa  }
0xe4: {  	v11 =	vld [tilespmem:s30+$0x0]  }
0xe5: {  	v12 =	vld [tilespmem:s0+$0x80]  }
0xe6: {  	v13 =	vld [tilespmem:s31+$0x0];
	_ =	sdelay $0x1  }
0xe7: {  	[tilespmem:s25+$0x0] =	vst v10;
	v7 =	vmax.bf16 v7, v8;
	s23 =	spop (v2sf)  }
0xe8: {  	s1 =	simm.s32 $0x0;
	[tilespmem:s29+$0x0] =	vst v7;
	v8 =	vmax.bf16 v11, v9;
	s0 =	sshll.u32 s23, $0xA  }
0xe9: {  	s25 =	simm.s32 $0x0;
	s3 =	sand.u32 $0x80, s1;
	v5 =	vmax.bf16 v5, v12;
	[tilespmem:s30+$0x0] =	vst v8;
	s23 =	sshra.s32 s0, $0x2  }
0xea: {  	s1 =	sand.u32 $0x40, s1;
	v6 =	vmax.bf16 v13, v6;
	[tilespmem:s24+$0x0] =	vst v5;
	s0 =	sand.u32 $0x400, s25;
	s3 =	sadd.s32 s3, s23  }
0xeb: {  	s6 =	sor.u32 $0x30, s1;
	[tilespmem:s31+$0x0] =	vst v6;
	s0 =	sor.u32 $0x1B800, s0;
	s4 =	sadd.s32 s1, s3  }
0xec: {  	s7 =	sor.u32 $0x20, s1;
	s8 =	sor.u32 s6, s0;
	v8 =	vld [tilespmem:s4+$0x0]  }
0xed: {  	s10 =	sadd.s32 s7, s3;
	v9 =	vld [tilespmem:s8+$0x100]  }
0xee: {  	s26 =	sor.u32 $0x10, s1;
	s7 =	sor.u32 s7, s0;
	v6 =	vld [tilespmem:s10+$0x0]  }
0xef: {  	s15 =	sor.u32 s26, s0;
	v7 =	vld [tilespmem:s7+$0x100]  }
0xf0: {  	s25 =	sadd.s32 s6, s3;
	s3 =	sadd.s32 s26, s3;
	v10 =	vld [tilespmem:s15+$0x100]  }
0xf1: {  	s26 =	simm.s32 $0x40;
	s0 =	sor.u32 s1, s0;
	v11 =	vld [tilespmem:s3+$0x0]  }
0xf2: {  	s28 =	simm.s32 $0x200;
	s8 =	sand.u32 $0x80, s26;
	v62 =	vld [tilespmem:s0+$0x100]  }
0xf3: {  	s6 =	sand.u32 $0x40, s26;
	s15 =	sand.u32 $0x400, s28;
	s0 =	sadd.s32 s8, s23  }
0xf4: {  	v63 =	vld [tilespmem:s25+$0x0];
	s1 =	sor.u32 $0x1B800, s15;
	s7 =	sor.u32 $0x30, s6;
	s24 =	sadd.s32 s6, s0  }
0xf5: {  	s8 =	sor.u32 $0x20, s6;
	s15 =	sor.u32 s7, s1;
	v5 =	vld [tilespmem:s24+$0x0]  }
0xf6: {  	s29 =	sadd.s32 s8, s0;
	s8 =	sor.u32 s8, s1;
	v7 =	vmax.bf16 v6, v7;
	v6 =	vld [tilespmem:s15+$0x100]  }
0xf7: {  	s15 =	sor.u32 $0x10, s6;
	v10 =	vmax.bf16 v11, v10;
	v11 =	vmax.bf16 v8, v62;
	v8 =	vld [tilespmem:s8+$0x100];
	[tilespmem:s10+$0x0] =	vst v7  }
0xf8: {  	v7 =	vld [tilespmem:s29+$0x0];
	s10 =	sor.u32 s15, s1;
	[tilespmem:s3+$0x0] =	vst v10  }
0xf9: {  	s31 =	sadd.s32 s7, s0;
	s30 =	sadd.s32 s15, s0;
	s0 =	sor.u32 s6, s1;
	v10 =	vmax.bf16 v63, v9;
	[tilespmem:s4+$0x0] =	vst v11;
	v9 =	vld [tilespmem:s10+$0x100]  }
.LBB2_13:
0xfa: {  	s26 =	sadd.s32 $0x40, s26;
	s28 =	sadd.s32 $0x200, s28  }
0xfb: {  	v11 =	vld [tilespmem:s30+$0x0];
	[tilespmem:s25+$0x0] =	vst v10;
	v10 =	vmov v5;
	s25 =	smov.u32 s31;
	s1 =	sand.u32 $0x80, s26;
	s3 =	sand.u32 $0x40, s26  }
0xfc: {  	s4 =	sand.u32 $0x400, s28;
	v12 =	vld [tilespmem:s0+$0x100];
	v13 =	vmov v6;
	p0 =	slt.u32 s26, $0xC0;
	s0 =	sadd.s32 s1, s23  }
0xfd: {  	s1 =	sor.u32 $0x10, s3;
	s6 =	sor.u32 $0x20, s3;
	v14 =	vld [tilespmem:s25+$0x0];
	s4 =	sor.u32 $0x1B800, s4  }
0xfe: {  	s8 =	sor.u32 $0x30, s3;
	s7 =	sadd.s32 s3, s0;
	s10 =	sor.u32 s1, s4  }
.Ltmp12:
0xff: {  	s31 =	sadd.s32 s8, s0;
	s8 =	sor.u32 s8, s4;
	v7 =	vmax.bf16 v7, v8;
	v5 =	vld [tilespmem:s7+$0x0];
	(pc) =	sbr.rel @p0 .LBB2_13-.Ltmp12, $4  }
0x100: {  	s1 =	sadd.s32 s1, s0;
	s15 =	sor.u32 s6, s4;
	v6 =	vld [tilespmem:s8+$0x100];
	v9 =	vmax.bf16 v11, v9;
	[tilespmem:s29+$0x0] =	vst v7;
	s29 =	sadd.s32 s6, s0  }
0x101: {  	s0 =	sor.u32 s3, s4;
	v7 =	vld [tilespmem:s29+$0x0];
	v11 =	vmax.bf16 v10, v12  }
0x102: {  	v8 =	vld [tilespmem:s15+$0x100];
	[tilespmem:s30+$0x0] =	vst v9;
	v10 =	vmax.bf16 v14, v13;
	s30 =	smov.u32 s1  }
0x103: {  	v9 =	vld [tilespmem:s10+$0x100];
	[tilespmem:s24+$0x0] =	vst v11;
	s24 =	smov.u32 s7  }
0x104: {  	(v2sf) =	vpush v4, $0x3;
	_ =	sdelay $0xa  }
0x105: {  	v11 =	vld [tilespmem:s30+$0x0]  }
0x106: {  	v12 =	vld [tilespmem:s0+$0x100]  }
0x107: {  	v13 =	vld [tilespmem:s31+$0x0];
	_ =	sdelay $0x1  }
0x108: {  	[tilespmem:s25+$0x0] =	vst v10;
	v7 =	vmax.bf16 v7, v8;
	s23 =	spop (v2sf)  }
0x109: {  	s1 =	simm.s32 $0x0;
	[tilespmem:s29+$0x0] =	vst v7;
	v8 =	vmax.bf16 v11, v9;
	s0 =	sshll.u32 s23, $0xA  }
0x10a: {  	s25 =	simm.s32 $0x0;
	s3 =	sand.u32 $0x80, s1;
	v5 =	vmax.bf16 v5, v12;
	[tilespmem:s30+$0x0] =	vst v8;
	s23 =	sshra.s32 s0, $0x2  }
0x10b: {  	s1 =	sand.u32 $0x40, s1;
	v6 =	vmax.bf16 v13, v6;
	[tilespmem:s24+$0x0] =	vst v5;
	s0 =	sand.u32 $0x400, s25;
	s3 =	sadd.s32 s3, s23  }
0x10c: {  	s6 =	sor.u32 $0x30, s1;
	[tilespmem:s31+$0x0] =	vst v6;
	s0 =	sor.u32 $0x1B800, s0;
	s4 =	sadd.s32 s1, s3  }
0x10d: {  	s7 =	sor.u32 $0x20, s1;
	s8 =	sor.u32 s6, s0;
	v8 =	vld [tilespmem:s4+$0x0]  }
0x10e: {  	s10 =	sadd.s32 s7, s3;
	v9 =	vld [tilespmem:s8+$0x180]  }
0x10f: {  	s26 =	sor.u32 $0x10, s1;
	s7 =	sor.u32 s7, s0;
	v6 =	vld [tilespmem:s10+$0x0]  }
0x110: {  	s15 =	sor.u32 s26, s0;
	v7 =	vld [tilespmem:s7+$0x180]  }
0x111: {  	s25 =	sadd.s32 s6, s3;
	s3 =	sadd.s32 s26, s3;
	v10 =	vld [tilespmem:s15+$0x180]  }
0x112: {  	s26 =	simm.s32 $0x40;
	s0 =	sor.u32 s1, s0;
	v11 =	vld [tilespmem:s3+$0x0]  }
0x113: {  	s28 =	simm.s32 $0x200;
	s8 =	sand.u32 $0x80, s26;
	v62 =	vld [tilespmem:s0+$0x180]  }
0x114: {  	s6 =	sand.u32 $0x40, s26;
	s15 =	sand.u32 $0x400, s28;
	s0 =	sadd.s32 s8, s23  }
0x115: {  	v63 =	vld [tilespmem:s25+$0x0];
	s1 =	sor.u32 $0x1B800, s15;
	s7 =	sor.u32 $0x30, s6;
	s24 =	sadd.s32 s6, s0  }
0x116: {  	s8 =	sor.u32 $0x20, s6;
	s15 =	sor.u32 s7, s1;
	v5 =	vld [tilespmem:s24+$0x0]  }
0x117: {  	s29 =	sadd.s32 s8, s0;
	s8 =	sor.u32 s8, s1;
	v7 =	vmax.bf16 v6, v7;
	v6 =	vld [tilespmem:s15+$0x180]  }
0x118: {  	s15 =	sor.u32 $0x10, s6;
	v10 =	vmax.bf16 v11, v10;
	v11 =	vmax.bf16 v8, v62;
	v8 =	vld [tilespmem:s8+$0x180];
	[tilespmem:s10+$0x0] =	vst v7  }
0x119: {  	v7 =	vld [tilespmem:s29+$0x0];
	s10 =	sor.u32 s15, s1;
	[tilespmem:s3+$0x0] =	vst v10  }
0x11a: {  	s31 =	sadd.s32 s7, s0;
	s30 =	sadd.s32 s15, s0;
	s0 =	sor.u32 s6, s1;
	v10 =	vmax.bf16 v63, v9;
	[tilespmem:s4+$0x0] =	vst v11;
	v9 =	vld [tilespmem:s10+$0x180]  }
.LBB2_15:
0x11b: {  	s26 =	sadd.s32 $0x40, s26;
	s28 =	sadd.s32 $0x200, s28  }
0x11c: {  	v11 =	vld [tilespmem:s30+$0x0];
	[tilespmem:s25+$0x0] =	vst v10;
	v10 =	vmov v5;
	s25 =	smov.u32 s31;
	s1 =	sand.u32 $0x80, s26;
	s3 =	sand.u32 $0x40, s26  }
0x11d: {  	s4 =	sand.u32 $0x400, s28;
	v12 =	vld [tilespmem:s0+$0x180];
	v13 =	vmov v6;
	p0 =	slt.u32 s26, $0xC0;
	s0 =	sadd.s32 s1, s23  }
0x11e: {  	s1 =	sor.u32 $0x10, s3;
	s6 =	sor.u32 $0x20, s3;
	v14 =	vld [tilespmem:s25+$0x0];
	s4 =	sor.u32 $0x1B800, s4  }
0x11f: {  	s8 =	sor.u32 $0x30, s3;
	s7 =	sadd.s32 s3, s0;
	s10 =	sor.u32 s1, s4  }
.Ltmp13:
0x120: {  	s31 =	sadd.s32 s8, s0;
	s8 =	sor.u32 s8, s4;
	v7 =	vmax.bf16 v7, v8;
	v5 =	vld [tilespmem:s7+$0x0];
	(pc) =	sbr.rel @p0 .LBB2_15-.Ltmp13, $4  }
0x121: {  	s1 =	sadd.s32 s1, s0;
	s15 =	sor.u32 s6, s4;
	v6 =	vld [tilespmem:s8+$0x180];
	v9 =	vmax.bf16 v11, v9;
	[tilespmem:s29+$0x0] =	vst v7;
	s29 =	sadd.s32 s6, s0  }
0x122: {  	s0 =	sor.u32 s3, s4;
	v7 =	vld [tilespmem:s29+$0x0];
	v11 =	vmax.bf16 v10, v12  }
0x123: {  	v8 =	vld [tilespmem:s15+$0x180];
	[tilespmem:s30+$0x0] =	vst v9;
	v10 =	vmax.bf16 v14, v13;
	s30 =	smov.u32 s1  }
0x124: {  	v9 =	vld [tilespmem:s10+$0x180];
	[tilespmem:s24+$0x0] =	vst v11;
	s24 =	smov.u32 s7  }
0x125: {  	(v2sf) =	vpush v4, $0x4;
	_ =	sdelay $0xa  }
0x126: {  	v11 =	vld [tilespmem:s30+$0x0]  }
0x127: {  	v12 =	vld [tilespmem:s0+$0x180]  }
0x128: {  	v13 =	vld [tilespmem:s31+$0x0];
	_ =	sdelay $0x1  }
0x129: {  	[tilespmem:s25+$0x0] =	vst v10;
	v7 =	vmax.bf16 v7, v8;
	s25 =	spop (v2sf)  }
0x12a: {  	s1 =	simm.s32 $0x0;
	[tilespmem:s29+$0x0] =	vst v7;
	v8 =	vmax.bf16 v11, v9;
	s0 =	sshll.u32 s25, $0xA  }
0x12b: {  	p0 =	por $0x0, $0x0;
	s26 =	sand.u32 $0x80, s1;
	v5 =	vmax.bf16 v5, v12;
	[tilespmem:s30+$0x0] =	vst v8;
	s25 =	sshra.s32 s0, $0x2  }
0x12c: {  	s3 =	simm.s32 $0x1;
	s1 =	sand.u32 $0x40, s1;
	v6 =	vmax.bf16 v13, v6;
	[tilespmem:s24+$0x0] =	vst v5;
	s0 =	sadd.s32 s26, s25  }
0x12d: {  	s3 =	simm.s32 @!p0 $0x0;
	[tilespmem:s31+$0x0] =	vst v6;
	s23 =	sadd.s32 s1, s0  }
0x12e: {  	s28 =	sshll.u32 s3, $0x6;
	v6 =	vld [tilespmem:s23+$0x20]  }
0x12f: {  	s0 =	sadd.s32 $0x0, s28;
	v8 =	vld [tilespmem:s23+$0x30]  }
0x130: {  	s29 =	sadd.s32 $0x30, s0;
	v5 =	vld [tilespmem:s23+$0x10]  }
0x131: {  	s30 =	sadd.s32 $0x10, s0;
	v9 =	vld [tilespmem:s23+$0x0];
	s4 =	sadd.s32 $0x20, s0;
	s0 =	sor.u32 $0x200, s0  }
0x132: {  	p0 =	por !p0, !p0;
	s24 =	simm.s32 $0x40;
	s1 =	sor.u32 $0x200, s29;
	v10 =	vld [tilespmem:s0+$0x1B800]  }
0x133: {  	s31 =	sand.u32 $0x80, s24;
	s3 =	sor.u32 $0x200, s30;
	s0 =	simm.s32 $0x1;
	v7 =	vld [tilespmem:s1+$0x1B800]  }
0x134: {  	s6 =	sand.u32 $0x40, s24;
	s4 =	sor.u32 $0x200, s4;
	s0 =	simm.s32 @!p0 $0x0;
	v12 =	vld [tilespmem:s3+$0x1B800]  }
0x135: {  	s1 =	sadd.s32 s31, s25;
	v11 =	vld [tilespmem:s4+$0x1B800];
	s3 =	sshll.u32 s0, $0x6;
	s0 =	simm.s32 $0x200  }
.LBB2_17:
0x136: {  	s24 =	sadd.s32 $0x40, s24;
	s3 =	sadd.s32 s3, s0;
	s4 =	sadd.s32 s6, s1  }
0x137: {  	s1 =	sadd.s32 $0x10, s3;
	v13 =	vld [tilespmem:s4+$0x20];
	s6 =	sadd.s32 $0x20, s3;
	s7 =	sadd.s32 $0x30, s3  }
0x138: {  	s8 =	sor.u32 $0x200, s1;
	s10 =	sor.u32 $0x200, s6;
	v14 =	vld [tilespmem:s4+$0x30];
	s6 =	sor.u32 $0x200, s7;
	v9 =	vmax.bf16 v9, v10  }
0x139: {  	p1 =	slt.u32 s24, $0xC0;
	s3 =	sor.u32 $0x200, s3;
	v7 =	vmax.bf16 v8, v7;
	s1 =	sand.u32 $0x80, s24;
	[tilespmem:s23+$0x0] =	vst v9;
	v10 =	vmax.bf16 v5, v12;
	v5 =	vld [tilespmem:s4+$0x10]  }
.Ltmp14:
0x13a: {  	s1 =	sadd.s32 s1, s25;
	v9 =	vld [tilespmem:s4+$0x0];
	v8 =	vmax.bf16 v6, v11;
	[tilespmem:s23+$0x30] =	vst v7;
	(pc) =	sbr.rel @p1 .LBB2_17-.Ltmp14, $4  }
0x13b: {  	v7 =	vld [tilespmem:s6+$0x1B800];
	[tilespmem:s23+$0x10] =	vst v10  }
0x13c: {  	p0 =	por !p0, !p0;
	v10 =	vld [tilespmem:s3+$0x1B800];
	[tilespmem:s23+$0x20] =	vst v8;
	v6 =	vmov v13;
	s23 =	smov.u32 s4;
	s3 =	simm.s32 $0x1  }
0x13d: {  	s3 =	simm.s32 @!p0 $0x0;
	v12 =	vld [tilespmem:s8+$0x1B800];
	v8 =	vmov v14  }
0x13e: {  	s0 =	sadd.s32 $0x200, s0;
	s6 =	sand.u32 $0x40, s24;
	s3 =	sshll.u32 s3, $0x6;
	v11 =	vld [tilespmem:s10+$0x1B800]  }
0x13f: {  	(v2sf) =	vpush v4, $0x5;
	_ =	sdelay $0x4  }
0x140: {  	s1 =	sadd.s32 s6, s1  }
0x141: {  	v13 =	vld [tilespmem:s1+$0x20]  }
0x142: {  	v14 =	vld [tilespmem:s1+$0x30]  }
0x143: {  	s0 =	sadd.s32 s3, s0;
	v15 =	vld [tilespmem:s1+$0x10]  }
0x144: {  	s3 =	sadd.s32 $0x30, s0;
	s4 =	sor.u32 $0x200, s0;
	v16 =	vld [tilespmem:s1+$0x0]  }
0x145: {  	s26 =	sadd.s32 $0x10, s0;
	s3 =	sor.u32 $0x200, s3;
	v17 =	vld [tilespmem:s4+$0x1B800]  }
0x146: {  	s0 =	sadd.s32 $0x20, s0;
	v7 =	vmax.bf16 v8, v7;
	s7 =	sor.u32 $0x200, s26;
	v9 =	vmax.bf16 v9, v10;
	v10 =	vld [tilespmem:s3+$0x1B800]  }
0x147: {  	s0 =	sor.u32 $0x200, s0;
	[tilespmem:s23+$0x30] =	vst v7;
	v8 =	vld [tilespmem:s7+$0x1B800]  }
0x148: {  	[tilespmem:s23+$0x0] =	vst v9;
	v5 =	vmax.bf16 v5, v12;
	v7 =	vld [tilespmem:s0+$0x1B800]  }
0x149: {  	v6 =	vmax.bf16 v6, v11;
	[tilespmem:s23+$0x10] =	vst v5  }
0x14a: {  	[tilespmem:s23+$0x20] =	vst v6;
	v5 =	vmax.bf16 v16, v17;
	s8 =	spop (v2sf)  }
0x14b: {  	s15 =	simm.s32 $0x30;
	s31 =	simm.s32 $0x60;
	[tilespmem:s1+$0x0] =	vst v5;
	v5 =	vmax.bf16 v14, v10;
	s0 =	sshll.u32 s8, $0xA  }
0x14c: {  	s3 =	simm.s32 $0x10;
	v6 =	vmax.bf16 v15, v8;
	[tilespmem:s1+$0x30] =	vst v5;
	s24 =	sshra.s32 s0, $0x2;
	s0 =	simm.s32 $0x0  }
0x14d: {  	s7 =	simm.s32 $0x20;
	v5 =	vmax.bf16 v13, v7;
	[tilespmem:s1+$0x10] =	vst v6;
	s10 =	sand.u32 $0x80, s0;
	s6 =	sor.u32 s15, s0  }
0x14e: {  	[tilespmem:s1+$0x20] =	vst v5;
	s8 =	sand.u32 $0x70, s15;
	s4 =	sadd.s32 s10, s24;
	s6 =	sor.u32 $0x280, s6  }
0x14f: {  	s25 =	sand.u32 $0x50, s3;
	s3 =	sor.u32 s3, s0;
	s10 =	sadd.s32 s8, s4;
	v11 =	vld [tilespmem:s6+$0x1B800]  }
0x150: {  	s15 =	sand.u32 $0x60, s7;
	s7 =	sor.u32 s7, s0;
	s3 =	sor.u32 $0x280, s3;
	v10 =	vld [tilespmem:s10+$0x0]  }
0x151: {  	s29 =	simm.s32 $0x200;
	s23 =	sand.u32 $0x40, s0;
	s1 =	sor.u32 $0x280, s7;
	v8 =	vld [tilespmem:s3+$0x1B800]  }
0x152: {  	s30 =	sand.u32 $0x60, s31;
	s26 =	simm.s32 $0x40;
	s23 =	sadd.s32 s23, s4;
	v9 =	vld [tilespmem:s1+$0x1B800]  }
0x153: {  	s0 =	sor.u32 s0, s0;
	s28 =	sadd.s32 s25, s4;
	s25 =	sadd.s32 s15, s4;
	v6 =	vld [tilespmem:s23+$0x0]  }
0x154: {  	s4 =	sor.u32 $0x280, s0;
	s0 =	simm.s32 $0x50;
	s6 =	sand.u32 $0x40, s26;
	v5 =	vld [tilespmem:s28+$0x0]  }
0x155: {  	s8 =	sand.u32 $0x80, s26;
	s15 =	simm.s32 $0x70;
	s1 =	simm.s32 $0x80;
	v7 =	vld [tilespmem:s25+$0x0];
	v11 =	vmax.bf16 v10, v11  }
0x156: {  	s3 =	sand.u32 $0x50, s0;
	s7 =	sadd.s32 s8, s24;
	s8 =	sand.u32 $0x70, s15;
	v10 =	vld [tilespmem:s4+$0x1B800];
	[tilespmem:s10+$0x0] =	vst v11  }
.LBB2_19:
0x157: {  	p0 =	slt.u32 s1, $0xC0;
	s4 =	sadd.s32 s8, s7  }
0x158: {  	s8 =	sor.u32 s15, s29;
	s10 =	smov.u32 s26;
	s26 =	smov.u32 s1  }
0x159: {  	s0 =	sor.u32 s0, s29;
	s15 =	sor.u32 s31, s29;
	v11 =	vld [tilespmem:s4+$0x0];
	s8 =	sor.u32 $0x280, s8;
	v5 =	vmax.bf16 v5, v8  }
0x15a: {  	s6 =	sadd.s32 s6, s7;
	s10 =	sor.u32 s29, s10;
	v12 =	vld [tilespmem:s8+$0x1B800];
	[tilespmem:s28+$0x0] =	vst v5;
	s28 =	sadd.s32 s3, s7  }
0x15b: {  	s3 =	sor.u32 $0x280, s0;
	s0 =	sadd.s32 s30, s7;
	s7 =	sor.u32 $0x280, s15;
	v13 =	vld [tilespmem:s6+$0x0];
	v7 =	vmax.bf16 v7, v9  }
.Ltmp15:
0x15c: {  	s10 =	sor.u32 $0x280, s10;
	v5 =	vld [tilespmem:s28+$0x0];
	v6 =	vmax.bf16 v6, v10;
	[tilespmem:s25+$0x0] =	vst v7;
	s25 =	smov.u32 s0;
	(pc) =	sbr.rel @p0 .LBB2_19-.Ltmp15, $4  }
0x15d: {  	s31 =	sadd.s32 $0x20, s1;
	s0 =	sadd.s32 $0x10, s1;
	v8 =	vld [tilespmem:s3+$0x1B800];
	[tilespmem:s23+$0x0] =	vst v6;
	s23 =	smov.u32 s6  }
0x15e: {  	s30 =	sand.u32 $0x60, s31;
	s6 =	sand.u32 $0x40, s1;
	s3 =	sand.u32 $0x50, s0;
	v7 =	vld [tilespmem:s25+$0x0]  }
0x15f: {  	s29 =	sadd.s32 $0x200, s29;
	s8 =	sand.u32 $0x80, s1;
	s15 =	sadd.s32 $0x30, s1;
	v9 =	vld [tilespmem:s7+$0x1B800];
	v11 =	vmax.bf16 v11, v12  }
0x160: {  	s1 =	sadd.s32 $0x40, s1;
	s7 =	sadd.s32 s8, s24;
	s8 =	sand.u32 $0x70, s15;
	v10 =	vld [tilespmem:s10+$0x1B800];
	[tilespmem:s4+$0x0] =	vst v11;
	v6 =	vmov v13  }
0x161: {  	(v2sf) =	vpush v4, $0x6;
	_ =	sdelay $0x4  }
0x162: {  	s1 =	sadd.s32 s8, s7  }
0x163: {  	s6 =	sadd.s32 s6, s7;
	v11 =	vld [tilespmem:s1+$0x0]  }
0x164: {  	s3 =	sadd.s32 s3, s7;
	v13 =	vld [tilespmem:s6+$0x0]  }
0x165: {  	s4 =	sor.u32 s15, s29;
	s8 =	sadd.s32 s30, s7;
	v14 =	vld [tilespmem:s3+$0x0]  }
0x166: {  	s0 =	sor.u32 s0, s29;
	s4 =	sor.u32 $0x280, s4;
	v16 =	vld [tilespmem:s8+$0x0]  }
0x167: {  	s10 =	sor.u32 s29, s26;
	s0 =	sor.u32 $0x280, s0;
	v12 =	vld [tilespmem:s4+$0x1B800]  }
0x168: {  	s31 =	sor.u32 s31, s29;
	v5 =	vmax.bf16 v5, v8;
	v15 =	vld [tilespmem:s0+$0x1B800];
	s0 =	sor.u32 $0x280, s10  }
0x169: {  	s4 =	sor.u32 $0x280, s31;
	[tilespmem:s28+$0x0] =	vst v5;
	v5 =	vmax.bf16 v7, v9;
	v7 =	vld [tilespmem:s0+$0x1B800]  }
0x16a: {  	v8 =	vld [tilespmem:s4+$0x1B800]  }
0x16b: {  	v6 =	vmax.bf16 v6, v10;
	[tilespmem:s25+$0x0] =	vst v5  }
0x16c: {  	[tilespmem:s23+$0x0] =	vst v6;
	v5 =	vmax.bf16 v11, v12;
	s15 =	spop (v2sf)  }
0x16d: {  	s23 =	simm.s32 $0x0;
	[tilespmem:s1+$0x0] =	vst v5;
	v5 =	vmax.bf16 v14, v15;
	s0 =	sshll.u32 s15, $0xA  }
0x16e: {  	p0 =	por $0x0, $0x0;
	s25 =	sand.u32 $0x80, s23;
	v6 =	vmax.bf16 v13, v7;
	[tilespmem:s3+$0x0] =	vst v5;
	s24 =	sshra.s32 s0, $0x2  }
0x16f: {  	s1 =	sand.u32 $0x40, s23;
	v5 =	vmax.bf16 v16, v8;
	s3 =	simm.s32 $0x1;
	[tilespmem:s6+$0x0] =	vst v6;
	s0 =	sadd.s32 s25, s24  }
0x170: {  	[tilespmem:s8+$0x0] =	vst v5;
	s3 =	simm.s32 @!p0 $0x0;
	s23 =	sadd.s32 s1, s0  }
0x171: {  	s26 =	sshll.u32 s3, $0x6;
	v6 =	vld [tilespmem:s23+$0x20]  }
0x172: {  	s0 =	sadd.s32 $0x0, s26;
	v8 =	vld [tilespmem:s23+$0x30]  }
0x173: {  	s28 =	sadd.s32 $0x30, s0;
	v5 =	vld [tilespmem:s23+$0x10]  }
0x174: {  	s29 =	sadd.s32 $0x10, s0;
	v9 =	vld [tilespmem:s23+$0x0];
	s30 =	sadd.s32 $0x20, s0;
	s0 =	sor.u32 $0x300, s0  }
0x175: {  	p0 =	por !p0, !p0;
	s25 =	simm.s32 $0x40;
	s1 =	sor.u32 $0x300, s28;
	v10 =	vld [tilespmem:s0+$0x1B800]  }
0x176: {  	s31 =	sand.u32 $0x80, s25;
	s3 =	sor.u32 $0x300, s29;
	s0 =	simm.s32 $0x1;
	v7 =	vld [tilespmem:s1+$0x1B800]  }
0x177: {  	s6 =	sand.u32 $0x40, s25;
	s4 =	sor.u32 $0x300, s30;
	s0 =	simm.s32 @!p0 $0x0;
	v12 =	vld [tilespmem:s3+$0x1B800]  }
0x178: {  	s1 =	sadd.s32 s31, s24;
	v11 =	vld [tilespmem:s4+$0x1B800];
	s3 =	sshll.u32 s0, $0x6;
	s0 =	simm.s32 $0x200  }
.LBB2_21:
0x179: {  	s25 =	sadd.s32 $0x40, s25;
	s3 =	sadd.s32 s3, s0;
	s4 =	sadd.s32 s6, s1  }
0x17a: {  	s1 =	sadd.s32 $0x10, s3;
	v13 =	vld [tilespmem:s4+$0x20];
	s6 =	sadd.s32 $0x20, s3;
	s7 =	sadd.s32 $0x30, s3  }
0x17b: {  	s8 =	sor.u32 $0x300, s1;
	s10 =	sor.u32 $0x300, s6;
	v14 =	vld [tilespmem:s4+$0x30];
	s6 =	sor.u32 $0x300, s7;
	v9 =	vmax.bf16 v9, v10  }
0x17c: {  	p1 =	slt.u32 s25, $0xC0;
	s3 =	sor.u32 $0x300, s3;
	v7 =	vmax.bf16 v8, v7;
	s1 =	sand.u32 $0x80, s25;
	[tilespmem:s23+$0x0] =	vst v9;
	v10 =	vmax.bf16 v5, v12;
	v5 =	vld [tilespmem:s4+$0x10]  }
.Ltmp16:
0x17d: {  	s1 =	sadd.s32 s1, s24;
	v9 =	vld [tilespmem:s4+$0x0];
	v8 =	vmax.bf16 v6, v11;
	[tilespmem:s23+$0x30] =	vst v7;
	(pc) =	sbr.rel @p1 .LBB2_21-.Ltmp16, $4  }
0x17e: {  	v7 =	vld [tilespmem:s6+$0x1B800];
	[tilespmem:s23+$0x10] =	vst v10  }
0x17f: {  	p0 =	por !p0, !p0;
	v10 =	vld [tilespmem:s3+$0x1B800];
	[tilespmem:s23+$0x20] =	vst v8;
	v6 =	vmov v13;
	s23 =	smov.u32 s4;
	s3 =	simm.s32 $0x1  }
0x180: {  	s3 =	simm.s32 @!p0 $0x0;
	v12 =	vld [tilespmem:s8+$0x1B800];
	v8 =	vmov v14  }
0x181: {  	s0 =	sadd.s32 $0x200, s0;
	s6 =	sand.u32 $0x40, s25;
	s3 =	sshll.u32 s3, $0x6;
	v11 =	vld [tilespmem:s10+$0x1B800]  }
0x182: {  	(v2sf) =	vpush v4, $0x7;
	_ =	sdelay $0x4  }
0x183: {  	s1 =	sadd.s32 s6, s1  }
0x184: {  	v13 =	vld [tilespmem:s1+$0x20]  }
0x185: {  	v14 =	vld [tilespmem:s1+$0x30]  }
0x186: {  	s0 =	sadd.s32 s3, s0;
	v15 =	vld [tilespmem:s1+$0x10]  }
0x187: {  	s3 =	sadd.s32 $0x30, s0;
	s4 =	sor.u32 $0x300, s0;
	v16 =	vld [tilespmem:s1+$0x0]  }
0x188: {  	s26 =	sadd.s32 $0x10, s0;
	s3 =	sor.u32 $0x300, s3;
	v17 =	vld [tilespmem:s4+$0x1B800]  }
0x189: {  	s0 =	sadd.s32 $0x20, s0;
	v7 =	vmax.bf16 v8, v7;
	s7 =	sor.u32 $0x300, s26;
	v9 =	vmax.bf16 v9, v10;
	v10 =	vld [tilespmem:s3+$0x1B800]  }
0x18a: {  	s0 =	sor.u32 $0x300, s0;
	[tilespmem:s23+$0x30] =	vst v7;
	v8 =	vld [tilespmem:s7+$0x1B800]  }
0x18b: {  	[tilespmem:s23+$0x0] =	vst v9;
	v5 =	vmax.bf16 v5, v12;
	v7 =	vld [tilespmem:s0+$0x1B800]  }
0x18c: {  	v6 =	vmax.bf16 v6, v11;
	[tilespmem:s23+$0x10] =	vst v5  }
0x18d: {  	[tilespmem:s23+$0x20] =	vst v6;
	v5 =	vmax.bf16 v16, v17;
	s8 =	spop (v2sf)  }
0x18e: {  	s15 =	simm.s32 $0x30;
	s31 =	simm.s32 $0x60;
	[tilespmem:s1+$0x0] =	vst v5;
	v5 =	vmax.bf16 v14, v10;
	s0 =	sshll.u32 s8, $0xA  }
0x18f: {  	s3 =	simm.s32 $0x10;
	v6 =	vmax.bf16 v15, v8;
	[tilespmem:s1+$0x30] =	vst v5;
	s24 =	sshra.s32 s0, $0x2;
	s0 =	simm.s32 $0x0  }
0x190: {  	s7 =	simm.s32 $0x20;
	v5 =	vmax.bf16 v13, v7;
	[tilespmem:s1+$0x10] =	vst v6;
	s10 =	sand.u32 $0x80, s0;
	s6 =	sor.u32 s15, s0  }
0x191: {  	[tilespmem:s1+$0x20] =	vst v5;
	s8 =	sand.u32 $0x70, s15;
	s4 =	sadd.s32 s10, s24;
	s6 =	sor.u32 $0x380, s6  }
0x192: {  	s25 =	sand.u32 $0x50, s3;
	s3 =	sor.u32 s3, s0;
	s10 =	sadd.s32 s8, s4;
	v11 =	vld [tilespmem:s6+$0x1B800]  }
0x193: {  	s15 =	sand.u32 $0x60, s7;
	s7 =	sor.u32 s7, s0;
	s3 =	sor.u32 $0x380, s3;
	v10 =	vld [tilespmem:s10+$0x0]  }
0x194: {  	s29 =	simm.s32 $0x200;
	s23 =	sand.u32 $0x40, s0;
	s1 =	sor.u32 $0x380, s7;
	v8 =	vld [tilespmem:s3+$0x1B800]  }
0x195: {  	s30 =	sand.u32 $0x60, s31;
	s26 =	simm.s32 $0x40;
	s23 =	sadd.s32 s23, s4;
	v9 =	vld [tilespmem:s1+$0x1B800]  }
0x196: {  	s0 =	sor.u32 s0, s0;
	s28 =	sadd.s32 s25, s4;
	s25 =	sadd.s32 s15, s4;
	v6 =	vld [tilespmem:s23+$0x0]  }
0x197: {  	s4 =	sor.u32 $0x380, s0;
	s0 =	simm.s32 $0x50;
	s6 =	sand.u32 $0x40, s26;
	v5 =	vld [tilespmem:s28+$0x0]  }
0x198: {  	s8 =	sand.u32 $0x80, s26;
	s15 =	simm.s32 $0x70;
	s1 =	simm.s32 $0x80;
	v7 =	vld [tilespmem:s25+$0x0];
	v11 =	vmax.bf16 v10, v11  }
0x199: {  	s3 =	sand.u32 $0x50, s0;
	s7 =	sadd.s32 s8, s24;
	s8 =	sand.u32 $0x70, s15;
	v10 =	vld [tilespmem:s4+$0x1B800];
	[tilespmem:s10+$0x0] =	vst v11  }
.LBB2_23:
0x19a: {  	p0 =	slt.u32 s1, $0xC0;
	s4 =	sadd.s32 s8, s7  }
0x19b: {  	s8 =	sor.u32 s15, s29;
	s10 =	smov.u32 s26;
	s26 =	smov.u32 s1  }
0x19c: {  	s0 =	sor.u32 s0, s29;
	s15 =	sor.u32 s31, s29;
	v11 =	vld [tilespmem:s4+$0x0];
	s8 =	sor.u32 $0x380, s8;
	v5 =	vmax.bf16 v5, v8  }
0x19d: {  	s6 =	sadd.s32 s6, s7;
	s10 =	sor.u32 s29, s10;
	v12 =	vld [tilespmem:s8+$0x1B800];
	[tilespmem:s28+$0x0] =	vst v5;
	s28 =	sadd.s32 s3, s7  }
0x19e: {  	s3 =	sor.u32 $0x380, s0;
	s0 =	sadd.s32 s30, s7;
	s7 =	sor.u32 $0x380, s15;
	v13 =	vld [tilespmem:s6+$0x0];
	v7 =	vmax.bf16 v7, v9  }
.Ltmp17:
0x19f: {  	s10 =	sor.u32 $0x380, s10;
	v5 =	vld [tilespmem:s28+$0x0];
	v6 =	vmax.bf16 v6, v10;
	[tilespmem:s25+$0x0] =	vst v7;
	s25 =	smov.u32 s0;
	(pc) =	sbr.rel @p0 .LBB2_23-.Ltmp17, $4  }
0x1a0: {  	s31 =	sadd.s32 $0x20, s1;
	s0 =	sadd.s32 $0x10, s1;
	v8 =	vld [tilespmem:s3+$0x1B800];
	[tilespmem:s23+$0x0] =	vst v6;
	s23 =	smov.u32 s6  }
0x1a1: {  	s30 =	sand.u32 $0x60, s31;
	s6 =	sand.u32 $0x40, s1;
	s3 =	sand.u32 $0x50, s0;
	v7 =	vld [tilespmem:s25+$0x0]  }
0x1a2: {  	s29 =	sadd.s32 $0x200, s29;
	s8 =	sand.u32 $0x80, s1;
	s15 =	sadd.s32 $0x30, s1;
	v9 =	vld [tilespmem:s7+$0x1B800];
	v11 =	vmax.bf16 v11, v12  }
0x1a3: {  	s1 =	sadd.s32 $0x40, s1;
	s7 =	sadd.s32 s8, s24;
	s8 =	sand.u32 $0x70, s15;
	v10 =	vld [tilespmem:s10+$0x1B800];
	[tilespmem:s4+$0x0] =	vst v11;
	v6 =	vmov v13  }
0x1a4: {  	(v2sf) =	vpush v4, $0x8;
	_ =	sdelay $0x4  }
0x1a5: {  	s1 =	sadd.s32 s8, s7  }
0x1a6: {  	s6 =	sadd.s32 s6, s7;
	v11 =	vld [tilespmem:s1+$0x0]  }
0x1a7: {  	s3 =	sadd.s32 s3, s7;
	v13 =	vld [tilespmem:s6+$0x0]  }
0x1a8: {  	s4 =	sor.u32 s15, s29;
	s7 =	sadd.s32 s30, s7;
	v14 =	vld [tilespmem:s3+$0x0]  }
0x1a9: {  	s0 =	sor.u32 s0, s29;
	s4 =	sor.u32 $0x380, s4;
	v16 =	vld [tilespmem:s7+$0x0]  }
0x1aa: {  	s26 =	sor.u32 s29, s26;
	s0 =	sor.u32 $0x380, s0;
	v12 =	vld [tilespmem:s4+$0x1B800]  }
0x1ab: {  	s24 =	sor.u32 s31, s29;
	v5 =	vmax.bf16 v5, v8;
	v15 =	vld [tilespmem:s0+$0x1B800];
	s0 =	sor.u32 $0x380, s26  }
0x1ac: {  	s4 =	sor.u32 $0x380, s24;
	[tilespmem:s28+$0x0] =	vst v5;
	v5 =	vmax.bf16 v7, v9;
	v7 =	vld [tilespmem:s0+$0x1B800]  }
0x1ad: {  	v8 =	vld [tilespmem:s4+$0x1B800]  }
0x1ae: {  	v6 =	vmax.bf16 v6, v10;
	[tilespmem:s25+$0x0] =	vst v5  }
0x1af: {  	[tilespmem:s23+$0x0] =	vst v6;
	v5 =	vmax.bf16 v11, v12;
	s8 =	spop (v2sf)  }
0x1b0: {  	s10 =	simm.s32 $0x0;
	[tilespmem:s1+$0x0] =	vst v5;
	v5 =	vmax.bf16 v14, v15;
	s0 =	sshll.u32 s8, $0xA  }
0x1b1: {  	s24 =	sand.u32 $0x80, s10;
	v6 =	vmax.bf16 v13, v7;
	[tilespmem:s3+$0x0] =	vst v5;
	s23 =	sshra.s32 s0, $0x2  }
0x1b2: {  	s15 =	simm.s32 $0x0;
	s1 =	sand.u32 $0x40, s10;
	v5 =	vmax.bf16 v16, v8;
	[tilespmem:s6+$0x0] =	vst v6;
	s3 =	sadd.s32 s24, s23  }
0x1b3: {  	s26 =	sor.u32 $0x20, s1;
	[tilespmem:s7+$0x0] =	vst v5;
	s0 =	sand.u32 $0x400, s15;
	s4 =	sadd.s32 s1, s3  }
0x1b4: {  	s0 =	sor.u32 $0x1C000, s0;
	s10 =	sadd.s32 s26, s3;
	v8 =	vld [tilespmem:s4+$0x0]  }
0x1b5: {  	s24 =	sor.u32 $0x10, s1;
	s7 =	sor.u32 s26, s0;
	v6 =	vld [tilespmem:s10+$0x0]  }
0x1b6: {  	s25 =	sor.u32 $0x30, s1;
	s26 =	sor.u32 s24, s0;
	v7 =	vld [tilespmem:s7+$0x0]  }
0x1b7: {  	s15 =	sor.u32 s25, s0;
	s25 =	sadd.s32 s25, s3;
	s3 =	sadd.s32 s24, s3;
	v10 =	vld [tilespmem:s26+$0x0]  }
0x1b8: {  	s0 =	sor.u32 s1, s0;
	s26 =	simm.s32 $0x40;
	v11 =	vld [tilespmem:s3+$0x0]  }
0x1b9: {  	s28 =	simm.s32 $0x200;
	v62 =	vld [tilespmem:s0+$0x0];
	s8 =	sand.u32 $0x80, s26  }
0x1ba: {  	v9 =	vld [tilespmem:s15+$0x0];
	s15 =	sand.u32 $0x400, s28;
	s6 =	sand.u32 $0x40, s26;
	s0 =	sadd.s32 s8, s23  }
0x1bb: {  	v63 =	vld [tilespmem:s25+$0x0];
	s1 =	sor.u32 $0x1C000, s15;
	s7 =	sor.u32 $0x30, s6;
	s24 =	sadd.s32 s6, s0  }
0x1bc: {  	s8 =	sor.u32 $0x20, s6;
	s15 =	sor.u32 s7, s1;
	v5 =	vld [tilespmem:s24+$0x0]  }
0x1bd: {  	s29 =	sadd.s32 s8, s0;
	s8 =	sor.u32 s8, s1;
	v7 =	vmax.bf16 v6, v7;
	v6 =	vld [tilespmem:s15+$0x0]  }
0x1be: {  	s15 =	sor.u32 $0x10, s6;
	v10 =	vmax.bf16 v11, v10;
	v11 =	vmax.bf16 v8, v62;
	v8 =	vld [tilespmem:s8+$0x0];
	[tilespmem:s10+$0x0] =	vst v7  }
0x1bf: {  	v7 =	vld [tilespmem:s29+$0x0];
	s10 =	sor.u32 s15, s1;
	[tilespmem:s3+$0x0] =	vst v10  }
0x1c0: {  	s31 =	sadd.s32 s7, s0;
	s30 =	sadd.s32 s15, s0;
	s0 =	sor.u32 s6, s1;
	v10 =	vmax.bf16 v63, v9;
	[tilespmem:s4+$0x0] =	vst v11;
	v9 =	vld [tilespmem:s10+$0x0]  }
.LBB2_25:
0x1c1: {  	s26 =	sadd.s32 $0x40, s26;
	s28 =	sadd.s32 $0x200, s28  }
0x1c2: {  	v11 =	vld [tilespmem:s30+$0x0];
	[tilespmem:s25+$0x0] =	vst v10;
	v10 =	vmov v5;
	s25 =	smov.u32 s31;
	s1 =	sand.u32 $0x80, s26;
	s3 =	sand.u32 $0x40, s26  }
0x1c3: {  	s4 =	sand.u32 $0x400, s28;
	v12 =	vld [tilespmem:s0+$0x0];
	v13 =	vmov v6;
	p0 =	slt.u32 s26, $0xC0;
	s0 =	sadd.s32 s1, s23  }
0x1c4: {  	s1 =	sor.u32 $0x10, s3;
	s6 =	sor.u32 $0x20, s3;
	v14 =	vld [tilespmem:s25+$0x0];
	s4 =	sor.u32 $0x1C000, s4  }
0x1c5: {  	s8 =	sor.u32 $0x30, s3;
	s7 =	sadd.s32 s3, s0;
	s10 =	sor.u32 s1, s4  }
.Ltmp18:
0x1c6: {  	s31 =	sadd.s32 s8, s0;
	s8 =	sor.u32 s8, s4;
	v7 =	vmax.bf16 v7, v8;
	v5 =	vld [tilespmem:s7+$0x0];
	(pc) =	sbr.rel @p0 .LBB2_25-.Ltmp18, $4  }
0x1c7: {  	s1 =	sadd.s32 s1, s0;
	s15 =	sor.u32 s6, s4;
	v6 =	vld [tilespmem:s8+$0x0];
	v9 =	vmax.bf16 v11, v9;
	[tilespmem:s29+$0x0] =	vst v7;
	s29 =	sadd.s32 s6, s0  }
0x1c8: {  	s0 =	sor.u32 s3, s4;
	v7 =	vld [tilespmem:s29+$0x0];
	v11 =	vmax.bf16 v10, v12  }
0x1c9: {  	v8 =	vld [tilespmem:s15+$0x0];
	[tilespmem:s30+$0x0] =	vst v9;
	v10 =	vmax.bf16 v14, v13;
	s30 =	smov.u32 s1  }
0x1ca: {  	v9 =	vld [tilespmem:s10+$0x0];
	[tilespmem:s24+$0x0] =	vst v11;
	s24 =	smov.u32 s7  }
0x1cb: {  	(v2sf) =	vpush v4, $0x9;
	_ =	sdelay $0xa  }
0x1cc: {  	v11 =	vld [tilespmem:s30+$0x0]  }
0x1cd: {  	v12 =	vld [tilespmem:s0+$0x0]  }
0x1ce: {  	v13 =	vld [tilespmem:s31+$0x0];
	_ =	sdelay $0x1  }
0x1cf: {  	[tilespmem:s25+$0x0] =	vst v10;
	v7 =	vmax.bf16 v7, v8;
	s23 =	spop (v2sf)  }
0x1d0: {  	s1 =	simm.s32 $0x0;
	[tilespmem:s29+$0x0] =	vst v7;
	v8 =	vmax.bf16 v11, v9;
	s0 =	sshll.u32 s23, $0xA  }
0x1d1: {  	s25 =	simm.s32 $0x0;
	s3 =	sand.u32 $0x80, s1;
	v5 =	vmax.bf16 v5, v12;
	[tilespmem:s30+$0x0] =	vst v8;
	s23 =	sshra.s32 s0, $0x2  }
0x1d2: {  	s1 =	sand.u32 $0x40, s1;
	v6 =	vmax.bf16 v13, v6;
	[tilespmem:s24+$0x0] =	vst v5;
	s0 =	sand.u32 $0x400, s25;
	s3 =	sadd.s32 s3, s23  }
0x1d3: {  	s6 =	sor.u32 $0x30, s1;
	[tilespmem:s31+$0x0] =	vst v6;
	s0 =	sor.u32 $0x1C080, s0;
	s4 =	sadd.s32 s1, s3  }
0x1d4: {  	s7 =	sor.u32 $0x20, s1;
	s8 =	sor.u32 s6, s0;
	v8 =	vld [tilespmem:s4+$0x0]  }
0x1d5: {  	s10 =	sadd.s32 s7, s3;
	v9 =	vld [tilespmem:s8+$0x0]  }
0x1d6: {  	s26 =	sor.u32 $0x10, s1;
	s7 =	sor.u32 s7, s0;
	v6 =	vld [tilespmem:s10+$0x0]  }
0x1d7: {  	s15 =	sor.u32 s26, s0;
	v7 =	vld [tilespmem:s7+$0x0]  }
0x1d8: {  	s25 =	sadd.s32 s6, s3;
	s3 =	sadd.s32 s26, s3;
	v10 =	vld [tilespmem:s15+$0x0]  }
0x1d9: {  	s26 =	simm.s32 $0x40;
	s0 =	sor.u32 s1, s0;
	v11 =	vld [tilespmem:s3+$0x0]  }
0x1da: {  	s28 =	simm.s32 $0x200;
	s8 =	sand.u32 $0x80, s26;
	v62 =	vld [tilespmem:s0+$0x0]  }
0x1db: {  	s6 =	sand.u32 $0x40, s26;
	s15 =	sand.u32 $0x400, s28;
	s0 =	sadd.s32 s8, s23  }
0x1dc: {  	v63 =	vld [tilespmem:s25+$0x0];
	s1 =	sor.u32 $0x1C080, s15;
	s7 =	sor.u32 $0x30, s6;
	s24 =	sadd.s32 s6, s0  }
0x1dd: {  	s8 =	sor.u32 $0x20, s6;
	s15 =	sor.u32 s7, s1;
	v5 =	vld [tilespmem:s24+$0x0]  }
0x1de: {  	s29 =	sadd.s32 s8, s0;
	s8 =	sor.u32 s8, s1;
	v7 =	vmax.bf16 v6, v7;
	v6 =	vld [tilespmem:s15+$0x0]  }
0x1df: {  	s15 =	sor.u32 $0x10, s6;
	v10 =	vmax.bf16 v11, v10;
	v11 =	vmax.bf16 v8, v62;
	v8 =	vld [tilespmem:s8+$0x0];
	[tilespmem:s10+$0x0] =	vst v7  }
0x1e0: {  	v7 =	vld [tilespmem:s29+$0x0];
	s10 =	sor.u32 s15, s1;
	[tilespmem:s3+$0x0] =	vst v10  }
0x1e1: {  	s31 =	sadd.s32 s7, s0;
	s30 =	sadd.s32 s15, s0;
	s0 =	sor.u32 s6, s1;
	v10 =	vmax.bf16 v63, v9;
	[tilespmem:s4+$0x0] =	vst v11;
	v9 =	vld [tilespmem:s10+$0x0]  }
.LBB2_27:
0x1e2: {  	s26 =	sadd.s32 $0x40, s26;
	s28 =	sadd.s32 $0x200, s28  }
0x1e3: {  	v11 =	vld [tilespmem:s30+$0x0];
	[tilespmem:s25+$0x0] =	vst v10;
	v10 =	vmov v5;
	s25 =	smov.u32 s31;
	s1 =	sand.u32 $0x80, s26;
	s3 =	sand.u32 $0x40, s26  }
0x1e4: {  	s4 =	sand.u32 $0x400, s28;
	v12 =	vld [tilespmem:s0+$0x0];
	v13 =	vmov v6;
	p0 =	slt.u32 s26, $0xC0;
	s0 =	sadd.s32 s1, s23  }
0x1e5: {  	s1 =	sor.u32 $0x10, s3;
	s6 =	sor.u32 $0x20, s3;
	v14 =	vld [tilespmem:s25+$0x0];
	s4 =	sor.u32 $0x1C080, s4  }
0x1e6: {  	s8 =	sor.u32 $0x30, s3;
	s7 =	sadd.s32 s3, s0;
	s10 =	sor.u32 s1, s4  }
.Ltmp19:
0x1e7: {  	s31 =	sadd.s32 s8, s0;
	s8 =	sor.u32 s8, s4;
	v7 =	vmax.bf16 v7, v8;
	v5 =	vld [tilespmem:s7+$0x0];
	(pc) =	sbr.rel @p0 .LBB2_27-.Ltmp19, $4  }
0x1e8: {  	s1 =	sadd.s32 s1, s0;
	s15 =	sor.u32 s6, s4;
	v6 =	vld [tilespmem:s8+$0x0];
	v9 =	vmax.bf16 v11, v9;
	[tilespmem:s29+$0x0] =	vst v7;
	s29 =	sadd.s32 s6, s0  }
0x1e9: {  	s0 =	sor.u32 s3, s4;
	v7 =	vld [tilespmem:s29+$0x0];
	v11 =	vmax.bf16 v10, v12  }
0x1ea: {  	v8 =	vld [tilespmem:s15+$0x0];
	[tilespmem:s30+$0x0] =	vst v9;
	v10 =	vmax.bf16 v14, v13;
	s30 =	smov.u32 s1  }
0x1eb: {  	v9 =	vld [tilespmem:s10+$0x0];
	[tilespmem:s24+$0x0] =	vst v11;
	s24 =	smov.u32 s7  }
0x1ec: {  	(v2sf) =	vpush v4, $0xA;
	_ =	sdelay $0xa  }
0x1ed: {  	v11 =	vld [tilespmem:s30+$0x0]  }
0x1ee: {  	v12 =	vld [tilespmem:s0+$0x0]  }
0x1ef: {  	v13 =	vld [tilespmem:s31+$0x0];
	_ =	sdelay $0x1  }
0x1f0: {  	[tilespmem:s25+$0x0] =	vst v10;
	v7 =	vmax.bf16 v7, v8;
	s23 =	spop (v2sf)  }
0x1f1: {  	s1 =	simm.s32 $0x0;
	[tilespmem:s29+$0x0] =	vst v7;
	v8 =	vmax.bf16 v11, v9;
	s0 =	sshll.u32 s23, $0xA  }
0x1f2: {  	s25 =	simm.s32 $0x0;
	s3 =	sand.u32 $0x80, s1;
	v5 =	vmax.bf16 v5, v12;
	[tilespmem:s30+$0x0] =	vst v8;
	s23 =	sshra.s32 s0, $0x2  }
0x1f3: {  	s1 =	sand.u32 $0x40, s1;
	v6 =	vmax.bf16 v13, v6;
	[tilespmem:s24+$0x0] =	vst v5;
	s0 =	sand.u32 $0x400, s25;
	s3 =	sadd.s32 s3, s23  }
0x1f4: {  	s6 =	sor.u32 $0x30, s1;
	[tilespmem:s31+$0x0] =	vst v6;
	s0 =	sor.u32 $0x1C100, s0;
	s4 =	sadd.s32 s1, s3  }
0x1f5: {  	s7 =	sor.u32 $0x20, s1;
	s8 =	sor.u32 s6, s0;
	v8 =	vld [tilespmem:s4+$0x0]  }
0x1f6: {  	s10 =	sadd.s32 s7, s3;
	v9 =	vld [tilespmem:s8+$0x0]  }
0x1f7: {  	s26 =	sor.u32 $0x10, s1;
	s7 =	sor.u32 s7, s0;
	v6 =	vld [tilespmem:s10+$0x0]  }
0x1f8: {  	s15 =	sor.u32 s26, s0;
	v7 =	vld [tilespmem:s7+$0x0]  }
0x1f9: {  	s25 =	sadd.s32 s6, s3;
	s3 =	sadd.s32 s26, s3;
	v10 =	vld [tilespmem:s15+$0x0]  }
0x1fa: {  	s26 =	simm.s32 $0x40;
	s0 =	sor.u32 s1, s0;
	v11 =	vld [tilespmem:s3+$0x0]  }
0x1fb: {  	s28 =	simm.s32 $0x200;
	s8 =	sand.u32 $0x80, s26;
	v62 =	vld [tilespmem:s0+$0x0]  }
0x1fc: {  	s6 =	sand.u32 $0x40, s26;
	s15 =	sand.u32 $0x400, s28;
	s0 =	sadd.s32 s8, s23  }
0x1fd: {  	v63 =	vld [tilespmem:s25+$0x0];
	s1 =	sor.u32 $0x1C100, s15;
	s7 =	sor.u32 $0x30, s6;
	s24 =	sadd.s32 s6, s0  }
0x1fe: {  	s8 =	sor.u32 $0x20, s6;
	s15 =	sor.u32 s7, s1;
	v5 =	vld [tilespmem:s24+$0x0]  }
0x1ff: {  	s29 =	sadd.s32 s8, s0;
	s8 =	sor.u32 s8, s1;
	v7 =	vmax.bf16 v6, v7;
	v6 =	vld [tilespmem:s15+$0x0]  }
0x200: {  	s15 =	sor.u32 $0x10, s6;
	v10 =	vmax.bf16 v11, v10;
	v11 =	vmax.bf16 v8, v62;
	v8 =	vld [tilespmem:s8+$0x0];
	[tilespmem:s10+$0x0] =	vst v7  }
0x201: {  	v7 =	vld [tilespmem:s29+$0x0];
	s10 =	sor.u32 s15, s1;
	[tilespmem:s3+$0x0] =	vst v10  }
0x202: {  	s31 =	sadd.s32 s7, s0;
	s30 =	sadd.s32 s15, s0;
	s0 =	sor.u32 s6, s1;
	v10 =	vmax.bf16 v63, v9;
	[tilespmem:s4+$0x0] =	vst v11;
	v9 =	vld [tilespmem:s10+$0x0]  }
.LBB2_29:
0x203: {  	s26 =	sadd.s32 $0x40, s26;
	s28 =	sadd.s32 $0x200, s28  }
0x204: {  	v11 =	vld [tilespmem:s30+$0x0];
	[tilespmem:s25+$0x0] =	vst v10;
	v10 =	vmov v5;
	s25 =	smov.u32 s31;
	s1 =	sand.u32 $0x80, s26;
	s3 =	sand.u32 $0x40, s26  }
0x205: {  	s4 =	sand.u32 $0x400, s28;
	v12 =	vld [tilespmem:s0+$0x0];
	v13 =	vmov v6;
	p0 =	slt.u32 s26, $0xC0;
	s0 =	sadd.s32 s1, s23  }
0x206: {  	s1 =	sor.u32 $0x10, s3;
	s6 =	sor.u32 $0x20, s3;
	v14 =	vld [tilespmem:s25+$0x0];
	s4 =	sor.u32 $0x1C100, s4  }
0x207: {  	s8 =	sor.u32 $0x30, s3;
	s7 =	sadd.s32 s3, s0;
	s10 =	sor.u32 s1, s4  }
.Ltmp20:
0x208: {  	s31 =	sadd.s32 s8, s0;
	s8 =	sor.u32 s8, s4;
	v7 =	vmax.bf16 v7, v8;
	v5 =	vld [tilespmem:s7+$0x0];
	(pc) =	sbr.rel @p0 .LBB2_29-.Ltmp20, $4  }
0x209: {  	s1 =	sadd.s32 s1, s0;
	s15 =	sor.u32 s6, s4;
	v6 =	vld [tilespmem:s8+$0x0];
	v9 =	vmax.bf16 v11, v9;
	[tilespmem:s29+$0x0] =	vst v7;
	s29 =	sadd.s32 s6, s0  }
0x20a: {  	s0 =	sor.u32 s3, s4;
	v7 =	vld [tilespmem:s29+$0x0];
	v11 =	vmax.bf16 v10, v12  }
0x20b: {  	v8 =	vld [tilespmem:s15+$0x0];
	[tilespmem:s30+$0x0] =	vst v9;
	v10 =	vmax.bf16 v14, v13;
	s30 =	smov.u32 s1  }
0x20c: {  	v9 =	vld [tilespmem:s10+$0x0];
	[tilespmem:s24+$0x0] =	vst v11;
	s24 =	smov.u32 s7  }
0x20d: {  	(v2sf) =	vpush v4, $0xB;
	_ =	sdelay $0xa  }
0x20e: {  	v11 =	vld [tilespmem:s30+$0x0]  }
0x20f: {  	v12 =	vld [tilespmem:s0+$0x0]  }
0x210: {  	v13 =	vld [tilespmem:s31+$0x0];
	_ =	sdelay $0x1  }
0x211: {  	[tilespmem:s25+$0x0] =	vst v10;
	v7 =	vmax.bf16 v7, v8;
	s23 =	spop (v2sf)  }
0x212: {  	s1 =	simm.s32 $0x0;
	[tilespmem:s29+$0x0] =	vst v7;
	v8 =	vmax.bf16 v11, v9;
	s0 =	sshll.u32 s23, $0xA  }
0x213: {  	s25 =	simm.s32 $0x0;
	s3 =	sand.u32 $0x80, s1;
	v5 =	vmax.bf16 v5, v12;
	[tilespmem:s30+$0x0] =	vst v8;
	s23 =	sshra.s32 s0, $0x2  }
0x214: {  	s1 =	sand.u32 $0x40, s1;
	v6 =	vmax.bf16 v13, v6;
	[tilespmem:s24+$0x0] =	vst v5;
	s0 =	sand.u32 $0x400, s25;
	s3 =	sadd.s32 s3, s23  }
0x215: {  	s6 =	sor.u32 $0x30, s1;
	[tilespmem:s31+$0x0] =	vst v6;
	s0 =	sor.u32 $0x1C180, s0;
	s4 =	sadd.s32 s1, s3  }
0x216: {  	s7 =	sor.u32 $0x20, s1;
	s8 =	sor.u32 s6, s0;
	v8 =	vld [tilespmem:s4+$0x0]  }
0x217: {  	s10 =	sadd.s32 s7, s3;
	v9 =	vld [tilespmem:s8+$0x0]  }
0x218: {  	s26 =	sor.u32 $0x10, s1;
	s7 =	sor.u32 s7, s0;
	v6 =	vld [tilespmem:s10+$0x0]  }
0x219: {  	s15 =	sor.u32 s26, s0;
	v7 =	vld [tilespmem:s7+$0x0]  }
0x21a: {  	s25 =	sadd.s32 s6, s3;
	s3 =	sadd.s32 s26, s3;
	v10 =	vld [tilespmem:s15+$0x0]  }
0x21b: {  	s26 =	simm.s32 $0x40;
	s0 =	sor.u32 s1, s0;
	v11 =	vld [tilespmem:s3+$0x0]  }
0x21c: {  	s28 =	simm.s32 $0x200;
	s8 =	sand.u32 $0x80, s26;
	v62 =	vld [tilespmem:s0+$0x0]  }
0x21d: {  	s6 =	sand.u32 $0x40, s26;
	s15 =	sand.u32 $0x400, s28;
	s0 =	sadd.s32 s8, s23  }
0x21e: {  	v63 =	vld [tilespmem:s25+$0x0];
	s1 =	sor.u32 $0x1C180, s15;
	s7 =	sor.u32 $0x30, s6;
	s24 =	sadd.s32 s6, s0  }
0x21f: {  	s8 =	sor.u32 $0x20, s6;
	s15 =	sor.u32 s7, s1;
	v5 =	vld [tilespmem:s24+$0x0]  }
0x220: {  	s29 =	sadd.s32 s8, s0;
	s8 =	sor.u32 s8, s1;
	v7 =	vmax.bf16 v6, v7;
	v6 =	vld [tilespmem:s15+$0x0]  }
0x221: {  	s15 =	sor.u32 $0x10, s6;
	v10 =	vmax.bf16 v11, v10;
	v11 =	vmax.bf16 v8, v62;
	v8 =	vld [tilespmem:s8+$0x0];
	[tilespmem:s10+$0x0] =	vst v7  }
0x222: {  	v7 =	vld [tilespmem:s29+$0x0];
	s10 =	sor.u32 s15, s1;
	[tilespmem:s3+$0x0] =	vst v10  }
0x223: {  	s31 =	sadd.s32 s7, s0;
	s30 =	sadd.s32 s15, s0;
	s0 =	sor.u32 s6, s1;
	v10 =	vmax.bf16 v63, v9;
	[tilespmem:s4+$0x0] =	vst v11;
	v9 =	vld [tilespmem:s10+$0x0]  }
.LBB2_31:
0x224: {  	s26 =	sadd.s32 $0x40, s26;
	s28 =	sadd.s32 $0x200, s28  }
0x225: {  	v11 =	vld [tilespmem:s30+$0x0];
	[tilespmem:s25+$0x0] =	vst v10;
	v10 =	vmov v5;
	s25 =	smov.u32 s31;
	s1 =	sand.u32 $0x80, s26;
	s3 =	sand.u32 $0x40, s26  }
0x226: {  	s4 =	sand.u32 $0x400, s28;
	v12 =	vld [tilespmem:s0+$0x0];
	v13 =	vmov v6;
	p0 =	slt.u32 s26, $0xC0;
	s0 =	sadd.s32 s1, s23  }
0x227: {  	s1 =	sor.u32 $0x10, s3;
	s6 =	sor.u32 $0x20, s3;
	v14 =	vld [tilespmem:s25+$0x0];
	s4 =	sor.u32 $0x1C180, s4  }
0x228: {  	s8 =	sor.u32 $0x30, s3;
	s7 =	sadd.s32 s3, s0;
	s10 =	sor.u32 s1, s4  }
.Ltmp21:
0x229: {  	s31 =	sadd.s32 s8, s0;
	s8 =	sor.u32 s8, s4;
	v7 =	vmax.bf16 v7, v8;
	v5 =	vld [tilespmem:s7+$0x0];
	(pc) =	sbr.rel @p0 .LBB2_31-.Ltmp21, $4  }
0x22a: {  	s1 =	sadd.s32 s1, s0;
	s15 =	sor.u32 s6, s4;
	v6 =	vld [tilespmem:s8+$0x0];
	v9 =	vmax.bf16 v11, v9;
	[tilespmem:s29+$0x0] =	vst v7;
	s29 =	sadd.s32 s6, s0  }
0x22b: {  	s0 =	sor.u32 s3, s4;
	v7 =	vld [tilespmem:s29+$0x0];
	v11 =	vmax.bf16 v10, v12  }
0x22c: {  	v8 =	vld [tilespmem:s15+$0x0];
	[tilespmem:s30+$0x0] =	vst v9;
	v10 =	vmax.bf16 v14, v13;
	s30 =	smov.u32 s1  }
0x22d: {  	v9 =	vld [tilespmem:s10+$0x0];
	[tilespmem:s24+$0x0] =	vst v11;
	s24 =	smov.u32 s7  }
0x22e: {  	(v2sf) =	vpush v4, $0xC;
	_ =	sdelay $0xa  }
0x22f: {  	v11 =	vld [tilespmem:s30+$0x0]  }
0x230: {  	v12 =	vld [tilespmem:s0+$0x0]  }
0x231: {  	v13 =	vld [tilespmem:s31+$0x0];
	_ =	sdelay $0x1  }
0x232: {  	[tilespmem:s25+$0x0] =	vst v10;
	v7 =	vmax.bf16 v7, v8;
	s23 =	spop (v2sf)  }
0x233: {  	s1 =	simm.s32 $0x0;
	[tilespmem:s29+$0x0] =	vst v7;
	v8 =	vmax.bf16 v11, v9;
	s0 =	sshll.u32 s23, $0xA  }
0x234: {  	s25 =	simm.s32 $0x0;
	s3 =	sand.u32 $0x80, s1;
	v5 =	vmax.bf16 v5, v12;
	[tilespmem:s30+$0x0] =	vst v8;
	s23 =	sshra.s32 s0, $0x2  }
0x235: {  	s1 =	sand.u32 $0x40, s1;
	v6 =	vmax.bf16 v13, v6;
	[tilespmem:s24+$0x0] =	vst v5;
	s0 =	sand.u32 $0x400, s25;
	s3 =	sadd.s32 s3, s23  }
0x236: {  	s6 =	sor.u32 $0x30, s1;
	[tilespmem:s31+$0x0] =	vst v6;
	s0 =	sor.u32 $0x1C200, s0;
	s4 =	sadd.s32 s1, s3  }
0x237: {  	s7 =	sor.u32 $0x20, s1;
	s8 =	sor.u32 s6, s0;
	v8 =	vld [tilespmem:s4+$0x0]  }
0x238: {  	s10 =	sadd.s32 s7, s3;
	v9 =	vld [tilespmem:s8+$0x0]  }
0x239: {  	s26 =	sor.u32 $0x10, s1;
	s7 =	sor.u32 s7, s0;
	v6 =	vld [tilespmem:s10+$0x0]  }
0x23a: {  	s15 =	sor.u32 s26, s0;
	v7 =	vld [tilespmem:s7+$0x0]  }
0x23b: {  	s25 =	sadd.s32 s6, s3;
	s3 =	sadd.s32 s26, s3;
	v10 =	vld [tilespmem:s15+$0x0]  }
0x23c: {  	s26 =	simm.s32 $0x40;
	s0 =	sor.u32 s1, s0;
	v11 =	vld [tilespmem:s3+$0x0]  }
0x23d: {  	s28 =	simm.s32 $0x200;
	s8 =	sand.u32 $0x80, s26;
	v62 =	vld [tilespmem:s0+$0x0]  }
0x23e: {  	s6 =	sand.u32 $0x40, s26;
	s15 =	sand.u32 $0x400, s28;
	s0 =	sadd.s32 s8, s23  }
0x23f: {  	v63 =	vld [tilespmem:s25+$0x0];
	s1 =	sor.u32 $0x1C200, s15;
	s7 =	sor.u32 $0x30, s6;
	s24 =	sadd.s32 s6, s0  }
0x240: {  	s8 =	sor.u32 $0x20, s6;
	s15 =	sor.u32 s7, s1;
	v5 =	vld [tilespmem:s24+$0x0]  }
0x241: {  	s29 =	sadd.s32 s8, s0;
	s8 =	sor.u32 s8, s1;
	v7 =	vmax.bf16 v6, v7;
	v6 =	vld [tilespmem:s15+$0x0]  }
0x242: {  	s15 =	sor.u32 $0x10, s6;
	v10 =	vmax.bf16 v11, v10;
	v11 =	vmax.bf16 v8, v62;
	v8 =	vld [tilespmem:s8+$0x0];
	[tilespmem:s10+$0x0] =	vst v7  }
0x243: {  	v7 =	vld [tilespmem:s29+$0x0];
	s10 =	sor.u32 s15, s1;
	[tilespmem:s3+$0x0] =	vst v10  }
0x244: {  	s31 =	sadd.s32 s7, s0;
	s30 =	sadd.s32 s15, s0;
	s0 =	sor.u32 s6, s1;
	v10 =	vmax.bf16 v63, v9;
	[tilespmem:s4+$0x0] =	vst v11;
	v9 =	vld [tilespmem:s10+$0x0]  }
.LBB2_33:
0x245: {  	s26 =	sadd.s32 $0x40, s26;
	s28 =	sadd.s32 $0x200, s28  }
0x246: {  	v11 =	vld [tilespmem:s30+$0x0];
	[tilespmem:s25+$0x0] =	vst v10;
	v10 =	vmov v5;
	s25 =	smov.u32 s31;
	s1 =	sand.u32 $0x80, s26;
	s3 =	sand.u32 $0x40, s26  }
0x247: {  	s4 =	sand.u32 $0x400, s28;
	v12 =	vld [tilespmem:s0+$0x0];
	v13 =	vmov v6;
	p0 =	slt.u32 s26, $0xC0;
	s0 =	sadd.s32 s1, s23  }
0x248: {  	s1 =	sor.u32 $0x10, s3;
	s6 =	sor.u32 $0x20, s3;
	v14 =	vld [tilespmem:s25+$0x0];
	s4 =	sor.u32 $0x1C200, s4  }
0x249: {  	s8 =	sor.u32 $0x30, s3;
	s7 =	sadd.s32 s3, s0;
	s10 =	sor.u32 s1, s4  }
.Ltmp22:
0x24a: {  	s31 =	sadd.s32 s8, s0;
	s8 =	sor.u32 s8, s4;
	v7 =	vmax.bf16 v7, v8;
	v5 =	vld [tilespmem:s7+$0x0];
	(pc) =	sbr.rel @p0 .LBB2_33-.Ltmp22, $4  }
0x24b: {  	s1 =	sadd.s32 s1, s0;
	s15 =	sor.u32 s6, s4;
	v6 =	vld [tilespmem:s8+$0x0];
	v9 =	vmax.bf16 v11, v9;
	[tilespmem:s29+$0x0] =	vst v7;
	s29 =	sadd.s32 s6, s0  }
0x24c: {  	s0 =	sor.u32 s3, s4;
	v7 =	vld [tilespmem:s29+$0x0];
	v11 =	vmax.bf16 v10, v12  }
0x24d: {  	v8 =	vld [tilespmem:s15+$0x0];
	[tilespmem:s30+$0x0] =	vst v9;
	v10 =	vmax.bf16 v14, v13;
	s30 =	smov.u32 s1  }
0x24e: {  	v9 =	vld [tilespmem:s10+$0x0];
	[tilespmem:s24+$0x0] =	vst v11;
	s24 =	smov.u32 s7  }
0x24f: {  	(v2sf) =	vpush v4, $0xD;
	_ =	sdelay $0xa  }
0x250: {  	v11 =	vld [tilespmem:s30+$0x0]  }
0x251: {  	v12 =	vld [tilespmem:s0+$0x0]  }
0x252: {  	v13 =	vld [tilespmem:s31+$0x0];
	_ =	sdelay $0x1  }
0x253: {  	[tilespmem:s25+$0x0] =	vst v10;
	v7 =	vmax.bf16 v7, v8;
	s23 =	spop (v2sf)  }
0x254: {  	s1 =	simm.s32 $0x0;
	[tilespmem:s29+$0x0] =	vst v7;
	v8 =	vmax.bf16 v11, v9;
	s0 =	sshll.u32 s23, $0xA  }
0x255: {  	s25 =	simm.s32 $0x0;
	s3 =	sand.u32 $0x80, s1;
	v5 =	vmax.bf16 v5, v12;
	[tilespmem:s30+$0x0] =	vst v8;
	s23 =	sshra.s32 s0, $0x2  }
0x256: {  	s1 =	sand.u32 $0x40, s1;
	v6 =	vmax.bf16 v13, v6;
	[tilespmem:s24+$0x0] =	vst v5;
	s0 =	sand.u32 $0x400, s25;
	s3 =	sadd.s32 s3, s23  }
0x257: {  	s6 =	sor.u32 $0x30, s1;
	[tilespmem:s31+$0x0] =	vst v6;
	s0 =	sor.u32 $0x1C280, s0;
	s4 =	sadd.s32 s1, s3  }
0x258: {  	s7 =	sor.u32 $0x20, s1;
	s8 =	sor.u32 s6, s0;
	v8 =	vld [tilespmem:s4+$0x0]  }
0x259: {  	s10 =	sadd.s32 s7, s3;
	v9 =	vld [tilespmem:s8+$0x0]  }
0x25a: {  	s26 =	sor.u32 $0x10, s1;
	s7 =	sor.u32 s7, s0;
	v6 =	vld [tilespmem:s10+$0x0]  }
0x25b: {  	s15 =	sor.u32 s26, s0;
	v7 =	vld [tilespmem:s7+$0x0]  }
0x25c: {  	s25 =	sadd.s32 s6, s3;
	s3 =	sadd.s32 s26, s3;
	v10 =	vld [tilespmem:s15+$0x0]  }
0x25d: {  	s26 =	simm.s32 $0x40;
	s0 =	sor.u32 s1, s0;
	v11 =	vld [tilespmem:s3+$0x0]  }
0x25e: {  	s28 =	simm.s32 $0x200;
	s8 =	sand.u32 $0x80, s26;
	v62 =	vld [tilespmem:s0+$0x0]  }
0x25f: {  	s6 =	sand.u32 $0x40, s26;
	s15 =	sand.u32 $0x400, s28;
	s0 =	sadd.s32 s8, s23  }
0x260: {  	v63 =	vld [tilespmem:s25+$0x0];
	s1 =	sor.u32 $0x1C280, s15;
	s7 =	sor.u32 $0x30, s6;
	s24 =	sadd.s32 s6, s0  }
0x261: {  	s8 =	sor.u32 $0x20, s6;
	s15 =	sor.u32 s7, s1;
	v5 =	vld [tilespmem:s24+$0x0]  }
0x262: {  	s29 =	sadd.s32 s8, s0;
	s8 =	sor.u32 s8, s1;
	v7 =	vmax.bf16 v6, v7;
	v6 =	vld [tilespmem:s15+$0x0]  }
0x263: {  	s15 =	sor.u32 $0x10, s6;
	v10 =	vmax.bf16 v11, v10;
	v11 =	vmax.bf16 v8, v62;
	v8 =	vld [tilespmem:s8+$0x0];
	[tilespmem:s10+$0x0] =	vst v7  }
0x264: {  	v7 =	vld [tilespmem:s29+$0x0];
	s10 =	sor.u32 s15, s1;
	[tilespmem:s3+$0x0] =	vst v10  }
0x265: {  	s31 =	sadd.s32 s7, s0;
	s30 =	sadd.s32 s15, s0;
	s0 =	sor.u32 s6, s1;
	v10 =	vmax.bf16 v63, v9;
	[tilespmem:s4+$0x0] =	vst v11;
	v9 =	vld [tilespmem:s10+$0x0]  }
.LBB2_35:
0x266: {  	s26 =	sadd.s32 $0x40, s26;
	s28 =	sadd.s32 $0x200, s28  }
0x267: {  	v11 =	vld [tilespmem:s30+$0x0];
	[tilespmem:s25+$0x0] =	vst v10;
	v10 =	vmov v5;
	s25 =	smov.u32 s31;
	s1 =	sand.u32 $0x80, s26;
	s3 =	sand.u32 $0x40, s26  }
0x268: {  	s4 =	sand.u32 $0x400, s28;
	v12 =	vld [tilespmem:s0+$0x0];
	v13 =	vmov v6;
	p0 =	slt.u32 s26, $0xC0;
	s0 =	sadd.s32 s1, s23  }
0x269: {  	s1 =	sor.u32 $0x10, s3;
	s6 =	sor.u32 $0x20, s3;
	v14 =	vld [tilespmem:s25+$0x0];
	s4 =	sor.u32 $0x1C280, s4  }
0x26a: {  	s8 =	sor.u32 $0x30, s3;
	s7 =	sadd.s32 s3, s0;
	s10 =	sor.u32 s1, s4  }
.Ltmp23:
0x26b: {  	s31 =	sadd.s32 s8, s0;
	s8 =	sor.u32 s8, s4;
	v7 =	vmax.bf16 v7, v8;
	v5 =	vld [tilespmem:s7+$0x0];
	(pc) =	sbr.rel @p0 .LBB2_35-.Ltmp23, $4  }
0x26c: {  	s1 =	sadd.s32 s1, s0;
	s15 =	sor.u32 s6, s4;
	v6 =	vld [tilespmem:s8+$0x0];
	v9 =	vmax.bf16 v11, v9;
	[tilespmem:s29+$0x0] =	vst v7;
	s29 =	sadd.s32 s6, s0  }
0x26d: {  	s0 =	sor.u32 s3, s4;
	v7 =	vld [tilespmem:s29+$0x0];
	v11 =	vmax.bf16 v10, v12  }
0x26e: {  	v8 =	vld [tilespmem:s15+$0x0];
	[tilespmem:s30+$0x0] =	vst v9;
	v10 =	vmax.bf16 v14, v13;
	s30 =	smov.u32 s1  }
0x26f: {  	v9 =	vld [tilespmem:s10+$0x0];
	[tilespmem:s24+$0x0] =	vst v11;
	s24 =	smov.u32 s7  }
0x270: {  	(v2sf) =	vpush v4, $0xE;
	_ =	sdelay $0xa  }
0x271: {  	v11 =	vld [tilespmem:s30+$0x0]  }
0x272: {  	v12 =	vld [tilespmem:s0+$0x0]  }
0x273: {  	v13 =	vld [tilespmem:s31+$0x0];
	_ =	sdelay $0x1  }
0x274: {  	[tilespmem:s25+$0x0] =	vst v10;
	v7 =	vmax.bf16 v7, v8;
	s23 =	spop (v2sf)  }
0x275: {  	s1 =	simm.s32 $0x0;
	[tilespmem:s29+$0x0] =	vst v7;
	v8 =	vmax.bf16 v11, v9;
	s0 =	sshll.u32 s23, $0xA  }
0x276: {  	s25 =	simm.s32 $0x0;
	s3 =	sand.u32 $0x80, s1;
	v5 =	vmax.bf16 v5, v12;
	[tilespmem:s30+$0x0] =	vst v8;
	s23 =	sshra.s32 s0, $0x2  }
0x277: {  	s1 =	sand.u32 $0x40, s1;
	v6 =	vmax.bf16 v13, v6;
	[tilespmem:s24+$0x0] =	vst v5;
	s0 =	sand.u32 $0x400, s25;
	s3 =	sadd.s32 s3, s23  }
0x278: {  	s6 =	sor.u32 $0x30, s1;
	[tilespmem:s31+$0x0] =	vst v6;
	s0 =	sor.u32 $0x1C300, s0;
	s4 =	sadd.s32 s1, s3  }
0x279: {  	s7 =	sor.u32 $0x20, s1;
	s8 =	sor.u32 s6, s0;
	v8 =	vld [tilespmem:s4+$0x0]  }
0x27a: {  	s10 =	sadd.s32 s7, s3;
	v9 =	vld [tilespmem:s8+$0x0]  }
0x27b: {  	s26 =	sor.u32 $0x10, s1;
	s7 =	sor.u32 s7, s0;
	v6 =	vld [tilespmem:s10+$0x0]  }
0x27c: {  	s15 =	sor.u32 s26, s0;
	v7 =	vld [tilespmem:s7+$0x0]  }
0x27d: {  	s25 =	sadd.s32 s6, s3;
	s3 =	sadd.s32 s26, s3;
	v10 =	vld [tilespmem:s15+$0x0]  }
0x27e: {  	s26 =	simm.s32 $0x40;
	s0 =	sor.u32 s1, s0;
	v11 =	vld [tilespmem:s3+$0x0]  }
0x27f: {  	s28 =	simm.s32 $0x200;
	s8 =	sand.u32 $0x80, s26;
	v62 =	vld [tilespmem:s0+$0x0]  }
0x280: {  	s6 =	sand.u32 $0x40, s26;
	s15 =	sand.u32 $0x400, s28;
	s0 =	sadd.s32 s8, s23  }
0x281: {  	v63 =	vld [tilespmem:s25+$0x0];
	s1 =	sor.u32 $0x1C300, s15;
	s7 =	sor.u32 $0x30, s6;
	s24 =	sadd.s32 s6, s0  }
0x282: {  	s8 =	sor.u32 $0x20, s6;
	s15 =	sor.u32 s7, s1;
	v5 =	vld [tilespmem:s24+$0x0]  }
0x283: {  	s29 =	sadd.s32 s8, s0;
	s8 =	sor.u32 s8, s1;
	v7 =	vmax.bf16 v6, v7;
	v6 =	vld [tilespmem:s15+$0x0]  }
0x284: {  	s15 =	sor.u32 $0x10, s6;
	v10 =	vmax.bf16 v11, v10;
	v11 =	vmax.bf16 v8, v62;
	v8 =	vld [tilespmem:s8+$0x0];
	[tilespmem:s10+$0x0] =	vst v7  }
0x285: {  	v7 =	vld [tilespmem:s29+$0x0];
	s10 =	sor.u32 s15, s1;
	[tilespmem:s3+$0x0] =	vst v10  }
0x286: {  	s31 =	sadd.s32 s7, s0;
	s30 =	sadd.s32 s15, s0;
	s0 =	sor.u32 s6, s1;
	v10 =	vmax.bf16 v63, v9;
	[tilespmem:s4+$0x0] =	vst v11;
	v9 =	vld [tilespmem:s10+$0x0]  }
.LBB2_37:
0x287: {  	s26 =	sadd.s32 $0x40, s26;
	s28 =	sadd.s32 $0x200, s28  }
0x288: {  	v11 =	vld [tilespmem:s30+$0x0];
	[tilespmem:s25+$0x0] =	vst v10;
	v10 =	vmov v5;
	s25 =	smov.u32 s31;
	s1 =	sand.u32 $0x80, s26;
	s3 =	sand.u32 $0x40, s26  }
0x289: {  	s4 =	sand.u32 $0x400, s28;
	v12 =	vld [tilespmem:s0+$0x0];
	v13 =	vmov v6;
	p0 =	slt.u32 s26, $0xC0;
	s0 =	sadd.s32 s1, s23  }
0x28a: {  	s1 =	sor.u32 $0x10, s3;
	s6 =	sor.u32 $0x20, s3;
	v14 =	vld [tilespmem:s25+$0x0];
	s4 =	sor.u32 $0x1C300, s4  }
0x28b: {  	s8 =	sor.u32 $0x30, s3;
	s7 =	sadd.s32 s3, s0;
	s10 =	sor.u32 s1, s4  }
.Ltmp24:
0x28c: {  	s31 =	sadd.s32 s8, s0;
	s8 =	sor.u32 s8, s4;
	v7 =	vmax.bf16 v7, v8;
	v5 =	vld [tilespmem:s7+$0x0];
	(pc) =	sbr.rel @p0 .LBB2_37-.Ltmp24, $4  }
0x28d: {  	s1 =	sadd.s32 s1, s0;
	s15 =	sor.u32 s6, s4;
	v6 =	vld [tilespmem:s8+$0x0];
	v9 =	vmax.bf16 v11, v9;
	[tilespmem:s29+$0x0] =	vst v7;
	s29 =	sadd.s32 s6, s0  }
0x28e: {  	s0 =	sor.u32 s3, s4;
	v7 =	vld [tilespmem:s29+$0x0];
	v11 =	vmax.bf16 v10, v12  }
0x28f: {  	v8 =	vld [tilespmem:s15+$0x0];
	[tilespmem:s30+$0x0] =	vst v9;
	v10 =	vmax.bf16 v14, v13;
	s30 =	smov.u32 s1  }
0x290: {  	v9 =	vld [tilespmem:s10+$0x0];
	[tilespmem:s24+$0x0] =	vst v11;
	s24 =	smov.u32 s7  }
0x291: {  	(v2sf) =	vpush v4, $0xF;
	_ =	sdelay $0xa  }
0x292: {  	v4 =	vld [tilespmem:s30+$0x0]  }
0x293: {  	v11 =	vld [tilespmem:s0+$0x0]  }
0x294: {  	v12 =	vld [tilespmem:s31+$0x0];
	_ =	sdelay $0x1  }
0x295: {  	[tilespmem:s25+$0x0] =	vst v10;
	v7 =	vmax.bf16 v7, v8;
	s25 =	spop (v2sf)  }
0x296: {  	s1 =	simm.s32 $0x0;
	[tilespmem:s29+$0x0] =	vst v7;
	v4 =	vmax.bf16 v4, v9;
	s0 =	sshll.u32 s25, $0xA  }
0x297: {  	s26 =	simm.s32 $0x0;
	s3 =	sand.u32 $0x80, s1;
	v5 =	vmax.bf16 v5, v11;
	[tilespmem:s30+$0x0] =	vst v4;
	s23 =	sshra.s32 s0, $0x2  }
0x298: {  	s1 =	sand.u32 $0x40, s1;
	v4 =	vmax.bf16 v12, v6;
	[tilespmem:s24+$0x0] =	vst v5;
	s0 =	sand.u32 $0x400, s26;
	s3 =	sadd.s32 s3, s23  }
0x299: {  	s6 =	sor.u32 $0x30, s1;
	[tilespmem:s31+$0x0] =	vst v4;
	s0 =	sor.u32 $0x1C380, s0;
	s4 =	sadd.s32 s1, s3  }
0x29a: {  	s7 =	sor.u32 $0x20, s1;
	s8 =	sor.u32 s6, s0;
	v7 =	vld [tilespmem:s4+$0x0]  }
0x29b: {  	s10 =	sadd.s32 s7, s3;
	v8 =	vld [tilespmem:s8+$0x0]  }
0x29c: {  	s31 =	sor.u32 $0x10, s1;
	s7 =	sor.u32 s7, s0;
	v5 =	vld [tilespmem:s10+$0x0]  }
0x29d: {  	s15 =	sor.u32 s31, s0;
	v6 =	vld [tilespmem:s7+$0x0]  }
0x29e: {  	s24 =	sadd.s32 s6, s3;
	s3 =	sadd.s32 s31, s3;
	v9 =	vld [tilespmem:s15+$0x0]  }
0x29f: {  	s26 =	simm.s32 $0x40;
	s0 =	sor.u32 s1, s0;
	v10 =	vld [tilespmem:s3+$0x0]  }
0x2a0: {  	s28 =	simm.s32 $0x200;
	s8 =	sand.u32 $0x80, s26;
	v11 =	vld [tilespmem:s0+$0x0]  }
0x2a1: {  	s6 =	sand.u32 $0x40, s26;
	s15 =	sand.u32 $0x400, s28;
	s1 =	sadd.s32 s8, s23  }
0x2a2: {  	v63 =	vld [tilespmem:s24+$0x0];
	s0 =	sor.u32 $0x30, s6;
	s7 =	sor.u32 $0x1C380, s15;
	s25 =	sadd.s32 s6, s1  }
0x2a3: {  	s8 =	sor.u32 $0x20, s6;
	s31 =	sor.u32 s0, s7;
	v4 =	vld [tilespmem:s25+$0x0]  }
0x2a4: {  	s29 =	sadd.s32 s8, s1;
	s8 =	sor.u32 s8, s7;
	v6 =	vmax.bf16 v5, v6;
	v5 =	vld [tilespmem:s31+$0x0]  }
0x2a5: {  	s15 =	sor.u32 $0x10, s6;
	v9 =	vmax.bf16 v10, v9;
	v10 =	vmax.bf16 v7, v11;
	v7 =	vld [tilespmem:s8+$0x0];
	[tilespmem:s10+$0x0] =	vst v6  }
0x2a6: {  	s31 =	sor.u32 s15, s7;
	v6 =	vld [tilespmem:s29+$0x0];
	[tilespmem:s3+$0x0] =	vst v9  }
0x2a7: {  	s0 =	sadd.s32 s0, s1;
	s30 =	sadd.s32 s15, s1;
	s1 =	sor.u32 s6, s7;
	v9 =	vmax.bf16 v63, v8;
	v8 =	vld [tilespmem:s31+$0x0];
	[tilespmem:s4+$0x0] =	vst v10  }
.LBB2_39:
0x2a8: {  	s26 =	sadd.s32 $0x40, s26;
	s28 =	sadd.s32 $0x200, s28  }
0x2a9: {  	v10 =	vld [tilespmem:s30+$0x0];
	[tilespmem:s24+$0x0] =	vst v9;
	v9 =	vmov v4;
	s24 =	smov.u32 s0;
	s0 =	sand.u32 $0x80, s26;
	s3 =	sand.u32 $0x40, s26  }
0x2aa: {  	s4 =	sand.u32 $0x400, s28;
	v11 =	vld [tilespmem:s1+$0x0];
	v12 =	vmov v5;
	p0 =	slt.u32 s26, $0xC0;
	s1 =	sadd.s32 s0, s23  }
0x2ab: {  	s6 =	sor.u32 $0x10, s3;
	s7 =	sor.u32 $0x20, s3;
	v13 =	vld [tilespmem:s24+$0x0];
	s4 =	sor.u32 $0x1C380, s4  }
0x2ac: {  	s10 =	sor.u32 $0x30, s3;
	s8 =	sadd.s32 s3, s1;
	s15 =	sor.u32 s6, s4  }
.Ltmp25:
0x2ad: {  	s0 =	sadd.s32 s10, s1;
	s10 =	sor.u32 s10, s4;
	v6 =	vmax.bf16 v6, v7;
	v4 =	vld [tilespmem:s8+$0x0];
	(pc) =	sbr.rel @p0 .LBB2_39-.Ltmp25, $4  }
0x2ae: {  	s6 =	sadd.s32 s6, s1;
	s31 =	sor.u32 s7, s4;
	v5 =	vld [tilespmem:s10+$0x0];
	v8 =	vmax.bf16 v10, v8;
	[tilespmem:s29+$0x0] =	vst v6;
	s29 =	sadd.s32 s7, s1  }
0x2af: {  	s1 =	sor.u32 s3, s4;
	v6 =	vld [tilespmem:s29+$0x0];
	v10 =	vmax.bf16 v9, v11  }
0x2b0: {  	v7 =	vld [tilespmem:s31+$0x0];
	[tilespmem:s30+$0x0] =	vst v8;
	v9 =	vmax.bf16 v13, v12;
	s30 =	smov.u32 s6  }
0x2b1: {  	v8 =	vld [tilespmem:s15+$0x0];
	[tilespmem:s25+$0x0] =	vst v10;
	s25 =	smov.u32 s8  }
0x2b2: {  	v10 =	vld [tilespmem:s30+$0x0]  }
0x2b3: {  	v11 =	vld [tilespmem:s1+$0x0]  }
0x2b4: {  	v12 =	vld [tilespmem:s0+$0x0];
	_ =	sdelay $0x1  }
0x2b5: {  	[tilespmem:s24+$0x0] =	vst v9;
	v6 =	vmax.bf16 v6, v7  }
0x2b6: {  	[tilespmem:s29+$0x0] =	vst v6;
	v63 =	vmax.bf16 v10, v8  }
0x2b7: {  	v4 =	vmax.bf16 v4, v11;
	[tilespmem:s30+$0x0] =	vst v63  }
0x2b8: {  	v5 =	vmax.bf16 v12, v5;
	[tilespmem:s25+$0x0] =	vst v4  }
0x2b9: {  	[tilespmem:s0+$0x0] =	vst v5  }
.LBB2_41:
0x2ba: {  	p0 =	sge.s32 s21, s18  }
.Ltmp26:
0x2bb: {  	_ = 	snop;
	(pc) =	sbr.rel @p0 .LBB2_75-.Ltmp26, $1  }
0x2bc: {  	_ =	sdelay $0x3  }
0x2bd: {  	s0 =	sadd.s32 $0x2, s22  }
0x2be: {  	_ =	swait.ge [sflag:s14], $0x1000;
	p0 =	sge.s32 s0, s18  }
0x2bf: {  	[sflag:s14] =	ssyncset.done $0x0;
	s0 =	sshll.u32 @!p0 s0, $0x6  }
0x2c0: {  	[sflag:s14] =	ssyncadd.s32 $0xFFFFF000;
	s0 =	sshra.s32 @!p0 s0, $0x2  }
0x2c1: {  	v4 =	vld @!p0 [tilespmem:s0+$0x17900];
	_ =	sdelay $0x4  }
0x2c2: {  	v5 =	vshll.u32 @!p0 v4, $0x1  }
0x2c3: {  	v6 =	vlaneseq.u32 @!p0;
	v4 =	vand.u32 @!p0 $0x7, v4;
	v5 =	vand.u32 @!p0 $0xFFFFFFF0, v5  }
0x2c4: {  	v7 =	vshrl.u32 @!p0 v6, $0x3;
	v4 =	vor.u32 @!p0 v4, v5;
	v5 =	vand.u32 @!p0 $0x7, v6  }
0x2c5: {  	v7 =	vmul.u32 @!p0 $0x8, v7;
	v5 =	vperm.xlane @!p0 v4, v5  }
0x2c6: {  	v6 =	vor.u32 @!p0 $0x8, v6  }
0x2c7: {  	v4 =	vperm.xlane @!p0 v4, v6;
	v5 =	vadd.s32 @!p0 v7, v5;
	_ =	sdelay $0x1  }
0x2c8: {  	v4 =	vadd.s32 @!p0 v7, v4;
	_ =	sdelay $0x1  }
0x2c9: {  	vm0 =	vmmov @!p0 $0xffff;
	s1 =	simm.s32 @!p0 $0x1B800;
	s0 =	simm.s32 @!p0 $0x0  }
0x2ca: {  	[tilespmem:s1], [sflag:$0x1] =	stream.indirect_vreg.gather @!p0 [hbm4b:s2+s0], $0x80, v5, vm0, $0xb8;
	[tilespmem:$0x1D800] =	vst v63  }
0x2cb: {  	s21 =	sshll.u32 s21, $0x6;
	s1 =	simm.s32 @!p0 $0x1C000  }
0x2cc: {  	[tilespmem:s1], [sflag:$0x1] =	stream.indirect_vreg.gather @!p0 [hbm4b:s2+s0], $0x80, v4, vm0, $0xb8;
	[tilespmem:$0x1D800] =	vst v63  }
0x2cd: {  	s0 =	sshra.s32 s21, $0x2  }
0x2ce: {  	v4 =	vld [tilespmem:s0+$0x19880];
	_ =	sdelay $0x4  }
0x2cf: {  	(v2sf) =	vpush v4, $0x0;
	_ =	sdelay $0xe  }
0x2d0: {  	s22 =	spop (v2sf)  }
0x2d1: {  	s23 =	simm.s32 $0x0;
	s0 =	sshll.u32 s22, $0xA  }
0x2d2: {  	s3 =	sand.u32 $0x80, s23;
	s21 =	sshra.s32 s0, $0x2  }
0x2d3: {  	s24 =	simm.s32 $0x0;
	s1 =	sand.u32 $0x40, s23;
	s3 =	sadd.s32 s3, s21  }
0x2d4: {  	s7 =	sor.u32 $0x20, s1;
	s0 =	sand.u32 $0x400, s24;
	s4 =	sadd.s32 s1, s3  }
0x2d5: {  	s0 =	sor.u32 $0x1C800, s0;
	s10 =	sadd.s32 s7, s3;
	v8 =	vld [tilespmem:s4+$0x0]  }
0x2d6: {  	s25 =	sor.u32 $0x10, s1;
	s7 =	sor.u32 s7, s0;
	v6 =	vld [tilespmem:s10+$0x0]  }
0x2d7: {  	s6 =	sor.u32 $0x30, s1;
	s15 =	sor.u32 s25, s0;
	v7 =	vld [tilespmem:s7+$0x0]  }
0x2d8: {  	s23 =	sadd.s32 s6, s3;
	s3 =	sadd.s32 s25, s3;
	v10 =	vld [tilespmem:s15+$0x0]  }
0x2d9: {  	s24 =	simm.s32 $0x40;
	s8 =	sor.u32 s6, s0;
	s0 =	sor.u32 s1, s0;
	v11 =	vld [tilespmem:s3+$0x0]  }
0x2da: {  	s26 =	sand.u32 $0x80, s24;
	s25 =	simm.s32 $0x200;
	v12 =	vld [tilespmem:s0+$0x0]  }
0x2db: {  	s6 =	sand.u32 $0x40, s24;
	v9 =	vld [tilespmem:s8+$0x0];
	s30 =	sand.u32 $0x400, s25;
	s0 =	sadd.s32 s26, s21  }
0x2dc: {  	v13 =	vld [tilespmem:s23+$0x0];
	s7 =	sor.u32 $0x30, s6;
	s22 =	sadd.s32 s6, s0;
	s1 =	sor.u32 $0x1C800, s30  }
0x2dd: {  	s8 =	sor.u32 $0x20, s6;
	v5 =	vld [tilespmem:s22+$0x0];
	s31 =	sor.u32 s7, s1  }
0x2de: {  	s26 =	sadd.s32 s8, s0;
	s8 =	sor.u32 s8, s1;
	v7 =	vmax.bf16 v6, v7;
	v6 =	vld [tilespmem:s31+$0x0]  }
0x2df: {  	s30 =	sor.u32 $0x10, s6;
	v10 =	vmax.bf16 v11, v10;
	v11 =	vmax.bf16 v8, v12;
	v8 =	vld [tilespmem:s8+$0x0];
	[tilespmem:s10+$0x0] =	vst v7  }
0x2e0: {  	s31 =	sor.u32 s30, s1;
	v7 =	vld [tilespmem:s26+$0x0];
	[tilespmem:s3+$0x0] =	vst v10  }
0x2e1: {  	s29 =	sadd.s32 s7, s0;
	s28 =	sadd.s32 s30, s0;
	s0 =	sor.u32 s6, s1;
	v10 =	vmax.bf16 v13, v9;
	v9 =	vld [tilespmem:s31+$0x0];
	[tilespmem:s4+$0x0] =	vst v11  }
.LBB2_43:
0x2e2: {  	s24 =	sadd.s32 $0x40, s24;
	s25 =	sadd.s32 $0x200, s25  }
0x2e3: {  	v11 =	vld [tilespmem:s28+$0x0];
	[tilespmem:s23+$0x0] =	vst v10;
	v10 =	vmov v5;
	s23 =	smov.u32 s29;
	s1 =	sand.u32 $0x80, s24;
	s3 =	sand.u32 $0x40, s24  }
0x2e4: {  	s4 =	sand.u32 $0x400, s25;
	v12 =	vld [tilespmem:s0+$0x0];
	v13 =	vmov v6;
	p0 =	slt.u32 s24, $0xC0;
	s0 =	sadd.s32 s1, s21  }
0x2e5: {  	s1 =	sor.u32 $0x10, s3;
	s6 =	sor.u32 $0x20, s3;
	v14 =	vld [tilespmem:s23+$0x0];
	s4 =	sor.u32 $0x1C800, s4  }
0x2e6: {  	s8 =	sor.u32 $0x30, s3;
	s7 =	sadd.s32 s3, s0;
	s10 =	sor.u32 s1, s4  }
.Ltmp27:
0x2e7: {  	s29 =	sadd.s32 s8, s0;
	s8 =	sor.u32 s8, s4;
	v7 =	vmax.bf16 v7, v8;
	v5 =	vld [tilespmem:s7+$0x0];
	(pc) =	sbr.rel @p0 .LBB2_43-.Ltmp27, $4  }
0x2e8: {  	s1 =	sadd.s32 s1, s0;
	s15 =	sor.u32 s6, s4;
	v6 =	vld [tilespmem:s8+$0x0];
	v9 =	vmax.bf16 v11, v9;
	[tilespmem:s26+$0x0] =	vst v7;
	s26 =	sadd.s32 s6, s0  }
0x2e9: {  	s0 =	sor.u32 s3, s4;
	v7 =	vld [tilespmem:s26+$0x0];
	v11 =	vmax.bf16 v10, v12  }
0x2ea: {  	v8 =	vld [tilespmem:s15+$0x0];
	[tilespmem:s28+$0x0] =	vst v9;
	v10 =	vmax.bf16 v14, v13;
	s28 =	smov.u32 s1  }
0x2eb: {  	v9 =	vld [tilespmem:s10+$0x0];
	[tilespmem:s22+$0x0] =	vst v11;
	s22 =	smov.u32 s7  }
0x2ec: {  	(v2sf) =	vpush v4, $0x1;
	_ =	sdelay $0xa  }
0x2ed: {  	v11 =	vld [tilespmem:s28+$0x0]  }
0x2ee: {  	v12 =	vld [tilespmem:s0+$0x0]  }
0x2ef: {  	v13 =	vld [tilespmem:s29+$0x0];
	_ =	sdelay $0x1  }
0x2f0: {  	[tilespmem:s23+$0x0] =	vst v10;
	v7 =	vmax.bf16 v7, v8;
	s23 =	spop (v2sf)  }
0x2f1: {  	s1 =	simm.s32 $0x0;
	[tilespmem:s26+$0x0] =	vst v7;
	v8 =	vmax.bf16 v11, v9;
	s0 =	sshll.u32 s23, $0xA  }
0x2f2: {  	s3 =	sand.u32 $0x80, s1;
	v5 =	vmax.bf16 v5, v12;
	[tilespmem:s28+$0x0] =	vst v8;
	s21 =	sshra.s32 s0, $0x2  }
0x2f3: {  	s24 =	simm.s32 $0x0;
	s1 =	sand.u32 $0x40, s1;
	v6 =	vmax.bf16 v13, v6;
	[tilespmem:s22+$0x0] =	vst v5;
	s3 =	sadd.s32 s3, s21  }
0x2f4: {  	s7 =	sor.u32 $0x20, s1;
	[tilespmem:s29+$0x0] =	vst v6;
	s0 =	sand.u32 $0x400, s24;
	s4 =	sadd.s32 s1, s3  }
0x2f5: {  	s0 =	sor.u32 $0x1C800, s0;
	s10 =	sadd.s32 s7, s3;
	v8 =	vld [tilespmem:s4+$0x0]  }
0x2f6: {  	s25 =	sor.u32 $0x10, s1;
	s7 =	sor.u32 s7, s0;
	v6 =	vld [tilespmem:s10+$0x0]  }
0x2f7: {  	s6 =	sor.u32 $0x30, s1;
	s15 =	sor.u32 s25, s0;
	v7 =	vld [tilespmem:s7+$0x80]  }
0x2f8: {  	s23 =	sadd.s32 s6, s3;
	s3 =	sadd.s32 s25, s3;
	v10 =	vld [tilespmem:s15+$0x80]  }
0x2f9: {  	s24 =	simm.s32 $0x40;
	s8 =	sor.u32 s6, s0;
	s0 =	sor.u32 s1, s0;
	v11 =	vld [tilespmem:s3+$0x0]  }
0x2fa: {  	s26 =	sand.u32 $0x80, s24;
	s25 =	simm.s32 $0x200;
	v62 =	vld [tilespmem:s0+$0x80]  }
0x2fb: {  	s6 =	sand.u32 $0x40, s24;
	v9 =	vld [tilespmem:s8+$0x80];
	s30 =	sand.u32 $0x400, s25;
	s0 =	sadd.s32 s26, s21  }
0x2fc: {  	v63 =	vld [tilespmem:s23+$0x0];
	s7 =	sor.u32 $0x30, s6;
	s22 =	sadd.s32 s6, s0;
	s1 =	sor.u32 $0x1C800, s30  }
0x2fd: {  	s8 =	sor.u32 $0x20, s6;
	v5 =	vld [tilespmem:s22+$0x0];
	s31 =	sor.u32 s7, s1  }
0x2fe: {  	s26 =	sadd.s32 s8, s0;
	s8 =	sor.u32 s8, s1;
	v7 =	vmax.bf16 v6, v7;
	v6 =	vld [tilespmem:s31+$0x80]  }
0x2ff: {  	s30 =	sor.u32 $0x10, s6;
	v10 =	vmax.bf16 v11, v10;
	v11 =	vmax.bf16 v8, v62;
	v8 =	vld [tilespmem:s8+$0x80];
	[tilespmem:s10+$0x0] =	vst v7  }
0x300: {  	s31 =	sor.u32 s30, s1;
	v7 =	vld [tilespmem:s26+$0x0];
	[tilespmem:s3+$0x0] =	vst v10  }
0x301: {  	s29 =	sadd.s32 s7, s0;
	s28 =	sadd.s32 s30, s0;
	s0 =	sor.u32 s6, s1;
	v10 =	vmax.bf16 v63, v9;
	v9 =	vld [tilespmem:s31+$0x80];
	[tilespmem:s4+$0x0] =	vst v11  }
.LBB2_45:
0x302: {  	s24 =	sadd.s32 $0x40, s24;
	s25 =	sadd.s32 $0x200, s25  }
0x303: {  	v11 =	vld [tilespmem:s28+$0x0];
	[tilespmem:s23+$0x0] =	vst v10;
	v10 =	vmov v5;
	s23 =	smov.u32 s29;
	s1 =	sand.u32 $0x80, s24;
	s3 =	sand.u32 $0x40, s24  }
0x304: {  	s4 =	sand.u32 $0x400, s25;
	v12 =	vld [tilespmem:s0+$0x80];
	v13 =	vmov v6;
	p0 =	slt.u32 s24, $0xC0;
	s0 =	sadd.s32 s1, s21  }
0x305: {  	s1 =	sor.u32 $0x10, s3;
	s6 =	sor.u32 $0x20, s3;
	v14 =	vld [tilespmem:s23+$0x0];
	s4 =	sor.u32 $0x1C800, s4  }
0x306: {  	s8 =	sor.u32 $0x30, s3;
	s7 =	sadd.s32 s3, s0;
	s10 =	sor.u32 s1, s4  }
.Ltmp28:
0x307: {  	s29 =	sadd.s32 s8, s0;
	s8 =	sor.u32 s8, s4;
	v7 =	vmax.bf16 v7, v8;
	v5 =	vld [tilespmem:s7+$0x0];
	(pc) =	sbr.rel @p0 .LBB2_45-.Ltmp28, $4  }
0x308: {  	s1 =	sadd.s32 s1, s0;
	s15 =	sor.u32 s6, s4;
	v6 =	vld [tilespmem:s8+$0x80];
	v9 =	vmax.bf16 v11, v9;
	[tilespmem:s26+$0x0] =	vst v7;
	s26 =	sadd.s32 s6, s0  }
0x309: {  	s0 =	sor.u32 s3, s4;
	v7 =	vld [tilespmem:s26+$0x0];
	v11 =	vmax.bf16 v10, v12  }
0x30a: {  	v8 =	vld [tilespmem:s15+$0x80];
	[tilespmem:s28+$0x0] =	vst v9;
	v10 =	vmax.bf16 v14, v13;
	s28 =	smov.u32 s1  }
0x30b: {  	v9 =	vld [tilespmem:s10+$0x80];
	[tilespmem:s22+$0x0] =	vst v11;
	s22 =	smov.u32 s7  }
0x30c: {  	(v2sf) =	vpush v4, $0x2;
	_ =	sdelay $0xa  }
0x30d: {  	v11 =	vld [tilespmem:s28+$0x0]  }
0x30e: {  	v12 =	vld [tilespmem:s0+$0x80]  }
0x30f: {  	v13 =	vld [tilespmem:s29+$0x0];
	_ =	sdelay $0x1  }
0x310: {  	[tilespmem:s23+$0x0] =	vst v10;
	v7 =	vmax.bf16 v7, v8;
	s23 =	spop (v2sf)  }
0x311: {  	s1 =	simm.s32 $0x0;
	[tilespmem:s26+$0x0] =	vst v7;
	v8 =	vmax.bf16 v11, v9;
	s0 =	sshll.u32 s23, $0xA  }
0x312: {  	s3 =	sand.u32 $0x80, s1;
	v5 =	vmax.bf16 v5, v12;
	[tilespmem:s28+$0x0] =	vst v8;
	s21 =	sshra.s32 s0, $0x2  }
0x313: {  	s24 =	simm.s32 $0x0;
	s1 =	sand.u32 $0x40, s1;
	v6 =	vmax.bf16 v13, v6;
	[tilespmem:s22+$0x0] =	vst v5;
	s3 =	sadd.s32 s3, s21  }
0x314: {  	s7 =	sor.u32 $0x20, s1;
	[tilespmem:s29+$0x0] =	vst v6;
	s0 =	sand.u32 $0x400, s24;
	s4 =	sadd.s32 s1, s3  }
0x315: {  	s0 =	sor.u32 $0x1C800, s0;
	s10 =	sadd.s32 s7, s3;
	v8 =	vld [tilespmem:s4+$0x0]  }
0x316: {  	s25 =	sor.u32 $0x10, s1;
	s7 =	sor.u32 s7, s0;
	v6 =	vld [tilespmem:s10+$0x0]  }
0x317: {  	s6 =	sor.u32 $0x30, s1;
	s15 =	sor.u32 s25, s0;
	v7 =	vld [tilespmem:s7+$0x100]  }
0x318: {  	s23 =	sadd.s32 s6, s3;
	s3 =	sadd.s32 s25, s3;
	v10 =	vld [tilespmem:s15+$0x100]  }
0x319: {  	s24 =	simm.s32 $0x40;
	s8 =	sor.u32 s6, s0;
	s0 =	sor.u32 s1, s0;
	v11 =	vld [tilespmem:s3+$0x0]  }
0x31a: {  	s26 =	sand.u32 $0x80, s24;
	s25 =	simm.s32 $0x200;
	v62 =	vld [tilespmem:s0+$0x100]  }
0x31b: {  	s6 =	sand.u32 $0x40, s24;
	v9 =	vld [tilespmem:s8+$0x100];
	s30 =	sand.u32 $0x400, s25;
	s0 =	sadd.s32 s26, s21  }
0x31c: {  	v63 =	vld [tilespmem:s23+$0x0];
	s7 =	sor.u32 $0x30, s6;
	s22 =	sadd.s32 s6, s0;
	s1 =	sor.u32 $0x1C800, s30  }
0x31d: {  	s8 =	sor.u32 $0x20, s6;
	v5 =	vld [tilespmem:s22+$0x0];
	s31 =	sor.u32 s7, s1  }
0x31e: {  	s26 =	sadd.s32 s8, s0;
	s8 =	sor.u32 s8, s1;
	v7 =	vmax.bf16 v6, v7;
	v6 =	vld [tilespmem:s31+$0x100]  }
0x31f: {  	s30 =	sor.u32 $0x10, s6;
	v10 =	vmax.bf16 v11, v10;
	v11 =	vmax.bf16 v8, v62;
	v8 =	vld [tilespmem:s8+$0x100];
	[tilespmem:s10+$0x0] =	vst v7  }
0x320: {  	s31 =	sor.u32 s30, s1;
	v7 =	vld [tilespmem:s26+$0x0];
	[tilespmem:s3+$0x0] =	vst v10  }
0x321: {  	s29 =	sadd.s32 s7, s0;
	s28 =	sadd.s32 s30, s0;
	s0 =	sor.u32 s6, s1;
	v10 =	vmax.bf16 v63, v9;
	v9 =	vld [tilespmem:s31+$0x100];
	[tilespmem:s4+$0x0] =	vst v11  }
.LBB2_47:
0x322: {  	s24 =	sadd.s32 $0x40, s24;
	s25 =	sadd.s32 $0x200, s25  }
0x323: {  	v11 =	vld [tilespmem:s28+$0x0];
	[tilespmem:s23+$0x0] =	vst v10;
	v10 =	vmov v5;
	s23 =	smov.u32 s29;
	s1 =	sand.u32 $0x80, s24;
	s3 =	sand.u32 $0x40, s24  }
0x324: {  	s4 =	sand.u32 $0x400, s25;
	v12 =	vld [tilespmem:s0+$0x100];
	v13 =	vmov v6;
	p0 =	slt.u32 s24, $0xC0;
	s0 =	sadd.s32 s1, s21  }
0x325: {  	s1 =	sor.u32 $0x10, s3;
	s6 =	sor.u32 $0x20, s3;
	v14 =	vld [tilespmem:s23+$0x0];
	s4 =	sor.u32 $0x1C800, s4  }
0x326: {  	s8 =	sor.u32 $0x30, s3;
	s7 =	sadd.s32 s3, s0;
	s10 =	sor.u32 s1, s4  }
.Ltmp29:
0x327: {  	s29 =	sadd.s32 s8, s0;
	s8 =	sor.u32 s8, s4;
	v7 =	vmax.bf16 v7, v8;
	v5 =	vld [tilespmem:s7+$0x0];
	(pc) =	sbr.rel @p0 .LBB2_47-.Ltmp29, $4  }
0x328: {  	s1 =	sadd.s32 s1, s0;
	s15 =	sor.u32 s6, s4;
	v6 =	vld [tilespmem:s8+$0x100];
	v9 =	vmax.bf16 v11, v9;
	[tilespmem:s26+$0x0] =	vst v7;
	s26 =	sadd.s32 s6, s0  }
0x329: {  	s0 =	sor.u32 s3, s4;
	v7 =	vld [tilespmem:s26+$0x0];
	v11 =	vmax.bf16 v10, v12  }
0x32a: {  	v8 =	vld [tilespmem:s15+$0x100];
	[tilespmem:s28+$0x0] =	vst v9;
	v10 =	vmax.bf16 v14, v13;
	s28 =	smov.u32 s1  }
0x32b: {  	v9 =	vld [tilespmem:s10+$0x100];
	[tilespmem:s22+$0x0] =	vst v11;
	s22 =	smov.u32 s7  }
0x32c: {  	(v2sf) =	vpush v4, $0x3;
	_ =	sdelay $0xa  }
0x32d: {  	v11 =	vld [tilespmem:s28+$0x0]  }
0x32e: {  	v12 =	vld [tilespmem:s0+$0x100]  }
0x32f: {  	v13 =	vld [tilespmem:s29+$0x0];
	_ =	sdelay $0x1  }
0x330: {  	[tilespmem:s23+$0x0] =	vst v10;
	v7 =	vmax.bf16 v7, v8;
	s23 =	spop (v2sf)  }
0x331: {  	s1 =	simm.s32 $0x0;
	[tilespmem:s26+$0x0] =	vst v7;
	v8 =	vmax.bf16 v11, v9;
	s0 =	sshll.u32 s23, $0xA  }
0x332: {  	s3 =	sand.u32 $0x80, s1;
	v5 =	vmax.bf16 v5, v12;
	[tilespmem:s28+$0x0] =	vst v8;
	s21 =	sshra.s32 s0, $0x2  }
0x333: {  	s24 =	simm.s32 $0x0;
	s1 =	sand.u32 $0x40, s1;
	v6 =	vmax.bf16 v13, v6;
	[tilespmem:s22+$0x0] =	vst v5;
	s3 =	sadd.s32 s3, s21  }
0x334: {  	s7 =	sor.u32 $0x20, s1;
	[tilespmem:s29+$0x0] =	vst v6;
	s0 =	sand.u32 $0x400, s24;
	s4 =	sadd.s32 s1, s3  }
0x335: {  	s0 =	sor.u32 $0x1C800, s0;
	s10 =	sadd.s32 s7, s3;
	v8 =	vld [tilespmem:s4+$0x0]  }
0x336: {  	s25 =	sor.u32 $0x10, s1;
	s7 =	sor.u32 s7, s0;
	v6 =	vld [tilespmem:s10+$0x0]  }
0x337: {  	s6 =	sor.u32 $0x30, s1;
	s15 =	sor.u32 s25, s0;
	v7 =	vld [tilespmem:s7+$0x180]  }
0x338: {  	s23 =	sadd.s32 s6, s3;
	s3 =	sadd.s32 s25, s3;
	v10 =	vld [tilespmem:s15+$0x180]  }
0x339: {  	s24 =	simm.s32 $0x40;
	s8 =	sor.u32 s6, s0;
	s0 =	sor.u32 s1, s0;
	v11 =	vld [tilespmem:s3+$0x0]  }
0x33a: {  	s26 =	sand.u32 $0x80, s24;
	s25 =	simm.s32 $0x200;
	v62 =	vld [tilespmem:s0+$0x180]  }
0x33b: {  	s6 =	sand.u32 $0x40, s24;
	v9 =	vld [tilespmem:s8+$0x180];
	s30 =	sand.u32 $0x400, s25;
	s0 =	sadd.s32 s26, s21  }
0x33c: {  	v63 =	vld [tilespmem:s23+$0x0];
	s7 =	sor.u32 $0x30, s6;
	s22 =	sadd.s32 s6, s0;
	s1 =	sor.u32 $0x1C800, s30  }
0x33d: {  	s8 =	sor.u32 $0x20, s6;
	v5 =	vld [tilespmem:s22+$0x0];
	s31 =	sor.u32 s7, s1  }
0x33e: {  	s26 =	sadd.s32 s8, s0;
	s8 =	sor.u32 s8, s1;
	v7 =	vmax.bf16 v6, v7;
	v6 =	vld [tilespmem:s31+$0x180]  }
0x33f: {  	s30 =	sor.u32 $0x10, s6;
	v10 =	vmax.bf16 v11, v10;
	v11 =	vmax.bf16 v8, v62;
	v8 =	vld [tilespmem:s8+$0x180];
	[tilespmem:s10+$0x0] =	vst v7  }
0x340: {  	s31 =	sor.u32 s30, s1;
	v7 =	vld [tilespmem:s26+$0x0];
	[tilespmem:s3+$0x0] =	vst v10  }
0x341: {  	s29 =	sadd.s32 s7, s0;
	s28 =	sadd.s32 s30, s0;
	s0 =	sor.u32 s6, s1;
	v10 =	vmax.bf16 v63, v9;
	v9 =	vld [tilespmem:s31+$0x180];
	[tilespmem:s4+$0x0] =	vst v11  }
.LBB2_49:
0x342: {  	s24 =	sadd.s32 $0x40, s24;
	s25 =	sadd.s32 $0x200, s25  }
0x343: {  	v11 =	vld [tilespmem:s28+$0x0];
	[tilespmem:s23+$0x0] =	vst v10;
	v10 =	vmov v5;
	s23 =	smov.u32 s29;
	s1 =	sand.u32 $0x80, s24;
	s3 =	sand.u32 $0x40, s24  }
0x344: {  	s4 =	sand.u32 $0x400, s25;
	v12 =	vld [tilespmem:s0+$0x180];
	v13 =	vmov v6;
	p0 =	slt.u32 s24, $0xC0;
	s0 =	sadd.s32 s1, s21  }
0x345: {  	s1 =	sor.u32 $0x10, s3;
	s6 =	sor.u32 $0x20, s3;
	v14 =	vld [tilespmem:s23+$0x0];
	s4 =	sor.u32 $0x1C800, s4  }
0x346: {  	s8 =	sor.u32 $0x30, s3;
	s7 =	sadd.s32 s3, s0;
	s10 =	sor.u32 s1, s4  }
.Ltmp30:
0x347: {  	s29 =	sadd.s32 s8, s0;
	s8 =	sor.u32 s8, s4;
	v7 =	vmax.bf16 v7, v8;
	v5 =	vld [tilespmem:s7+$0x0];
	(pc) =	sbr.rel @p0 .LBB2_49-.Ltmp30, $4  }
0x348: {  	s1 =	sadd.s32 s1, s0;
	s15 =	sor.u32 s6, s4;
	v6 =	vld [tilespmem:s8+$0x180];
	v9 =	vmax.bf16 v11, v9;
	[tilespmem:s26+$0x0] =	vst v7;
	s26 =	sadd.s32 s6, s0  }
0x349: {  	s0 =	sor.u32 s3, s4;
	v7 =	vld [tilespmem:s26+$0x0];
	v11 =	vmax.bf16 v10, v12  }
0x34a: {  	v8 =	vld [tilespmem:s15+$0x180];
	[tilespmem:s28+$0x0] =	vst v9;
	v10 =	vmax.bf16 v14, v13;
	s28 =	smov.u32 s1  }
0x34b: {  	v9 =	vld [tilespmem:s10+$0x180];
	[tilespmem:s22+$0x0] =	vst v11;
	s22 =	smov.u32 s7  }
0x34c: {  	(v2sf) =	vpush v4, $0x4;
	_ =	sdelay $0xa  }
0x34d: {  	v11 =	vld [tilespmem:s28+$0x0]  }
0x34e: {  	v12 =	vld [tilespmem:s0+$0x180]  }
0x34f: {  	v13 =	vld [tilespmem:s29+$0x0];
	_ =	sdelay $0x1  }
0x350: {  	[tilespmem:s23+$0x0] =	vst v10;
	v7 =	vmax.bf16 v7, v8;
	s25 =	spop (v2sf)  }
0x351: {  	s1 =	simm.s32 $0x0;
	[tilespmem:s26+$0x0] =	vst v7;
	v8 =	vmax.bf16 v11, v9;
	s0 =	sshll.u32 s25, $0xA  }
0x352: {  	p0 =	por $0x0, $0x0;
	s26 =	sand.u32 $0x80, s1;
	v5 =	vmax.bf16 v5, v12;
	[tilespmem:s28+$0x0] =	vst v8;
	s23 =	sshra.s32 s0, $0x2  }
0x353: {  	s3 =	simm.s32 $0x1;
	s1 =	sand.u32 $0x40, s1;
	v6 =	vmax.bf16 v13, v6;
	[tilespmem:s22+$0x0] =	vst v5;
	s0 =	sadd.s32 s26, s23  }
0x354: {  	s3 =	simm.s32 @!p0 $0x0;
	[tilespmem:s29+$0x0] =	vst v6;
	s21 =	sadd.s32 s1, s0  }
0x355: {  	s28 =	sshll.u32 s3, $0x6;
	v6 =	vld [tilespmem:s21+$0x20]  }
0x356: {  	s0 =	sadd.s32 $0x0, s28;
	v8 =	vld [tilespmem:s21+$0x30]  }
0x357: {  	s29 =	sadd.s32 $0x30, s0;
	v5 =	vld [tilespmem:s21+$0x10]  }
0x358: {  	s30 =	sadd.s32 $0x10, s0;
	v9 =	vld [tilespmem:s21+$0x0];
	s4 =	sadd.s32 $0x20, s0;
	s0 =	sor.u32 $0x200, s0  }
0x359: {  	p0 =	por !p0, !p0;
	s22 =	simm.s32 $0x40;
	s1 =	sor.u32 $0x200, s29;
	v10 =	vld [tilespmem:s0+$0x1C800]  }
0x35a: {  	s31 =	sand.u32 $0x80, s22;
	s3 =	sor.u32 $0x200, s30;
	s0 =	simm.s32 $0x1;
	v7 =	vld [tilespmem:s1+$0x1C800]  }
0x35b: {  	s6 =	sand.u32 $0x40, s22;
	s4 =	sor.u32 $0x200, s4;
	s0 =	simm.s32 @!p0 $0x0;
	v12 =	vld [tilespmem:s3+$0x1C800]  }
0x35c: {  	s1 =	sadd.s32 s31, s23;
	v11 =	vld [tilespmem:s4+$0x1C800];
	s3 =	sshll.u32 s0, $0x6;
	s0 =	simm.s32 $0x200  }
.LBB2_51:
0x35d: {  	s22 =	sadd.s32 $0x40, s22;
	s3 =	sadd.s32 s3, s0;
	s4 =	sadd.s32 s6, s1  }
0x35e: {  	s1 =	sadd.s32 $0x10, s3;
	v13 =	vld [tilespmem:s4+$0x20];
	s6 =	sadd.s32 $0x20, s3;
	s7 =	sadd.s32 $0x30, s3  }
0x35f: {  	s8 =	sor.u32 $0x200, s1;
	s10 =	sor.u32 $0x200, s6;
	v14 =	vld [tilespmem:s4+$0x30];
	s6 =	sor.u32 $0x200, s7;
	v9 =	vmax.bf16 v9, v10  }
0x360: {  	p1 =	slt.u32 s22, $0xC0;
	s3 =	sor.u32 $0x200, s3;
	v7 =	vmax.bf16 v8, v7;
	s1 =	sand.u32 $0x80, s22;
	[tilespmem:s21+$0x0] =	vst v9;
	v10 =	vmax.bf16 v5, v12;
	v5 =	vld [tilespmem:s4+$0x10]  }
.Ltmp31:
0x361: {  	s1 =	sadd.s32 s1, s23;
	v9 =	vld [tilespmem:s4+$0x0];
	v8 =	vmax.bf16 v6, v11;
	[tilespmem:s21+$0x30] =	vst v7;
	(pc) =	sbr.rel @p1 .LBB2_51-.Ltmp31, $4  }
0x362: {  	v7 =	vld [tilespmem:s6+$0x1C800];
	[tilespmem:s21+$0x10] =	vst v10  }
0x363: {  	p0 =	por !p0, !p0;
	v10 =	vld [tilespmem:s3+$0x1C800];
	[tilespmem:s21+$0x20] =	vst v8;
	v6 =	vmov v13;
	s21 =	smov.u32 s4;
	s3 =	simm.s32 $0x1  }
0x364: {  	s3 =	simm.s32 @!p0 $0x0;
	v12 =	vld [tilespmem:s8+$0x1C800];
	v8 =	vmov v14  }
0x365: {  	s0 =	sadd.s32 $0x200, s0;
	s6 =	sand.u32 $0x40, s22;
	s3 =	sshll.u32 s3, $0x6;
	v11 =	vld [tilespmem:s10+$0x1C800]  }
0x366: {  	(v2sf) =	vpush v4, $0x5;
	_ =	sdelay $0x3  }
0x367: {  	s1 =	sadd.s32 s6, s1  }
0x368: {  	v13 =	vld [tilespmem:s1+$0x20]  }
0x369: {  	v14 =	vld [tilespmem:s1+$0x30]  }
0x36a: {  	s0 =	sadd.s32 s3, s0;
	v15 =	vld [tilespmem:s1+$0x10]  }
0x36b: {  	s3 =	sadd.s32 $0x30, s0;
	s4 =	sor.u32 $0x200, s0;
	v16 =	vld [tilespmem:s1+$0x0]  }
0x36c: {  	s24 =	sadd.s32 $0x10, s0;
	s3 =	sor.u32 $0x200, s3;
	v17 =	vld [tilespmem:s4+$0x1C800]  }
0x36d: {  	s0 =	sadd.s32 $0x20, s0;
	v7 =	vmax.bf16 v8, v7;
	s25 =	sor.u32 $0x200, s24;
	v9 =	vmax.bf16 v9, v10;
	v10 =	vld [tilespmem:s3+$0x1C800]  }
0x36e: {  	s0 =	sor.u32 $0x200, s0;
	[tilespmem:s21+$0x30] =	vst v7;
	v8 =	vld [tilespmem:s25+$0x1C800]  }
0x36f: {  	[tilespmem:s21+$0x0] =	vst v9;
	v5 =	vmax.bf16 v5, v12;
	v7 =	vld [tilespmem:s0+$0x1C800]  }
0x370: {  	v6 =	vmax.bf16 v6, v11;
	[tilespmem:s21+$0x10] =	vst v5  }
0x371: {  	s30 =	simm.s32 $0x0;
	[tilespmem:s21+$0x20] =	vst v6;
	v5 =	vmax.bf16 v16, v17  }
0x372: {  	s31 =	simm.s32 $0x10;
	s7 =	simm.s32 $0x20;
	[tilespmem:s1+$0x0] =	vst v5;
	v5 =	vmax.bf16 v14, v10;
	s26 =	spop (v2sf)  }
0x373: {  	s29 =	simm.s32 $0x60;
	s21 =	simm.s32 $0x30;
	v6 =	vmax.bf16 v15, v8;
	[tilespmem:s1+$0x30] =	vst v5;
	s0 =	sshll.u32 s26, $0xA  }
0x374: {  	s15 =	sand.u32 $0x80, s30;
	s6 =	sor.u32 s21, s30;
	v5 =	vmax.bf16 v13, v7;
	[tilespmem:s1+$0x10] =	vst v6;
	s22 =	sshra.s32 s0, $0x2  }
0x375: {  	s8 =	sand.u32 $0x70, s21;
	s6 =	sor.u32 $0x280, s6;
	[tilespmem:s1+$0x20] =	vst v5;
	s4 =	sadd.s32 s15, s22  }
0x376: {  	s23 =	sand.u32 $0x40, s30;
	s3 =	sor.u32 s31, s30;
	v11 =	vld [tilespmem:s6+$0x1C800];
	s10 =	sadd.s32 s8, s4  }
0x377: {  	s28 =	sand.u32 $0x60, s29;
	s3 =	sor.u32 $0x280, s3;
	s26 =	sor.u32 s7, s30;
	v10 =	vld [tilespmem:s10+$0x0]  }
0x378: {  	s24 =	simm.s32 $0x40;
	s25 =	sand.u32 $0x50, s31;
	v8 =	vld [tilespmem:s3+$0x1C800];
	s1 =	sor.u32 $0x280, s26  }
0x379: {  	s31 =	sand.u32 $0x80, s24;
	s6 =	sand.u32 $0x40, s24;
	v9 =	vld [tilespmem:s1+$0x1C800];
	s21 =	sadd.s32 s23, s4  }
0x37a: {  	s0 =	sor.u32 s30, s30;
	s15 =	sand.u32 $0x60, s7;
	s25 =	sadd.s32 s25, s4;
	v6 =	vld [tilespmem:s21+$0x0]  }
0x37b: {  	s26 =	simm.s32 $0x200;
	s30 =	sor.u32 $0x280, s0;
	s23 =	sadd.s32 s15, s4;
	v5 =	vld [tilespmem:s25+$0x0]  }
0x37c: {  	s0 =	simm.s32 $0x50;
	s7 =	sadd.s32 s31, s22;
	s15 =	simm.s32 $0x70;
	v7 =	vld [tilespmem:s23+$0x0];
	v11 =	vmax.bf16 v10, v11  }
0x37d: {  	s1 =	simm.s32 $0x80;
	s3 =	sand.u32 $0x50, s0;
	s8 =	sand.u32 $0x70, s15;
	v10 =	vld [tilespmem:s30+$0x1C800];
	[tilespmem:s10+$0x0] =	vst v11  }
.LBB2_53:
0x37e: {  	p0 =	slt.u32 s1, $0xC0;
	s4 =	sadd.s32 s8, s7  }
0x37f: {  	s8 =	sor.u32 s15, s26;
	s10 =	smov.u32 s24;
	s24 =	smov.u32 s1  }
0x380: {  	s0 =	sor.u32 s0, s26;
	s15 =	sor.u32 s29, s26;
	v11 =	vld [tilespmem:s4+$0x0];
	s8 =	sor.u32 $0x280, s8;
	v5 =	vmax.bf16 v5, v8  }
0x381: {  	s6 =	sadd.s32 s6, s7;
	s10 =	sor.u32 s26, s10;
	v12 =	vld [tilespmem:s8+$0x1C800];
	[tilespmem:s25+$0x0] =	vst v5;
	s25 =	sadd.s32 s3, s7  }
0x382: {  	s3 =	sor.u32 $0x280, s0;
	s0 =	sadd.s32 s28, s7;
	s7 =	sor.u32 $0x280, s15;
	v13 =	vld [tilespmem:s6+$0x0];
	v7 =	vmax.bf16 v7, v9  }
.Ltmp32:
0x383: {  	s10 =	sor.u32 $0x280, s10;
	v5 =	vld [tilespmem:s25+$0x0];
	v6 =	vmax.bf16 v6, v10;
	[tilespmem:s23+$0x0] =	vst v7;
	s23 =	smov.u32 s0;
	(pc) =	sbr.rel @p0 .LBB2_53-.Ltmp32, $4  }
0x384: {  	s29 =	sadd.s32 $0x20, s1;
	s0 =	sadd.s32 $0x10, s1;
	v8 =	vld [tilespmem:s3+$0x1C800];
	[tilespmem:s21+$0x0] =	vst v6;
	s21 =	smov.u32 s6  }
0x385: {  	s28 =	sand.u32 $0x60, s29;
	s6 =	sand.u32 $0x40, s1;
	s3 =	sand.u32 $0x50, s0;
	v7 =	vld [tilespmem:s23+$0x0]  }
0x386: {  	s26 =	sadd.s32 $0x200, s26;
	s8 =	sand.u32 $0x80, s1;
	s15 =	sadd.s32 $0x30, s1;
	v9 =	vld [tilespmem:s7+$0x1C800];
	v11 =	vmax.bf16 v11, v12  }
0x387: {  	s1 =	sadd.s32 $0x40, s1;
	s7 =	sadd.s32 s8, s22;
	s8 =	sand.u32 $0x70, s15;
	v10 =	vld [tilespmem:s10+$0x1C800];
	[tilespmem:s4+$0x0] =	vst v11;
	v6 =	vmov v13  }
0x388: {  	(v2sf) =	vpush v4, $0x6;
	_ =	sdelay $0x4  }
0x389: {  	s1 =	sadd.s32 s8, s7  }
0x38a: {  	s6 =	sadd.s32 s6, s7;
	v11 =	vld [tilespmem:s1+$0x0]  }
0x38b: {  	s3 =	sadd.s32 s3, s7;
	v13 =	vld [tilespmem:s6+$0x0]  }
0x38c: {  	s4 =	sor.u32 s15, s26;
	s15 =	sadd.s32 s28, s7;
	v14 =	vld [tilespmem:s3+$0x0]  }
0x38d: {  	s0 =	sor.u32 s0, s26;
	s4 =	sor.u32 $0x280, s4;
	v16 =	vld [tilespmem:s15+$0x0]  }
0x38e: {  	s22 =	sor.u32 s26, s24;
	s0 =	sor.u32 $0x280, s0;
	v12 =	vld [tilespmem:s4+$0x1C800]  }
0x38f: {  	s10 =	sor.u32 s29, s26;
	v5 =	vmax.bf16 v5, v8;
	v15 =	vld [tilespmem:s0+$0x1C800];
	s0 =	sor.u32 $0x280, s22  }
0x390: {  	s4 =	sor.u32 $0x280, s10;
	[tilespmem:s25+$0x0] =	vst v5;
	v5 =	vmax.bf16 v7, v9;
	v7 =	vld [tilespmem:s0+$0x1C800]  }
0x391: {  	v8 =	vld [tilespmem:s4+$0x1C800]  }
0x392: {  	v6 =	vmax.bf16 v6, v10;
	[tilespmem:s23+$0x0] =	vst v5  }
0x393: {  	[tilespmem:s21+$0x0] =	vst v6;
	v5 =	vmax.bf16 v11, v12;
	s23 =	spop (v2sf)  }
0x394: {  	s24 =	simm.s32 $0x0;
	[tilespmem:s1+$0x0] =	vst v5;
	v5 =	vmax.bf16 v14, v15;
	s0 =	sshll.u32 s23, $0xA  }
0x395: {  	p0 =	por $0x0, $0x0;
	s25 =	sand.u32 $0x80, s24;
	v6 =	vmax.bf16 v13, v7;
	[tilespmem:s3+$0x0] =	vst v5;
	s22 =	sshra.s32 s0, $0x2  }
0x396: {  	s1 =	sand.u32 $0x40, s24;
	v5 =	vmax.bf16 v16, v8;
	s3 =	simm.s32 $0x1;
	[tilespmem:s6+$0x0] =	vst v6;
	s0 =	sadd.s32 s25, s22  }
0x397: {  	[tilespmem:s15+$0x0] =	vst v5;
	s3 =	simm.s32 @!p0 $0x0;
	s21 =	sadd.s32 s1, s0  }
0x398: {  	s26 =	sshll.u32 s3, $0x6;
	v6 =	vld [tilespmem:s21+$0x20]  }
0x399: {  	s0 =	sadd.s32 $0x0, s26;
	v8 =	vld [tilespmem:s21+$0x30]  }
0x39a: {  	s28 =	sadd.s32 $0x30, s0;
	v5 =	vld [tilespmem:s21+$0x10]  }
0x39b: {  	s29 =	sadd.s32 $0x10, s0;
	v9 =	vld [tilespmem:s21+$0x0];
	s30 =	sadd.s32 $0x20, s0;
	s0 =	sor.u32 $0x300, s0  }
0x39c: {  	p0 =	por !p0, !p0;
	s23 =	simm.s32 $0x40;
	s1 =	sor.u32 $0x300, s28;
	v10 =	vld [tilespmem:s0+$0x1C800]  }
0x39d: {  	s31 =	sand.u32 $0x80, s23;
	s3 =	sor.u32 $0x300, s29;
	s0 =	simm.s32 $0x1;
	v7 =	vld [tilespmem:s1+$0x1C800]  }
0x39e: {  	s6 =	sand.u32 $0x40, s23;
	s4 =	sor.u32 $0x300, s30;
	s0 =	simm.s32 @!p0 $0x0;
	v12 =	vld [tilespmem:s3+$0x1C800]  }
0x39f: {  	s1 =	sadd.s32 s31, s22;
	v11 =	vld [tilespmem:s4+$0x1C800];
	s3 =	sshll.u32 s0, $0x6;
	s0 =	simm.s32 $0x200  }
.LBB2_55:
0x3a0: {  	s23 =	sadd.s32 $0x40, s23;
	s3 =	sadd.s32 s3, s0;
	s4 =	sadd.s32 s6, s1  }
0x3a1: {  	s1 =	sadd.s32 $0x10, s3;
	v13 =	vld [tilespmem:s4+$0x20];
	s6 =	sadd.s32 $0x20, s3;
	s7 =	sadd.s32 $0x30, s3  }
0x3a2: {  	s8 =	sor.u32 $0x300, s1;
	s10 =	sor.u32 $0x300, s6;
	v14 =	vld [tilespmem:s4+$0x30];
	s6 =	sor.u32 $0x300, s7;
	v9 =	vmax.bf16 v9, v10  }
0x3a3: {  	p1 =	slt.u32 s23, $0xC0;
	s3 =	sor.u32 $0x300, s3;
	v7 =	vmax.bf16 v8, v7;
	s1 =	sand.u32 $0x80, s23;
	[tilespmem:s21+$0x0] =	vst v9;
	v10 =	vmax.bf16 v5, v12;
	v5 =	vld [tilespmem:s4+$0x10]  }
.Ltmp33:
0x3a4: {  	s1 =	sadd.s32 s1, s22;
	v9 =	vld [tilespmem:s4+$0x0];
	v8 =	vmax.bf16 v6, v11;
	[tilespmem:s21+$0x30] =	vst v7;
	(pc) =	sbr.rel @p1 .LBB2_55-.Ltmp33, $4  }
0x3a5: {  	v7 =	vld [tilespmem:s6+$0x1C800];
	[tilespmem:s21+$0x10] =	vst v10  }
0x3a6: {  	p0 =	por !p0, !p0;
	v10 =	vld [tilespmem:s3+$0x1C800];
	[tilespmem:s21+$0x20] =	vst v8;
	v6 =	vmov v13;
	s21 =	smov.u32 s4;
	s3 =	simm.s32 $0x1  }
0x3a7: {  	s3 =	simm.s32 @!p0 $0x0;
	v12 =	vld [tilespmem:s8+$0x1C800];
	v8 =	vmov v14  }
0x3a8: {  	s0 =	sadd.s32 $0x200, s0;
	s6 =	sand.u32 $0x40, s23;
	s3 =	sshll.u32 s3, $0x6;
	v11 =	vld [tilespmem:s10+$0x1C800]  }
0x3a9: {  	(v2sf) =	vpush v4, $0x7;
	_ =	sdelay $0x3  }
0x3aa: {  	s1 =	sadd.s32 s6, s1  }
0x3ab: {  	v13 =	vld [tilespmem:s1+$0x20]  }
0x3ac: {  	v14 =	vld [tilespmem:s1+$0x30]  }
0x3ad: {  	s0 =	sadd.s32 s3, s0;
	v15 =	vld [tilespmem:s1+$0x10]  }
0x3ae: {  	s3 =	sadd.s32 $0x30, s0;
	s4 =	sor.u32 $0x300, s0;
	v16 =	vld [tilespmem:s1+$0x0]  }
0x3af: {  	s24 =	sadd.s32 $0x10, s0;
	s3 =	sor.u32 $0x300, s3;
	v17 =	vld [tilespmem:s4+$0x1C800]  }
0x3b0: {  	s0 =	sadd.s32 $0x20, s0;
	v7 =	vmax.bf16 v8, v7;
	s25 =	sor.u32 $0x300, s24;
	v9 =	vmax.bf16 v9, v10;
	v10 =	vld [tilespmem:s3+$0x1C800]  }
0x3b1: {  	s0 =	sor.u32 $0x300, s0;
	[tilespmem:s21+$0x30] =	vst v7;
	v8 =	vld [tilespmem:s25+$0x1C800]  }
0x3b2: {  	[tilespmem:s21+$0x0] =	vst v9;
	v5 =	vmax.bf16 v5, v12;
	v7 =	vld [tilespmem:s0+$0x1C800]  }
0x3b3: {  	v6 =	vmax.bf16 v6, v11;
	[tilespmem:s21+$0x10] =	vst v5  }
0x3b4: {  	s30 =	simm.s32 $0x0;
	[tilespmem:s21+$0x20] =	vst v6;
	v5 =	vmax.bf16 v16, v17  }
0x3b5: {  	s31 =	simm.s32 $0x10;
	s7 =	simm.s32 $0x20;
	[tilespmem:s1+$0x0] =	vst v5;
	v5 =	vmax.bf16 v14, v10;
	s26 =	spop (v2sf)  }
0x3b6: {  	s29 =	simm.s32 $0x60;
	s21 =	simm.s32 $0x30;
	v6 =	vmax.bf16 v15, v8;
	[tilespmem:s1+$0x30] =	vst v5;
	s0 =	sshll.u32 s26, $0xA  }
0x3b7: {  	s15 =	sand.u32 $0x80, s30;
	s6 =	sor.u32 s21, s30;
	v5 =	vmax.bf16 v13, v7;
	[tilespmem:s1+$0x10] =	vst v6;
	s22 =	sshra.s32 s0, $0x2  }
0x3b8: {  	s8 =	sand.u32 $0x70, s21;
	s6 =	sor.u32 $0x380, s6;
	[tilespmem:s1+$0x20] =	vst v5;
	s4 =	sadd.s32 s15, s22  }
0x3b9: {  	s23 =	sand.u32 $0x40, s30;
	s3 =	sor.u32 s31, s30;
	v11 =	vld [tilespmem:s6+$0x1C800];
	s10 =	sadd.s32 s8, s4  }
0x3ba: {  	s28 =	sand.u32 $0x60, s29;
	s3 =	sor.u32 $0x380, s3;
	s26 =	sor.u32 s7, s30;
	v10 =	vld [tilespmem:s10+$0x0]  }
0x3bb: {  	s24 =	simm.s32 $0x40;
	s25 =	sand.u32 $0x50, s31;
	v8 =	vld [tilespmem:s3+$0x1C800];
	s1 =	sor.u32 $0x380, s26  }
0x3bc: {  	s31 =	sand.u32 $0x80, s24;
	s6 =	sand.u32 $0x40, s24;
	v9 =	vld [tilespmem:s1+$0x1C800];
	s21 =	sadd.s32 s23, s4  }
0x3bd: {  	s0 =	sor.u32 s30, s30;
	s15 =	sand.u32 $0x60, s7;
	s25 =	sadd.s32 s25, s4;
	v6 =	vld [tilespmem:s21+$0x0]  }
0x3be: {  	s26 =	simm.s32 $0x200;
	s30 =	sor.u32 $0x380, s0;
	s23 =	sadd.s32 s15, s4;
	v5 =	vld [tilespmem:s25+$0x0]  }
0x3bf: {  	s0 =	simm.s32 $0x50;
	s7 =	sadd.s32 s31, s22;
	s15 =	simm.s32 $0x70;
	v7 =	vld [tilespmem:s23+$0x0];
	v11 =	vmax.bf16 v10, v11  }
0x3c0: {  	s1 =	simm.s32 $0x80;
	s3 =	sand.u32 $0x50, s0;
	s8 =	sand.u32 $0x70, s15;
	v10 =	vld [tilespmem:s30+$0x1C800];
	[tilespmem:s10+$0x0] =	vst v11  }
.LBB2_57:
0x3c1: {  	p0 =	slt.u32 s1, $0xC0;
	s4 =	sadd.s32 s8, s7  }
0x3c2: {  	s8 =	sor.u32 s15, s26;
	s10 =	smov.u32 s24;
	s24 =	smov.u32 s1  }
0x3c3: {  	s0 =	sor.u32 s0, s26;
	s15 =	sor.u32 s29, s26;
	v11 =	vld [tilespmem:s4+$0x0];
	s8 =	sor.u32 $0x380, s8;
	v5 =	vmax.bf16 v5, v8  }
0x3c4: {  	s6 =	sadd.s32 s6, s7;
	s10 =	sor.u32 s26, s10;
	v12 =	vld [tilespmem:s8+$0x1C800];
	[tilespmem:s25+$0x0] =	vst v5;
	s25 =	sadd.s32 s3, s7  }
0x3c5: {  	s3 =	sor.u32 $0x380, s0;
	s0 =	sadd.s32 s28, s7;
	s7 =	sor.u32 $0x380, s15;
	v13 =	vld [tilespmem:s6+$0x0];
	v7 =	vmax.bf16 v7, v9  }
.Ltmp34:
0x3c6: {  	s10 =	sor.u32 $0x380, s10;
	v5 =	vld [tilespmem:s25+$0x0];
	v6 =	vmax.bf16 v6, v10;
	[tilespmem:s23+$0x0] =	vst v7;
	s23 =	smov.u32 s0;
	(pc) =	sbr.rel @p0 .LBB2_57-.Ltmp34, $4  }
0x3c7: {  	s29 =	sadd.s32 $0x20, s1;
	s0 =	sadd.s32 $0x10, s1;
	v8 =	vld [tilespmem:s3+$0x1C800];
	[tilespmem:s21+$0x0] =	vst v6;
	s21 =	smov.u32 s6  }
0x3c8: {  	s28 =	sand.u32 $0x60, s29;
	s6 =	sand.u32 $0x40, s1;
	s3 =	sand.u32 $0x50, s0;
	v7 =	vld [tilespmem:s23+$0x0]  }
0x3c9: {  	s26 =	sadd.s32 $0x200, s26;
	s8 =	sand.u32 $0x80, s1;
	s15 =	sadd.s32 $0x30, s1;
	v9 =	vld [tilespmem:s7+$0x1C800];
	v11 =	vmax.bf16 v11, v12  }
0x3ca: {  	s1 =	sadd.s32 $0x40, s1;
	s7 =	sadd.s32 s8, s22;
	s8 =	sand.u32 $0x70, s15;
	v10 =	vld [tilespmem:s10+$0x1C800];
	[tilespmem:s4+$0x0] =	vst v11;
	v6 =	vmov v13  }
0x3cb: {  	(v2sf) =	vpush v4, $0x8;
	_ =	sdelay $0x4  }
0x3cc: {  	s1 =	sadd.s32 s8, s7  }
0x3cd: {  	s6 =	sadd.s32 s6, s7;
	v11 =	vld [tilespmem:s1+$0x0]  }
0x3ce: {  	s3 =	sadd.s32 s3, s7;
	v13 =	vld [tilespmem:s6+$0x0]  }
0x3cf: {  	s4 =	sor.u32 s15, s26;
	s22 =	sadd.s32 s28, s7;
	v14 =	vld [tilespmem:s3+$0x0]  }
0x3d0: {  	s0 =	sor.u32 s0, s26;
	s4 =	sor.u32 $0x380, s4;
	v16 =	vld [tilespmem:s22+$0x0]  }
0x3d1: {  	s30 =	sor.u32 s26, s24;
	s0 =	sor.u32 $0x380, s0;
	v12 =	vld [tilespmem:s4+$0x1C800]  }
0x3d2: {  	s15 =	sor.u32 s29, s26;
	v5 =	vmax.bf16 v5, v8;
	v15 =	vld [tilespmem:s0+$0x1C800];
	s0 =	sor.u32 $0x380, s30  }
0x3d3: {  	s4 =	sor.u32 $0x380, s15;
	[tilespmem:s25+$0x0] =	vst v5;
	v5 =	vmax.bf16 v7, v9;
	v7 =	vld [tilespmem:s0+$0x1C800]  }
0x3d4: {  	v8 =	vld [tilespmem:s4+$0x1C800]  }
0x3d5: {  	v6 =	vmax.bf16 v6, v10;
	[tilespmem:s23+$0x0] =	vst v5  }
0x3d6: {  	[tilespmem:s21+$0x0] =	vst v6;
	v5 =	vmax.bf16 v11, v12;
	s31 =	spop (v2sf)  }
0x3d7: {  	s4 =	simm.s32 $0x0;
	[tilespmem:s1+$0x0] =	vst v5;
	v5 =	vmax.bf16 v14, v15;
	s0 =	sshll.u32 s31, $0xA  }
0x3d8: {  	s8 =	simm.s32 $0x0;
	s10 =	sand.u32 $0x80, s4;
	v6 =	vmax.bf16 v13, v7;
	[tilespmem:s3+$0x0] =	vst v5;
	s21 =	sshra.s32 s0, $0x2  }
0x3d9: {  	s1 =	sand.u32 $0x40, s4;
	v5 =	vmax.bf16 v16, v8;
	[tilespmem:s6+$0x0] =	vst v6;
	s0 =	sand.u32 $0x400, s8;
	s3 =	sadd.s32 s10, s21  }
0x3da: {  	s15 =	sor.u32 $0x30, s1;
	[tilespmem:s22+$0x0] =	vst v5;
	s0 =	sor.u32 $0x1D000, s0;
	s4 =	sadd.s32 s1, s3  }
0x3db: {  	s22 =	sor.u32 $0x20, s1;
	s23 =	sor.u32 s15, s0;
	v8 =	vld [tilespmem:s4+$0x0]  }
0x3dc: {  	s10 =	sadd.s32 s22, s3;
	v9 =	vld [tilespmem:s23+$0x0]  }
0x3dd: {  	s24 =	sor.u32 $0x10, s1;
	s7 =	sor.u32 s22, s0;
	v6 =	vld [tilespmem:s10+$0x0]  }
0x3de: {  	s25 =	sor.u32 s24, s0;
	v7 =	vld [tilespmem:s7+$0x0]  }
0x3df: {  	s23 =	sadd.s32 s15, s3;
	s3 =	sadd.s32 s24, s3;
	v10 =	vld [tilespmem:s25+$0x0];
	s24 =	simm.s32 $0x40  }
0x3e0: {  	s0 =	sor.u32 s1, s0;
	s25 =	simm.s32 $0x200;
	v11 =	vld [tilespmem:s3+$0x0];
	s26 =	sand.u32 $0x80, s24  }
0x3e1: {  	v62 =	vld [tilespmem:s0+$0x0];
	s6 =	sand.u32 $0x40, s24;
	s30 =	sand.u32 $0x400, s25;
	s0 =	sadd.s32 s26, s21  }
0x3e2: {  	v63 =	vld [tilespmem:s23+$0x0];
	s1 =	sor.u32 $0x1D000, s30;
	s7 =	sor.u32 $0x30, s6;
	s22 =	sadd.s32 s6, s0  }
0x3e3: {  	s8 =	sor.u32 $0x20, s6;
	s31 =	sor.u32 s7, s1;
	v5 =	vld [tilespmem:s22+$0x0]  }
0x3e4: {  	s26 =	sadd.s32 s8, s0;
	v7 =	vmax.bf16 v6, v7;
	v6 =	vld [tilespmem:s31+$0x0]  }
0x3e5: {  	s30 =	sor.u32 $0x10, s6;
	s8 =	sor.u32 s8, s1;
	v10 =	vmax.bf16 v11, v10;
	[tilespmem:s10+$0x0] =	vst v7;
	v7 =	vld [tilespmem:s26+$0x0]  }
0x3e6: {  	s31 =	sor.u32 s30, s1;
	v11 =	vmax.bf16 v8, v62;
	v8 =	vld [tilespmem:s8+$0x0];
	[tilespmem:s3+$0x0] =	vst v10  }
0x3e7: {  	s29 =	sadd.s32 s7, s0;
	s28 =	sadd.s32 s30, s0;
	s0 =	sor.u32 s6, s1;
	v10 =	vmax.bf16 v63, v9;
	v9 =	vld [tilespmem:s31+$0x0];
	[tilespmem:s4+$0x0] =	vst v11  }
.LBB2_59:
0x3e8: {  	s24 =	sadd.s32 $0x40, s24;
	s25 =	sadd.s32 $0x200, s25  }
0x3e9: {  	v11 =	vld [tilespmem:s28+$0x0];
	[tilespmem:s23+$0x0] =	vst v10;
	v10 =	vmov v5;
	s23 =	smov.u32 s29;
	s1 =	sand.u32 $0x80, s24;
	s3 =	sand.u32 $0x40, s24  }
0x3ea: {  	s4 =	sand.u32 $0x400, s25;
	v12 =	vld [tilespmem:s0+$0x0];
	v13 =	vmov v6;
	p0 =	slt.u32 s24, $0xC0;
	s0 =	sadd.s32 s1, s21  }
0x3eb: {  	s1 =	sor.u32 $0x10, s3;
	s6 =	sor.u32 $0x20, s3;
	v14 =	vld [tilespmem:s23+$0x0];
	s4 =	sor.u32 $0x1D000, s4  }
0x3ec: {  	s8 =	sor.u32 $0x30, s3;
	s7 =	sadd.s32 s3, s0;
	s10 =	sor.u32 s1, s4  }
.Ltmp35:
0x3ed: {  	s29 =	sadd.s32 s8, s0;
	s8 =	sor.u32 s8, s4;
	v7 =	vmax.bf16 v7, v8;
	v5 =	vld [tilespmem:s7+$0x0];
	(pc) =	sbr.rel @p0 .LBB2_59-.Ltmp35, $4  }
0x3ee: {  	s1 =	sadd.s32 s1, s0;
	s15 =	sor.u32 s6, s4;
	v6 =	vld [tilespmem:s8+$0x0];
	v9 =	vmax.bf16 v11, v9;
	[tilespmem:s26+$0x0] =	vst v7;
	s26 =	sadd.s32 s6, s0  }
0x3ef: {  	s0 =	sor.u32 s3, s4;
	v7 =	vld [tilespmem:s26+$0x0];
	v11 =	vmax.bf16 v10, v12  }
0x3f0: {  	v8 =	vld [tilespmem:s15+$0x0];
	[tilespmem:s28+$0x0] =	vst v9;
	v10 =	vmax.bf16 v14, v13;
	s28 =	smov.u32 s1  }
0x3f1: {  	v9 =	vld [tilespmem:s10+$0x0];
	[tilespmem:s22+$0x0] =	vst v11;
	s22 =	smov.u32 s7  }
0x3f2: {  	(v2sf) =	vpush v4, $0x9;
	_ =	sdelay $0xa  }
0x3f3: {  	v11 =	vld [tilespmem:s28+$0x0]  }
0x3f4: {  	v12 =	vld [tilespmem:s0+$0x0]  }
0x3f5: {  	v13 =	vld [tilespmem:s29+$0x0];
	_ =	sdelay $0x1  }
0x3f6: {  	[tilespmem:s23+$0x0] =	vst v10;
	v7 =	vmax.bf16 v7, v8;
	s23 =	spop (v2sf)  }
0x3f7: {  	s1 =	simm.s32 $0x0;
	[tilespmem:s26+$0x0] =	vst v7;
	v8 =	vmax.bf16 v11, v9;
	s0 =	sshll.u32 s23, $0xA  }
0x3f8: {  	s3 =	sand.u32 $0x80, s1;
	v5 =	vmax.bf16 v5, v12;
	[tilespmem:s28+$0x0] =	vst v8;
	s21 =	sshra.s32 s0, $0x2  }
0x3f9: {  	s24 =	simm.s32 $0x0;
	s1 =	sand.u32 $0x40, s1;
	v6 =	vmax.bf16 v13, v6;
	[tilespmem:s22+$0x0] =	vst v5;
	s3 =	sadd.s32 s3, s21  }
0x3fa: {  	s7 =	sor.u32 $0x20, s1;
	[tilespmem:s29+$0x0] =	vst v6;
	s0 =	sand.u32 $0x400, s24;
	s4 =	sadd.s32 s1, s3  }
0x3fb: {  	s0 =	sor.u32 $0x1D080, s0;
	s10 =	sadd.s32 s7, s3;
	v8 =	vld [tilespmem:s4+$0x0]  }
0x3fc: {  	s25 =	sor.u32 $0x10, s1;
	s7 =	sor.u32 s7, s0;
	v6 =	vld [tilespmem:s10+$0x0]  }
0x3fd: {  	s6 =	sor.u32 $0x30, s1;
	s15 =	sor.u32 s25, s0;
	v7 =	vld [tilespmem:s7+$0x0]  }
0x3fe: {  	s23 =	sadd.s32 s6, s3;
	s3 =	sadd.s32 s25, s3;
	v10 =	vld [tilespmem:s15+$0x0]  }
0x3ff: {  	s24 =	simm.s32 $0x40;
	s8 =	sor.u32 s6, s0;
	s0 =	sor.u32 s1, s0;
	v11 =	vld [tilespmem:s3+$0x0]  }
0x400: {  	s26 =	sand.u32 $0x80, s24;
	s25 =	simm.s32 $0x200;
	v62 =	vld [tilespmem:s0+$0x0]  }
0x401: {  	s6 =	sand.u32 $0x40, s24;
	v9 =	vld [tilespmem:s8+$0x0];
	s30 =	sand.u32 $0x400, s25;
	s0 =	sadd.s32 s26, s21  }
0x402: {  	v63 =	vld [tilespmem:s23+$0x0];
	s7 =	sor.u32 $0x30, s6;
	s22 =	sadd.s32 s6, s0;
	s1 =	sor.u32 $0x1D080, s30  }
0x403: {  	s8 =	sor.u32 $0x20, s6;
	v5 =	vld [tilespmem:s22+$0x0];
	s31 =	sor.u32 s7, s1  }
0x404: {  	s26 =	sadd.s32 s8, s0;
	s8 =	sor.u32 s8, s1;
	v7 =	vmax.bf16 v6, v7;
	v6 =	vld [tilespmem:s31+$0x0]  }
0x405: {  	s30 =	sor.u32 $0x10, s6;
	v10 =	vmax.bf16 v11, v10;
	v11 =	vmax.bf16 v8, v62;
	v8 =	vld [tilespmem:s8+$0x0];
	[tilespmem:s10+$0x0] =	vst v7  }
0x406: {  	s31 =	sor.u32 s30, s1;
	v7 =	vld [tilespmem:s26+$0x0];
	[tilespmem:s3+$0x0] =	vst v10  }
0x407: {  	s29 =	sadd.s32 s7, s0;
	s28 =	sadd.s32 s30, s0;
	s0 =	sor.u32 s6, s1;
	v10 =	vmax.bf16 v63, v9;
	v9 =	vld [tilespmem:s31+$0x0];
	[tilespmem:s4+$0x0] =	vst v11  }
.LBB2_61:
0x408: {  	s24 =	sadd.s32 $0x40, s24;
	s25 =	sadd.s32 $0x200, s25  }
0x409: {  	v11 =	vld [tilespmem:s28+$0x0];
	[tilespmem:s23+$0x0] =	vst v10;
	v10 =	vmov v5;
	s23 =	smov.u32 s29;
	s1 =	sand.u32 $0x80, s24;
	s3 =	sand.u32 $0x40, s24  }
0x40a: {  	s4 =	sand.u32 $0x400, s25;
	v12 =	vld [tilespmem:s0+$0x0];
	v13 =	vmov v6;
	p0 =	slt.u32 s24, $0xC0;
	s0 =	sadd.s32 s1, s21  }
0x40b: {  	s1 =	sor.u32 $0x10, s3;
	s6 =	sor.u32 $0x20, s3;
	v14 =	vld [tilespmem:s23+$0x0];
	s4 =	sor.u32 $0x1D080, s4  }
0x40c: {  	s8 =	sor.u32 $0x30, s3;
	s7 =	sadd.s32 s3, s0;
	s10 =	sor.u32 s1, s4  }
.Ltmp36:
0x40d: {  	s29 =	sadd.s32 s8, s0;
	s8 =	sor.u32 s8, s4;
	v7 =	vmax.bf16 v7, v8;
	v5 =	vld [tilespmem:s7+$0x0];
	(pc) =	sbr.rel @p0 .LBB2_61-.Ltmp36, $4  }
0x40e: {  	s1 =	sadd.s32 s1, s0;
	s15 =	sor.u32 s6, s4;
	v6 =	vld [tilespmem:s8+$0x0];
	v9 =	vmax.bf16 v11, v9;
	[tilespmem:s26+$0x0] =	vst v7;
	s26 =	sadd.s32 s6, s0  }
0x40f: {  	s0 =	sor.u32 s3, s4;
	v7 =	vld [tilespmem:s26+$0x0];
	v11 =	vmax.bf16 v10, v12  }
0x410: {  	v8 =	vld [tilespmem:s15+$0x0];
	[tilespmem:s28+$0x0] =	vst v9;
	v10 =	vmax.bf16 v14, v13;
	s28 =	smov.u32 s1  }
0x411: {  	v9 =	vld [tilespmem:s10+$0x0];
	[tilespmem:s22+$0x0] =	vst v11;
	s22 =	smov.u32 s7  }
0x412: {  	(v2sf) =	vpush v4, $0xA;
	_ =	sdelay $0xa  }
0x413: {  	v11 =	vld [tilespmem:s28+$0x0]  }
0x414: {  	v12 =	vld [tilespmem:s0+$0x0]  }
0x415: {  	v13 =	vld [tilespmem:s29+$0x0];
	_ =	sdelay $0x1  }
0x416: {  	[tilespmem:s23+$0x0] =	vst v10;
	v7 =	vmax.bf16 v7, v8;
	s23 =	spop (v2sf)  }
0x417: {  	s1 =	simm.s32 $0x0;
	[tilespmem:s26+$0x0] =	vst v7;
	v8 =	vmax.bf16 v11, v9;
	s0 =	sshll.u32 s23, $0xA  }
0x418: {  	s3 =	sand.u32 $0x80, s1;
	v5 =	vmax.bf16 v5, v12;
	[tilespmem:s28+$0x0] =	vst v8;
	s21 =	sshra.s32 s0, $0x2  }
0x419: {  	s24 =	simm.s32 $0x0;
	s1 =	sand.u32 $0x40, s1;
	v6 =	vmax.bf16 v13, v6;
	[tilespmem:s22+$0x0] =	vst v5;
	s3 =	sadd.s32 s3, s21  }
0x41a: {  	s7 =	sor.u32 $0x20, s1;
	[tilespmem:s29+$0x0] =	vst v6;
	s0 =	sand.u32 $0x400, s24;
	s4 =	sadd.s32 s1, s3  }
0x41b: {  	s0 =	sor.u32 $0x1D100, s0;
	s10 =	sadd.s32 s7, s3;
	v8 =	vld [tilespmem:s4+$0x0]  }
0x41c: {  	s25 =	sor.u32 $0x10, s1;
	s7 =	sor.u32 s7, s0;
	v6 =	vld [tilespmem:s10+$0x0]  }
0x41d: {  	s6 =	sor.u32 $0x30, s1;
	s15 =	sor.u32 s25, s0;
	v7 =	vld [tilespmem:s7+$0x0]  }
0x41e: {  	s23 =	sadd.s32 s6, s3;
	s3 =	sadd.s32 s25, s3;
	v10 =	vld [tilespmem:s15+$0x0]  }
0x41f: {  	s24 =	simm.s32 $0x40;
	s8 =	sor.u32 s6, s0;
	s0 =	sor.u32 s1, s0;
	v11 =	vld [tilespmem:s3+$0x0]  }
0x420: {  	s26 =	sand.u32 $0x80, s24;
	s25 =	simm.s32 $0x200;
	v62 =	vld [tilespmem:s0+$0x0]  }
0x421: {  	s6 =	sand.u32 $0x40, s24;
	v9 =	vld [tilespmem:s8+$0x0];
	s30 =	sand.u32 $0x400, s25;
	s0 =	sadd.s32 s26, s21  }
0x422: {  	v63 =	vld [tilespmem:s23+$0x0];
	s7 =	sor.u32 $0x30, s6;
	s22 =	sadd.s32 s6, s0;
	s1 =	sor.u32 $0x1D100, s30  }
0x423: {  	s8 =	sor.u32 $0x20, s6;
	v5 =	vld [tilespmem:s22+$0x0];
	s31 =	sor.u32 s7, s1  }
0x424: {  	s26 =	sadd.s32 s8, s0;
	s8 =	sor.u32 s8, s1;
	v7 =	vmax.bf16 v6, v7;
	v6 =	vld [tilespmem:s31+$0x0]  }
0x425: {  	s30 =	sor.u32 $0x10, s6;
	v10 =	vmax.bf16 v11, v10;
	v11 =	vmax.bf16 v8, v62;
	v8 =	vld [tilespmem:s8+$0x0];
	[tilespmem:s10+$0x0] =	vst v7  }
0x426: {  	s31 =	sor.u32 s30, s1;
	v7 =	vld [tilespmem:s26+$0x0];
	[tilespmem:s3+$0x0] =	vst v10  }
0x427: {  	s29 =	sadd.s32 s7, s0;
	s28 =	sadd.s32 s30, s0;
	s0 =	sor.u32 s6, s1;
	v10 =	vmax.bf16 v63, v9;
	v9 =	vld [tilespmem:s31+$0x0];
	[tilespmem:s4+$0x0] =	vst v11  }
.LBB2_63:
0x428: {  	s24 =	sadd.s32 $0x40, s24;
	s25 =	sadd.s32 $0x200, s25  }
0x429: {  	v11 =	vld [tilespmem:s28+$0x0];
	[tilespmem:s23+$0x0] =	vst v10;
	v10 =	vmov v5;
	s23 =	smov.u32 s29;
	s1 =	sand.u32 $0x80, s24;
	s3 =	sand.u32 $0x40, s24  }
0x42a: {  	s4 =	sand.u32 $0x400, s25;
	v12 =	vld [tilespmem:s0+$0x0];
	v13 =	vmov v6;
	p0 =	slt.u32 s24, $0xC0;
	s0 =	sadd.s32 s1, s21  }
0x42b: {  	s1 =	sor.u32 $0x10, s3;
	s6 =	sor.u32 $0x20, s3;
	v14 =	vld [tilespmem:s23+$0x0];
	s4 =	sor.u32 $0x1D100, s4  }
0x42c: {  	s8 =	sor.u32 $0x30, s3;
	s7 =	sadd.s32 s3, s0;
	s10 =	sor.u32 s1, s4  }
.Ltmp37:
0x42d: {  	s29 =	sadd.s32 s8, s0;
	s8 =	sor.u32 s8, s4;
	v7 =	vmax.bf16 v7, v8;
	v5 =	vld [tilespmem:s7+$0x0];
	(pc) =	sbr.rel @p0 .LBB2_63-.Ltmp37, $4  }
0x42e: {  	s1 =	sadd.s32 s1, s0;
	s15 =	sor.u32 s6, s4;
	v6 =	vld [tilespmem:s8+$0x0];
	v9 =	vmax.bf16 v11, v9;
	[tilespmem:s26+$0x0] =	vst v7;
	s26 =	sadd.s32 s6, s0  }
0x42f: {  	s0 =	sor.u32 s3, s4;
	v7 =	vld [tilespmem:s26+$0x0];
	v11 =	vmax.bf16 v10, v12  }
0x430: {  	v8 =	vld [tilespmem:s15+$0x0];
	[tilespmem:s28+$0x0] =	vst v9;
	v10 =	vmax.bf16 v14, v13;
	s28 =	smov.u32 s1  }
0x431: {  	v9 =	vld [tilespmem:s10+$0x0];
	[tilespmem:s22+$0x0] =	vst v11;
	s22 =	smov.u32 s7  }
0x432: {  	(v2sf) =	vpush v4, $0xB;
	_ =	sdelay $0xa  }
0x433: {  	v11 =	vld [tilespmem:s28+$0x0]  }
0x434: {  	v12 =	vld [tilespmem:s0+$0x0]  }
0x435: {  	v13 =	vld [tilespmem:s29+$0x0];
	_ =	sdelay $0x1  }
0x436: {  	[tilespmem:s23+$0x0] =	vst v10;
	v7 =	vmax.bf16 v7, v8;
	s23 =	spop (v2sf)  }
0x437: {  	s1 =	simm.s32 $0x0;
	[tilespmem:s26+$0x0] =	vst v7;
	v8 =	vmax.bf16 v11, v9;
	s0 =	sshll.u32 s23, $0xA  }
0x438: {  	s3 =	sand.u32 $0x80, s1;
	v5 =	vmax.bf16 v5, v12;
	[tilespmem:s28+$0x0] =	vst v8;
	s21 =	sshra.s32 s0, $0x2  }
0x439: {  	s24 =	simm.s32 $0x0;
	s1 =	sand.u32 $0x40, s1;
	v6 =	vmax.bf16 v13, v6;
	[tilespmem:s22+$0x0] =	vst v5;
	s3 =	sadd.s32 s3, s21  }
0x43a: {  	s7 =	sor.u32 $0x20, s1;
	[tilespmem:s29+$0x0] =	vst v6;
	s0 =	sand.u32 $0x400, s24;
	s4 =	sadd.s32 s1, s3  }
0x43b: {  	s0 =	sor.u32 $0x1D180, s0;
	s10 =	sadd.s32 s7, s3;
	v8 =	vld [tilespmem:s4+$0x0]  }
0x43c: {  	s25 =	sor.u32 $0x10, s1;
	s7 =	sor.u32 s7, s0;
	v6 =	vld [tilespmem:s10+$0x0]  }
0x43d: {  	s6 =	sor.u32 $0x30, s1;
	s15 =	sor.u32 s25, s0;
	v7 =	vld [tilespmem:s7+$0x0]  }
0x43e: {  	s23 =	sadd.s32 s6, s3;
	s3 =	sadd.s32 s25, s3;
	v10 =	vld [tilespmem:s15+$0x0]  }
0x43f: {  	s24 =	simm.s32 $0x40;
	s8 =	sor.u32 s6, s0;
	s0 =	sor.u32 s1, s0;
	v11 =	vld [tilespmem:s3+$0x0]  }
0x440: {  	s26 =	sand.u32 $0x80, s24;
	s25 =	simm.s32 $0x200;
	v62 =	vld [tilespmem:s0+$0x0]  }
0x441: {  	s6 =	sand.u32 $0x40, s24;
	v9 =	vld [tilespmem:s8+$0x0];
	s30 =	sand.u32 $0x400, s25;
	s0 =	sadd.s32 s26, s21  }
0x442: {  	v63 =	vld [tilespmem:s23+$0x0];
	s7 =	sor.u32 $0x30, s6;
	s22 =	sadd.s32 s6, s0;
	s1 =	sor.u32 $0x1D180, s30  }
0x443: {  	s8 =	sor.u32 $0x20, s6;
	v5 =	vld [tilespmem:s22+$0x0];
	s31 =	sor.u32 s7, s1  }
0x444: {  	s26 =	sadd.s32 s8, s0;
	s8 =	sor.u32 s8, s1;
	v7 =	vmax.bf16 v6, v7;
	v6 =	vld [tilespmem:s31+$0x0]  }
0x445: {  	s30 =	sor.u32 $0x10, s6;
	v10 =	vmax.bf16 v11, v10;
	v11 =	vmax.bf16 v8, v62;
	v8 =	vld [tilespmem:s8+$0x0];
	[tilespmem:s10+$0x0] =	vst v7  }
0x446: {  	s31 =	sor.u32 s30, s1;
	v7 =	vld [tilespmem:s26+$0x0];
	[tilespmem:s3+$0x0] =	vst v10  }
0x447: {  	s29 =	sadd.s32 s7, s0;
	s28 =	sadd.s32 s30, s0;
	s0 =	sor.u32 s6, s1;
	v10 =	vmax.bf16 v63, v9;
	v9 =	vld [tilespmem:s31+$0x0];
	[tilespmem:s4+$0x0] =	vst v11  }
.LBB2_65:
0x448: {  	s24 =	sadd.s32 $0x40, s24;
	s25 =	sadd.s32 $0x200, s25  }
0x449: {  	v11 =	vld [tilespmem:s28+$0x0];
	[tilespmem:s23+$0x0] =	vst v10;
	v10 =	vmov v5;
	s23 =	smov.u32 s29;
	s1 =	sand.u32 $0x80, s24;
	s3 =	sand.u32 $0x40, s24  }
0x44a: {  	s4 =	sand.u32 $0x400, s25;
	v12 =	vld [tilespmem:s0+$0x0];
	v13 =	vmov v6;
	p0 =	slt.u32 s24, $0xC0;
	s0 =	sadd.s32 s1, s21  }
0x44b: {  	s1 =	sor.u32 $0x10, s3;
	s6 =	sor.u32 $0x20, s3;
	v14 =	vld [tilespmem:s23+$0x0];
	s4 =	sor.u32 $0x1D180, s4  }
0x44c: {  	s8 =	sor.u32 $0x30, s3;
	s7 =	sadd.s32 s3, s0;
	s10 =	sor.u32 s1, s4  }
.Ltmp38:
0x44d: {  	s29 =	sadd.s32 s8, s0;
	s8 =	sor.u32 s8, s4;
	v7 =	vmax.bf16 v7, v8;
	v5 =	vld [tilespmem:s7+$0x0];
	(pc) =	sbr.rel @p0 .LBB2_65-.Ltmp38, $4  }
0x44e: {  	s1 =	sadd.s32 s1, s0;
	s15 =	sor.u32 s6, s4;
	v6 =	vld [tilespmem:s8+$0x0];
	v9 =	vmax.bf16 v11, v9;
	[tilespmem:s26+$0x0] =	vst v7;
	s26 =	sadd.s32 s6, s0  }
0x44f: {  	s0 =	sor.u32 s3, s4;
	v7 =	vld [tilespmem:s26+$0x0];
	v11 =	vmax.bf16 v10, v12  }
0x450: {  	v8 =	vld [tilespmem:s15+$0x0];
	[tilespmem:s28+$0x0] =	vst v9;
	v10 =	vmax.bf16 v14, v13;
	s28 =	smov.u32 s1  }
0x451: {  	v9 =	vld [tilespmem:s10+$0x0];
	[tilespmem:s22+$0x0] =	vst v11;
	s22 =	smov.u32 s7  }
0x452: {  	(v2sf) =	vpush v4, $0xC;
	_ =	sdelay $0xa  }
0x453: {  	v11 =	vld [tilespmem:s28+$0x0]  }
0x454: {  	v12 =	vld [tilespmem:s0+$0x0]  }
0x455: {  	v13 =	vld [tilespmem:s29+$0x0];
	_ =	sdelay $0x1  }
0x456: {  	[tilespmem:s23+$0x0] =	vst v10;
	v7 =	vmax.bf16 v7, v8;
	s23 =	spop (v2sf)  }
0x457: {  	s1 =	simm.s32 $0x0;
	[tilespmem:s26+$0x0] =	vst v7;
	v8 =	vmax.bf16 v11, v9;
	s0 =	sshll.u32 s23, $0xA  }
0x458: {  	s3 =	sand.u32 $0x80, s1;
	v5 =	vmax.bf16 v5, v12;
	[tilespmem:s28+$0x0] =	vst v8;
	s21 =	sshra.s32 s0, $0x2  }
0x459: {  	s24 =	simm.s32 $0x0;
	s1 =	sand.u32 $0x40, s1;
	v6 =	vmax.bf16 v13, v6;
	[tilespmem:s22+$0x0] =	vst v5;
	s3 =	sadd.s32 s3, s21  }
0x45a: {  	s7 =	sor.u32 $0x20, s1;
	[tilespmem:s29+$0x0] =	vst v6;
	s0 =	sand.u32 $0x400, s24;
	s4 =	sadd.s32 s1, s3  }
0x45b: {  	s0 =	sor.u32 $0x1D200, s0;
	s10 =	sadd.s32 s7, s3;
	v8 =	vld [tilespmem:s4+$0x0]  }
0x45c: {  	s25 =	sor.u32 $0x10, s1;
	s7 =	sor.u32 s7, s0;
	v6 =	vld [tilespmem:s10+$0x0]  }
0x45d: {  	s6 =	sor.u32 $0x30, s1;
	s15 =	sor.u32 s25, s0;
	v7 =	vld [tilespmem:s7+$0x0]  }
0x45e: {  	s23 =	sadd.s32 s6, s3;
	s3 =	sadd.s32 s25, s3;
	v10 =	vld [tilespmem:s15+$0x0]  }
0x45f: {  	s24 =	simm.s32 $0x40;
	s8 =	sor.u32 s6, s0;
	s0 =	sor.u32 s1, s0;
	v11 =	vld [tilespmem:s3+$0x0]  }
0x460: {  	s26 =	sand.u32 $0x80, s24;
	s25 =	simm.s32 $0x200;
	v62 =	vld [tilespmem:s0+$0x0]  }
0x461: {  	s6 =	sand.u32 $0x40, s24;
	v9 =	vld [tilespmem:s8+$0x0];
	s30 =	sand.u32 $0x400, s25;
	s0 =	sadd.s32 s26, s21  }
0x462: {  	v63 =	vld [tilespmem:s23+$0x0];
	s7 =	sor.u32 $0x30, s6;
	s22 =	sadd.s32 s6, s0;
	s1 =	sor.u32 $0x1D200, s30  }
0x463: {  	s8 =	sor.u32 $0x20, s6;
	v5 =	vld [tilespmem:s22+$0x0];
	s31 =	sor.u32 s7, s1  }
0x464: {  	s26 =	sadd.s32 s8, s0;
	s8 =	sor.u32 s8, s1;
	v7 =	vmax.bf16 v6, v7;
	v6 =	vld [tilespmem:s31+$0x0]  }
0x465: {  	s30 =	sor.u32 $0x10, s6;
	v10 =	vmax.bf16 v11, v10;
	v11 =	vmax.bf16 v8, v62;
	v8 =	vld [tilespmem:s8+$0x0];
	[tilespmem:s10+$0x0] =	vst v7  }
0x466: {  	s31 =	sor.u32 s30, s1;
	v7 =	vld [tilespmem:s26+$0x0];
	[tilespmem:s3+$0x0] =	vst v10  }
0x467: {  	s29 =	sadd.s32 s7, s0;
	s28 =	sadd.s32 s30, s0;
	s0 =	sor.u32 s6, s1;
	v10 =	vmax.bf16 v63, v9;
	v9 =	vld [tilespmem:s31+$0x0];
	[tilespmem:s4+$0x0] =	vst v11  }
.LBB2_67:
0x468: {  	s24 =	sadd.s32 $0x40, s24;
	s25 =	sadd.s32 $0x200, s25  }
0x469: {  	v11 =	vld [tilespmem:s28+$0x0];
	[tilespmem:s23+$0x0] =	vst v10;
	v10 =	vmov v5;
	s23 =	smov.u32 s29;
	s1 =	sand.u32 $0x80, s24;
	s3 =	sand.u32 $0x40, s24  }
0x46a: {  	s4 =	sand.u32 $0x400, s25;
	v12 =	vld [tilespmem:s0+$0x0];
	v13 =	vmov v6;
	p0 =	slt.u32 s24, $0xC0;
	s0 =	sadd.s32 s1, s21  }
0x46b: {  	s1 =	sor.u32 $0x10, s3;
	s6 =	sor.u32 $0x20, s3;
	v14 =	vld [tilespmem:s23+$0x0];
	s4 =	sor.u32 $0x1D200, s4  }
0x46c: {  	s8 =	sor.u32 $0x30, s3;
	s7 =	sadd.s32 s3, s0;
	s10 =	sor.u32 s1, s4  }
.Ltmp39:
0x46d: {  	s29 =	sadd.s32 s8, s0;
	s8 =	sor.u32 s8, s4;
	v7 =	vmax.bf16 v7, v8;
	v5 =	vld [tilespmem:s7+$0x0];
	(pc) =	sbr.rel @p0 .LBB2_67-.Ltmp39, $4  }
0x46e: {  	s1 =	sadd.s32 s1, s0;
	s15 =	sor.u32 s6, s4;
	v6 =	vld [tilespmem:s8+$0x0];
	v9 =	vmax.bf16 v11, v9;
	[tilespmem:s26+$0x0] =	vst v7;
	s26 =	sadd.s32 s6, s0  }
0x46f: {  	s0 =	sor.u32 s3, s4;
	v7 =	vld [tilespmem:s26+$0x0];
	v11 =	vmax.bf16 v10, v12  }
0x470: {  	v8 =	vld [tilespmem:s15+$0x0];
	[tilespmem:s28+$0x0] =	vst v9;
	v10 =	vmax.bf16 v14, v13;
	s28 =	smov.u32 s1  }
0x471: {  	v9 =	vld [tilespmem:s10+$0x0];
	[tilespmem:s22+$0x0] =	vst v11;
	s22 =	smov.u32 s7  }
0x472: {  	(v2sf) =	vpush v4, $0xD;
	_ =	sdelay $0xa  }
0x473: {  	v11 =	vld [tilespmem:s28+$0x0]  }
0x474: {  	v12 =	vld [tilespmem:s0+$0x0]  }
0x475: {  	v13 =	vld [tilespmem:s29+$0x0];
	_ =	sdelay $0x1  }
0x476: {  	[tilespmem:s23+$0x0] =	vst v10;
	v7 =	vmax.bf16 v7, v8;
	s23 =	spop (v2sf)  }
0x477: {  	s1 =	simm.s32 $0x0;
	[tilespmem:s26+$0x0] =	vst v7;
	v8 =	vmax.bf16 v11, v9;
	s0 =	sshll.u32 s23, $0xA  }
0x478: {  	s3 =	sand.u32 $0x80, s1;
	v5 =	vmax.bf16 v5, v12;
	[tilespmem:s28+$0x0] =	vst v8;
	s21 =	sshra.s32 s0, $0x2  }
0x479: {  	s24 =	simm.s32 $0x0;
	s1 =	sand.u32 $0x40, s1;
	v6 =	vmax.bf16 v13, v6;
	[tilespmem:s22+$0x0] =	vst v5;
	s3 =	sadd.s32 s3, s21  }
0x47a: {  	s7 =	sor.u32 $0x20, s1;
	[tilespmem:s29+$0x0] =	vst v6;
	s0 =	sand.u32 $0x400, s24;
	s4 =	sadd.s32 s1, s3  }
0x47b: {  	s0 =	sor.u32 $0x1D280, s0;
	s10 =	sadd.s32 s7, s3;
	v8 =	vld [tilespmem:s4+$0x0]  }
0x47c: {  	s25 =	sor.u32 $0x10, s1;
	s7 =	sor.u32 s7, s0;
	v6 =	vld [tilespmem:s10+$0x0]  }
0x47d: {  	s6 =	sor.u32 $0x30, s1;
	s15 =	sor.u32 s25, s0;
	v7 =	vld [tilespmem:s7+$0x0]  }
0x47e: {  	s23 =	sadd.s32 s6, s3;
	s3 =	sadd.s32 s25, s3;
	v10 =	vld [tilespmem:s15+$0x0]  }
0x47f: {  	s24 =	simm.s32 $0x40;
	s8 =	sor.u32 s6, s0;
	s0 =	sor.u32 s1, s0;
	v11 =	vld [tilespmem:s3+$0x0]  }
0x480: {  	s26 =	sand.u32 $0x80, s24;
	s25 =	simm.s32 $0x200;
	v62 =	vld [tilespmem:s0+$0x0]  }
0x481: {  	s6 =	sand.u32 $0x40, s24;
	v9 =	vld [tilespmem:s8+$0x0];
	s30 =	sand.u32 $0x400, s25;
	s0 =	sadd.s32 s26, s21  }
0x482: {  	v63 =	vld [tilespmem:s23+$0x0];
	s7 =	sor.u32 $0x30, s6;
	s22 =	sadd.s32 s6, s0;
	s1 =	sor.u32 $0x1D280, s30  }
0x483: {  	s8 =	sor.u32 $0x20, s6;
	v5 =	vld [tilespmem:s22+$0x0];
	s31 =	sor.u32 s7, s1  }
0x484: {  	s26 =	sadd.s32 s8, s0;
	s8 =	sor.u32 s8, s1;
	v7 =	vmax.bf16 v6, v7;
	v6 =	vld [tilespmem:s31+$0x0]  }
0x485: {  	s30 =	sor.u32 $0x10, s6;
	v10 =	vmax.bf16 v11, v10;
	v11 =	vmax.bf16 v8, v62;
	v8 =	vld [tilespmem:s8+$0x0];
	[tilespmem:s10+$0x0] =	vst v7  }
0x486: {  	s31 =	sor.u32 s30, s1;
	v7 =	vld [tilespmem:s26+$0x0];
	[tilespmem:s3+$0x0] =	vst v10  }
0x487: {  	s29 =	sadd.s32 s7, s0;
	s28 =	sadd.s32 s30, s0;
	s0 =	sor.u32 s6, s1;
	v10 =	vmax.bf16 v63, v9;
	v9 =	vld [tilespmem:s31+$0x0];
	[tilespmem:s4+$0x0] =	vst v11  }
.LBB2_69:
0x488: {  	s24 =	sadd.s32 $0x40, s24;
	s25 =	sadd.s32 $0x200, s25  }
0x489: {  	v11 =	vld [tilespmem:s28+$0x0];
	[tilespmem:s23+$0x0] =	vst v10;
	v10 =	vmov v5;
	s23 =	smov.u32 s29;
	s1 =	sand.u32 $0x80, s24;
	s3 =	sand.u32 $0x40, s24  }
0x48a: {  	s4 =	sand.u32 $0x400, s25;
	v12 =	vld [tilespmem:s0+$0x0];
	v13 =	vmov v6;
	p0 =	slt.u32 s24, $0xC0;
	s0 =	sadd.s32 s1, s21  }
0x48b: {  	s1 =	sor.u32 $0x10, s3;
	s6 =	sor.u32 $0x20, s3;
	v14 =	vld [tilespmem:s23+$0x0];
	s4 =	sor.u32 $0x1D280, s4  }
0x48c: {  	s8 =	sor.u32 $0x30, s3;
	s7 =	sadd.s32 s3, s0;
	s10 =	sor.u32 s1, s4  }
.Ltmp40:
0x48d: {  	s29 =	sadd.s32 s8, s0;
	s8 =	sor.u32 s8, s4;
	v7 =	vmax.bf16 v7, v8;
	v5 =	vld [tilespmem:s7+$0x0];
	(pc) =	sbr.rel @p0 .LBB2_69-.Ltmp40, $4  }
0x48e: {  	s1 =	sadd.s32 s1, s0;
	s15 =	sor.u32 s6, s4;
	v6 =	vld [tilespmem:s8+$0x0];
	v9 =	vmax.bf16 v11, v9;
	[tilespmem:s26+$0x0] =	vst v7;
	s26 =	sadd.s32 s6, s0  }
0x48f: {  	s0 =	sor.u32 s3, s4;
	v7 =	vld [tilespmem:s26+$0x0];
	v11 =	vmax.bf16 v10, v12  }
0x490: {  	v8 =	vld [tilespmem:s15+$0x0];
	[tilespmem:s28+$0x0] =	vst v9;
	v10 =	vmax.bf16 v14, v13;
	s28 =	smov.u32 s1  }
0x491: {  	v9 =	vld [tilespmem:s10+$0x0];
	[tilespmem:s22+$0x0] =	vst v11;
	s22 =	smov.u32 s7  }
0x492: {  	(v2sf) =	vpush v4, $0xE;
	_ =	sdelay $0xa  }
0x493: {  	v11 =	vld [tilespmem:s28+$0x0]  }
0x494: {  	v12 =	vld [tilespmem:s0+$0x0]  }
0x495: {  	v13 =	vld [tilespmem:s29+$0x0];
	_ =	sdelay $0x1  }
0x496: {  	[tilespmem:s23+$0x0] =	vst v10;
	v7 =	vmax.bf16 v7, v8;
	s23 =	spop (v2sf)  }
0x497: {  	s1 =	simm.s32 $0x0;
	[tilespmem:s26+$0x0] =	vst v7;
	v8 =	vmax.bf16 v11, v9;
	s0 =	sshll.u32 s23, $0xA  }
0x498: {  	s3 =	sand.u32 $0x80, s1;
	v5 =	vmax.bf16 v5, v12;
	[tilespmem:s28+$0x0] =	vst v8;
	s21 =	sshra.s32 s0, $0x2  }
0x499: {  	s24 =	simm.s32 $0x0;
	s1 =	sand.u32 $0x40, s1;
	v6 =	vmax.bf16 v13, v6;
	[tilespmem:s22+$0x0] =	vst v5;
	s3 =	sadd.s32 s3, s21  }
0x49a: {  	s7 =	sor.u32 $0x20, s1;
	[tilespmem:s29+$0x0] =	vst v6;
	s0 =	sand.u32 $0x400, s24;
	s4 =	sadd.s32 s1, s3  }
0x49b: {  	s0 =	sor.u32 $0x1D300, s0;
	s10 =	sadd.s32 s7, s3;
	v8 =	vld [tilespmem:s4+$0x0]  }
0x49c: {  	s25 =	sor.u32 $0x10, s1;
	s7 =	sor.u32 s7, s0;
	v6 =	vld [tilespmem:s10+$0x0]  }
0x49d: {  	s6 =	sor.u32 $0x30, s1;
	s15 =	sor.u32 s25, s0;
	v7 =	vld [tilespmem:s7+$0x0]  }
0x49e: {  	s23 =	sadd.s32 s6, s3;
	s3 =	sadd.s32 s25, s3;
	v10 =	vld [tilespmem:s15+$0x0]  }
0x49f: {  	s24 =	simm.s32 $0x40;
	s8 =	sor.u32 s6, s0;
	s0 =	sor.u32 s1, s0;
	v11 =	vld [tilespmem:s3+$0x0]  }
0x4a0: {  	s26 =	sand.u32 $0x80, s24;
	s25 =	simm.s32 $0x200;
	v62 =	vld [tilespmem:s0+$0x0]  }
0x4a1: {  	s6 =	sand.u32 $0x40, s24;
	v9 =	vld [tilespmem:s8+$0x0];
	s30 =	sand.u32 $0x400, s25;
	s0 =	sadd.s32 s26, s21  }
0x4a2: {  	v63 =	vld [tilespmem:s23+$0x0];
	s7 =	sor.u32 $0x30, s6;
	s22 =	sadd.s32 s6, s0;
	s1 =	sor.u32 $0x1D300, s30  }
0x4a3: {  	s8 =	sor.u32 $0x20, s6;
	v5 =	vld [tilespmem:s22+$0x0];
	s31 =	sor.u32 s7, s1  }
0x4a4: {  	s26 =	sadd.s32 s8, s0;
	s8 =	sor.u32 s8, s1;
	v7 =	vmax.bf16 v6, v7;
	v6 =	vld [tilespmem:s31+$0x0]  }
0x4a5: {  	s30 =	sor.u32 $0x10, s6;
	v10 =	vmax.bf16 v11, v10;
	v11 =	vmax.bf16 v8, v62;
	v8 =	vld [tilespmem:s8+$0x0];
	[tilespmem:s10+$0x0] =	vst v7  }
0x4a6: {  	s31 =	sor.u32 s30, s1;
	v7 =	vld [tilespmem:s26+$0x0];
	[tilespmem:s3+$0x0] =	vst v10  }
0x4a7: {  	s29 =	sadd.s32 s7, s0;
	s28 =	sadd.s32 s30, s0;
	s0 =	sor.u32 s6, s1;
	v10 =	vmax.bf16 v63, v9;
	v9 =	vld [tilespmem:s31+$0x0];
	[tilespmem:s4+$0x0] =	vst v11  }
.LBB2_71:
0x4a8: {  	s24 =	sadd.s32 $0x40, s24;
	s25 =	sadd.s32 $0x200, s25  }
0x4a9: {  	v11 =	vld [tilespmem:s28+$0x0];
	[tilespmem:s23+$0x0] =	vst v10;
	v10 =	vmov v5;
	s23 =	smov.u32 s29;
	s1 =	sand.u32 $0x80, s24;
	s3 =	sand.u32 $0x40, s24  }
0x4aa: {  	s4 =	sand.u32 $0x400, s25;
	v12 =	vld [tilespmem:s0+$0x0];
	v13 =	vmov v6;
	p0 =	slt.u32 s24, $0xC0;
	s0 =	sadd.s32 s1, s21  }
0x4ab: {  	s1 =	sor.u32 $0x10, s3;
	s6 =	sor.u32 $0x20, s3;
	v14 =	vld [tilespmem:s23+$0x0];
	s4 =	sor.u32 $0x1D300, s4  }
0x4ac: {  	s8 =	sor.u32 $0x30, s3;
	s7 =	sadd.s32 s3, s0;
	s10 =	sor.u32 s1, s4  }
.Ltmp41:
0x4ad: {  	s29 =	sadd.s32 s8, s0;
	s8 =	sor.u32 s8, s4;
	v7 =	vmax.bf16 v7, v8;
	v5 =	vld [tilespmem:s7+$0x0];
	(pc) =	sbr.rel @p0 .LBB2_71-.Ltmp41, $4  }
0x4ae: {  	s1 =	sadd.s32 s1, s0;
	s15 =	sor.u32 s6, s4;
	v6 =	vld [tilespmem:s8+$0x0];
	v9 =	vmax.bf16 v11, v9;
	[tilespmem:s26+$0x0] =	vst v7;
	s26 =	sadd.s32 s6, s0  }
0x4af: {  	s0 =	sor.u32 s3, s4;
	v7 =	vld [tilespmem:s26+$0x0];
	v11 =	vmax.bf16 v10, v12  }
0x4b0: {  	v8 =	vld [tilespmem:s15+$0x0];
	[tilespmem:s28+$0x0] =	vst v9;
	v10 =	vmax.bf16 v14, v13;
	s28 =	smov.u32 s1  }
0x4b1: {  	v9 =	vld [tilespmem:s10+$0x0];
	[tilespmem:s22+$0x0] =	vst v11;
	s22 =	smov.u32 s7  }
0x4b2: {  	(v2sf) =	vpush v4, $0xF;
	_ =	sdelay $0xa  }
0x4b3: {  	v4 =	vld [tilespmem:s28+$0x0]  }
0x4b4: {  	v11 =	vld [tilespmem:s0+$0x0]  }
0x4b5: {  	v12 =	vld [tilespmem:s29+$0x0];
	_ =	sdelay $0x1  }
0x4b6: {  	[tilespmem:s23+$0x0] =	vst v10;
	v7 =	vmax.bf16 v7, v8;
	s24 =	spop (v2sf)  }
0x4b7: {  	s1 =	simm.s32 $0x0;
	[tilespmem:s26+$0x0] =	vst v7;
	v4 =	vmax.bf16 v4, v9;
	s0 =	sshll.u32 s24, $0xA  }
0x4b8: {  	s3 =	sand.u32 $0x80, s1;
	v5 =	vmax.bf16 v5, v11;
	[tilespmem:s28+$0x0] =	vst v4;
	s21 =	sshra.s32 s0, $0x2  }
0x4b9: {  	s25 =	simm.s32 $0x0;
	s1 =	sand.u32 $0x40, s1;
	v4 =	vmax.bf16 v12, v6;
	[tilespmem:s22+$0x0] =	vst v5;
	s3 =	sadd.s32 s3, s21  }
0x4ba: {  	s7 =	sor.u32 $0x20, s1;
	[tilespmem:s29+$0x0] =	vst v4;
	s0 =	sand.u32 $0x400, s25;
	s4 =	sadd.s32 s1, s3  }
0x4bb: {  	s0 =	sor.u32 $0x1D380, s0;
	s10 =	sadd.s32 s7, s3;
	v7 =	vld [tilespmem:s4+$0x0]  }
0x4bc: {  	s26 =	sor.u32 $0x10, s1;
	s7 =	sor.u32 s7, s0;
	v5 =	vld [tilespmem:s10+$0x0]  }
0x4bd: {  	s6 =	sor.u32 $0x30, s1;
	s15 =	sor.u32 s26, s0;
	v6 =	vld [tilespmem:s7+$0x0]  }
0x4be: {  	s22 =	sadd.s32 s6, s3;
	s3 =	sadd.s32 s26, s3;
	v9 =	vld [tilespmem:s15+$0x0]  }
0x4bf: {  	s24 =	simm.s32 $0x40;
	s8 =	sor.u32 s6, s0;
	s0 =	sor.u32 s1, s0;
	v10 =	vld [tilespmem:s3+$0x0]  }
0x4c0: {  	s25 =	simm.s32 $0x200;
	s29 =	sand.u32 $0x80, s24;
	v11 =	vld [tilespmem:s0+$0x0]  }
0x4c1: {  	s30 =	sand.u32 $0x400, s25;
	s6 =	sand.u32 $0x40, s24;
	s1 =	sadd.s32 s29, s21;
	v8 =	vld [tilespmem:s8+$0x0]  }
0x4c2: {  	v63 =	vld [tilespmem:s22+$0x0];
	s23 =	sadd.s32 s6, s1;
	s7 =	sor.u32 $0x1D380, s30;
	s0 =	sor.u32 $0x30, s6  }
0x4c3: {  	s31 =	sor.u32 $0x20, s6;
	v4 =	vld [tilespmem:s23+$0x0];
	s29 =	sor.u32 s0, s7  }
0x4c4: {  	s8 =	sor.u32 s31, s7;
	v6 =	vmax.bf16 v5, v6;
	v5 =	vld [tilespmem:s29+$0x0]  }
0x4c5: {  	s30 =	sor.u32 $0x10, s6;
	s26 =	sadd.s32 s31, s1;
	v9 =	vmax.bf16 v10, v9;
	v10 =	vmax.bf16 v7, v11;
	v7 =	vld [tilespmem:s8+$0x0];
	[tilespmem:s10+$0x0] =	vst v6  }
0x4c6: {  	s31 =	sor.u32 s30, s7;
	v6 =	vld [tilespmem:s26+$0x0];
	[tilespmem:s3+$0x0] =	vst v9  }
0x4c7: {  	s0 =	sadd.s32 s0, s1;
	s28 =	sadd.s32 s30, s1;
	s1 =	sor.u32 s6, s7;
	v9 =	vmax.bf16 v63, v8;
	v8 =	vld [tilespmem:s31+$0x0];
	[tilespmem:s4+$0x0] =	vst v10  }
.LBB2_73:
0x4c8: {  	s24 =	sadd.s32 $0x40, s24;
	s25 =	sadd.s32 $0x200, s25  }
0x4c9: {  	v10 =	vld [tilespmem:s28+$0x0];
	[tilespmem:s22+$0x0] =	vst v9;
	v9 =	vmov v4;
	s22 =	smov.u32 s0;
	s0 =	sand.u32 $0x80, s24;
	s3 =	sand.u32 $0x40, s24  }
0x4ca: {  	v12 =	vmov v5;
	s4 =	sand.u32 $0x400, s25;
	v11 =	vld [tilespmem:s1+$0x0];
	p0 =	slt.u32 s24, $0xC0;
	s1 =	sadd.s32 s0, s21  }
0x4cb: {  	s6 =	sor.u32 $0x10, s3;
	s7 =	sor.u32 $0x20, s3;
	v13 =	vld [tilespmem:s22+$0x0];
	s4 =	sor.u32 $0x1D380, s4  }
0x4cc: {  	s10 =	sor.u32 $0x30, s3;
	s8 =	sadd.s32 s3, s1;
	s15 =	sor.u32 s6, s4  }
.Ltmp42:
0x4cd: {  	v6 =	vmax.bf16 v6, v7;
	s0 =	sadd.s32 s10, s1;
	s10 =	sor.u32 s10, s4;
	v4 =	vld [tilespmem:s8+$0x0];
	(pc) =	sbr.rel @p0 .LBB2_73-.Ltmp42, $4  }
0x4ce: {  	s6 =	sadd.s32 s6, s1;
	s29 =	sor.u32 s7, s4;
	v5 =	vld [tilespmem:s10+$0x0];
	v8 =	vmax.bf16 v10, v8;
	[tilespmem:s26+$0x0] =	vst v6;
	s26 =	sadd.s32 s7, s1  }
0x4cf: {  	s1 =	sor.u32 s3, s4;
	v6 =	vld [tilespmem:s26+$0x0];
	v10 =	vmax.bf16 v9, v11  }
0x4d0: {  	v7 =	vld [tilespmem:s29+$0x0];
	[tilespmem:s28+$0x0] =	vst v8;
	v9 =	vmax.bf16 v13, v12;
	s28 =	smov.u32 s6  }
0x4d1: {  	v8 =	vld [tilespmem:s15+$0x0];
	[tilespmem:s23+$0x0] =	vst v10;
	s23 =	smov.u32 s8  }
.Ltmp43:
0x4d2: {  	_ = 	snop;
	(pc) =	sbr.rel .LBB2_74-.Ltmp43, $1  }
0x4d3: {  	_ =	sdelay $0x3  }
.LBB2_78:
0x4d4: {  	_ =	sfence.sel $0x180000  }
0x4d5: {  	[bflag:$0x0] =	sbarrier.arrive $0xFFFF  }
0x4d6: {  	_ =	strace $0x90000047  }
0x4d7: {  	s0 =	stileid.u32;
	[bflag:$0x2] =	sbarrier.arrive $0xFFFF  }
0x4d8: {  	p0 =	sne.s32 s0, $0x0;
	s0 =	rddreg [dreg:$0x2]  }
0x4d9: {  	s0 =	sadd.s32 @!p0 $0x100000, s0  }
0x4da: {  	[sflag:s0] =	ssyncadd.tile.s32 @!p0 $0x1;
	_ =	shalt  }
.Lfunc_end2:
_tile_overlayer_lowered:
.L_overlay_start_2:
0x4db: {  	(tag) =	ssettag $0x2  }
0x4dc: {  	s0 =	rddreg [dreg:$0x0];
	s2 =	stileid.u32  }
0x4dd: {  	s1 =	rddreg [dreg:$0x1];
	p0 =	sne.s32 s2, $0x0  }
0x4de: {  	s3 =	rddreg [dreg:$0x2];
	[bflag:$0x3] =	sbarrier.arrive $0xFFFF;
	s2 =	simm.s32 @!p0 $0x1C03  }
0x4df: {  	[timem:s3], [sflag:s2] =	dma.local @!p0 [hbm:s0], s1  }
0x4e0: {  	s0 =	simm.s32 @!p0 $0x3  }
0x4e1: {  	_ =	swait.ge @!p0 [sflag:s0], s1  }
0x4e2: {  	s1 =	ssub.s32 @!p0 $0x0, s1;
	[sflag:s0] =	ssyncset.done @!p0 $0x0  }
0x4e3: {  	[sflag:s0] =	ssyncadd.s32 @!p0 s1  }
0x4e4: {  	[bflag:$0x3] =	sbarrier.arrive $0xFFFF  }
0x4e5: {  	_ =	shalt  }

</sc_bundles>
